<compile_context>
chip_gen: v7x
topology: tpu7x:2x2x1
jax: 0.10.2.dev20260603
libtpu: 0.0.44.dev20260713+nightly
codegen_flags: <defaults>
</compile_context>

<pallas_src>
import jax
import jax.numpy as jnp
import numpy as np
from jax import lax
from jax.experimental import pallas as pl
from jax.experimental.pallas import tpu as pltpu
from jax.experimental.pallas import tpu_sc as plsc

VOCAB_FRESH = 100000
D = 32
B = 16384
L = 50
NF = 16

NC = 2
NS = 16
NW = NC * NS
ROWS_PER_W = B // NW
C = 16
IDS = C * L
NCHUNK = ROWS_PER_W // C
OUT_W = NF + 2 * D
LANES = 16
SCALE = 1.0 / (2 * L)
HALF = D // 2


def _fast_mod(v):
    q = (v.astype(jnp.float32) * jnp.float32(1.0 / VOCAB_FRESH)).astype(
        jnp.int32)
    r = v - q * VOCAB_FRESH
    r = jnp.where(r < 0, r + VOCAB_FRESH, r)
    return jnp.where(r >= VOCAB_FRESH, r - VOCAB_FRESH, r)


def _make_body(apply_mod, accumulate):

    def body(aux_hbm, aids_hbm, bids_hbm, tbl_hbm, out_hbm,
             ida0, ida1, idb0, idb1,
             rowsa0, rowsa1, rowsb0, rowsb1,
             outv0, outv1,
             sia0, sia1, sib0, sib1,
             sga0, sga1, sgb0, sgb1,
             sax0, sax1):
        ida = (ida0, ida1)
        idb = (idb0, idb1)
        rowsa = (rowsa0, rowsa1)
        rowsb = (rowsb0, rowsb1)
        outv = (outv0, outv1)
        sia = (sia0, sia1)
        sib = (sib0, sib1)
        sga = (sga0, sga1)
        sgb = (sgb0, sgb1)
        sax = (sax0, sax1)

        wid = lax.axis_index("s") * NC + lax.axis_index("c")
        row_base = wid * ROWS_PER_W

        def fetch(g, s):
            row0 = row_base + g * C
            off = row0 * L
            pltpu.async_copy(aids_hbm.at[pl.ds(off, IDS)], ida[s], sia[s])
            pltpu.async_copy(bids_hbm.at[pl.ds(off, IDS)], idb[s], sib[s])
            if accumulate:
                pltpu.async_copy(aux_hbm.at[pl.ds(row0, C)], outv[s], sax[s])
            else:
                pltpu.async_copy(
                    aux_hbm.at[pl.ds(row0, C)],
                    outv[s].at[:, pl.ds(0, NF)], sax[s])

        def mod_gather(g, s):
            pltpu.make_async_copy(
                aids_hbm.at[pl.ds(0, IDS)], ida[s], sia[s]).wait()
            pltpu.make_async_copy(
                bids_hbm.at[pl.ds(0, IDS)], idb[s], sib[s]).wait()
            if apply_mod:
                def mod_body(i, _):
                    off = pl.multiple_of(i * LANES, 8)
                    ida[s][pl.ds(off, LANES)] = _fast_mod(
                        ida[s][pl.ds(off, LANES)])
                    idb[s][pl.ds(off, LANES)] = _fast_mod(
                        idb[s][pl.ds(off, LANES)])
                    return 0
                lax.fori_loop(0, IDS // LANES, mod_body, 0)
            pltpu.async_copy(tbl_hbm.at[ida[s]], rowsa[s], sga[s])
            pltpu.async_copy(tbl_hbm.at[idb[s]], rowsb[s], sgb[s])

        def reduce_rows(rows_ref, base):
            zero = jnp.zeros((LANES,), jnp.float32)
            mask_hi = jnp.full((LANES,), -65536, jnp.int32)

            def rbody(gi, accs):
                a0, a1 = accs
                for u in range(5):
                    r = base + gi * 5 + u
                    w = rows_ref[r, pl.ds(0, LANES)]
                    lo = lax.bitcast_convert_type(
                        lax.shift_left(w, 16), jnp.float32)
                    hi = lax.bitcast_convert_type(
                        lax.bitwise_and(w, mask_hi), jnp.float32)
                    a0 = a0 + lo
                    a1 = a1 + hi
                return (a0, a1)

            return lax.fori_loop(0, L // 5, rbody, (zero, zero))

        def reduce_out(g, s):
            row0 = row_base + g * C
            pltpu.make_async_copy(
                tbl_hbm.at[ida[s]], rowsa[s], sga[s]).wait()
            pltpu.make_async_copy(
                tbl_hbm.at[idb[s]], rowsb[s], sgb[s]).wait()
            if accumulate:
                pltpu.make_async_copy(
                    aux_hbm.at[pl.ds(0, C)], outv[s], sax[s]).wait()
            else:
                pltpu.make_async_copy(
                    aux_hbm.at[pl.ds(0, C)],
                    outv[s].at[:, pl.ds(0, NF)], sax[s]).wait()
            scale = jnp.float32(SCALE)

            def red_body(b, _):
                a0, a1 = reduce_rows(rowsa[s], b * L)
                b0, b1 = reduce_rows(rowsb[s], b * L)
                if accumulate:
                    outv[s][b, pl.ds(NF, LANES)] = (
                        outv[s][b, pl.ds(NF, LANES)] + a0 * scale)
                    outv[s][b, pl.ds(NF + HALF, LANES)] = (
                        outv[s][b, pl.ds(NF + HALF, LANES)] + a1 * scale)
                    outv[s][b, pl.ds(NF + D, LANES)] = (
                        outv[s][b, pl.ds(NF + D, LANES)] + b0 * scale)
                    outv[s][b, pl.ds(NF + D + HALF, LANES)] = (
                        outv[s][b, pl.ds(NF + D + HALF, LANES)] + b1 * scale)
                else:
                    outv[s][b, pl.ds(NF, LANES)] = a0 * scale
                    outv[s][b, pl.ds(NF + HALF, LANES)] = a1 * scale
                    outv[s][b, pl.ds(NF + D, LANES)] = b0 * scale
                    outv[s][b, pl.ds(NF + D + HALF, LANES)] = b1 * scale
                return 0

            lax.fori_loop(0, C, red_body, 0)
            pltpu.sync_copy(outv[s], out_hbm.at[pl.ds(row0, C)])

        fetch(0, 0)
        mod_gather(0, 0)
        fetch(1, 1)
        mod_gather(1, 1)

        def pipe(j, _):
            g = j * 2
            reduce_out(g, 0)
            fetch(g + 2, 0)
            mod_gather(g + 2, 0)
            reduce_out(g + 1, 1)
            fetch(g + 3, 1)
            mod_gather(g + 3, 1)
            return 0

        lax.fori_loop(0, NCHUNK // 2 - 1, pipe, 0)
        reduce_out(NCHUNK - 2, 0)
        reduce_out(NCHUNK - 1, 1)

    return body


def _make_kernel(body, row_words, row_dtype):
    mesh = plsc.VectorSubcoreMesh(
        core_axis_name="c", subcore_axis_name="s",
        num_cores=NC, num_subcores=NS)
    return pl.kernel(
        body,
        out_type=jax.ShapeDtypeStruct((B, OUT_W), jnp.float32),
        mesh=mesh,
        compiler_params=pltpu.CompilerParams(use_tc_tiling_on_sc=False),
        scratch_types=(
            [pltpu.VMEM((IDS,), jnp.int32)] * 4
            + [pltpu.VMEM((IDS, row_words), row_dtype)] * 4
            + [pltpu.VMEM((C, OUT_W), jnp.float32)] * 2
            + [pltpu.SemaphoreType.DMA] * 10
        ),
    )


_UNPERM = np.arange(OUT_W)
for _d in range(D):
    _col = (NF + _d // 2) if _d % 2 == 0 else (NF + HALF + _d // 2)
    _UNPERM[NF + _d] = _col
    _UNPERM[NF + D + _d] = _col + D


@jax.jit
def _run(features, a_flat, b_flat, pre_w, fresh_w):
    fresh_fn = _make_kernel(
        _make_body(apply_mod=True, accumulate=False), HALF, jnp.int32)
    pre_fn = _make_kernel(
        _make_body(apply_mod=False, accumulate=True), HALF, jnp.int32)
    part = fresh_fn(features, a_flat, b_flat, fresh_w)
    out = pre_fn(part, a_flat, b_flat, pre_w)
    return out[:, _UNPERM]


def kernel(features, a_ids, b_ids, pretrained_embeddings, fresh_embeddings):
    a_flat = a_ids.reshape(-1)
    b_flat = b_ids.reshape(-1)
    pre_w = lax.bitcast_convert_type(
        pretrained_embeddings.astype(jnp.bfloat16).reshape(-1, HALF, 2),
        jnp.int32)
    fresh_w = lax.bitcast_convert_type(
        fresh_embeddings.astype(jnp.bfloat16).reshape(-1, HALF, 2),
        jnp.int32)
    return _run(features, a_flat, b_flat, pre_w, fresh_w)

# --- scband reference (transcript-rebuilt; emitter-appended) ---
"""Pipeline reference for scband-dqn-31052613550521 (READ-ONLY COPY).

The authoritative reference and input builder live on the scoring server;
editing this copy changes nothing except your own understanding.
"""

import jax, jax.numpy as jnp
import numpy as np

VOCAB_PRE = 1000000
VOCAB_FRESH = 100000
D = 32
B = 16384
L = 50
NF = 16


def setup_inputs(seed: int = 0) -> dict:
    key = jax.random.key(seed)
    k1, k2, k3, k4, k5 = jax.random.split(key, 5)
    features = jax.random.normal(k1, (B, NF), dtype=jnp.float32)
    a_ids = jax.random.randint(k2, (B, L), 0, VOCAB_PRE, dtype=jnp.int32)
    b_ids = jax.random.randint(k3, (B, L), 0, VOCAB_PRE, dtype=jnp.int32)
    pretrained_embeddings = jax.random.normal(k4, (VOCAB_PRE, D), dtype=jnp.float32) * 0.02
    fresh_embeddings = jax.random.normal(k5, (VOCAB_FRESH, D), dtype=jnp.float32) * 0.02
    return {
        "features": features,
        "a_ids": a_ids,
        "b_ids": b_ids,
        "pretrained_embeddings": pretrained_embeddings,
        "fresh_embeddings": fresh_embeddings,
    }


def reference(features, a_ids, b_ids, pretrained_embeddings, fresh_embeddings):
    # aggregated_embedding(entity): mean-pool token embeddings, combining the
    # pretrained table and the fresh (trainable) table of the embeddings helper.
    def aggregated_embedding(ids):
        pre = jnp.take(pretrained_embeddings, ids, axis=0)   # [B, L, D] gather
        fr = jnp.take(fresh_embeddings, ids % VOCAB_FRESH, axis=0)  # [B, L, D] gather
        return 0.5 * (pre.mean(axis=1) + fr.mean(axis=1))    # [B, D]

    ea = aggregated_embedding(a_ids)
    eb = aggregated_embedding(b_ids)
    # tensor_form: f = cat([features, ea, eb]) per row -> batch [B, NF + 2D]
    batch = jnp.concatenate([features, ea, eb], axis=1)
    return batch

if __name__ == "__main__":
    import jax
    _d = setup_inputs()
    print(jax.jit(kernel)(*tuple(_d.values())))

</pallas_src>

<mosaic_0001>
#map = affine_map<(d0, d1) -> (0, 0)>
#map1 = affine_map<(d0, d1) -> (0)>
module attributes {stable_mosaic.version = 14 : i64} {
  func.func @body(%arg0: i32, %arg1: i32, %arg2: memref<16384x80xf32, #tpu.memory_space<hbm>>, %arg3: memref<819200xi32, #tpu.memory_space<hbm>>, %arg4: memref<819200xi32, #tpu.memory_space<hbm>>, %arg5: memref<1000000x16xi32, #tpu.memory_space<hbm>>, %arg6: memref<16384x80xf32, #tpu.memory_space<hbm>>, %arg7: memref<800xi32, #tpu.memory_space<vmem>>, %arg8: memref<800xi32, #tpu.memory_space<vmem>>, %arg9: memref<800xi32, #tpu.memory_space<vmem>>, %arg10: memref<800xi32, #tpu.memory_space<vmem>>, %arg11: memref<800x16xi32, #tpu.memory_space<vmem>>, %arg12: memref<800x16xi32, #tpu.memory_space<vmem>>, %arg13: memref<800x16xi32, #tpu.memory_space<vmem>>, %arg14: memref<800x16xi32, #tpu.memory_space<vmem>>, %arg15: memref<16x80xf32, #tpu.memory_space<vmem>>, %arg16: memref<16x80xf32, #tpu.memory_space<vmem>>, %arg17: memref<!tpu.dma_semaphore, #tpu.memory_space<semaphore_mem>>, %arg18: memref<!tpu.dma_semaphore, #tpu.memory_space<semaphore_mem>>, %arg19: memref<!tpu.dma_semaphore, #tpu.memory_space<semaphore_mem>>, %arg20: memref<!tpu.dma_semaphore, #tpu.memory_space<semaphore_mem>>, %arg21: memref<!tpu.dma_semaphore, #tpu.memory_space<semaphore_mem>>, %arg22: memref<!tpu.dma_semaphore, #tpu.memory_space<semaphore_mem>>, %arg23: memref<!tpu.dma_semaphore, #tpu.memory_space<semaphore_mem>>, %arg24: memref<!tpu.dma_semaphore, #tpu.memory_space<semaphore_mem>>, %arg25: memref<!tpu.dma_semaphore, #tpu.memory_space<semaphore_mem>>, %arg26: memref<!tpu.dma_semaphore, #tpu.memory_space<semaphore_mem>>) attributes {dimension_semantics = [#tpu.dimension_semantics<core_parallel>, #tpu.dimension_semantics<subcore_parallel>], iteration_bounds = array<i64: 2, 16>, scalar_prefetch = 0 : i64, scratch_operands = 20 : i64, tpu.core_type = #tpu.core_type<sc_vector_subcore>, window_params = [{transform_indices = #map}, {transform_indices = #map1}, {transform_indices = #map1}, {transform_indices = #map}, {transform_indices = #map}]} {
    %mul3A = arith.constant 2 : i32
    %mul3A_0 = arith.muli %arg1, %mul3A : i32
    %add3A = arith.addi %mul3A_0, %arg0 : i32
    %mul3A_1 = arith.constant 512 : i32
    %mul3A_2 = arith.muli %add3A, %mul3A_1 : i32
    %add3A_3 = arith.constant 0 : i32
    %add3A_4 = arith.addi %mul3A_2, %add3A_3 : i32
    %mul3A_5 = arith.constant 50 : i32
    %mul3A_6 = arith.muli %add3A_4, %mul3A_5 : i32
    %dma_start3A = tpu.memref_slice %arg3[%mul3A_6] : memref<819200xi32, #tpu.memory_space<hbm>> -> memref<800xi32, #tpu.memory_space<hbm>>
    %dma_start3A_7 = tpu.memref_slice %arg3[%mul3A_6] : memref<819200xi32, #tpu.memory_space<hbm>> -> memref<800xi32, #tpu.memory_space<hbm>>
    tpu.enqueue_dma source(%dma_start3A_7 : memref<800xi32, #tpu.memory_space<hbm>>) target(%arg7 : memref<800xi32, #tpu.memory_space<vmem>>) target_semaphore(%arg17 : memref<!tpu.dma_semaphore, #tpu.memory_space<semaphore_mem>>)
    %dma_start3A_8 = tpu.memref_slice %arg4[%mul3A_6] : memref<819200xi32, #tpu.memory_space<hbm>> -> memref<800xi32, #tpu.memory_space<hbm>>
    %dma_start3A_9 = tpu.memref_slice %arg4[%mul3A_6] : memref<819200xi32, #tpu.memory_space<hbm>> -> memref<800xi32, #tpu.memory_space<hbm>>
    tpu.enqueue_dma source(%dma_start3A_9 : memref<800xi32, #tpu.memory_space<hbm>>) target(%arg9 : memref<800xi32, #tpu.memory_space<vmem>>) target_semaphore(%arg19 : memref<!tpu.dma_semaphore, #tpu.memory_space<semaphore_mem>>)
    %dma_start3A_10 = arith.constant 0 : i32
    %dma_start3A_11 = tpu.memref_slice %arg2[%add3A_4, %dma_start3A_10] : memref<16384x80xf32, #tpu.memory_space<hbm>> -> memref<16x80xf32, #tpu.memory_space<hbm>>
    %dma_start3A_12 = arith.constant 0 : i32
    %dma_start3A_13 = tpu.memref_slice %arg2[%add3A_4, %dma_start3A_12] : memref<16384x80xf32, #tpu.memory_space<hbm>> -> memref<16x80xf32, #tpu.memory_space<hbm>>
    tpu.enqueue_dma source(%dma_start3A_13 : memref<16x80xf32, #tpu.memory_space<hbm>>) target(%arg15 : memref<16x80xf32, #tpu.memory_space<vmem>>) target_semaphore(%arg25 : memref<!tpu.dma_semaphore, #tpu.memory_space<semaphore_mem>>)
    %dma_wait3A = arith.constant 0 : i32
    %dma_wait3A_14 = tpu.memref_slice %arg3[%dma_wait3A] : memref<819200xi32, #tpu.memory_space<hbm>> -> memref<800xi32, #tpu.memory_space<hbm>>
    %dma_wait3A_15 = arith.constant 0 : i32
    %dma_wait3A_16 = tpu.memref_slice %arg3[%dma_wait3A_15] : memref<819200xi32, #tpu.memory_space<hbm>> -> memref<800xi32, #tpu.memory_space<hbm>>
    tpu.wait_dma2 semaphore(%arg17 : memref<!tpu.dma_semaphore, #tpu.memory_space<semaphore_mem>>) src(%dma_wait3A_16 : memref<800xi32, #tpu.memory_space<hbm>>) dst(%arg7 : memref<800xi32, #tpu.memory_space<vmem>>)
    %dma_wait3A_17 = arith.constant 0 : i32
    %dma_wait3A_18 = tpu.memref_slice %arg4[%dma_wait3A_17] : memref<819200xi32, #tpu.memory_space<hbm>> -> memref<800xi32, #tpu.memory_space<hbm>>
    %dma_wait3A_19 = arith.constant 0 : i32
    %dma_wait3A_20 = tpu.memref_slice %arg4[%dma_wait3A_19] : memref<819200xi32, #tpu.memory_space<hbm>> -> memref<800xi32, #tpu.memory_space<hbm>>
    tpu.wait_dma2 semaphore(%arg19 : memref<!tpu.dma_semaphore, #tpu.memory_space<semaphore_mem>>) src(%dma_wait3A_20 : memref<800xi32, #tpu.memory_space<hbm>>) dst(%arg9 : memref<800xi32, #tpu.memory_space<vmem>>)
    %dma_start3A_21 = arith.constant 0 : i32
    %dma_start3A_22 = arith.constant 0 : i32
    %dma_start3A_23 = tpu.memref_slice %arg5[%dma_start3A_21, %dma_start3A_22] : memref<1000000x16xi32, #tpu.memory_space<hbm>> -> memref<1000000x16xi32, #tpu.memory_space<hbm>>
    tpu.enqueue_indirect_dma source(%dma_start3A_23 : memref<1000000x16xi32, #tpu.memory_space<hbm>>) target(%arg11 : memref<800x16xi32, #tpu.memory_space<vmem>>) offsets(%arg7 : memref<800xi32, #tpu.memory_space<vmem>>) semaphore(%arg21 : memref<!tpu.dma_semaphore, #tpu.memory_space<semaphore_mem>>)
    %dma_start3A_24 = arith.constant 0 : i32
    %dma_start3A_25 = arith.constant 0 : i32
    %dma_start3A_26 = tpu.memref_slice %arg5[%dma_start3A_24, %dma_start3A_25] : memref<1000000x16xi32, #tpu.memory_space<hbm>> -> memref<1000000x16xi32, #tpu.memory_space<hbm>>
    tpu.enqueue_indirect_dma source(%dma_start3A_26 : memref<1000000x16xi32, #tpu.memory_space<hbm>>) target(%arg13 : memref<800x16xi32, #tpu.memory_space<vmem>>) offsets(%arg9 : memref<800xi32, #tpu.memory_space<vmem>>) semaphore(%arg23 : memref<!tpu.dma_semaphore, #tpu.memory_space<semaphore_mem>>)
    %add3A_27 = arith.constant 16 : i32
    %add3A_28 = arith.addi %mul3A_2, %add3A_27 : i32
    %mul3A_29 = arith.constant 50 : i32
    %mul3A_30 = arith.muli %add3A_28, %mul3A_29 : i32
    %dma_start3A_31 = tpu.memref_slice %arg3[%mul3A_30] : memref<819200xi32, #tpu.memory_space<hbm>> -> memref<800xi32, #tpu.memory_space<hbm>>
    %dma_start3A_32 = tpu.memref_slice %arg3[%mul3A_30] : memref<819200xi32, #tpu.memory_space<hbm>> -> memref<800xi32, #tpu.memory_space<hbm>>
    tpu.enqueue_dma source(%dma_start3A_32 : memref<800xi32, #tpu.memory_space<hbm>>) target(%arg8 : memref<800xi32, #tpu.memory_space<vmem>>) target_semaphore(%arg18 : memref<!tpu.dma_semaphore, #tpu.memory_space<semaphore_mem>>)
    %dma_start3A_33 = tpu.memref_slice %arg4[%mul3A_30] : memref<819200xi32, #tpu.memory_space<hbm>> -> memref<800xi32, #tpu.memory_space<hbm>>
    %dma_start3A_34 = tpu.memref_slice %arg4[%mul3A_30] : memref<819200xi32, #tpu.memory_space<hbm>> -> memref<800xi32, #tpu.memory_space<hbm>>
    tpu.enqueue_dma source(%dma_start3A_34 : memref<800xi32, #tpu.memory_space<hbm>>) target(%arg10 : memref<800xi32, #tpu.memory_space<vmem>>) target_semaphore(%arg20 : memref<!tpu.dma_semaphore, #tpu.memory_space<semaphore_mem>>)
    %dma_start3A_35 = arith.constant 0 : i32
    %dma_start3A_36 = tpu.memref_slice %arg2[%add3A_28, %dma_start3A_35] : memref<16384x80xf32, #tpu.memory_space<hbm>> -> memref<16x80xf32, #tpu.memory_space<hbm>>
    %dma_start3A_37 = arith.constant 0 : i32
    %dma_start3A_38 = tpu.memref_slice %arg2[%add3A_28, %dma_start3A_37] : memref<16384x80xf32, #tpu.memory_space<hbm>> -> memref<16x80xf32, #tpu.memory_space<hbm>>
    tpu.enqueue_dma source(%dma_start3A_38 : memref<16x80xf32, #tpu.memory_space<hbm>>) target(%arg16 : memref<16x80xf32, #tpu.memory_space<vmem>>) target_semaphore(%arg26 : memref<!tpu.dma_semaphore, #tpu.memory_space<semaphore_mem>>)
    %dma_wait3A_39 = arith.constant 0 : i32
    %dma_wait3A_40 = tpu.memref_slice %arg3[%dma_wait3A_39] : memref<819200xi32, #tpu.memory_space<hbm>> -> memref<800xi32, #tpu.memory_space<hbm>>
    %dma_wait3A_41 = arith.constant 0 : i32
    %dma_wait3A_42 = tpu.memref_slice %arg3[%dma_wait3A_41] : memref<819200xi32, #tpu.memory_space<hbm>> -> memref<800xi32, #tpu.memory_space<hbm>>
    tpu.wait_dma2 semaphore(%arg18 : memref<!tpu.dma_semaphore, #tpu.memory_space<semaphore_mem>>) src(%dma_wait3A_42 : memref<800xi32, #tpu.memory_space<hbm>>) dst(%arg8 : memref<800xi32, #tpu.memory_space<vmem>>)
    %dma_wait3A_43 = arith.constant 0 : i32
    %dma_wait3A_44 = tpu.memref_slice %arg4[%dma_wait3A_43] : memref<819200xi32, #tpu.memory_space<hbm>> -> memref<800xi32, #tpu.memory_space<hbm>>
    %dma_wait3A_45 = arith.constant 0 : i32
    %dma_wait3A_46 = tpu.memref_slice %arg4[%dma_wait3A_45] : memref<819200xi32, #tpu.memory_space<hbm>> -> memref<800xi32, #tpu.memory_space<hbm>>
    tpu.wait_dma2 semaphore(%arg20 : memref<!tpu.dma_semaphore, #tpu.memory_space<semaphore_mem>>) src(%dma_wait3A_46 : memref<800xi32, #tpu.memory_space<hbm>>) dst(%arg10 : memref<800xi32, #tpu.memory_space<vmem>>)
    %dma_start3A_47 = arith.constant 0 : i32
    %dma_start3A_48 = arith.constant 0 : i32
    %dma_start3A_49 = tpu.memref_slice %arg5[%dma_start3A_47, %dma_start3A_48] : memref<1000000x16xi32, #tpu.memory_space<hbm>> -> memref<1000000x16xi32, #tpu.memory_space<hbm>>
    tpu.enqueue_indirect_dma source(%dma_start3A_49 : memref<1000000x16xi32, #tpu.memory_space<hbm>>) target(%arg12 : memref<800x16xi32, #tpu.memory_space<vmem>>) offsets(%arg8 : memref<800xi32, #tpu.memory_space<vmem>>) semaphore(%arg22 : memref<!tpu.dma_semaphore, #tpu.memory_space<semaphore_mem>>)
    %dma_start3A_50 = arith.constant 0 : i32
    %dma_start3A_51 = arith.constant 0 : i32
    %dma_start3A_52 = tpu.memref_slice %arg5[%dma_start3A_50, %dma_start3A_51] : memref<1000000x16xi32, #tpu.memory_space<hbm>> -> memref<1000000x16xi32, #tpu.memory_space<hbm>>
    tpu.enqueue_indirect_dma source(%dma_start3A_52 : memref<1000000x16xi32, #tpu.memory_space<hbm>>) target(%arg14 : memref<800x16xi32, #tpu.memory_space<vmem>>) offsets(%arg10 : memref<800xi32, #tpu.memory_space<vmem>>) semaphore(%arg24 : memref<!tpu.dma_semaphore, #tpu.memory_space<semaphore_mem>>)
    %scan3A = arith.constant 0 : i32
    %scan3A_53 = arith.constant 0 : i32
    %scan3A_54 = arith.constant 15 : i32
    %scan3A_55 = arith.addi %scan3A_53, %scan3A_54 : i32
    %scan3A_56 = arith.constant 1 : i32
    %scan3A_57 = scf.for %scan3A_103 = %scan3A_53 to %scan3A_55 step %scan3A_56 iter_args(%scan3A_104 = %scan3A) -> (i32)  : i32 {
      %mul3A_105 = arith.constant 2 : i32
      %mul3A_106 = arith.muli %scan3A_103, %mul3A_105 : i32
      %mul3A_107 = arith.constant 16 : i32
      %mul3A_108 = arith.muli %mul3A_106, %mul3A_107 : i32
      %add3A_109 = arith.addi %mul3A_2, %mul3A_108 : i32
      %dma_wait3A_110 = arith.constant 0 : i32
      %dma_wait3A_111 = arith.constant 0 : i32
      %dma_wait3A_112 = tpu.memref_slice %arg5[%dma_wait3A_110, %dma_wait3A_111] : memref<1000000x16xi32, #tpu.memory_space<hbm>> -> memref<1000000x16xi32, #tpu.memory_space<hbm>>
      tpu.wait_indirect_dma semaphore(%arg21 : memref<!tpu.dma_semaphore, #tpu.memory_space<semaphore_mem>>) src(%dma_wait3A_112 : memref<1000000x16xi32, #tpu.memory_space<hbm>>) dst(%arg11 : memref<800x16xi32, #tpu.memory_space<vmem>>)
      %dma_wait3A_113 = arith.constant 0 : i32
      %dma_wait3A_114 = arith.constant 0 : i32
      %dma_wait3A_115 = tpu.memref_slice %arg5[%dma_wait3A_113, %dma_wait3A_114] : memref<1000000x16xi32, #tpu.memory_space<hbm>> -> memref<1000000x16xi32, #tpu.memory_space<hbm>>
      tpu.wait_indirect_dma semaphore(%arg23 : memref<!tpu.dma_semaphore, #tpu.memory_space<semaphore_mem>>) src(%dma_wait3A_115 : memref<1000000x16xi32, #tpu.memory_space<hbm>>) dst(%arg13 : memref<800x16xi32, #tpu.memory_space<vmem>>)
      %dma_wait3A_116 = arith.constant 0 : i32
      %dma_wait3A_117 = arith.constant 0 : i32
      %dma_wait3A_118 = tpu.memref_slice %arg2[%dma_wait3A_116, %dma_wait3A_117] : memref<16384x80xf32, #tpu.memory_space<hbm>> -> memref<16x80xf32, #tpu.memory_space<hbm>>
      %dma_wait3A_119 = arith.constant 0 : i32
      %dma_wait3A_120 = arith.constant 0 : i32
      %dma_wait3A_121 = tpu.memref_slice %arg2[%dma_wait3A_119, %dma_wait3A_120] : memref<16384x80xf32, #tpu.memory_space<hbm>> -> memref<16x80xf32, #tpu.memory_space<hbm>>
      tpu.wait_dma2 semaphore(%arg25 : memref<!tpu.dma_semaphore, #tpu.memory_space<semaphore_mem>>) src(%dma_wait3A_121 : memref<16x80xf32, #tpu.memory_space<hbm>>) dst(%arg15 : memref<16x80xf32, #tpu.memory_space<vmem>>)
      %scan3A_122 = arith.constant 0.00999999977 : f32
      %scan3A_123 = arith.constant 0 : i32
      %scan3A_124 = arith.constant 0 : i32
      %scan3A_125 = arith.constant 16 : i32
      %scan3A_126 = arith.addi %scan3A_124, %scan3A_125 : i32
      %scan3A_127 = arith.constant 1 : i32
      %scan3A_128 = scf.for %scan3A_218 = %scan3A_124 to %scan3A_126 step %scan3A_127 iter_args(%scan3A_219 = %scan3A_123) -> (i32)  : i32 {
        %mul3A_220 = arith.constant 50 : i32
        %mul3A_221 = arith.muli %scan3A_218, %mul3A_220 : i32
        %broadcast_in_dim3A = arith.constant 0.000000e+00 : f32
        %broadcast_in_dim3A_222 = vector.broadcast %broadcast_in_dim3A : f32 to vector<16xf32>
        %broadcast_in_dim3A_223 = arith.constant -65536 : i32
        %broadcast_in_dim3A_224 = vector.broadcast %broadcast_in_dim3A_223 : i32 to vector<16xi32>
        %scan3A_225 = arith.constant 0 : i32
        %scan3A_226 = arith.constant 10 : i32
        %scan3A_227 = arith.addi %scan3A_225, %scan3A_226 : i32
        %scan3A_228 = arith.constant 1 : i32
        %scan3A_229:2 = scf.for %scan3A_290 = %scan3A_225 to %scan3A_227 step %scan3A_228 iter_args(%scan3A_291 = %broadcast_in_dim3A_222, %scan3A_292 = %broadcast_in_dim3A_222) -> (vector<16xf32>, vector<16xf32>)  : i32 {
          %mul3A_293 = arith.constant 5 : i32
          %mul3A_294 = arith.muli %scan3A_290, %mul3A_293 : i32
          %add3A_295 = arith.addi %mul3A_221, %mul3A_294 : i32
          %add3A_296 = arith.constant 0 : i32
          %add3A_297 = arith.addi %add3A_295, %add3A_296 : i32
          %get3A_298 = arith.index_cast %add3A_297 : i32 to index
          %get3A_299 = arith.constant 0 : index
          %get3A_300 = tpu.vector_load %arg11[%get3A_298, %get3A_299] {strides = array<i32>} : memref<800x16xi32, #tpu.memory_space<vmem>>, vector<1x16xi32>,
          %get3A_301 = vector.shape_cast %get3A_300 : vector<1x16xi32> to vector<16xi32>
          %shift_left3A = arith.constant 16 : i32
          %shift_left3A_302 = vector.broadcast %shift_left3A : i32 to vector<16xi32>
          %shift_left3A_303 = arith.shli %get3A_301, %shift_left3A_302 : vector<16xi32>
          %bitcast_convert_type3A = tpu.bitcast %shift_left3A_303 : vector<16xi32> -> vector<16xf32>
          %and3A = arith.andi %get3A_301, %broadcast_in_dim3A_224 : vector<16xi32>
          %bitcast_convert_type3A_304 = tpu.bitcast %and3A : vector<16xi32> -> vector<16xf32>
          %add3A_305 = arith.addf %scan3A_291, %bitcast_convert_type3A : vector<16xf32>
          %add3A_306 = arith.addf %scan3A_292, %bitcast_convert_type3A_304 : vector<16xf32>
          %mul3A_307 = arith.constant 5 : i32
          %mul3A_308 = arith.muli %scan3A_290, %mul3A_307 : i32
          %add3A_309 = arith.addi %mul3A_221, %mul3A_308 : i32
          %add3A_310 = arith.constant 1 : i32
          %add3A_311 = arith.addi %add3A_309, %add3A_310 : i32
          %get3A_312 = arith.index_cast %add3A_311 : i32 to index
          %get3A_313 = arith.constant 0 : index
          %get3A_314 = tpu.vector_load %arg11[%get3A_312, %get3A_313] {strides = array<i32>} : memref<800x16xi32, #tpu.memory_space<vmem>>, vector<1x16xi32>,
          %get3A_315 = vector.shape_cast %get3A_314 : vector<1x16xi32> to vector<16xi32>
          %shift_left3A_316 = arith.constant 16 : i32
          %shift_left3A_317 = vector.broadcast %shift_left3A_316 : i32 to vector<16xi32>
          %shift_left3A_318 = arith.shli %get3A_315, %shift_left3A_317 : vector<16xi32>
          %bitcast_convert_type3A_319 = tpu.bitcast %shift_left3A_318 : vector<16xi32> -> vector<16xf32>
          %and3A_320 = arith.andi %get3A_315, %broadcast_in_dim3A_224 : vector<16xi32>
          %bitcast_convert_type3A_321 = tpu.bitcast %and3A_320 : vector<16xi32> -> vector<16xf32>
          %add3A_322 = arith.addf %add3A_305, %bitcast_convert_type3A_319 : vector<16xf32>
          %add3A_323 = arith.addf %add3A_306, %bitcast_convert_type3A_321 : vector<16xf32>
          %mul3A_324 = arith.constant 5 : i32
          %mul3A_325 = arith.muli %scan3A_290, %mul3A_324 : i32
          %add3A_326 = arith.addi %mul3A_221, %mul3A_325 : i32
          %add3A_327 = arith.constant 2 : i32
          %add3A_328 = arith.addi %add3A_326, %add3A_327 : i32
          %get3A_329 = arith.index_cast %add3A_328 : i32 to index
          %get3A_330 = arith.constant 0 : index
          %get3A_331 = tpu.vector_load %arg11[%get3A_329, %get3A_330] {strides = array<i32>} : memref<800x16xi32, #tpu.memory_space<vmem>>, vector<1x16xi32>,
          %get3A_332 = vector.shape_cast %get3A_331 : vector<1x16xi32> to vector<16xi32>
          %shift_left3A_333 = arith.constant 16 : i32
          %shift_left3A_334 = vector.broadcast %shift_left3A_333 : i32 to vector<16xi32>
          %shift_left3A_335 = arith.shli %get3A_332, %shift_left3A_334 : vector<16xi32>
          %bitcast_convert_type3A_336 = tpu.bitcast %shift_left3A_335 : vector<16xi32> -> vector<16xf32>
          %and3A_337 = arith.andi %get3A_332, %broadcast_in_dim3A_224 : vector<16xi32>
          %bitcast_convert_type3A_338 = tpu.bitcast %and3A_337 : vector<16xi32> -> vector<16xf32>
          %add3A_339 = arith.addf %add3A_322, %bitcast_convert_type3A_336 : vector<16xf32>
          %add3A_340 = arith.addf %add3A_323, %bitcast_convert_type3A_338 : vector<16xf32>
          %mul3A_341 = arith.constant 5 : i32
          %mul3A_342 = arith.muli %scan3A_290, %mul3A_341 : i32
          %add3A_343 = arith.addi %mul3A_221, %mul3A_342 : i32
          %add3A_344 = arith.constant 3 : i32
          %add3A_345 = arith.addi %add3A_343, %add3A_344 : i32
          %get3A_346 = arith.index_cast %add3A_345 : i32 to index
          %get3A_347 = arith.constant 0 : index
          %get3A_348 = tpu.vector_load %arg11[%get3A_346, %get3A_347] {strides = array<i32>} : memref<800x16xi32, #tpu.memory_space<vmem>>, vector<1x16xi32>,
          %get3A_349 = vector.shape_cast %get3A_348 : vector<1x16xi32> to vector<16xi32>
          %shift_left3A_350 = arith.constant 16 : i32
          %shift_left3A_351 = vector.broadcast %shift_left3A_350 : i32 to vector<16xi32>
          %shift_left3A_352 = arith.shli %get3A_349, %shift_left3A_351 : vector<16xi32>
          %bitcast_convert_type3A_353 = tpu.bitcast %shift_left3A_352 : vector<16xi32> -> vector<16xf32>
          %and3A_354 = arith.andi %get3A_349, %broadcast_in_dim3A_224 : vector<16xi32>
          %bitcast_convert_type3A_355 = tpu.bitcast %and3A_354 : vector<16xi32> -> vector<16xf32>
          %add3A_356 = arith.addf %add3A_339, %bitcast_convert_type3A_353 : vector<16xf32>
          %add3A_357 = arith.addf %add3A_340, %bitcast_convert_type3A_355 : vector<16xf32>
          %mul3A_358 = arith.constant 5 : i32
          %mul3A_359 = arith.muli %scan3A_290, %mul3A_358 : i32
          %add3A_360 = arith.addi %mul3A_221, %mul3A_359 : i32
          %add3A_361 = arith.constant 4 : i32
          %add3A_362 = arith.addi %add3A_360, %add3A_361 : i32
          %get3A_363 = arith.index_cast %add3A_362 : i32 to index
          %get3A_364 = arith.constant 0 : index
          %get3A_365 = tpu.vector_load %arg11[%get3A_363, %get3A_364] {strides = array<i32>} : memref<800x16xi32, #tpu.memory_space<vmem>>, vector<1x16xi32>,
          %get3A_366 = vector.shape_cast %get3A_365 : vector<1x16xi32> to vector<16xi32>
          %shift_left3A_367 = arith.constant 16 : i32
          %shift_left3A_368 = vector.broadcast %shift_left3A_367 : i32 to vector<16xi32>
          %shift_left3A_369 = arith.shli %get3A_366, %shift_left3A_368 : vector<16xi32>
          %bitcast_convert_type3A_370 = tpu.bitcast %shift_left3A_369 : vector<16xi32> -> vector<16xf32>
          %and3A_371 = arith.andi %get3A_366, %broadcast_in_dim3A_224 : vector<16xi32>
          %bitcast_convert_type3A_372 = tpu.bitcast %and3A_371 : vector<16xi32> -> vector<16xf32>
          %add3A_373 = arith.addf %add3A_356, %bitcast_convert_type3A_370 : vector<16xf32>
          %add3A_374 = arith.addf %add3A_357, %bitcast_convert_type3A_372 : vector<16xf32>
          scf.yield %add3A_373, %add3A_374 : vector<16xf32>, vector<16xf32>
        }
        %scan3A_230 = arith.constant 10 : i32
        %mul3A_231 = arith.constant 50 : i32
        %mul3A_232 = arith.muli %scan3A_218, %mul3A_231 : i32
        %broadcast_in_dim3A_233 = arith.constant 0.000000e+00 : f32
        %broadcast_in_dim3A_234 = vector.broadcast %broadcast_in_dim3A_233 : f32 to vector<16xf32>
        %broadcast_in_dim3A_235 = arith.constant -65536 : i32
        %broadcast_in_dim3A_236 = vector.broadcast %broadcast_in_dim3A_235 : i32 to vector<16xi32>
        %scan3A_237 = arith.constant 0 : i32
        %scan3A_238 = arith.constant 10 : i32
        %scan3A_239 = arith.addi %scan3A_237, %scan3A_238 : i32
        %scan3A_240 = arith.constant 1 : i32
        %scan3A_241:2 = scf.for %scan3A_290 = %scan3A_237 to %scan3A_239 step %scan3A_240 iter_args(%scan3A_291 = %broadcast_in_dim3A_234, %scan3A_292 = %broadcast_in_dim3A_234) -> (vector<16xf32>, vector<16xf32>)  : i32 {
          %mul3A_293 = arith.constant 5 : i32
          %mul3A_294 = arith.muli %scan3A_290, %mul3A_293 : i32
          %add3A_295 = arith.addi %mul3A_232, %mul3A_294 : i32
          %add3A_296 = arith.constant 0 : i32
          %add3A_297 = arith.addi %add3A_295, %add3A_296 : i32
          %get3A_298 = arith.index_cast %add3A_297 : i32 to index
          %get3A_299 = arith.constant 0 : index
          %get3A_300 = tpu.vector_load %arg13[%get3A_298, %get3A_299] {strides = array<i32>} : memref<800x16xi32, #tpu.memory_space<vmem>>, vector<1x16xi32>,
          %get3A_301 = vector.shape_cast %get3A_300 : vector<1x16xi32> to vector<16xi32>
          %shift_left3A = arith.constant 16 : i32
          %shift_left3A_302 = vector.broadcast %shift_left3A : i32 to vector<16xi32>
          %shift_left3A_303 = arith.shli %get3A_301, %shift_left3A_302 : vector<16xi32>
          %bitcast_convert_type3A = tpu.bitcast %shift_left3A_303 : vector<16xi32> -> vector<16xf32>
          %and3A = arith.andi %get3A_301, %broadcast_in_dim3A_236 : vector<16xi32>
          %bitcast_convert_type3A_304 = tpu.bitcast %and3A : vector<16xi32> -> vector<16xf32>
          %add3A_305 = arith.addf %scan3A_291, %bitcast_convert_type3A : vector<16xf32>
          %add3A_306 = arith.addf %scan3A_292, %bitcast_convert_type3A_304 : vector<16xf32>
          %mul3A_307 = arith.constant 5 : i32
          %mul3A_308 = arith.muli %scan3A_290, %mul3A_307 : i32
          %add3A_309 = arith.addi %mul3A_232, %mul3A_308 : i32
          %add3A_310 = arith.constant 1 : i32
          %add3A_311 = arith.addi %add3A_309, %add3A_310 : i32
          %get3A_312 = arith.index_cast %add3A_311 : i32 to index
          %get3A_313 = arith.constant 0 : index
          %get3A_314 = tpu.vector_load %arg13[%get3A_312, %get3A_313] {strides = array<i32>} : memref<800x16xi32, #tpu.memory_space<vmem>>, vector<1x16xi32>,
          %get3A_315 = vector.shape_cast %get3A_314 : vector<1x16xi32> to vector<16xi32>
          %shift_left3A_316 = arith.constant 16 : i32
          %shift_left3A_317 = vector.broadcast %shift_left3A_316 : i32 to vector<16xi32>
          %shift_left3A_318 = arith.shli %get3A_315, %shift_left3A_317 : vector<16xi32>
          %bitcast_convert_type3A_319 = tpu.bitcast %shift_left3A_318 : vector<16xi32> -> vector<16xf32>
          %and3A_320 = arith.andi %get3A_315, %broadcast_in_dim3A_236 : vector<16xi32>
          %bitcast_convert_type3A_321 = tpu.bitcast %and3A_320 : vector<16xi32> -> vector<16xf32>
          %add3A_322 = arith.addf %add3A_305, %bitcast_convert_type3A_319 : vector<16xf32>
          %add3A_323 = arith.addf %add3A_306, %bitcast_convert_type3A_321 : vector<16xf32>
          %mul3A_324 = arith.constant 5 : i32
          %mul3A_325 = arith.muli %scan3A_290, %mul3A_324 : i32
          %add3A_326 = arith.addi %mul3A_232, %mul3A_325 : i32
          %add3A_327 = arith.constant 2 : i32
          %add3A_328 = arith.addi %add3A_326, %add3A_327 : i32
          %get3A_329 = arith.index_cast %add3A_328 : i32 to index
          %get3A_330 = arith.constant 0 : index
          %get3A_331 = tpu.vector_load %arg13[%get3A_329, %get3A_330] {strides = array<i32>} : memref<800x16xi32, #tpu.memory_space<vmem>>, vector<1x16xi32>,
          %get3A_332 = vector.shape_cast %get3A_331 : vector<1x16xi32> to vector<16xi32>
          %shift_left3A_333 = arith.constant 16 : i32
          %shift_left3A_334 = vector.broadcast %shift_left3A_333 : i32 to vector<16xi32>
          %shift_left3A_335 = arith.shli %get3A_332, %shift_left3A_334 : vector<16xi32>
          %bitcast_convert_type3A_336 = tpu.bitcast %shift_left3A_335 : vector<16xi32> -> vector<16xf32>
          %and3A_337 = arith.andi %get3A_332, %broadcast_in_dim3A_236 : vector<16xi32>
          %bitcast_convert_type3A_338 = tpu.bitcast %and3A_337 : vector<16xi32> -> vector<16xf32>
          %add3A_339 = arith.addf %add3A_322, %bitcast_convert_type3A_336 : vector<16xf32>
          %add3A_340 = arith.addf %add3A_323, %bitcast_convert_type3A_338 : vector<16xf32>
          %mul3A_341 = arith.constant 5 : i32
          %mul3A_342 = arith.muli %scan3A_290, %mul3A_341 : i32
          %add3A_343 = arith.addi %mul3A_232, %mul3A_342 : i32
          %add3A_344 = arith.constant 3 : i32
          %add3A_345 = arith.addi %add3A_343, %add3A_344 : i32
          %get3A_346 = arith.index_cast %add3A_345 : i32 to index
          %get3A_347 = arith.constant 0 : index
          %get3A_348 = tpu.vector_load %arg13[%get3A_346, %get3A_347] {strides = array<i32>} : memref<800x16xi32, #tpu.memory_space<vmem>>, vector<1x16xi32>,
          %get3A_349 = vector.shape_cast %get3A_348 : vector<1x16xi32> to vector<16xi32>
          %shift_left3A_350 = arith.constant 16 : i32
          %shift_left3A_351 = vector.broadcast %shift_left3A_350 : i32 to vector<16xi32>
          %shift_left3A_352 = arith.shli %get3A_349, %shift_left3A_351 : vector<16xi32>
          %bitcast_convert_type3A_353 = tpu.bitcast %shift_left3A_352 : vector<16xi32> -> vector<16xf32>
          %and3A_354 = arith.andi %get3A_349, %broadcast_in_dim3A_236 : vector<16xi32>
          %bitcast_convert_type3A_355 = tpu.bitcast %and3A_354 : vector<16xi32> -> vector<16xf32>
          %add3A_356 = arith.addf %add3A_339, %bitcast_convert_type3A_353 : vector<16xf32>
          %add3A_357 = arith.addf %add3A_340, %bitcast_convert_type3A_355 : vector<16xf32>
          %mul3A_358 = arith.constant 5 : i32
          %mul3A_359 = arith.muli %scan3A_290, %mul3A_358 : i32
          %add3A_360 = arith.addi %mul3A_232, %mul3A_359 : i32
          %add3A_361 = arith.constant 4 : i32
          %add3A_362 = arith.addi %add3A_360, %add3A_361 : i32
          %get3A_363 = arith.index_cast %add3A_362 : i32 to index
          %get3A_364 = arith.constant 0 : index
          %get3A_365 = tpu.vector_load %arg13[%get3A_363, %get3A_364] {strides = array<i32>} : memref<800x16xi32, #tpu.memory_space<vmem>>, vector<1x16xi32>,
          %get3A_366 = vector.shape_cast %get3A_365 : vector<1x16xi32> to vector<16xi32>
          %shift_left3A_367 = arith.constant 16 : i32
          %shift_left3A_368 = vector.broadcast %shift_left3A_367 : i32 to vector<16xi32>
          %shift_left3A_369 = arith.shli %get3A_366, %shift_left3A_368 : vector<16xi32>
          %bitcast_convert_type3A_370 = tpu.bitcast %shift_left3A_369 : vector<16xi32> -> vector<16xf32>
          %and3A_371 = arith.andi %get3A_366, %broadcast_in_dim3A_236 : vector<16xi32>
          %bitcast_convert_type3A_372 = tpu.bitcast %and3A_371 : vector<16xi32> -> vector<16xf32>
          %add3A_373 = arith.addf %add3A_356, %bitcast_convert_type3A_370 : vector<16xf32>
          %add3A_374 = arith.addf %add3A_357, %bitcast_convert_type3A_372 : vector<16xf32>
          scf.yield %add3A_373, %add3A_374 : vector<16xf32>, vector<16xf32>
        }
        %scan3A_242 = arith.constant 10 : i32
        %get3A = arith.index_cast %scan3A_218 : i32 to index
        %get3A_243 = arith.constant 16 : index
        %get3A_244 = tpu.vector_load %arg15[%get3A, %get3A_243] {strides = array<i32>} : memref<16x80xf32, #tpu.memory_space<vmem>>, vector<1x16xf32>,
        %get3A_245 = vector.shape_cast %get3A_244 : vector<1x16xf32> to vector<16xf32>
        %mul3A_246 = vector.broadcast %scan3A_122 : f32 to vector<16xf32>
        %mul3A_247 = arith.mulf %scan3A_229#0, %mul3A_246 : vector<16xf32>
        %add3A_248 = arith.addf %get3A_245, %mul3A_247 : vector<16xf32>
        %swap3A = arith.index_cast %scan3A_218 : i32 to index
        %swap3A_249 = arith.constant 16 : index
        %swap3A_250 = tpu.vector_load %arg15[%swap3A, %swap3A_249] {strides = array<i32>} : memref<16x80xf32, #tpu.memory_space<vmem>>, vector<1x16xf32>,
        %swap3A_251 = vector.shape_cast %swap3A_250 : vector<1x16xf32> to vector<16xf32>
        %swap3A_252 = vector.shape_cast %add3A_248 : vector<16xf32> to vector<1x16xf32>
        tpu.vector_store %arg15[%swap3A, %swap3A_249], %swap3A_252 {strides = array<i32>} : memref<16x80xf32, #tpu.memory_space<vmem>>, vector<1x16xf32>,
        %get3A_253 = arith.index_cast %scan3A_218 : i32 to index
        %get3A_254 = arith.constant 32 : index
        %get3A_255 = tpu.vector_load %arg15[%get3A_253, %get3A_254] {strides = array<i32>} : memref<16x80xf32, #tpu.memory_space<vmem>>, vector<1x16xf32>,
        %get3A_256 = vector.shape_cast %get3A_255 : vector<1x16xf32> to vector<16xf32>
        %mul3A_257 = vector.broadcast %scan3A_122 : f32 to vector<16xf32>
        %mul3A_258 = arith.mulf %scan3A_229#1, %mul3A_257 : vector<16xf32>
        %add3A_259 = arith.addf %get3A_256, %mul3A_258 : vector<16xf32>
        %swap3A_260 = arith.index_cast %scan3A_218 : i32 to index
        %swap3A_261 = arith.constant 32 : index
        %swap3A_262 = tpu.vector_load %arg15[%swap3A_260, %swap3A_261] {strides = array<i32>} : memref<16x80xf32, #tpu.memory_space<vmem>>, vector<1x16xf32>,
        %swap3A_263 = vector.shape_cast %swap3A_262 : vector<1x16xf32> to vector<16xf32>
        %swap3A_264 = vector.shape_cast %add3A_259 : vector<16xf32> to vector<1x16xf32>
        tpu.vector_store %arg15[%swap3A_260, %swap3A_261], %swap3A_264 {strides = array<i32>} : memref<16x80xf32, #tpu.memory_space<vmem>>, vector<1x16xf32>,
        %get3A_265 = arith.index_cast %scan3A_218 : i32 to index
        %get3A_266 = arith.constant 48 : index
        %get3A_267 = tpu.vector_load %arg15[%get3A_265, %get3A_266] {strides = array<i32>} : memref<16x80xf32, #tpu.memory_space<vmem>>, vector<1x16xf32>,
        %get3A_268 = vector.shape_cast %get3A_267 : vector<1x16xf32> to vector<16xf32>
        %mul3A_269 = vector.broadcast %scan3A_122 : f32 to vector<16xf32>
        %mul3A_270 = arith.mulf %scan3A_241#0, %mul3A_269 : vector<16xf32>
        %add3A_271 = arith.addf %get3A_268, %mul3A_270 : vector<16xf32>
        %swap3A_272 = arith.index_cast %scan3A_218 : i32 to index
        %swap3A_273 = arith.constant 48 : index
        %swap3A_274 = tpu.vector_load %arg15[%swap3A_272, %swap3A_273] {strides = array<i32>} : memref<16x80xf32, #tpu.memory_space<vmem>>, vector<1x16xf32>,
        %swap3A_275 = vector.shape_cast %swap3A_274 : vector<1x16xf32> to vector<16xf32>
        %swap3A_276 = vector.shape_cast %add3A_271 : vector<16xf32> to vector<1x16xf32>
        tpu.vector_store %arg15[%swap3A_272, %swap3A_273], %swap3A_276 {strides = array<i32>} : memref<16x80xf32, #tpu.memory_space<vmem>>, vector<1x16xf32>,
        %get3A_277 = arith.index_cast %scan3A_218 : i32 to index
        %get3A_278 = arith.constant 64 : index
        %get3A_279 = tpu.vector_load %arg15[%get3A_277, %get3A_278] {strides = array<i32>} : memref<16x80xf32, #tpu.memory_space<vmem>>, vector<1x16xf32>,
        %get3A_280 = vector.shape_cast %get3A_279 : vector<1x16xf32> to vector<16xf32>
        %mul3A_281 = vector.broadcast %scan3A_122 : f32 to vector<16xf32>
        %mul3A_282 = arith.mulf %scan3A_241#1, %mul3A_281 : vector<16xf32>
        %add3A_283 = arith.addf %get3A_280, %mul3A_282 : vector<16xf32>
        %swap3A_284 = arith.index_cast %scan3A_218 : i32 to index
        %swap3A_285 = arith.constant 64 : index
        %swap3A_286 = tpu.vector_load %arg15[%swap3A_284, %swap3A_285] {strides = array<i32>} : memref<16x80xf32, #tpu.memory_space<vmem>>, vector<1x16xf32>,
        %swap3A_287 = vector.shape_cast %swap3A_286 : vector<1x16xf32> to vector<16xf32>
        %swap3A_288 = vector.shape_cast %add3A_283 : vector<16xf32> to vector<1x16xf32>
        tpu.vector_store %arg15[%swap3A_284, %swap3A_285], %swap3A_288 {strides = array<i32>} : memref<16x80xf32, #tpu.memory_space<vmem>>, vector<1x16xf32>,
        %scan3A_289 = arith.constant 0 : i32
        scf.yield %scan3A_289 : i32
      }
      %scan3A_129 = arith.constant 16 : i32
      "tpu.region"() ({
        %run_scoped3A = tpu.sem_alloc : memref<!tpu.dma_semaphore, #tpu.memory_space<semaphore_mem>>
        %dma_start3A_218 = arith.constant 0 : i32
        %dma_start3A_219 = tpu.memref_slice %arg6[%add3A_109, %dma_start3A_218] : memref<16384x80xf32, #tpu.memory_space<hbm>> -> memref<16x80xf32, #tpu.memory_space<hbm>>
        %dma_start3A_220 = arith.constant 0 : i32
        %dma_start3A_221 = tpu.memref_slice %arg6[%add3A_109, %dma_start3A_220] : memref<16384x80xf32, #tpu.memory_space<hbm>> -> memref<16x80xf32, #tpu.memory_space<hbm>>
        tpu.enqueue_dma source(%arg15 : memref<16x80xf32, #tpu.memory_space<vmem>>) target(%dma_start3A_221 : memref<16x80xf32, #tpu.memory_space<hbm>>) target_semaphore(%run_scoped3A : memref<!tpu.dma_semaphore, #tpu.memory_space<semaphore_mem>>)
        %dma_wait3A_222 = arith.constant 0 : i32
        %dma_wait3A_223 = tpu.memref_slice %arg6[%add3A_109, %dma_wait3A_222] : memref<16384x80xf32, #tpu.memory_space<hbm>> -> memref<16x80xf32, #tpu.memory_space<hbm>>
        %dma_wait3A_224 = arith.constant 0 : i32
        %dma_wait3A_225 = tpu.memref_slice %arg6[%add3A_109, %dma_wait3A_224] : memref<16384x80xf32, #tpu.memory_space<hbm>> -> memref<16x80xf32, #tpu.memory_space<hbm>>
        tpu.wait_dma2 semaphore(%run_scoped3A : memref<!tpu.dma_semaphore, #tpu.memory_space<semaphore_mem>>) src(%arg15 : memref<16x80xf32, #tpu.memory_space<vmem>>) dst(%dma_wait3A_225 : memref<16x80xf32, #tpu.memory_space<hbm>>)
        tpu.yield
      }) : () -> ()
      %add3A_130 = arith.constant 2 : i32
      %add3A_131 = arith.addi %mul3A_106, %add3A_130 : i32
      %mul3A_132 = arith.constant 16 : i32
      %mul3A_133 = arith.muli %add3A_131, %mul3A_132 : i32
      %add3A_134 = arith.addi %mul3A_2, %mul3A_133 : i32
      %mul3A_135 = arith.constant 50 : i32
      %mul3A_136 = arith.muli %add3A_134, %mul3A_135 : i32
      %dma_start3A_137 = tpu.memref_slice %arg3[%mul3A_136] : memref<819200xi32, #tpu.memory_space<hbm>> -> memref<800xi32, #tpu.memory_space<hbm>>
      %dma_start3A_138 = tpu.memref_slice %arg3[%mul3A_136] : memref<819200xi32, #tpu.memory_space<hbm>> -> memref<800xi32, #tpu.memory_space<hbm>>
      tpu.enqueue_dma source(%dma_start3A_138 : memref<800xi32, #tpu.memory_space<hbm>>) target(%arg7 : memref<800xi32, #tpu.memory_space<vmem>>) target_semaphore(%arg17 : memref<!tpu.dma_semaphore, #tpu.memory_space<semaphore_mem>>)
      %dma_start3A_139 = tpu.memref_slice %arg4[%mul3A_136] : memref<819200xi32, #tpu.memory_space<hbm>> -> memref<800xi32, #tpu.memory_space<hbm>>
      %dma_start3A_140 = tpu.memref_slice %arg4[%mul3A_136] : memref<819200xi32, #tpu.memory_space<hbm>> -> memref<800xi32, #tpu.memory_space<hbm>>
      tpu.enqueue_dma source(%dma_start3A_140 : memref<800xi32, #tpu.memory_space<hbm>>) target(%arg9 : memref<800xi32, #tpu.memory_space<vmem>>) target_semaphore(%arg19 : memref<!tpu.dma_semaphore, #tpu.memory_space<semaphore_mem>>)
      %dma_start3A_141 = arith.constant 0 : i32
      %dma_start3A_142 = tpu.memref_slice %arg2[%add3A_134, %dma_start3A_141] : memref<16384x80xf32, #tpu.memory_space<hbm>> -> memref<16x80xf32, #tpu.memory_space<hbm>>
      %dma_start3A_143 = arith.constant 0 : i32
      %dma_start3A_144 = tpu.memref_slice %arg2[%add3A_134, %dma_start3A_143] : memref<16384x80xf32, #tpu.memory_space<hbm>> -> memref<16x80xf32, #tpu.memory_space<hbm>>
      tpu.enqueue_dma source(%dma_start3A_144 : memref<16x80xf32, #tpu.memory_space<hbm>>) target(%arg15 : memref<16x80xf32, #tpu.memory_space<vmem>>) target_semaphore(%arg25 : memref<!tpu.dma_semaphore, #tpu.memory_space<semaphore_mem>>)
      %add3A_145 = arith.constant 2 : i32
      %add3A_146 = arith.addi %mul3A_106, %add3A_145 : i32
      %dma_wait3A_147 = arith.constant 0 : i32
      %dma_wait3A_148 = tpu.memref_slice %arg3[%dma_wait3A_147] : memref<819200xi32, #tpu.memory_space<hbm>> -> memref<800xi32, #tpu.memory_space<hbm>>
      %dma_wait3A_149 = arith.constant 0 : i32
      %dma_wait3A_150 = tpu.memref_slice %arg3[%dma_wait3A_149] : memref<819200xi32, #tpu.memory_space<hbm>> -> memref<800xi32, #tpu.memory_space<hbm>>
      tpu.wait_dma2 semaphore(%arg17 : memref<!tpu.dma_semaphore, #tpu.memory_space<semaphore_mem>>) src(%dma_wait3A_150 : memref<800xi32, #tpu.memory_space<hbm>>) dst(%arg7 : memref<800xi32, #tpu.memory_space<vmem>>)
      %dma_wait3A_151 = arith.constant 0 : i32
      %dma_wait3A_152 = tpu.memref_slice %arg4[%dma_wait3A_151] : memref<819200xi32, #tpu.memory_space<hbm>> -> memref<800xi32, #tpu.memory_space<hbm>>
      %dma_wait3A_153 = arith.constant 0 : i32
      %dma_wait3A_154 = tpu.memref_slice %arg4[%dma_wait3A_153] : memref<819200xi32, #tpu.memory_space<hbm>> -> memref<800xi32, #tpu.memory_space<hbm>>
      tpu.wait_dma2 semaphore(%arg19 : memref<!tpu.dma_semaphore, #tpu.memory_space<semaphore_mem>>) src(%dma_wait3A_154 : memref<800xi32, #tpu.memory_space<hbm>>) dst(%arg9 : memref<800xi32, #tpu.memory_space<vmem>>)
      %dma_start3A_155 = arith.constant 0 : i32
      %dma_start3A_156 = arith.constant 0 : i32
      %dma_start3A_157 = tpu.memref_slice %arg5[%dma_start3A_155, %dma_start3A_156] : memref<1000000x16xi32, #tpu.memory_space<hbm>> -> memref<1000000x16xi32, #tpu.memory_space<hbm>>
      tpu.enqueue_indirect_dma source(%dma_start3A_157 : memref<1000000x16xi32, #tpu.memory_space<hbm>>) target(%arg11 : memref<800x16xi32, #tpu.memory_space<vmem>>) offsets(%arg7 : memref<800xi32, #tpu.memory_space<vmem>>) semaphore(%arg21 : memref<!tpu.dma_semaphore, #tpu.memory_space<semaphore_mem>>)
      %dma_start3A_158 = arith.constant 0 : i32
      %dma_start3A_159 = arith.constant 0 : i32
      %dma_start3A_160 = tpu.memref_slice %arg5[%dma_start3A_158, %dma_start3A_159] : memref<1000000x16xi32, #tpu.memory_space<hbm>> -> memref<1000000x16xi32, #tpu.memory_space<hbm>>
      tpu.enqueue_indirect_dma source(%dma_start3A_160 : memref<1000000x16xi32, #tpu.memory_space<hbm>>) target(%arg13 : memref<800x16xi32, #tpu.memory_space<vmem>>) offsets(%arg9 : memref<800xi32, #tpu.memory_space<vmem>>) semaphore(%arg23 : memref<!tpu.dma_semaphore, #tpu.memory_space<semaphore_mem>>)
      %add3A_161 = arith.constant 1 : i32
      %add3A_162 = arith.addi %mul3A_106, %add3A_161 : i32
      %mul3A_163 = arith.constant 16 : i32
      %mul3A_164 = arith.muli %add3A_162, %mul3A_163 : i32
      %add3A_165 = arith.addi %mul3A_2, %mul3A_164 : i32
      %dma_wait3A_166 = arith.constant 0 : i32
      %dma_wait3A_167 = arith.constant 0 : i32
      %dma_wait3A_168 = tpu.memref_slice %arg5[%dma_wait3A_166, %dma_wait3A_167] : memref<1000000x16xi32, #tpu.memory_space<hbm>> -> memref<1000000x16xi32, #tpu.memory_space<hbm>>
      tpu.wait_indirect_dma semaphore(%arg22 : memref<!tpu.dma_semaphore, #tpu.memory_space<semaphore_mem>>) src(%dma_wait3A_168 : memref<1000000x16xi32, #tpu.memory_space<hbm>>) dst(%arg12 : memref<800x16xi32, #tpu.memory_space<vmem>>)
      %dma_wait3A_169 = arith.constant 0 : i32
      %dma_wait3A_170 = arith.constant 0 : i32
      %dma_wait3A_171 = tpu.memref_slice %arg5[%dma_wait3A_169, %dma_wait3A_170] : memref<1000000x16xi32, #tpu.memory_space<hbm>> -> memref<1000000x16xi32, #tpu.memory_space<hbm>>
      tpu.wait_indirect_dma semaphore(%arg24 : memref<!tpu.dma_semaphore, #tpu.memory_space<semaphore_mem>>) src(%dma_wait3A_171 : memref<1000000x16xi32, #tpu.memory_space<hbm>>) dst(%arg14 : memref<800x16xi32, #tpu.memory_space<vmem>>)
      %dma_wait3A_172 = arith.constant 0 : i32
      %dma_wait3A_173 = arith.constant 0 : i32
      %dma_wait3A_174 = tpu.memref_slice %arg2[%dma_wait3A_172, %dma_wait3A_173] : memref<16384x80xf32, #tpu.memory_space<hbm>> -> memref<16x80xf32, #tpu.memory_space<hbm>>
      %dma_wait3A_175 = arith.constant 0 : i32
      %dma_wait3A_176 = arith.constant 0 : i32
      %dma_wait3A_177 = tpu.memref_slice %arg2[%dma_wait3A_175, %dma_wait3A_176] : memref<16384x80xf32, #tpu.memory_space<hbm>> -> memref<16x80xf32, #tpu.memory_space<hbm>>
      tpu.wait_dma2 semaphore(%arg26 : memref<!tpu.dma_semaphore, #tpu.memory_space<semaphore_mem>>) src(%dma_wait3A_177 : memref<16x80xf32, #tpu.memory_space<hbm>>) dst(%arg16 : memref<16x80xf32, #tpu.memory_space<vmem>>)
      %scan3A_178 = arith.constant 0.00999999977 : f32
      %scan3A_179 = arith.constant 0 : i32
      %scan3A_180 = arith.constant 0 : i32
      %scan3A_181 = arith.constant 16 : i32
      %scan3A_182 = arith.addi %scan3A_180, %scan3A_181 : i32
      %scan3A_183 = arith.constant 1 : i32
      %scan3A_184 = scf.for %scan3A_218 = %scan3A_180 to %scan3A_182 step %scan3A_183 iter_args(%scan3A_219 = %scan3A_179) -> (i32)  : i32 {
        %mul3A_220 = arith.constant 50 : i32
        %mul3A_221 = arith.muli %scan3A_218, %mul3A_220 : i32
        %broadcast_in_dim3A = arith.constant 0.000000e+00 : f32
        %broadcast_in_dim3A_222 = vector.broadcast %broadcast_in_dim3A : f32 to vector<16xf32>
        %broadcast_in_dim3A_223 = arith.constant -65536 : i32
        %broadcast_in_dim3A_224 = vector.broadcast %broadcast_in_dim3A_223 : i32 to vector<16xi32>
        %scan3A_225 = arith.constant 0 : i32
        %scan3A_226 = arith.constant 10 : i32
        %scan3A_227 = arith.addi %scan3A_225, %scan3A_226 : i32
        %scan3A_228 = arith.constant 1 : i32
        %scan3A_229:2 = scf.for %scan3A_290 = %scan3A_225 to %scan3A_227 step %scan3A_228 iter_args(%scan3A_291 = %broadcast_in_dim3A_222, %scan3A_292 = %broadcast_in_dim3A_222) -> (vector<16xf32>, vector<16xf32>)  : i32 {
          %mul3A_293 = arith.constant 5 : i32
          %mul3A_294 = arith.muli %scan3A_290, %mul3A_293 : i32
          %add3A_295 = arith.addi %mul3A_221, %mul3A_294 : i32
          %add3A_296 = arith.constant 0 : i32
          %add3A_297 = arith.addi %add3A_295, %add3A_296 : i32
          %get3A_298 = arith.index_cast %add3A_297 : i32 to index
          %get3A_299 = arith.constant 0 : index
          %get3A_300 = tpu.vector_load %arg12[%get3A_298, %get3A_299] {strides = array<i32>} : memref<800x16xi32, #tpu.memory_space<vmem>>, vector<1x16xi32>,
          %get3A_301 = vector.shape_cast %get3A_300 : vector<1x16xi32> to vector<16xi32>
          %shift_left3A = arith.constant 16 : i32
          %shift_left3A_302 = vector.broadcast %shift_left3A : i32 to vector<16xi32>
          %shift_left3A_303 = arith.shli %get3A_301, %shift_left3A_302 : vector<16xi32>
          %bitcast_convert_type3A = tpu.bitcast %shift_left3A_303 : vector<16xi32> -> vector<16xf32>
          %and3A = arith.andi %get3A_301, %broadcast_in_dim3A_224 : vector<16xi32>
          %bitcast_convert_type3A_304 = tpu.bitcast %and3A : vector<16xi32> -> vector<16xf32>
          %add3A_305 = arith.addf %scan3A_291, %bitcast_convert_type3A : vector<16xf32>
          %add3A_306 = arith.addf %scan3A_292, %bitcast_convert_type3A_304 : vector<16xf32>
          %mul3A_307 = arith.constant 5 : i32
          %mul3A_308 = arith.muli %scan3A_290, %mul3A_307 : i32
          %add3A_309 = arith.addi %mul3A_221, %mul3A_308 : i32
          %add3A_310 = arith.constant 1 : i32
          %add3A_311 = arith.addi %add3A_309, %add3A_310 : i32
          %get3A_312 = arith.index_cast %add3A_311 : i32 to index
          %get3A_313 = arith.constant 0 : index
          %get3A_314 = tpu.vector_load %arg12[%get3A_312, %get3A_313] {strides = array<i32>} : memref<800x16xi32, #tpu.memory_space<vmem>>, vector<1x16xi32>,
          %get3A_315 = vector.shape_cast %get3A_314 : vector<1x16xi32> to vector<16xi32>
          %shift_left3A_316 = arith.constant 16 : i32
          %shift_left3A_317 = vector.broadcast %shift_left3A_316 : i32 to vector<16xi32>
          %shift_left3A_318 = arith.shli %get3A_315, %shift_left3A_317 : vector<16xi32>
          %bitcast_convert_type3A_319 = tpu.bitcast %shift_left3A_318 : vector<16xi32> -> vector<16xf32>
          %and3A_320 = arith.andi %get3A_315, %broadcast_in_dim3A_224 : vector<16xi32>
          %bitcast_convert_type3A_321 = tpu.bitcast %and3A_320 : vector<16xi32> -> vector<16xf32>
          %add3A_322 = arith.addf %add3A_305, %bitcast_convert_type3A_319 : vector<16xf32>
          %add3A_323 = arith.addf %add3A_306, %bitcast_convert_type3A_321 : vector<16xf32>
          %mul3A_324 = arith.constant 5 : i32
          %mul3A_325 = arith.muli %scan3A_290, %mul3A_324 : i32
          %add3A_326 = arith.addi %mul3A_221, %mul3A_325 : i32
          %add3A_327 = arith.constant 2 : i32
          %add3A_328 = arith.addi %add3A_326, %add3A_327 : i32
          %get3A_329 = arith.index_cast %add3A_328 : i32 to index
          %get3A_330 = arith.constant 0 : index
          %get3A_331 = tpu.vector_load %arg12[%get3A_329, %get3A_330] {strides = array<i32>} : memref<800x16xi32, #tpu.memory_space<vmem>>, vector<1x16xi32>,
          %get3A_332 = vector.shape_cast %get3A_331 : vector<1x16xi32> to vector<16xi32>
          %shift_left3A_333 = arith.constant 16 : i32
          %shift_left3A_334 = vector.broadcast %shift_left3A_333 : i32 to vector<16xi32>
          %shift_left3A_335 = arith.shli %get3A_332, %shift_left3A_334 : vector<16xi32>
          %bitcast_convert_type3A_336 = tpu.bitcast %shift_left3A_335 : vector<16xi32> -> vector<16xf32>
          %and3A_337 = arith.andi %get3A_332, %broadcast_in_dim3A_224 : vector<16xi32>
          %bitcast_convert_type3A_338 = tpu.bitcast %and3A_337 : vector<16xi32> -> vector<16xf32>
          %add3A_339 = arith.addf %add3A_322, %bitcast_convert_type3A_336 : vector<16xf32>
          %add3A_340 = arith.addf %add3A_323, %bitcast_convert_type3A_338 : vector<16xf32>
          %mul3A_341 = arith.constant 5 : i32
          %mul3A_342 = arith.muli %scan3A_290, %mul3A_341 : i32
          %add3A_343 = arith.addi %mul3A_221, %mul3A_342 : i32
          %add3A_344 = arith.constant 3 : i32
          %add3A_345 = arith.addi %add3A_343, %add3A_344 : i32
          %get3A_346 = arith.index_cast %add3A_345 : i32 to index
          %get3A_347 = arith.constant 0 : index
          %get3A_348 = tpu.vector_load %arg12[%get3A_346, %get3A_347] {strides = array<i32>} : memref<800x16xi32, #tpu.memory_space<vmem>>, vector<1x16xi32>,
          %get3A_349 = vector.shape_cast %get3A_348 : vector<1x16xi32> to vector<16xi32>
          %shift_left3A_350 = arith.constant 16 : i32
          %shift_left3A_351 = vector.broadcast %shift_left3A_350 : i32 to vector<16xi32>
          %shift_left3A_352 = arith.shli %get3A_349, %shift_left3A_351 : vector<16xi32>
          %bitcast_convert_type3A_353 = tpu.bitcast %shift_left3A_352 : vector<16xi32> -> vector<16xf32>
          %and3A_354 = arith.andi %get3A_349, %broadcast_in_dim3A_224 : vector<16xi32>
          %bitcast_convert_type3A_355 = tpu.bitcast %and3A_354 : vector<16xi32> -> vector<16xf32>
          %add3A_356 = arith.addf %add3A_339, %bitcast_convert_type3A_353 : vector<16xf32>
          %add3A_357 = arith.addf %add3A_340, %bitcast_convert_type3A_355 : vector<16xf32>
          %mul3A_358 = arith.constant 5 : i32
          %mul3A_359 = arith.muli %scan3A_290, %mul3A_358 : i32
          %add3A_360 = arith.addi %mul3A_221, %mul3A_359 : i32
          %add3A_361 = arith.constant 4 : i32
          %add3A_362 = arith.addi %add3A_360, %add3A_361 : i32
          %get3A_363 = arith.index_cast %add3A_362 : i32 to index
          %get3A_364 = arith.constant 0 : index
          %get3A_365 = tpu.vector_load %arg12[%get3A_363, %get3A_364] {strides = array<i32>} : memref<800x16xi32, #tpu.memory_space<vmem>>, vector<1x16xi32>,
          %get3A_366 = vector.shape_cast %get3A_365 : vector<1x16xi32> to vector<16xi32>
          %shift_left3A_367 = arith.constant 16 : i32
          %shift_left3A_368 = vector.broadcast %shift_left3A_367 : i32 to vector<16xi32>
          %shift_left3A_369 = arith.shli %get3A_366, %shift_left3A_368 : vector<16xi32>
          %bitcast_convert_type3A_370 = tpu.bitcast %shift_left3A_369 : vector<16xi32> -> vector<16xf32>
          %and3A_371 = arith.andi %get3A_366, %broadcast_in_dim3A_224 : vector<16xi32>
          %bitcast_convert_type3A_372 = tpu.bitcast %and3A_371 : vector<16xi32> -> vector<16xf32>
          %add3A_373 = arith.addf %add3A_356, %bitcast_convert_type3A_370 : vector<16xf32>
          %add3A_374 = arith.addf %add3A_357, %bitcast_convert_type3A_372 : vector<16xf32>
          scf.yield %add3A_373, %add3A_374 : vector<16xf32>, vector<16xf32>
        }
        %scan3A_230 = arith.constant 10 : i32
        %mul3A_231 = arith.constant 50 : i32
        %mul3A_232 = arith.muli %scan3A_218, %mul3A_231 : i32
        %broadcast_in_dim3A_233 = arith.constant 0.000000e+00 : f32
        %broadcast_in_dim3A_234 = vector.broadcast %broadcast_in_dim3A_233 : f32 to vector<16xf32>
        %broadcast_in_dim3A_235 = arith.constant -65536 : i32
        %broadcast_in_dim3A_236 = vector.broadcast %broadcast_in_dim3A_235 : i32 to vector<16xi32>
        %scan3A_237 = arith.constant 0 : i32
        %scan3A_238 = arith.constant 10 : i32
        %scan3A_239 = arith.addi %scan3A_237, %scan3A_238 : i32
        %scan3A_240 = arith.constant 1 : i32
        %scan3A_241:2 = scf.for %scan3A_290 = %scan3A_237 to %scan3A_239 step %scan3A_240 iter_args(%scan3A_291 = %broadcast_in_dim3A_234, %scan3A_292 = %broadcast_in_dim3A_234) -> (vector<16xf32>, vector<16xf32>)  : i32 {
          %mul3A_293 = arith.constant 5 : i32
          %mul3A_294 = arith.muli %scan3A_290, %mul3A_293 : i32
          %add3A_295 = arith.addi %mul3A_232, %mul3A_294 : i32
          %add3A_296 = arith.constant 0 : i32
          %add3A_297 = arith.addi %add3A_295, %add3A_296 : i32
          %get3A_298 = arith.index_cast %add3A_297 : i32 to index
          %get3A_299 = arith.constant 0 : index
          %get3A_300 = tpu.vector_load %arg14[%get3A_298, %get3A_299] {strides = array<i32>} : memref<800x16xi32, #tpu.memory_space<vmem>>, vector<1x16xi32>,
          %get3A_301 = vector.shape_cast %get3A_300 : vector<1x16xi32> to vector<16xi32>
          %shift_left3A = arith.constant 16 : i32
          %shift_left3A_302 = vector.broadcast %shift_left3A : i32 to vector<16xi32>
          %shift_left3A_303 = arith.shli %get3A_301, %shift_left3A_302 : vector<16xi32>
          %bitcast_convert_type3A = tpu.bitcast %shift_left3A_303 : vector<16xi32> -> vector<16xf32>
          %and3A = arith.andi %get3A_301, %broadcast_in_dim3A_236 : vector<16xi32>
          %bitcast_convert_type3A_304 = tpu.bitcast %and3A : vector<16xi32> -> vector<16xf32>
          %add3A_305 = arith.addf %scan3A_291, %bitcast_convert_type3A : vector<16xf32>
          %add3A_306 = arith.addf %scan3A_292, %bitcast_convert_type3A_304 : vector<16xf32>
          %mul3A_307 = arith.constant 5 : i32
          %mul3A_308 = arith.muli %scan3A_290, %mul3A_307 : i32
          %add3A_309 = arith.addi %mul3A_232, %mul3A_308 : i32
          %add3A_310 = arith.constant 1 : i32
          %add3A_311 = arith.addi %add3A_309, %add3A_310 : i32
          %get3A_312 = arith.index_cast %add3A_311 : i32 to index
          %get3A_313 = arith.constant 0 : index
          %get3A_314 = tpu.vector_load %arg14[%get3A_312, %get3A_313] {strides = array<i32>} : memref<800x16xi32, #tpu.memory_space<vmem>>, vector<1x16xi32>,
          %get3A_315 = vector.shape_cast %get3A_314 : vector<1x16xi32> to vector<16xi32>
          %shift_left3A_316 = arith.constant 16 : i32
          %shift_left3A_317 = vector.broadcast %shift_left3A_316 : i32 to vector<16xi32>
          %shift_left3A_318 = arith.shli %get3A_315, %shift_left3A_317 : vector<16xi32>
          %bitcast_convert_type3A_319 = tpu.bitcast %shift_left3A_318 : vector<16xi32> -> vector<16xf32>
          %and3A_320 = arith.andi %get3A_315, %broadcast_in_dim3A_236 : vector<16xi32>
          %bitcast_convert_type3A_321 = tpu.bitcast %and3A_320 : vector<16xi32> -> vector<16xf32>
          %add3A_322 = arith.addf %add3A_305, %bitcast_convert_type3A_319 : vector<16xf32>
          %add3A_323 = arith.addf %add3A_306, %bitcast_convert_type3A_321 : vector<16xf32>
          %mul3A_324 = arith.constant 5 : i32
          %mul3A_325 = arith.muli %scan3A_290, %mul3A_324 : i32
          %add3A_326 = arith.addi %mul3A_232, %mul3A_325 : i32
          %add3A_327 = arith.constant 2 : i32
          %add3A_328 = arith.addi %add3A_326, %add3A_327 : i32
          %get3A_329 = arith.index_cast %add3A_328 : i32 to index
          %get3A_330 = arith.constant 0 : index
          %get3A_331 = tpu.vector_load %arg14[%get3A_329, %get3A_330] {strides = array<i32>} : memref<800x16xi32, #tpu.memory_space<vmem>>, vector<1x16xi32>,
          %get3A_332 = vector.shape_cast %get3A_331 : vector<1x16xi32> to vector<16xi32>
          %shift_left3A_333 = arith.constant 16 : i32
          %shift_left3A_334 = vector.broadcast %shift_left3A_333 : i32 to vector<16xi32>
          %shift_left3A_335 = arith.shli %get3A_332, %shift_left3A_334 : vector<16xi32>
          %bitcast_convert_type3A_336 = tpu.bitcast %shift_left3A_335 : vector<16xi32> -> vector<16xf32>
          %and3A_337 = arith.andi %get3A_332, %broadcast_in_dim3A_236 : vector<16xi32>
          %bitcast_convert_type3A_338 = tpu.bitcast %and3A_337 : vector<16xi32> -> vector<16xf32>
          %add3A_339 = arith.addf %add3A_322, %bitcast_convert_type3A_336 : vector<16xf32>
          %add3A_340 = arith.addf %add3A_323, %bitcast_convert_type3A_338 : vector<16xf32>
          %mul3A_341 = arith.constant 5 : i32
          %mul3A_342 = arith.muli %scan3A_290, %mul3A_341 : i32
          %add3A_343 = arith.addi %mul3A_232, %mul3A_342 : i32
          %add3A_344 = arith.constant 3 : i32
          %add3A_345 = arith.addi %add3A_343, %add3A_344 : i32
          %get3A_346 = arith.index_cast %add3A_345 : i32 to index
          %get3A_347 = arith.constant 0 : index
          %get3A_348 = tpu.vector_load %arg14[%get3A_346, %get3A_347] {strides = array<i32>} : memref<800x16xi32, #tpu.memory_space<vmem>>, vector<1x16xi32>,
          %get3A_349 = vector.shape_cast %get3A_348 : vector<1x16xi32> to vector<16xi32>
          %shift_left3A_350 = arith.constant 16 : i32
          %shift_left3A_351 = vector.broadcast %shift_left3A_350 : i32 to vector<16xi32>
          %shift_left3A_352 = arith.shli %get3A_349, %shift_left3A_351 : vector<16xi32>
          %bitcast_convert_type3A_353 = tpu.bitcast %shift_left3A_352 : vector<16xi32> -> vector<16xf32>
          %and3A_354 = arith.andi %get3A_349, %broadcast_in_dim3A_236 : vector<16xi32>
          %bitcast_convert_type3A_355 = tpu.bitcast %and3A_354 : vector<16xi32> -> vector<16xf32>
          %add3A_356 = arith.addf %add3A_339, %bitcast_convert_type3A_353 : vector<16xf32>
          %add3A_357 = arith.addf %add3A_340, %bitcast_convert_type3A_355 : vector<16xf32>
          %mul3A_358 = arith.constant 5 : i32
          %mul3A_359 = arith.muli %scan3A_290, %mul3A_358 : i32
          %add3A_360 = arith.addi %mul3A_232, %mul3A_359 : i32
          %add3A_361 = arith.constant 4 : i32
          %add3A_362 = arith.addi %add3A_360, %add3A_361 : i32
          %get3A_363 = arith.index_cast %add3A_362 : i32 to index
          %get3A_364 = arith.constant 0 : index
          %get3A_365 = tpu.vector_load %arg14[%get3A_363, %get3A_364] {strides = array<i32>} : memref<800x16xi32, #tpu.memory_space<vmem>>, vector<1x16xi32>,
          %get3A_366 = vector.shape_cast %get3A_365 : vector<1x16xi32> to vector<16xi32>
          %shift_left3A_367 = arith.constant 16 : i32
          %shift_left3A_368 = vector.broadcast %shift_left3A_367 : i32 to vector<16xi32>
          %shift_left3A_369 = arith.shli %get3A_366, %shift_left3A_368 : vector<16xi32>
          %bitcast_convert_type3A_370 = tpu.bitcast %shift_left3A_369 : vector<16xi32> -> vector<16xf32>
          %and3A_371 = arith.andi %get3A_366, %broadcast_in_dim3A_236 : vector<16xi32>
          %bitcast_convert_type3A_372 = tpu.bitcast %and3A_371 : vector<16xi32> -> vector<16xf32>
          %add3A_373 = arith.addf %add3A_356, %bitcast_convert_type3A_370 : vector<16xf32>
          %add3A_374 = arith.addf %add3A_357, %bitcast_convert_type3A_372 : vector<16xf32>
          scf.yield %add3A_373, %add3A_374 : vector<16xf32>, vector<16xf32>
        }
        %scan3A_242 = arith.constant 10 : i32
        %get3A = arith.index_cast %scan3A_218 : i32 to index
        %get3A_243 = arith.constant 16 : index
        %get3A_244 = tpu.vector_load %arg16[%get3A, %get3A_243] {strides = array<i32>} : memref<16x80xf32, #tpu.memory_space<vmem>>, vector<1x16xf32>,
        %get3A_245 = vector.shape_cast %get3A_244 : vector<1x16xf32> to vector<16xf32>
        %mul3A_246 = vector.broadcast %scan3A_178 : f32 to vector<16xf32>
        %mul3A_247 = arith.mulf %scan3A_229#0, %mul3A_246 : vector<16xf32>
        %add3A_248 = arith.addf %get3A_245, %mul3A_247 : vector<16xf32>
        %swap3A = arith.index_cast %scan3A_218 : i32 to index
        %swap3A_249 = arith.constant 16 : index
        %swap3A_250 = tpu.vector_load %arg16[%swap3A, %swap3A_249] {strides = array<i32>} : memref<16x80xf32, #tpu.memory_space<vmem>>, vector<1x16xf32>,
        %swap3A_251 = vector.shape_cast %swap3A_250 : vector<1x16xf32> to vector<16xf32>
        %swap3A_252 = vector.shape_cast %add3A_248 : vector<16xf32> to vector<1x16xf32>
        tpu.vector_store %arg16[%swap3A, %swap3A_249], %swap3A_252 {strides = array<i32>} : memref<16x80xf32, #tpu.memory_space<vmem>>, vector<1x16xf32>,
        %get3A_253 = arith.index_cast %scan3A_218 : i32 to index
        %get3A_254 = arith.constant 32 : index
        %get3A_255 = tpu.vector_load %arg16[%get3A_253, %get3A_254] {strides = array<i32>} : memref<16x80xf32, #tpu.memory_space<vmem>>, vector<1x16xf32>,
        %get3A_256 = vector.shape_cast %get3A_255 : vector<1x16xf32> to vector<16xf32>
        %mul3A_257 = vector.broadcast %scan3A_178 : f32 to vector<16xf32>
        %mul3A_258 = arith.mulf %scan3A_229#1, %mul3A_257 : vector<16xf32>
        %add3A_259 = arith.addf %get3A_256, %mul3A_258 : vector<16xf32>
        %swap3A_260 = arith.index_cast %scan3A_218 : i32 to index
        %swap3A_261 = arith.constant 32 : index
        %swap3A_262 = tpu.vector_load %arg16[%swap3A_260, %swap3A_261] {strides = array<i32>} : memref<16x80xf32, #tpu.memory_space<vmem>>, vector<1x16xf32>,
        %swap3A_263 = vector.shape_cast %swap3A_262 : vector<1x16xf32> to vector<16xf32>
        %swap3A_264 = vector.shape_cast %add3A_259 : vector<16xf32> to vector<1x16xf32>
        tpu.vector_store %arg16[%swap3A_260, %swap3A_261], %swap3A_264 {strides = array<i32>} : memref<16x80xf32, #tpu.memory_space<vmem>>, vector<1x16xf32>,
        %get3A_265 = arith.index_cast %scan3A_218 : i32 to index
        %get3A_266 = arith.constant 48 : index
        %get3A_267 = tpu.vector_load %arg16[%get3A_265, %get3A_266] {strides = array<i32>} : memref<16x80xf32, #tpu.memory_space<vmem>>, vector<1x16xf32>,
        %get3A_268 = vector.shape_cast %get3A_267 : vector<1x16xf32> to vector<16xf32>
        %mul3A_269 = vector.broadcast %scan3A_178 : f32 to vector<16xf32>
        %mul3A_270 = arith.mulf %scan3A_241#0, %mul3A_269 : vector<16xf32>
        %add3A_271 = arith.addf %get3A_268, %mul3A_270 : vector<16xf32>
        %swap3A_272 = arith.index_cast %scan3A_218 : i32 to index
        %swap3A_273 = arith.constant 48 : index
        %swap3A_274 = tpu.vector_load %arg16[%swap3A_272, %swap3A_273] {strides = array<i32>} : memref<16x80xf32, #tpu.memory_space<vmem>>, vector<1x16xf32>,
        %swap3A_275 = vector.shape_cast %swap3A_274 : vector<1x16xf32> to vector<16xf32>
        %swap3A_276 = vector.shape_cast %add3A_271 : vector<16xf32> to vector<1x16xf32>
        tpu.vector_store %arg16[%swap3A_272, %swap3A_273], %swap3A_276 {strides = array<i32>} : memref<16x80xf32, #tpu.memory_space<vmem>>, vector<1x16xf32>,
        %get3A_277 = arith.index_cast %scan3A_218 : i32 to index
        %get3A_278 = arith.constant 64 : index
        %get3A_279 = tpu.vector_load %arg16[%get3A_277, %get3A_278] {strides = array<i32>} : memref<16x80xf32, #tpu.memory_space<vmem>>, vector<1x16xf32>,
        %get3A_280 = vector.shape_cast %get3A_279 : vector<1x16xf32> to vector<16xf32>
        %mul3A_281 = vector.broadcast %scan3A_178 : f32 to vector<16xf32>
        %mul3A_282 = arith.mulf %scan3A_241#1, %mul3A_281 : vector<16xf32>
        %add3A_283 = arith.addf %get3A_280, %mul3A_282 : vector<16xf32>
        %swap3A_284 = arith.index_cast %scan3A_218 : i32 to index
        %swap3A_285 = arith.constant 64 : index
        %swap3A_286 = tpu.vector_load %arg16[%swap3A_284, %swap3A_285] {strides = array<i32>} : memref<16x80xf32, #tpu.memory_space<vmem>>, vector<1x16xf32>,
        %swap3A_287 = vector.shape_cast %swap3A_286 : vector<1x16xf32> to vector<16xf32>
        %swap3A_288 = vector.shape_cast %add3A_283 : vector<16xf32> to vector<1x16xf32>
        tpu.vector_store %arg16[%swap3A_284, %swap3A_285], %swap3A_288 {strides = array<i32>} : memref<16x80xf32, #tpu.memory_space<vmem>>, vector<1x16xf32>,
        %scan3A_289 = arith.constant 0 : i32
        scf.yield %scan3A_289 : i32
      }
      %scan3A_185 = arith.constant 16 : i32
      "tpu.region"() ({
        %run_scoped3A = tpu.sem_alloc : memref<!tpu.dma_semaphore, #tpu.memory_space<semaphore_mem>>
        %dma_start3A_218 = arith.constant 0 : i32
        %dma_start3A_219 = tpu.memref_slice %arg6[%add3A_165, %dma_start3A_218] : memref<16384x80xf32, #tpu.memory_space<hbm>> -> memref<16x80xf32, #tpu.memory_space<hbm>>
        %dma_start3A_220 = arith.constant 0 : i32
        %dma_start3A_221 = tpu.memref_slice %arg6[%add3A_165, %dma_start3A_220] : memref<16384x80xf32, #tpu.memory_space<hbm>> -> memref<16x80xf32, #tpu.memory_space<hbm>>
        tpu.enqueue_dma source(%arg16 : memref<16x80xf32, #tpu.memory_space<vmem>>) target(%dma_start3A_221 : memref<16x80xf32, #tpu.memory_space<hbm>>) target_semaphore(%run_scoped3A : memref<!tpu.dma_semaphore, #tpu.memory_space<semaphore_mem>>)
        %dma_wait3A_222 = arith.constant 0 : i32
        %dma_wait3A_223 = tpu.memref_slice %arg6[%add3A_165, %dma_wait3A_222] : memref<16384x80xf32, #tpu.memory_space<hbm>> -> memref<16x80xf32, #tpu.memory_space<hbm>>
        %dma_wait3A_224 = arith.constant 0 : i32
        %dma_wait3A_225 = tpu.memref_slice %arg6[%add3A_165, %dma_wait3A_224] : memref<16384x80xf32, #tpu.memory_space<hbm>> -> memref<16x80xf32, #tpu.memory_space<hbm>>
        tpu.wait_dma2 semaphore(%run_scoped3A : memref<!tpu.dma_semaphore, #tpu.memory_space<semaphore_mem>>) src(%arg16 : memref<16x80xf32, #tpu.memory_space<vmem>>) dst(%dma_wait3A_225 : memref<16x80xf32, #tpu.memory_space<hbm>>)
        tpu.yield
      }) : () -> ()
      %add3A_186 = arith.constant 3 : i32
      %add3A_187 = arith.addi %mul3A_106, %add3A_186 : i32
      %mul3A_188 = arith.constant 16 : i32
      %mul3A_189 = arith.muli %add3A_187, %mul3A_188 : i32
      %add3A_190 = arith.addi %mul3A_2, %mul3A_189 : i32
      %mul3A_191 = arith.constant 50 : i32
      %mul3A_192 = arith.muli %add3A_190, %mul3A_191 : i32
      %dma_start3A_193 = tpu.memref_slice %arg3[%mul3A_192] : memref<819200xi32, #tpu.memory_space<hbm>> -> memref<800xi32, #tpu.memory_space<hbm>>
      %dma_start3A_194 = tpu.memref_slice %arg3[%mul3A_192] : memref<819200xi32, #tpu.memory_space<hbm>> -> memref<800xi32, #tpu.memory_space<hbm>>
      tpu.enqueue_dma source(%dma_start3A_194 : memref<800xi32, #tpu.memory_space<hbm>>) target(%arg8 : memref<800xi32, #tpu.memory_space<vmem>>) target_semaphore(%arg18 : memref<!tpu.dma_semaphore, #tpu.memory_space<semaphore_mem>>)
      %dma_start3A_195 = tpu.memref_slice %arg4[%mul3A_192] : memref<819200xi32, #tpu.memory_space<hbm>> -> memref<800xi32, #tpu.memory_space<hbm>>
      %dma_start3A_196 = tpu.memref_slice %arg4[%mul3A_192] : memref<819200xi32, #tpu.memory_space<hbm>> -> memref<800xi32, #tpu.memory_space<hbm>>
      tpu.enqueue_dma source(%dma_start3A_196 : memref<800xi32, #tpu.memory_space<hbm>>) target(%arg10 : memref<800xi32, #tpu.memory_space<vmem>>) target_semaphore(%arg20 : memref<!tpu.dma_semaphore, #tpu.memory_space<semaphore_mem>>)
      %dma_start3A_197 = arith.constant 0 : i32
      %dma_start3A_198 = tpu.memref_slice %arg2[%add3A_190, %dma_start3A_197] : memref<16384x80xf32, #tpu.memory_space<hbm>> -> memref<16x80xf32, #tpu.memory_space<hbm>>
      %dma_start3A_199 = arith.constant 0 : i32
      %dma_start3A_200 = tpu.memref_slice %arg2[%add3A_190, %dma_start3A_199] : memref<16384x80xf32, #tpu.memory_space<hbm>> -> memref<16x80xf32, #tpu.memory_space<hbm>>
      tpu.enqueue_dma source(%dma_start3A_200 : memref<16x80xf32, #tpu.memory_space<hbm>>) target(%arg16 : memref<16x80xf32, #tpu.memory_space<vmem>>) target_semaphore(%arg26 : memref<!tpu.dma_semaphore, #tpu.memory_space<semaphore_mem>>)
      %add3A_201 = arith.constant 3 : i32
      %add3A_202 = arith.addi %mul3A_106, %add3A_201 : i32
      %dma_wait3A_203 = arith.constant 0 : i32
      %dma_wait3A_204 = tpu.memref_slice %arg3[%dma_wait3A_203] : memref<819200xi32, #tpu.memory_space<hbm>> -> memref<800xi32, #tpu.memory_space<hbm>>
      %dma_wait3A_205 = arith.constant 0 : i32
      %dma_wait3A_206 = tpu.memref_slice %arg3[%dma_wait3A_205] : memref<819200xi32, #tpu.memory_space<hbm>> -> memref<800xi32, #tpu.memory_space<hbm>>
      tpu.wait_dma2 semaphore(%arg18 : memref<!tpu.dma_semaphore, #tpu.memory_space<semaphore_mem>>) src(%dma_wait3A_206 : memref<800xi32, #tpu.memory_space<hbm>>) dst(%arg8 : memref<800xi32, #tpu.memory_space<vmem>>)
      %dma_wait3A_207 = arith.constant 0 : i32
      %dma_wait3A_208 = tpu.memref_slice %arg4[%dma_wait3A_207] : memref<819200xi32, #tpu.memory_space<hbm>> -> memref<800xi32, #tpu.memory_space<hbm>>
      %dma_wait3A_209 = arith.constant 0 : i32
      %dma_wait3A_210 = tpu.memref_slice %arg4[%dma_wait3A_209] : memref<819200xi32, #tpu.memory_space<hbm>> -> memref<800xi32, #tpu.memory_space<hbm>>
      tpu.wait_dma2 semaphore(%arg20 : memref<!tpu.dma_semaphore, #tpu.memory_space<semaphore_mem>>) src(%dma_wait3A_210 : memref<800xi32, #tpu.memory_space<hbm>>) dst(%arg10 : memref<800xi32, #tpu.memory_space<vmem>>)
      %dma_start3A_211 = arith.constant 0 : i32
      %dma_start3A_212 = arith.constant 0 : i32
      %dma_start3A_213 = tpu.memref_slice %arg5[%dma_start3A_211, %dma_start3A_212] : memref<1000000x16xi32, #tpu.memory_space<hbm>> -> memref<1000000x16xi32, #tpu.memory_space<hbm>>
      tpu.enqueue_indirect_dma source(%dma_start3A_213 : memref<1000000x16xi32, #tpu.memory_space<hbm>>) target(%arg12 : memref<800x16xi32, #tpu.memory_space<vmem>>) offsets(%arg8 : memref<800xi32, #tpu.memory_space<vmem>>) semaphore(%arg22 : memref<!tpu.dma_semaphore, #tpu.memory_space<semaphore_mem>>)
      %dma_start3A_214 = arith.constant 0 : i32
      %dma_start3A_215 = arith.constant 0 : i32
      %dma_start3A_216 = tpu.memref_slice %arg5[%dma_start3A_214, %dma_start3A_215] : memref<1000000x16xi32, #tpu.memory_space<hbm>> -> memref<1000000x16xi32, #tpu.memory_space<hbm>>
      tpu.enqueue_indirect_dma source(%dma_start3A_216 : memref<1000000x16xi32, #tpu.memory_space<hbm>>) target(%arg14 : memref<800x16xi32, #tpu.memory_space<vmem>>) offsets(%arg10 : memref<800xi32, #tpu.memory_space<vmem>>) semaphore(%arg24 : memref<!tpu.dma_semaphore, #tpu.memory_space<semaphore_mem>>)
      %scan3A_217 = arith.constant 0 : i32
      scf.yield %scan3A_217 : i32
    }
    %scan3A_58 = arith.constant 15 : i32
    %add3A_59 = arith.constant 480 : i32
    %add3A_60 = arith.addi %mul3A_2, %add3A_59 : i32
    %dma_wait3A_61 = arith.constant 0 : i32
    %dma_wait3A_62 = arith.constant 0 : i32
    %dma_wait3A_63 = tpu.memref_slice %arg5[%dma_wait3A_61, %dma_wait3A_62] : memref<1000000x16xi32, #tpu.memory_space<hbm>> -> memref<1000000x16xi32, #tpu.memory_space<hbm>>
    tpu.wait_indirect_dma semaphore(%arg21 : memref<!tpu.dma_semaphore, #tpu.memory_space<semaphore_mem>>) src(%dma_wait3A_63 : memref<1000000x16xi32, #tpu.memory_space<hbm>>) dst(%arg11 : memref<800x16xi32, #tpu.memory_space<vmem>>)
    %dma_wait3A_64 = arith.constant 0 : i32
    %dma_wait3A_65 = arith.constant 0 : i32
    %dma_wait3A_66 = tpu.memref_slice %arg5[%dma_wait3A_64, %dma_wait3A_65] : memref<1000000x16xi32, #tpu.memory_space<hbm>> -> memref<1000000x16xi32, #tpu.memory_space<hbm>>
    tpu.wait_indirect_dma semaphore(%arg23 : memref<!tpu.dma_semaphore, #tpu.memory_space<semaphore_mem>>) src(%dma_wait3A_66 : memref<1000000x16xi32, #tpu.memory_space<hbm>>) dst(%arg13 : memref<800x16xi32, #tpu.memory_space<vmem>>)
    %dma_wait3A_67 = arith.constant 0 : i32
    %dma_wait3A_68 = arith.constant 0 : i32
    %dma_wait3A_69 = tpu.memref_slice %arg2[%dma_wait3A_67, %dma_wait3A_68] : memref<16384x80xf32, #tpu.memory_space<hbm>> -> memref<16x80xf32, #tpu.memory_space<hbm>>
    %dma_wait3A_70 = arith.constant 0 : i32
    %dma_wait3A_71 = arith.constant 0 : i32
    %dma_wait3A_72 = tpu.memref_slice %arg2[%dma_wait3A_70, %dma_wait3A_71] : memref<16384x80xf32, #tpu.memory_space<hbm>> -> memref<16x80xf32, #tpu.memory_space<hbm>>
    tpu.wait_dma2 semaphore(%arg25 : memref<!tpu.dma_semaphore, #tpu.memory_space<semaphore_mem>>) src(%dma_wait3A_72 : memref<16x80xf32, #tpu.memory_space<hbm>>) dst(%arg15 : memref<16x80xf32, #tpu.memory_space<vmem>>)
    %scan3A_73 = arith.constant 0.00999999977 : f32
    %scan3A_74 = arith.constant 0 : i32
    %scan3A_75 = arith.constant 0 : i32
    %scan3A_76 = arith.constant 16 : i32
    %scan3A_77 = arith.addi %scan3A_75, %scan3A_76 : i32
    %scan3A_78 = arith.constant 1 : i32
    %scan3A_79 = scf.for %scan3A_103 = %scan3A_75 to %scan3A_77 step %scan3A_78 iter_args(%scan3A_104 = %scan3A_74) -> (i32)  : i32 {
      %mul3A_105 = arith.constant 50 : i32
      %mul3A_106 = arith.muli %scan3A_103, %mul3A_105 : i32
      %broadcast_in_dim3A = arith.constant 0.000000e+00 : f32
      %broadcast_in_dim3A_107 = vector.broadcast %broadcast_in_dim3A : f32 to vector<16xf32>
      %broadcast_in_dim3A_108 = arith.constant -65536 : i32
      %broadcast_in_dim3A_109 = vector.broadcast %broadcast_in_dim3A_108 : i32 to vector<16xi32>
      %scan3A_110 = arith.constant 0 : i32
      %scan3A_111 = arith.constant 10 : i32
      %scan3A_112 = arith.addi %scan3A_110, %scan3A_111 : i32
      %scan3A_113 = arith.constant 1 : i32
      %scan3A_114:2 = scf.for %scan3A_175 = %scan3A_110 to %scan3A_112 step %scan3A_113 iter_args(%scan3A_176 = %broadcast_in_dim3A_107, %scan3A_177 = %broadcast_in_dim3A_107) -> (vector<16xf32>, vector<16xf32>)  : i32 {
        %mul3A_178 = arith.constant 5 : i32
        %mul3A_179 = arith.muli %scan3A_175, %mul3A_178 : i32
        %add3A_180 = arith.addi %mul3A_106, %mul3A_179 : i32
        %add3A_181 = arith.constant 0 : i32
        %add3A_182 = arith.addi %add3A_180, %add3A_181 : i32
        %get3A_183 = arith.index_cast %add3A_182 : i32 to index
        %get3A_184 = arith.constant 0 : index
        %get3A_185 = tpu.vector_load %arg11[%get3A_183, %get3A_184] {strides = array<i32>} : memref<800x16xi32, #tpu.memory_space<vmem>>, vector<1x16xi32>,
        %get3A_186 = vector.shape_cast %get3A_185 : vector<1x16xi32> to vector<16xi32>
        %shift_left3A = arith.constant 16 : i32
        %shift_left3A_187 = vector.broadcast %shift_left3A : i32 to vector<16xi32>
        %shift_left3A_188 = arith.shli %get3A_186, %shift_left3A_187 : vector<16xi32>
        %bitcast_convert_type3A = tpu.bitcast %shift_left3A_188 : vector<16xi32> -> vector<16xf32>
        %and3A = arith.andi %get3A_186, %broadcast_in_dim3A_109 : vector<16xi32>
        %bitcast_convert_type3A_189 = tpu.bitcast %and3A : vector<16xi32> -> vector<16xf32>
        %add3A_190 = arith.addf %scan3A_176, %bitcast_convert_type3A : vector<16xf32>
        %add3A_191 = arith.addf %scan3A_177, %bitcast_convert_type3A_189 : vector<16xf32>
        %mul3A_192 = arith.constant 5 : i32
        %mul3A_193 = arith.muli %scan3A_175, %mul3A_192 : i32
        %add3A_194 = arith.addi %mul3A_106, %mul3A_193 : i32
        %add3A_195 = arith.constant 1 : i32
        %add3A_196 = arith.addi %add3A_194, %add3A_195 : i32
        %get3A_197 = arith.index_cast %add3A_196 : i32 to index
        %get3A_198 = arith.constant 0 : index
        %get3A_199 = tpu.vector_load %arg11[%get3A_197, %get3A_198] {strides = array<i32>} : memref<800x16xi32, #tpu.memory_space<vmem>>, vector<1x16xi32>,
        %get3A_200 = vector.shape_cast %get3A_199 : vector<1x16xi32> to vector<16xi32>
        %shift_left3A_201 = arith.constant 16 : i32
        %shift_left3A_202 = vector.broadcast %shift_left3A_201 : i32 to vector<16xi32>
        %shift_left3A_203 = arith.shli %get3A_200, %shift_left3A_202 : vector<16xi32>
        %bitcast_convert_type3A_204 = tpu.bitcast %shift_left3A_203 : vector<16xi32> -> vector<16xf32>
        %and3A_205 = arith.andi %get3A_200, %broadcast_in_dim3A_109 : vector<16xi32>
        %bitcast_convert_type3A_206 = tpu.bitcast %and3A_205 : vector<16xi32> -> vector<16xf32>
        %add3A_207 = arith.addf %add3A_190, %bitcast_convert_type3A_204 : vector<16xf32>
        %add3A_208 = arith.addf %add3A_191, %bitcast_convert_type3A_206 : vector<16xf32>
        %mul3A_209 = arith.constant 5 : i32
        %mul3A_210 = arith.muli %scan3A_175, %mul3A_209 : i32
        %add3A_211 = arith.addi %mul3A_106, %mul3A_210 : i32
        %add3A_212 = arith.constant 2 : i32
        %add3A_213 = arith.addi %add3A_211, %add3A_212 : i32
        %get3A_214 = arith.index_cast %add3A_213 : i32 to index
        %get3A_215 = arith.constant 0 : index
        %get3A_216 = tpu.vector_load %arg11[%get3A_214, %get3A_215] {strides = array<i32>} : memref<800x16xi32, #tpu.memory_space<vmem>>, vector<1x16xi32>,
        %get3A_217 = vector.shape_cast %get3A_216 : vector<1x16xi32> to vector<16xi32>
        %shift_left3A_218 = arith.constant 16 : i32
        %shift_left3A_219 = vector.broadcast %shift_left3A_218 : i32 to vector<16xi32>
        %shift_left3A_220 = arith.shli %get3A_217, %shift_left3A_219 : vector<16xi32>
        %bitcast_convert_type3A_221 = tpu.bitcast %shift_left3A_220 : vector<16xi32> -> vector<16xf32>
        %and3A_222 = arith.andi %get3A_217, %broadcast_in_dim3A_109 : vector<16xi32>
        %bitcast_convert_type3A_223 = tpu.bitcast %and3A_222 : vector<16xi32> -> vector<16xf32>
        %add3A_224 = arith.addf %add3A_207, %bitcast_convert_type3A_221 : vector<16xf32>
        %add3A_225 = arith.addf %add3A_208, %bitcast_convert_type3A_223 : vector<16xf32>
        %mul3A_226 = arith.constant 5 : i32
        %mul3A_227 = arith.muli %scan3A_175, %mul3A_226 : i32
        %add3A_228 = arith.addi %mul3A_106, %mul3A_227 : i32
        %add3A_229 = arith.constant 3 : i32
        %add3A_230 = arith.addi %add3A_228, %add3A_229 : i32
        %get3A_231 = arith.index_cast %add3A_230 : i32 to index
        %get3A_232 = arith.constant 0 : index
        %get3A_233 = tpu.vector_load %arg11[%get3A_231, %get3A_232] {strides = array<i32>} : memref<800x16xi32, #tpu.memory_space<vmem>>, vector<1x16xi32>,
        %get3A_234 = vector.shape_cast %get3A_233 : vector<1x16xi32> to vector<16xi32>
        %shift_left3A_235 = arith.constant 16 : i32
        %shift_left3A_236 = vector.broadcast %shift_left3A_235 : i32 to vector<16xi32>
        %shift_left3A_237 = arith.shli %get3A_234, %shift_left3A_236 : vector<16xi32>
        %bitcast_convert_type3A_238 = tpu.bitcast %shift_left3A_237 : vector<16xi32> -> vector<16xf32>
        %and3A_239 = arith.andi %get3A_234, %broadcast_in_dim3A_109 : vector<16xi32>
        %bitcast_convert_type3A_240 = tpu.bitcast %and3A_239 : vector<16xi32> -> vector<16xf32>
        %add3A_241 = arith.addf %add3A_224, %bitcast_convert_type3A_238 : vector<16xf32>
        %add3A_242 = arith.addf %add3A_225, %bitcast_convert_type3A_240 : vector<16xf32>
        %mul3A_243 = arith.constant 5 : i32
        %mul3A_244 = arith.muli %scan3A_175, %mul3A_243 : i32
        %add3A_245 = arith.addi %mul3A_106, %mul3A_244 : i32
        %add3A_246 = arith.constant 4 : i32
        %add3A_247 = arith.addi %add3A_245, %add3A_246 : i32
        %get3A_248 = arith.index_cast %add3A_247 : i32 to index
        %get3A_249 = arith.constant 0 : index
        %get3A_250 = tpu.vector_load %arg11[%get3A_248, %get3A_249] {strides = array<i32>} : memref<800x16xi32, #tpu.memory_space<vmem>>, vector<1x16xi32>,
        %get3A_251 = vector.shape_cast %get3A_250 : vector<1x16xi32> to vector<16xi32>
        %shift_left3A_252 = arith.constant 16 : i32
        %shift_left3A_253 = vector.broadcast %shift_left3A_252 : i32 to vector<16xi32>
        %shift_left3A_254 = arith.shli %get3A_251, %shift_left3A_253 : vector<16xi32>
        %bitcast_convert_type3A_255 = tpu.bitcast %shift_left3A_254 : vector<16xi32> -> vector<16xf32>
        %and3A_256 = arith.andi %get3A_251, %broadcast_in_dim3A_109 : vector<16xi32>
        %bitcast_convert_type3A_257 = tpu.bitcast %and3A_256 : vector<16xi32> -> vector<16xf32>
        %add3A_258 = arith.addf %add3A_241, %bitcast_convert_type3A_255 : vector<16xf32>
        %add3A_259 = arith.addf %add3A_242, %bitcast_convert_type3A_257 : vector<16xf32>
        scf.yield %add3A_258, %add3A_259 : vector<16xf32>, vector<16xf32>
      }
      %scan3A_115 = arith.constant 10 : i32
      %mul3A_116 = arith.constant 50 : i32
      %mul3A_117 = arith.muli %scan3A_103, %mul3A_116 : i32
      %broadcast_in_dim3A_118 = arith.constant 0.000000e+00 : f32
      %broadcast_in_dim3A_119 = vector.broadcast %broadcast_in_dim3A_118 : f32 to vector<16xf32>
      %broadcast_in_dim3A_120 = arith.constant -65536 : i32
      %broadcast_in_dim3A_121 = vector.broadcast %broadcast_in_dim3A_120 : i32 to vector<16xi32>
      %scan3A_122 = arith.constant 0 : i32
      %scan3A_123 = arith.constant 10 : i32
      %scan3A_124 = arith.addi %scan3A_122, %scan3A_123 : i32
      %scan3A_125 = arith.constant 1 : i32
      %scan3A_126:2 = scf.for %scan3A_175 = %scan3A_122 to %scan3A_124 step %scan3A_125 iter_args(%scan3A_176 = %broadcast_in_dim3A_119, %scan3A_177 = %broadcast_in_dim3A_119) -> (vector<16xf32>, vector<16xf32>)  : i32 {
        %mul3A_178 = arith.constant 5 : i32
        %mul3A_179 = arith.muli %scan3A_175, %mul3A_178 : i32
        %add3A_180 = arith.addi %mul3A_117, %mul3A_179 : i32
        %add3A_181 = arith.constant 0 : i32
        %add3A_182 = arith.addi %add3A_180, %add3A_181 : i32
        %get3A_183 = arith.index_cast %add3A_182 : i32 to index
        %get3A_184 = arith.constant 0 : index
        %get3A_185 = tpu.vector_load %arg13[%get3A_183, %get3A_184] {strides = array<i32>} : memref<800x16xi32, #tpu.memory_space<vmem>>, vector<1x16xi32>,
        %get3A_186 = vector.shape_cast %get3A_185 : vector<1x16xi32> to vector<16xi32>
        %shift_left3A = arith.constant 16 : i32
        %shift_left3A_187 = vector.broadcast %shift_left3A : i32 to vector<16xi32>
        %shift_left3A_188 = arith.shli %get3A_186, %shift_left3A_187 : vector<16xi32>
        %bitcast_convert_type3A = tpu.bitcast %shift_left3A_188 : vector<16xi32> -> vector<16xf32>
        %and3A = arith.andi %get3A_186, %broadcast_in_dim3A_121 : vector<16xi32>
        %bitcast_convert_type3A_189 = tpu.bitcast %and3A : vector<16xi32> -> vector<16xf32>
        %add3A_190 = arith.addf %scan3A_176, %bitcast_convert_type3A : vector<16xf32>
        %add3A_191 = arith.addf %scan3A_177, %bitcast_convert_type3A_189 : vector<16xf32>
        %mul3A_192 = arith.constant 5 : i32
        %mul3A_193 = arith.muli %scan3A_175, %mul3A_192 : i32
        %add3A_194 = arith.addi %mul3A_117, %mul3A_193 : i32
        %add3A_195 = arith.constant 1 : i32
        %add3A_196 = arith.addi %add3A_194, %add3A_195 : i32
        %get3A_197 = arith.index_cast %add3A_196 : i32 to index
        %get3A_198 = arith.constant 0 : index
        %get3A_199 = tpu.vector_load %arg13[%get3A_197, %get3A_198] {strides = array<i32>} : memref<800x16xi32, #tpu.memory_space<vmem>>, vector<1x16xi32>,
        %get3A_200 = vector.shape_cast %get3A_199 : vector<1x16xi32> to vector<16xi32>
        %shift_left3A_201 = arith.constant 16 : i32
        %shift_left3A_202 = vector.broadcast %shift_left3A_201 : i32 to vector<16xi32>
        %shift_left3A_203 = arith.shli %get3A_200, %shift_left3A_202 : vector<16xi32>
        %bitcast_convert_type3A_204 = tpu.bitcast %shift_left3A_203 : vector<16xi32> -> vector<16xf32>
        %and3A_205 = arith.andi %get3A_200, %broadcast_in_dim3A_121 : vector<16xi32>
        %bitcast_convert_type3A_206 = tpu.bitcast %and3A_205 : vector<16xi32> -> vector<16xf32>
        %add3A_207 = arith.addf %add3A_190, %bitcast_convert_type3A_204 : vector<16xf32>
        %add3A_208 = arith.addf %add3A_191, %bitcast_convert_type3A_206 : vector<16xf32>
        %mul3A_209 = arith.constant 5 : i32
        %mul3A_210 = arith.muli %scan3A_175, %mul3A_209 : i32
        %add3A_211 = arith.addi %mul3A_117, %mul3A_210 : i32
        %add3A_212 = arith.constant 2 : i32
        %add3A_213 = arith.addi %add3A_211, %add3A_212 : i32
        %get3A_214 = arith.index_cast %add3A_213 : i32 to index
        %get3A_215 = arith.constant 0 : index
        %get3A_216 = tpu.vector_load %arg13[%get3A_214, %get3A_215] {strides = array<i32>} : memref<800x16xi32, #tpu.memory_space<vmem>>, vector<1x16xi32>,
        %get3A_217 = vector.shape_cast %get3A_216 : vector<1x16xi32> to vector<16xi32>
        %shift_left3A_218 = arith.constant 16 : i32
        %shift_left3A_219 = vector.broadcast %shift_left3A_218 : i32 to vector<16xi32>
        %shift_left3A_220 = arith.shli %get3A_217, %shift_left3A_219 : vector<16xi32>
        %bitcast_convert_type3A_221 = tpu.bitcast %shift_left3A_220 : vector<16xi32> -> vector<16xf32>
        %and3A_222 = arith.andi %get3A_217, %broadcast_in_dim3A_121 : vector<16xi32>
        %bitcast_convert_type3A_223 = tpu.bitcast %and3A_222 : vector<16xi32> -> vector<16xf32>
        %add3A_224 = arith.addf %add3A_207, %bitcast_convert_type3A_221 : vector<16xf32>
        %add3A_225 = arith.addf %add3A_208, %bitcast_convert_type3A_223 : vector<16xf32>
        %mul3A_226 = arith.constant 5 : i32
        %mul3A_227 = arith.muli %scan3A_175, %mul3A_226 : i32
        %add3A_228 = arith.addi %mul3A_117, %mul3A_227 : i32
        %add3A_229 = arith.constant 3 : i32
        %add3A_230 = arith.addi %add3A_228, %add3A_229 : i32
        %get3A_231 = arith.index_cast %add3A_230 : i32 to index
        %get3A_232 = arith.constant 0 : index
        %get3A_233 = tpu.vector_load %arg13[%get3A_231, %get3A_232] {strides = array<i32>} : memref<800x16xi32, #tpu.memory_space<vmem>>, vector<1x16xi32>,
        %get3A_234 = vector.shape_cast %get3A_233 : vector<1x16xi32> to vector<16xi32>
        %shift_left3A_235 = arith.constant 16 : i32
        %shift_left3A_236 = vector.broadcast %shift_left3A_235 : i32 to vector<16xi32>
        %shift_left3A_237 = arith.shli %get3A_234, %shift_left3A_236 : vector<16xi32>
        %bitcast_convert_type3A_238 = tpu.bitcast %shift_left3A_237 : vector<16xi32> -> vector<16xf32>
        %and3A_239 = arith.andi %get3A_234, %broadcast_in_dim3A_121 : vector<16xi32>
        %bitcast_convert_type3A_240 = tpu.bitcast %and3A_239 : vector<16xi32> -> vector<16xf32>
        %add3A_241 = arith.addf %add3A_224, %bitcast_convert_type3A_238 : vector<16xf32>
        %add3A_242 = arith.addf %add3A_225, %bitcast_convert_type3A_240 : vector<16xf32>
        %mul3A_243 = arith.constant 5 : i32
        %mul3A_244 = arith.muli %scan3A_175, %mul3A_243 : i32
        %add3A_245 = arith.addi %mul3A_117, %mul3A_244 : i32
        %add3A_246 = arith.constant 4 : i32
        %add3A_247 = arith.addi %add3A_245, %add3A_246 : i32
        %get3A_248 = arith.index_cast %add3A_247 : i32 to index
        %get3A_249 = arith.constant 0 : index
        %get3A_250 = tpu.vector_load %arg13[%get3A_248, %get3A_249] {strides = array<i32>} : memref<800x16xi32, #tpu.memory_space<vmem>>, vector<1x16xi32>,
        %get3A_251 = vector.shape_cast %get3A_250 : vector<1x16xi32> to vector<16xi32>
        %shift_left3A_252 = arith.constant 16 : i32
        %shift_left3A_253 = vector.broadcast %shift_left3A_252 : i32 to vector<16xi32>
        %shift_left3A_254 = arith.shli %get3A_251, %shift_left3A_253 : vector<16xi32>
        %bitcast_convert_type3A_255 = tpu.bitcast %shift_left3A_254 : vector<16xi32> -> vector<16xf32>
        %and3A_256 = arith.andi %get3A_251, %broadcast_in_dim3A_121 : vector<16xi32>
        %bitcast_convert_type3A_257 = tpu.bitcast %and3A_256 : vector<16xi32> -> vector<16xf32>
        %add3A_258 = arith.addf %add3A_241, %bitcast_convert_type3A_255 : vector<16xf32>
        %add3A_259 = arith.addf %add3A_242, %bitcast_convert_type3A_257 : vector<16xf32>
        scf.yield %add3A_258, %add3A_259 : vector<16xf32>, vector<16xf32>
      }
      %scan3A_127 = arith.constant 10 : i32
      %get3A = arith.index_cast %scan3A_103 : i32 to index
      %get3A_128 = arith.constant 16 : index
      %get3A_129 = tpu.vector_load %arg15[%get3A, %get3A_128] {strides = array<i32>} : memref<16x80xf32, #tpu.memory_space<vmem>>, vector<1x16xf32>,
      %get3A_130 = vector.shape_cast %get3A_129 : vector<1x16xf32> to vector<16xf32>
      %mul3A_131 = vector.broadcast %scan3A_73 : f32 to vector<16xf32>
      %mul3A_132 = arith.mulf %scan3A_114#0, %mul3A_131 : vector<16xf32>
      %add3A_133 = arith.addf %get3A_130, %mul3A_132 : vector<16xf32>
      %swap3A = arith.index_cast %scan3A_103 : i32 to index
      %swap3A_134 = arith.constant 16 : index
      %swap3A_135 = tpu.vector_load %arg15[%swap3A, %swap3A_134] {strides = array<i32>} : memref<16x80xf32, #tpu.memory_space<vmem>>, vector<1x16xf32>,
      %swap3A_136 = vector.shape_cast %swap3A_135 : vector<1x16xf32> to vector<16xf32>
      %swap3A_137 = vector.shape_cast %add3A_133 : vector<16xf32> to vector<1x16xf32>
      tpu.vector_store %arg15[%swap3A, %swap3A_134], %swap3A_137 {strides = array<i32>} : memref<16x80xf32, #tpu.memory_space<vmem>>, vector<1x16xf32>,
      %get3A_138 = arith.index_cast %scan3A_103 : i32 to index
      %get3A_139 = arith.constant 32 : index
      %get3A_140 = tpu.vector_load %arg15[%get3A_138, %get3A_139] {strides = array<i32>} : memref<16x80xf32, #tpu.memory_space<vmem>>, vector<1x16xf32>,
      %get3A_141 = vector.shape_cast %get3A_140 : vector<1x16xf32> to vector<16xf32>
      %mul3A_142 = vector.broadcast %scan3A_73 : f32 to vector<16xf32>
      %mul3A_143 = arith.mulf %scan3A_114#1, %mul3A_142 : vector<16xf32>
      %add3A_144 = arith.addf %get3A_141, %mul3A_143 : vector<16xf32>
      %swap3A_145 = arith.index_cast %scan3A_103 : i32 to index
      %swap3A_146 = arith.constant 32 : index
      %swap3A_147 = tpu.vector_load %arg15[%swap3A_145, %swap3A_146] {strides = array<i32>} : memref<16x80xf32, #tpu.memory_space<vmem>>, vector<1x16xf32>,
      %swap3A_148 = vector.shape_cast %swap3A_147 : vector<1x16xf32> to vector<16xf32>
      %swap3A_149 = vector.shape_cast %add3A_144 : vector<16xf32> to vector<1x16xf32>
      tpu.vector_store %arg15[%swap3A_145, %swap3A_146], %swap3A_149 {strides = array<i32>} : memref<16x80xf32, #tpu.memory_space<vmem>>, vector<1x16xf32>,
      %get3A_150 = arith.index_cast %scan3A_103 : i32 to index
      %get3A_151 = arith.constant 48 : index
      %get3A_152 = tpu.vector_load %arg15[%get3A_150, %get3A_151] {strides = array<i32>} : memref<16x80xf32, #tpu.memory_space<vmem>>, vector<1x16xf32>,
      %get3A_153 = vector.shape_cast %get3A_152 : vector<1x16xf32> to vector<16xf32>
      %mul3A_154 = vector.broadcast %scan3A_73 : f32 to vector<16xf32>
      %mul3A_155 = arith.mulf %scan3A_126#0, %mul3A_154 : vector<16xf32>
      %add3A_156 = arith.addf %get3A_153, %mul3A_155 : vector<16xf32>
      %swap3A_157 = arith.index_cast %scan3A_103 : i32 to index
      %swap3A_158 = arith.constant 48 : index
      %swap3A_159 = tpu.vector_load %arg15[%swap3A_157, %swap3A_158] {strides = array<i32>} : memref<16x80xf32, #tpu.memory_space<vmem>>, vector<1x16xf32>,
      %swap3A_160 = vector.shape_cast %swap3A_159 : vector<1x16xf32> to vector<16xf32>
      %swap3A_161 = vector.shape_cast %add3A_156 : vector<16xf32> to vector<1x16xf32>
      tpu.vector_store %arg15[%swap3A_157, %swap3A_158], %swap3A_161 {strides = array<i32>} : memref<16x80xf32, #tpu.memory_space<vmem>>, vector<1x16xf32>,
      %get3A_162 = arith.index_cast %scan3A_103 : i32 to index
      %get3A_163 = arith.constant 64 : index
      %get3A_164 = tpu.vector_load %arg15[%get3A_162, %get3A_163] {strides = array<i32>} : memref<16x80xf32, #tpu.memory_space<vmem>>, vector<1x16xf32>,
      %get3A_165 = vector.shape_cast %get3A_164 : vector<1x16xf32> to vector<16xf32>
      %mul3A_166 = vector.broadcast %scan3A_73 : f32 to vector<16xf32>
      %mul3A_167 = arith.mulf %scan3A_126#1, %mul3A_166 : vector<16xf32>
      %add3A_168 = arith.addf %get3A_165, %mul3A_167 : vector<16xf32>
      %swap3A_169 = arith.index_cast %scan3A_103 : i32 to index
      %swap3A_170 = arith.constant 64 : index
      %swap3A_171 = tpu.vector_load %arg15[%swap3A_169, %swap3A_170] {strides = array<i32>} : memref<16x80xf32, #tpu.memory_space<vmem>>, vector<1x16xf32>,
      %swap3A_172 = vector.shape_cast %swap3A_171 : vector<1x16xf32> to vector<16xf32>
      %swap3A_173 = vector.shape_cast %add3A_168 : vector<16xf32> to vector<1x16xf32>
      tpu.vector_store %arg15[%swap3A_169, %swap3A_170], %swap3A_173 {strides = array<i32>} : memref<16x80xf32, #tpu.memory_space<vmem>>, vector<1x16xf32>,
      %scan3A_174 = arith.constant 0 : i32
      scf.yield %scan3A_174 : i32
    }
    %scan3A_80 = arith.constant 16 : i32
    "tpu.region"() ({
      %run_scoped3A = tpu.sem_alloc : memref<!tpu.dma_semaphore, #tpu.memory_space<semaphore_mem>>
      %dma_start3A_103 = arith.constant 0 : i32
      %dma_start3A_104 = tpu.memref_slice %arg6[%add3A_60, %dma_start3A_103] : memref<16384x80xf32, #tpu.memory_space<hbm>> -> memref<16x80xf32, #tpu.memory_space<hbm>>
      %dma_start3A_105 = arith.constant 0 : i32
      %dma_start3A_106 = tpu.memref_slice %arg6[%add3A_60, %dma_start3A_105] : memref<16384x80xf32, #tpu.memory_space<hbm>> -> memref<16x80xf32, #tpu.memory_space<hbm>>
      tpu.enqueue_dma source(%arg15 : memref<16x80xf32, #tpu.memory_space<vmem>>) target(%dma_start3A_106 : memref<16x80xf32, #tpu.memory_space<hbm>>) target_semaphore(%run_scoped3A : memref<!tpu.dma_semaphore, #tpu.memory_space<semaphore_mem>>)
      %dma_wait3A_107 = arith.constant 0 : i32
      %dma_wait3A_108 = tpu.memref_slice %arg6[%add3A_60, %dma_wait3A_107] : memref<16384x80xf32, #tpu.memory_space<hbm>> -> memref<16x80xf32, #tpu.memory_space<hbm>>
      %dma_wait3A_109 = arith.constant 0 : i32
      %dma_wait3A_110 = tpu.memref_slice %arg6[%add3A_60, %dma_wait3A_109] : memref<16384x80xf32, #tpu.memory_space<hbm>> -> memref<16x80xf32, #tpu.memory_space<hbm>>
      tpu.wait_dma2 semaphore(%run_scoped3A : memref<!tpu.dma_semaphore, #tpu.memory_space<semaphore_mem>>) src(%arg15 : memref<16x80xf32, #tpu.memory_space<vmem>>) dst(%dma_wait3A_110 : memref<16x80xf32, #tpu.memory_space<hbm>>)
      tpu.yield
    }) : () -> ()
    %add3A_81 = arith.constant 496 : i32
    %add3A_82 = arith.addi %mul3A_2, %add3A_81 : i32
    %dma_wait3A_83 = arith.constant 0 : i32
    %dma_wait3A_84 = arith.constant 0 : i32
    %dma_wait3A_85 = tpu.memref_slice %arg5[%dma_wait3A_83, %dma_wait3A_84] : memref<1000000x16xi32, #tpu.memory_space<hbm>> -> memref<1000000x16xi32, #tpu.memory_space<hbm>>
    tpu.wait_indirect_dma semaphore(%arg22 : memref<!tpu.dma_semaphore, #tpu.memory_space<semaphore_mem>>) src(%dma_wait3A_85 : memref<1000000x16xi32, #tpu.memory_space<hbm>>) dst(%arg12 : memref<800x16xi32, #tpu.memory_space<vmem>>)
    %dma_wait3A_86 = arith.constant 0 : i32
    %dma_wait3A_87 = arith.constant 0 : i32
    %dma_wait3A_88 = tpu.memref_slice %arg5[%dma_wait3A_86, %dma_wait3A_87] : memref<1000000x16xi32, #tpu.memory_space<hbm>> -> memref<1000000x16xi32, #tpu.memory_space<hbm>>
    tpu.wait_indirect_dma semaphore(%arg24 : memref<!tpu.dma_semaphore, #tpu.memory_space<semaphore_mem>>) src(%dma_wait3A_88 : memref<1000000x16xi32, #tpu.memory_space<hbm>>) dst(%arg14 : memref<800x16xi32, #tpu.memory_space<vmem>>)
    %dma_wait3A_89 = arith.constant 0 : i32
    %dma_wait3A_90 = arith.constant 0 : i32
    %dma_wait3A_91 = tpu.memref_slice %arg2[%dma_wait3A_89, %dma_wait3A_90] : memref<16384x80xf32, #tpu.memory_space<hbm>> -> memref<16x80xf32, #tpu.memory_space<hbm>>
    %dma_wait3A_92 = arith.constant 0 : i32
    %dma_wait3A_93 = arith.constant 0 : i32
    %dma_wait3A_94 = tpu.memref_slice %arg2[%dma_wait3A_92, %dma_wait3A_93] : memref<16384x80xf32, #tpu.memory_space<hbm>> -> memref<16x80xf32, #tpu.memory_space<hbm>>
    tpu.wait_dma2 semaphore(%arg26 : memref<!tpu.dma_semaphore, #tpu.memory_space<semaphore_mem>>) src(%dma_wait3A_94 : memref<16x80xf32, #tpu.memory_space<hbm>>) dst(%arg16 : memref<16x80xf32, #tpu.memory_space<vmem>>)
    %scan3A_95 = arith.constant 0.00999999977 : f32
    %scan3A_96 = arith.constant 0 : i32
    %scan3A_97 = arith.constant 0 : i32
    %scan3A_98 = arith.constant 16 : i32
    %scan3A_99 = arith.addi %scan3A_97, %scan3A_98 : i32
    %scan3A_100 = arith.constant 1 : i32
    %scan3A_101 = scf.for %scan3A_103 = %scan3A_97 to %scan3A_99 step %scan3A_100 iter_args(%scan3A_104 = %scan3A_96) -> (i32)  : i32 {
      %mul3A_105 = arith.constant 50 : i32
      %mul3A_106 = arith.muli %scan3A_103, %mul3A_105 : i32
      %broadcast_in_dim3A = arith.constant 0.000000e+00 : f32
      %broadcast_in_dim3A_107 = vector.broadcast %broadcast_in_dim3A : f32 to vector<16xf32>
      %broadcast_in_dim3A_108 = arith.constant -65536 : i32
      %broadcast_in_dim3A_109 = vector.broadcast %broadcast_in_dim3A_108 : i32 to vector<16xi32>
      %scan3A_110 = arith.constant 0 : i32
      %scan3A_111 = arith.constant 10 : i32
      %scan3A_112 = arith.addi %scan3A_110, %scan3A_111 : i32
      %scan3A_113 = arith.constant 1 : i32
      %scan3A_114:2 = scf.for %scan3A_175 = %scan3A_110 to %scan3A_112 step %scan3A_113 iter_args(%scan3A_176 = %broadcast_in_dim3A_107, %scan3A_177 = %broadcast_in_dim3A_107) -> (vector<16xf32>, vector<16xf32>)  : i32 {
        %mul3A_178 = arith.constant 5 : i32
        %mul3A_179 = arith.muli %scan3A_175, %mul3A_178 : i32
        %add3A_180 = arith.addi %mul3A_106, %mul3A_179 : i32
        %add3A_181 = arith.constant 0 : i32
        %add3A_182 = arith.addi %add3A_180, %add3A_181 : i32
        %get3A_183 = arith.index_cast %add3A_182 : i32 to index
        %get3A_184 = arith.constant 0 : index
        %get3A_185 = tpu.vector_load %arg12[%get3A_183, %get3A_184] {strides = array<i32>} : memref<800x16xi32, #tpu.memory_space<vmem>>, vector<1x16xi32>,
        %get3A_186 = vector.shape_cast %get3A_185 : vector<1x16xi32> to vector<16xi32>
        %shift_left3A = arith.constant 16 : i32
        %shift_left3A_187 = vector.broadcast %shift_left3A : i32 to vector<16xi32>
        %shift_left3A_188 = arith.shli %get3A_186, %shift_left3A_187 : vector<16xi32>
        %bitcast_convert_type3A = tpu.bitcast %shift_left3A_188 : vector<16xi32> -> vector<16xf32>
        %and3A = arith.andi %get3A_186, %broadcast_in_dim3A_109 : vector<16xi32>
        %bitcast_convert_type3A_189 = tpu.bitcast %and3A : vector<16xi32> -> vector<16xf32>
        %add3A_190 = arith.addf %scan3A_176, %bitcast_convert_type3A : vector<16xf32>
        %add3A_191 = arith.addf %scan3A_177, %bitcast_convert_type3A_189 : vector<16xf32>
        %mul3A_192 = arith.constant 5 : i32
        %mul3A_193 = arith.muli %scan3A_175, %mul3A_192 : i32
        %add3A_194 = arith.addi %mul3A_106, %mul3A_193 : i32
        %add3A_195 = arith.constant 1 : i32
        %add3A_196 = arith.addi %add3A_194, %add3A_195 : i32
        %get3A_197 = arith.index_cast %add3A_196 : i32 to index
        %get3A_198 = arith.constant 0 : index
        %get3A_199 = tpu.vector_load %arg12[%get3A_197, %get3A_198] {strides = array<i32>} : memref<800x16xi32, #tpu.memory_space<vmem>>, vector<1x16xi32>,
        %get3A_200 = vector.shape_cast %get3A_199 : vector<1x16xi32> to vector<16xi32>
        %shift_left3A_201 = arith.constant 16 : i32
        %shift_left3A_202 = vector.broadcast %shift_left3A_201 : i32 to vector<16xi32>
        %shift_left3A_203 = arith.shli %get3A_200, %shift_left3A_202 : vector<16xi32>
        %bitcast_convert_type3A_204 = tpu.bitcast %shift_left3A_203 : vector<16xi32> -> vector<16xf32>
        %and3A_205 = arith.andi %get3A_200, %broadcast_in_dim3A_109 : vector<16xi32>
        %bitcast_convert_type3A_206 = tpu.bitcast %and3A_205 : vector<16xi32> -> vector<16xf32>
        %add3A_207 = arith.addf %add3A_190, %bitcast_convert_type3A_204 : vector<16xf32>
        %add3A_208 = arith.addf %add3A_191, %bitcast_convert_type3A_206 : vector<16xf32>
        %mul3A_209 = arith.constant 5 : i32
        %mul3A_210 = arith.muli %scan3A_175, %mul3A_209 : i32
        %add3A_211 = arith.addi %mul3A_106, %mul3A_210 : i32
        %add3A_212 = arith.constant 2 : i32
        %add3A_213 = arith.addi %add3A_211, %add3A_212 : i32
        %get3A_214 = arith.index_cast %add3A_213 : i32 to index
        %get3A_215 = arith.constant 0 : index
        %get3A_216 = tpu.vector_load %arg12[%get3A_214, %get3A_215] {strides = array<i32>} : memref<800x16xi32, #tpu.memory_space<vmem>>, vector<1x16xi32>,
        %get3A_217 = vector.shape_cast %get3A_216 : vector<1x16xi32> to vector<16xi32>
        %shift_left3A_218 = arith.constant 16 : i32
        %shift_left3A_219 = vector.broadcast %shift_left3A_218 : i32 to vector<16xi32>
        %shift_left3A_220 = arith.shli %get3A_217, %shift_left3A_219 : vector<16xi32>
        %bitcast_convert_type3A_221 = tpu.bitcast %shift_left3A_220 : vector<16xi32> -> vector<16xf32>
        %and3A_222 = arith.andi %get3A_217, %broadcast_in_dim3A_109 : vector<16xi32>
        %bitcast_convert_type3A_223 = tpu.bitcast %and3A_222 : vector<16xi32> -> vector<16xf32>
        %add3A_224 = arith.addf %add3A_207, %bitcast_convert_type3A_221 : vector<16xf32>
        %add3A_225 = arith.addf %add3A_208, %bitcast_convert_type3A_223 : vector<16xf32>
        %mul3A_226 = arith.constant 5 : i32
        %mul3A_227 = arith.muli %scan3A_175, %mul3A_226 : i32
        %add3A_228 = arith.addi %mul3A_106, %mul3A_227 : i32
        %add3A_229 = arith.constant 3 : i32
        %add3A_230 = arith.addi %add3A_228, %add3A_229 : i32
        %get3A_231 = arith.index_cast %add3A_230 : i32 to index
        %get3A_232 = arith.constant 0 : index
        %get3A_233 = tpu.vector_load %arg12[%get3A_231, %get3A_232] {strides = array<i32>} : memref<800x16xi32, #tpu.memory_space<vmem>>, vector<1x16xi32>,
        %get3A_234 = vector.shape_cast %get3A_233 : vector<1x16xi32> to vector<16xi32>
        %shift_left3A_235 = arith.constant 16 : i32
        %shift_left3A_236 = vector.broadcast %shift_left3A_235 : i32 to vector<16xi32>
        %shift_left3A_237 = arith.shli %get3A_234, %shift_left3A_236 : vector<16xi32>
        %bitcast_convert_type3A_238 = tpu.bitcast %shift_left3A_237 : vector<16xi32> -> vector<16xf32>
        %and3A_239 = arith.andi %get3A_234, %broadcast_in_dim3A_109 : vector<16xi32>
        %bitcast_convert_type3A_240 = tpu.bitcast %and3A_239 : vector<16xi32> -> vector<16xf32>
        %add3A_241 = arith.addf %add3A_224, %bitcast_convert_type3A_238 : vector<16xf32>
        %add3A_242 = arith.addf %add3A_225, %bitcast_convert_type3A_240 : vector<16xf32>
        %mul3A_243 = arith.constant 5 : i32
        %mul3A_244 = arith.muli %scan3A_175, %mul3A_243 : i32
        %add3A_245 = arith.addi %mul3A_106, %mul3A_244 : i32
        %add3A_246 = arith.constant 4 : i32
        %add3A_247 = arith.addi %add3A_245, %add3A_246 : i32
        %get3A_248 = arith.index_cast %add3A_247 : i32 to index
        %get3A_249 = arith.constant 0 : index
        %get3A_250 = tpu.vector_load %arg12[%get3A_248, %get3A_249] {strides = array<i32>} : memref<800x16xi32, #tpu.memory_space<vmem>>, vector<1x16xi32>,
        %get3A_251 = vector.shape_cast %get3A_250 : vector<1x16xi32> to vector<16xi32>
        %shift_left3A_252 = arith.constant 16 : i32
        %shift_left3A_253 = vector.broadcast %shift_left3A_252 : i32 to vector<16xi32>
        %shift_left3A_254 = arith.shli %get3A_251, %shift_left3A_253 : vector<16xi32>
        %bitcast_convert_type3A_255 = tpu.bitcast %shift_left3A_254 : vector<16xi32> -> vector<16xf32>
        %and3A_256 = arith.andi %get3A_251, %broadcast_in_dim3A_109 : vector<16xi32>
        %bitcast_convert_type3A_257 = tpu.bitcast %and3A_256 : vector<16xi32> -> vector<16xf32>
        %add3A_258 = arith.addf %add3A_241, %bitcast_convert_type3A_255 : vector<16xf32>
        %add3A_259 = arith.addf %add3A_242, %bitcast_convert_type3A_257 : vector<16xf32>
        scf.yield %add3A_258, %add3A_259 : vector<16xf32>, vector<16xf32>
      }
      %scan3A_115 = arith.constant 10 : i32
      %mul3A_116 = arith.constant 50 : i32
      %mul3A_117 = arith.muli %scan3A_103, %mul3A_116 : i32
      %broadcast_in_dim3A_118 = arith.constant 0.000000e+00 : f32
      %broadcast_in_dim3A_119 = vector.broadcast %broadcast_in_dim3A_118 : f32 to vector<16xf32>
      %broadcast_in_dim3A_120 = arith.constant -65536 : i32
      %broadcast_in_dim3A_121 = vector.broadcast %broadcast_in_dim3A_120 : i32 to vector<16xi32>
      %scan3A_122 = arith.constant 0 : i32
      %scan3A_123 = arith.constant 10 : i32
      %scan3A_124 = arith.addi %scan3A_122, %scan3A_123 : i32
      %scan3A_125 = arith.constant 1 : i32
      %scan3A_126:2 = scf.for %scan3A_175 = %scan3A_122 to %scan3A_124 step %scan3A_125 iter_args(%scan3A_176 = %broadcast_in_dim3A_119, %scan3A_177 = %broadcast_in_dim3A_119) -> (vector<16xf32>, vector<16xf32>)  : i32 {
        %mul3A_178 = arith.constant 5 : i32
        %mul3A_179 = arith.muli %scan3A_175, %mul3A_178 : i32
        %add3A_180 = arith.addi %mul3A_117, %mul3A_179 : i32
        %add3A_181 = arith.constant 0 : i32
        %add3A_182 = arith.addi %add3A_180, %add3A_181 : i32
        %get3A_183 = arith.index_cast %add3A_182 : i32 to index
        %get3A_184 = arith.constant 0 : index
        %get3A_185 = tpu.vector_load %arg14[%get3A_183, %get3A_184] {strides = array<i32>} : memref<800x16xi32, #tpu.memory_space<vmem>>, vector<1x16xi32>,
        %get3A_186 = vector.shape_cast %get3A_185 : vector<1x16xi32> to vector<16xi32>
        %shift_left3A = arith.constant 16 : i32
        %shift_left3A_187 = vector.broadcast %shift_left3A : i32 to vector<16xi32>
        %shift_left3A_188 = arith.shli %get3A_186, %shift_left3A_187 : vector<16xi32>
        %bitcast_convert_type3A = tpu.bitcast %shift_left3A_188 : vector<16xi32> -> vector<16xf32>
        %and3A = arith.andi %get3A_186, %broadcast_in_dim3A_121 : vector<16xi32>
        %bitcast_convert_type3A_189 = tpu.bitcast %and3A : vector<16xi32> -> vector<16xf32>
        %add3A_190 = arith.addf %scan3A_176, %bitcast_convert_type3A : vector<16xf32>
        %add3A_191 = arith.addf %scan3A_177, %bitcast_convert_type3A_189 : vector<16xf32>
        %mul3A_192 = arith.constant 5 : i32
        %mul3A_193 = arith.muli %scan3A_175, %mul3A_192 : i32
        %add3A_194 = arith.addi %mul3A_117, %mul3A_193 : i32
        %add3A_195 = arith.constant 1 : i32
        %add3A_196 = arith.addi %add3A_194, %add3A_195 : i32
        %get3A_197 = arith.index_cast %add3A_196 : i32 to index
        %get3A_198 = arith.constant 0 : index
        %get3A_199 = tpu.vector_load %arg14[%get3A_197, %get3A_198] {strides = array<i32>} : memref<800x16xi32, #tpu.memory_space<vmem>>, vector<1x16xi32>,
        %get3A_200 = vector.shape_cast %get3A_199 : vector<1x16xi32> to vector<16xi32>
        %shift_left3A_201 = arith.constant 16 : i32
        %shift_left3A_202 = vector.broadcast %shift_left3A_201 : i32 to vector<16xi32>
        %shift_left3A_203 = arith.shli %get3A_200, %shift_left3A_202 : vector<16xi32>
        %bitcast_convert_type3A_204 = tpu.bitcast %shift_left3A_203 : vector<16xi32> -> vector<16xf32>
        %and3A_205 = arith.andi %get3A_200, %broadcast_in_dim3A_121 : vector<16xi32>
        %bitcast_convert_type3A_206 = tpu.bitcast %and3A_205 : vector<16xi32> -> vector<16xf32>
        %add3A_207 = arith.addf %add3A_190, %bitcast_convert_type3A_204 : vector<16xf32>
        %add3A_208 = arith.addf %add3A_191, %bitcast_convert_type3A_206 : vector<16xf32>
        %mul3A_209 = arith.constant 5 : i32
        %mul3A_210 = arith.muli %scan3A_175, %mul3A_209 : i32
        %add3A_211 = arith.addi %mul3A_117, %mul3A_210 : i32
        %add3A_212 = arith.constant 2 : i32
        %add3A_213 = arith.addi %add3A_211, %add3A_212 : i32
        %get3A_214 = arith.index_cast %add3A_213 : i32 to index
        %get3A_215 = arith.constant 0 : index
        %get3A_216 = tpu.vector_load %arg14[%get3A_214, %get3A_215] {strides = array<i32>} : memref<800x16xi32, #tpu.memory_space<vmem>>, vector<1x16xi32>,
        %get3A_217 = vector.shape_cast %get3A_216 : vector<1x16xi32> to vector<16xi32>
        %shift_left3A_218 = arith.constant 16 : i32
        %shift_left3A_219 = vector.broadcast %shift_left3A_218 : i32 to vector<16xi32>
        %shift_left3A_220 = arith.shli %get3A_217, %shift_left3A_219 : vector<16xi32>
        %bitcast_convert_type3A_221 = tpu.bitcast %shift_left3A_220 : vector<16xi32> -> vector<16xf32>
        %and3A_222 = arith.andi %get3A_217, %broadcast_in_dim3A_121 : vector<16xi32>
        %bitcast_convert_type3A_223 = tpu.bitcast %and3A_222 : vector<16xi32> -> vector<16xf32>
        %add3A_224 = arith.addf %add3A_207, %bitcast_convert_type3A_221 : vector<16xf32>
        %add3A_225 = arith.addf %add3A_208, %bitcast_convert_type3A_223 : vector<16xf32>
        %mul3A_226 = arith.constant 5 : i32
        %mul3A_227 = arith.muli %scan3A_175, %mul3A_226 : i32
        %add3A_228 = arith.addi %mul3A_117, %mul3A_227 : i32
        %add3A_229 = arith.constant 3 : i32
        %add3A_230 = arith.addi %add3A_228, %add3A_229 : i32
        %get3A_231 = arith.index_cast %add3A_230 : i32 to index
        %get3A_232 = arith.constant 0 : index
        %get3A_233 = tpu.vector_load %arg14[%get3A_231, %get3A_232] {strides = array<i32>} : memref<800x16xi32, #tpu.memory_space<vmem>>, vector<1x16xi32>,
        %get3A_234 = vector.shape_cast %get3A_233 : vector<1x16xi32> to vector<16xi32>
        %shift_left3A_235 = arith.constant 16 : i32
        %shift_left3A_236 = vector.broadcast %shift_left3A_235 : i32 to vector<16xi32>
        %shift_left3A_237 = arith.shli %get3A_234, %shift_left3A_236 : vector<16xi32>
        %bitcast_convert_type3A_238 = tpu.bitcast %shift_left3A_237 : vector<16xi32> -> vector<16xf32>
        %and3A_239 = arith.andi %get3A_234, %broadcast_in_dim3A_121 : vector<16xi32>
        %bitcast_convert_type3A_240 = tpu.bitcast %and3A_239 : vector<16xi32> -> vector<16xf32>
        %add3A_241 = arith.addf %add3A_224, %bitcast_convert_type3A_238 : vector<16xf32>
        %add3A_242 = arith.addf %add3A_225, %bitcast_convert_type3A_240 : vector<16xf32>
        %mul3A_243 = arith.constant 5 : i32
        %mul3A_244 = arith.muli %scan3A_175, %mul3A_243 : i32
        %add3A_245 = arith.addi %mul3A_117, %mul3A_244 : i32
        %add3A_246 = arith.constant 4 : i32
        %add3A_247 = arith.addi %add3A_245, %add3A_246 : i32
        %get3A_248 = arith.index_cast %add3A_247 : i32 to index
        %get3A_249 = arith.constant 0 : index
        %get3A_250 = tpu.vector_load %arg14[%get3A_248, %get3A_249] {strides = array<i32>} : memref<800x16xi32, #tpu.memory_space<vmem>>, vector<1x16xi32>,
        %get3A_251 = vector.shape_cast %get3A_250 : vector<1x16xi32> to vector<16xi32>
        %shift_left3A_252 = arith.constant 16 : i32
        %shift_left3A_253 = vector.broadcast %shift_left3A_252 : i32 to vector<16xi32>
        %shift_left3A_254 = arith.shli %get3A_251, %shift_left3A_253 : vector<16xi32>
        %bitcast_convert_type3A_255 = tpu.bitcast %shift_left3A_254 : vector<16xi32> -> vector<16xf32>
        %and3A_256 = arith.andi %get3A_251, %broadcast_in_dim3A_121 : vector<16xi32>
        %bitcast_convert_type3A_257 = tpu.bitcast %and3A_256 : vector<16xi32> -> vector<16xf32>
        %add3A_258 = arith.addf %add3A_241, %bitcast_convert_type3A_255 : vector<16xf32>
        %add3A_259 = arith.addf %add3A_242, %bitcast_convert_type3A_257 : vector<16xf32>
        scf.yield %add3A_258, %add3A_259 : vector<16xf32>, vector<16xf32>
      }
      %scan3A_127 = arith.constant 10 : i32
      %get3A = arith.index_cast %scan3A_103 : i32 to index
      %get3A_128 = arith.constant 16 : index
      %get3A_129 = tpu.vector_load %arg16[%get3A, %get3A_128] {strides = array<i32>} : memref<16x80xf32, #tpu.memory_space<vmem>>, vector<1x16xf32>,
      %get3A_130 = vector.shape_cast %get3A_129 : vector<1x16xf32> to vector<16xf32>
      %mul3A_131 = vector.broadcast %scan3A_95 : f32 to vector<16xf32>
      %mul3A_132 = arith.mulf %scan3A_114#0, %mul3A_131 : vector<16xf32>
      %add3A_133 = arith.addf %get3A_130, %mul3A_132 : vector<16xf32>
      %swap3A = arith.index_cast %scan3A_103 : i32 to index
      %swap3A_134 = arith.constant 16 : index
      %swap3A_135 = tpu.vector_load %arg16[%swap3A, %swap3A_134] {strides = array<i32>} : memref<16x80xf32, #tpu.memory_space<vmem>>, vector<1x16xf32>,
      %swap3A_136 = vector.shape_cast %swap3A_135 : vector<1x16xf32> to vector<16xf32>
      %swap3A_137 = vector.shape_cast %add3A_133 : vector<16xf32> to vector<1x16xf32>
      tpu.vector_store %arg16[%swap3A, %swap3A_134], %swap3A_137 {strides = array<i32>} : memref<16x80xf32, #tpu.memory_space<vmem>>, vector<1x16xf32>,
      %get3A_138 = arith.index_cast %scan3A_103 : i32 to index
      %get3A_139 = arith.constant 32 : index
      %get3A_140 = tpu.vector_load %arg16[%get3A_138, %get3A_139] {strides = array<i32>} : memref<16x80xf32, #tpu.memory_space<vmem>>, vector<1x16xf32>,
      %get3A_141 = vector.shape_cast %get3A_140 : vector<1x16xf32> to vector<16xf32>
      %mul3A_142 = vector.broadcast %scan3A_95 : f32 to vector<16xf32>
      %mul3A_143 = arith.mulf %scan3A_114#1, %mul3A_142 : vector<16xf32>
      %add3A_144 = arith.addf %get3A_141, %mul3A_143 : vector<16xf32>
      %swap3A_145 = arith.index_cast %scan3A_103 : i32 to index
      %swap3A_146 = arith.constant 32 : index
      %swap3A_147 = tpu.vector_load %arg16[%swap3A_145, %swap3A_146] {strides = array<i32>} : memref<16x80xf32, #tpu.memory_space<vmem>>, vector<1x16xf32>,
      %swap3A_148 = vector.shape_cast %swap3A_147 : vector<1x16xf32> to vector<16xf32>
      %swap3A_149 = vector.shape_cast %add3A_144 : vector<16xf32> to vector<1x16xf32>
      tpu.vector_store %arg16[%swap3A_145, %swap3A_146], %swap3A_149 {strides = array<i32>} : memref<16x80xf32, #tpu.memory_space<vmem>>, vector<1x16xf32>,
      %get3A_150 = arith.index_cast %scan3A_103 : i32 to index
      %get3A_151 = arith.constant 48 : index
      %get3A_152 = tpu.vector_load %arg16[%get3A_150, %get3A_151] {strides = array<i32>} : memref<16x80xf32, #tpu.memory_space<vmem>>, vector<1x16xf32>,
      %get3A_153 = vector.shape_cast %get3A_152 : vector<1x16xf32> to vector<16xf32>
      %mul3A_154 = vector.broadcast %scan3A_95 : f32 to vector<16xf32>
      %mul3A_155 = arith.mulf %scan3A_126#0, %mul3A_154 : vector<16xf32>
      %add3A_156 = arith.addf %get3A_153, %mul3A_155 : vector<16xf32>
      %swap3A_157 = arith.index_cast %scan3A_103 : i32 to index
      %swap3A_158 = arith.constant 48 : index
      %swap3A_159 = tpu.vector_load %arg16[%swap3A_157, %swap3A_158] {strides = array<i32>} : memref<16x80xf32, #tpu.memory_space<vmem>>, vector<1x16xf32>,
      %swap3A_160 = vector.shape_cast %swap3A_159 : vector<1x16xf32> to vector<16xf32>
      %swap3A_161 = vector.shape_cast %add3A_156 : vector<16xf32> to vector<1x16xf32>
      tpu.vector_store %arg16[%swap3A_157, %swap3A_158], %swap3A_161 {strides = array<i32>} : memref<16x80xf32, #tpu.memory_space<vmem>>, vector<1x16xf32>,
      %get3A_162 = arith.index_cast %scan3A_103 : i32 to index
      %get3A_163 = arith.constant 64 : index
      %get3A_164 = tpu.vector_load %arg16[%get3A_162, %get3A_163] {strides = array<i32>} : memref<16x80xf32, #tpu.memory_space<vmem>>, vector<1x16xf32>,
      %get3A_165 = vector.shape_cast %get3A_164 : vector<1x16xf32> to vector<16xf32>
      %mul3A_166 = vector.broadcast %scan3A_95 : f32 to vector<16xf32>
      %mul3A_167 = arith.mulf %scan3A_126#1, %mul3A_166 : vector<16xf32>
      %add3A_168 = arith.addf %get3A_165, %mul3A_167 : vector<16xf32>
      %swap3A_169 = arith.index_cast %scan3A_103 : i32 to index
      %swap3A_170 = arith.constant 64 : index
      %swap3A_171 = tpu.vector_load %arg16[%swap3A_169, %swap3A_170] {strides = array<i32>} : memref<16x80xf32, #tpu.memory_space<vmem>>, vector<1x16xf32>,
      %swap3A_172 = vector.shape_cast %swap3A_171 : vector<1x16xf32> to vector<16xf32>
      %swap3A_173 = vector.shape_cast %add3A_168 : vector<16xf32> to vector<1x16xf32>
      tpu.vector_store %arg16[%swap3A_169, %swap3A_170], %swap3A_173 {strides = array<i32>} : memref<16x80xf32, #tpu.memory_space<vmem>>, vector<1x16xf32>,
      %scan3A_174 = arith.constant 0 : i32
      scf.yield %scan3A_174 : i32
    }
    %scan3A_102 = arith.constant 16 : i32
    "tpu.region"() ({
      %run_scoped3A = tpu.sem_alloc : memref<!tpu.dma_semaphore, #tpu.memory_space<semaphore_mem>>
      %dma_start3A_103 = arith.constant 0 : i32
      %dma_start3A_104 = tpu.memref_slice %arg6[%add3A_82, %dma_start3A_103] : memref<16384x80xf32, #tpu.memory_space<hbm>> -> memref<16x80xf32, #tpu.memory_space<hbm>>
      %dma_start3A_105 = arith.constant 0 : i32
      %dma_start3A_106 = tpu.memref_slice %arg6[%add3A_82, %dma_start3A_105] : memref<16384x80xf32, #tpu.memory_space<hbm>> -> memref<16x80xf32, #tpu.memory_space<hbm>>
      tpu.enqueue_dma source(%arg16 : memref<16x80xf32, #tpu.memory_space<vmem>>) target(%dma_start3A_106 : memref<16x80xf32, #tpu.memory_space<hbm>>) target_semaphore(%run_scoped3A : memref<!tpu.dma_semaphore, #tpu.memory_space<semaphore_mem>>)
      %dma_wait3A_107 = arith.constant 0 : i32
      %dma_wait3A_108 = tpu.memref_slice %arg6[%add3A_82, %dma_wait3A_107] : memref<16384x80xf32, #tpu.memory_space<hbm>> -> memref<16x80xf32, #tpu.memory_space<hbm>>
      %dma_wait3A_109 = arith.constant 0 : i32
      %dma_wait3A_110 = tpu.memref_slice %arg6[%add3A_82, %dma_wait3A_109] : memref<16384x80xf32, #tpu.memory_space<hbm>> -> memref<16x80xf32, #tpu.memory_space<hbm>>
      tpu.wait_dma2 semaphore(%run_scoped3A : memref<!tpu.dma_semaphore, #tpu.memory_space<semaphore_mem>>) src(%arg16 : memref<16x80xf32, #tpu.memory_space<vmem>>) dst(%dma_wait3A_110 : memref<16x80xf32, #tpu.memory_space<hbm>>)
      tpu.yield
    }) : () -> ()
    return
  }
}

#map = affine_map<(d0, d1) -> (0, 0)>
#map1 = affine_map<(d0, d1) -> (0)>
module attributes {stable_mosaic.version = 14 : i64} {
  func.func @body(%arg0: i32, %arg1: i32, %arg2: memref<16384x16xf32, #tpu.memory_space<hbm>>, %arg3: memref<819200xi32, #tpu.memory_space<hbm>>, %arg4: memref<819200xi32, #tpu.memory_space<hbm>>, %arg5: memref<100000x16xi32, #tpu.memory_space<hbm>>, %arg6: memref<16384x80xf32, #tpu.memory_space<hbm>>, %arg7: memref<800xi32, #tpu.memory_space<vmem>>, %arg8: memref<800xi32, #tpu.memory_space<vmem>>, %arg9: memref<800xi32, #tpu.memory_space<vmem>>, %arg10: memref<800xi32, #tpu.memory_space<vmem>>, %arg11: memref<800x16xi32, #tpu.memory_space<vmem>>, %arg12: memref<800x16xi32, #tpu.memory_space<vmem>>, %arg13: memref<800x16xi32, #tpu.memory_space<vmem>>, %arg14: memref<800x16xi32, #tpu.memory_space<vmem>>, %arg15: memref<16x80xf32, #tpu.memory_space<vmem>>, %arg16: memref<16x80xf32, #tpu.memory_space<vmem>>, %arg17: memref<!tpu.dma_semaphore, #tpu.memory_space<semaphore_mem>>, %arg18: memref<!tpu.dma_semaphore, #tpu.memory_space<semaphore_mem>>, %arg19: memref<!tpu.dma_semaphore, #tpu.memory_space<semaphore_mem>>, %arg20: memref<!tpu.dma_semaphore, #tpu.memory_space<semaphore_mem>>, %arg21: memref<!tpu.dma_semaphore, #tpu.memory_space<semaphore_mem>>, %arg22: memref<!tpu.dma_semaphore, #tpu.memory_space<semaphore_mem>>, %arg23: memref<!tpu.dma_semaphore, #tpu.memory_space<semaphore_mem>>, %arg24: memref<!tpu.dma_semaphore, #tpu.memory_space<semaphore_mem>>, %arg25: memref<!tpu.dma_semaphore, #tpu.memory_space<semaphore_mem>>, %arg26: memref<!tpu.dma_semaphore, #tpu.memory_space<semaphore_mem>>) attributes {dimension_semantics = [#tpu.dimension_semantics<core_parallel>, #tpu.dimension_semantics<subcore_parallel>], iteration_bounds = array<i64: 2, 16>, scalar_prefetch = 0 : i64, scratch_operands = 20 : i64, tpu.core_type = #tpu.core_type<sc_vector_subcore>, window_params = [{transform_indices = #map}, {transform_indices = #map1}, {transform_indices = #map1}, {transform_indices = #map}, {transform_indices = #map}]} {
    %mul3A = arith.constant 2 : i32
    %mul3A_0 = arith.muli %arg1, %mul3A : i32
    %add3A = arith.addi %mul3A_0, %arg0 : i32
    %mul3A_1 = arith.constant 512 : i32
    %mul3A_2 = arith.muli %add3A, %mul3A_1 : i32
    %add3A_3 = arith.constant 0 : i32
    %add3A_4 = arith.addi %mul3A_2, %add3A_3 : i32
    %mul3A_5 = arith.constant 50 : i32
    %mul3A_6 = arith.muli %add3A_4, %mul3A_5 : i32
    %dma_start3A = tpu.memref_slice %arg3[%mul3A_6] : memref<819200xi32, #tpu.memory_space<hbm>> -> memref<800xi32, #tpu.memory_space<hbm>>
    %dma_start3A_7 = tpu.memref_slice %arg3[%mul3A_6] : memref<819200xi32, #tpu.memory_space<hbm>> -> memref<800xi32, #tpu.memory_space<hbm>>
    tpu.enqueue_dma source(%dma_start3A_7 : memref<800xi32, #tpu.memory_space<hbm>>) target(%arg7 : memref<800xi32, #tpu.memory_space<vmem>>) target_semaphore(%arg17 : memref<!tpu.dma_semaphore, #tpu.memory_space<semaphore_mem>>)
    %dma_start3A_8 = tpu.memref_slice %arg4[%mul3A_6] : memref<819200xi32, #tpu.memory_space<hbm>> -> memref<800xi32, #tpu.memory_space<hbm>>
    %dma_start3A_9 = tpu.memref_slice %arg4[%mul3A_6] : memref<819200xi32, #tpu.memory_space<hbm>> -> memref<800xi32, #tpu.memory_space<hbm>>
    tpu.enqueue_dma source(%dma_start3A_9 : memref<800xi32, #tpu.memory_space<hbm>>) target(%arg9 : memref<800xi32, #tpu.memory_space<vmem>>) target_semaphore(%arg19 : memref<!tpu.dma_semaphore, #tpu.memory_space<semaphore_mem>>)
    %dma_start3A_10 = arith.constant 0 : i32
    %dma_start3A_11 = arith.constant 0 : i32
    %dma_start3A_12 = tpu.memref_slice %arg15[%dma_start3A_10, %dma_start3A_11] : memref<16x80xf32, #tpu.memory_space<vmem>> -> memref<16x16xf32, #tpu.memory_space<vmem>>
    %dma_start3A_13 = arith.constant 0 : i32
    %dma_start3A_14 = tpu.memref_slice %arg2[%add3A_4, %dma_start3A_13] : memref<16384x16xf32, #tpu.memory_space<hbm>> -> memref<16x16xf32, #tpu.memory_space<hbm>>
    %dma_start3A_15 = arith.constant 0 : i32
    %dma_start3A_16 = arith.constant 0 : i32
    %dma_start3A_17 = tpu.memref_slice %arg15[%dma_start3A_15, %dma_start3A_16] : memref<16x80xf32, #tpu.memory_space<vmem>> -> memref<16x16xf32, #tpu.memory_space<vmem>>
    %dma_start3A_18 = arith.constant 0 : i32
    %dma_start3A_19 = tpu.memref_slice %arg2[%add3A_4, %dma_start3A_18] : memref<16384x16xf32, #tpu.memory_space<hbm>> -> memref<16x16xf32, #tpu.memory_space<hbm>>
    tpu.enqueue_dma source(%dma_start3A_19 : memref<16x16xf32, #tpu.memory_space<hbm>>) target(%dma_start3A_17 : memref<16x16xf32, #tpu.memory_space<vmem>>) target_semaphore(%arg25 : memref<!tpu.dma_semaphore, #tpu.memory_space<semaphore_mem>>)
    %dma_wait3A = arith.constant 0 : i32
    %dma_wait3A_20 = tpu.memref_slice %arg3[%dma_wait3A] : memref<819200xi32, #tpu.memory_space<hbm>> -> memref<800xi32, #tpu.memory_space<hbm>>
    %dma_wait3A_21 = arith.constant 0 : i32
    %dma_wait3A_22 = tpu.memref_slice %arg3[%dma_wait3A_21] : memref<819200xi32, #tpu.memory_space<hbm>> -> memref<800xi32, #tpu.memory_space<hbm>>
    tpu.wait_dma2 semaphore(%arg17 : memref<!tpu.dma_semaphore, #tpu.memory_space<semaphore_mem>>) src(%dma_wait3A_22 : memref<800xi32, #tpu.memory_space<hbm>>) dst(%arg7 : memref<800xi32, #tpu.memory_space<vmem>>)
    %dma_wait3A_23 = arith.constant 0 : i32
    %dma_wait3A_24 = tpu.memref_slice %arg4[%dma_wait3A_23] : memref<819200xi32, #tpu.memory_space<hbm>> -> memref<800xi32, #tpu.memory_space<hbm>>
    %dma_wait3A_25 = arith.constant 0 : i32
    %dma_wait3A_26 = tpu.memref_slice %arg4[%dma_wait3A_25] : memref<819200xi32, #tpu.memory_space<hbm>> -> memref<800xi32, #tpu.memory_space<hbm>>
    tpu.wait_dma2 semaphore(%arg19 : memref<!tpu.dma_semaphore, #tpu.memory_space<semaphore_mem>>) src(%dma_wait3A_26 : memref<800xi32, #tpu.memory_space<hbm>>) dst(%arg9 : memref<800xi32, #tpu.memory_space<vmem>>)
    %scan3A = arith.constant 0 : i32
    %scan3A_27 = arith.constant 0 : i32
    %scan3A_28 = arith.constant 50 : i32
    %scan3A_29 = arith.addi %scan3A_27, %scan3A_28 : i32
    %scan3A_30 = arith.constant 1 : i32
    %scan3A_31 = scf.for %scan3A_141 = %scan3A_27 to %scan3A_29 step %scan3A_30 iter_args(%scan3A_142 = %scan3A) -> (i32)  : i32 {
      %mul3A_143 = arith.constant 16 : i32
      %mul3A_144 = arith.muli %scan3A_141, %mul3A_143 : i32
      %multiple_of3A = tpu.assume_multiple %mul3A_144, 8 : i32
      %get3A = arith.index_cast %multiple_of3A : i32 to index
      %get3A_145 = tpu.vector_load %arg7[%get3A] {strides = array<i32>} : memref<800xi32, #tpu.memory_space<vmem>>, vector<16xi32>,
      %get3A_146 = vector.shape_cast %get3A_145 : vector<16xi32> to vector<16xi32>
      %convert_element_type3A = arith.sitofp %get3A_146 : vector<16xi32> to vector<16xf32>
      %mul3A_147 = arith.constant 9.99999974E-6 : f32
      %mul3A_148 = vector.broadcast %mul3A_147 : f32 to vector<16xf32>
      %mul3A_149 = arith.mulf %convert_element_type3A, %mul3A_148 : vector<16xf32>
      %convert_element_type3A_150 = arith.fptosi %mul3A_149 : vector<16xf32> to vector<16xi32>
      %mul3A_151 = arith.constant 100000 : i32
      %mul3A_152 = vector.broadcast %mul3A_151 : i32 to vector<16xi32>
      %mul3A_153 = arith.muli %convert_element_type3A_150, %mul3A_152 : vector<16xi32>
      %sub3A = arith.subi %get3A_146, %mul3A_153 : vector<16xi32>
      %lt3A = arith.constant 0 : i32
      %lt3A_154 = vector.broadcast %lt3A : i32 to vector<16xi32>
      %lt3A_155 = arith.cmpi slt, %sub3A, %lt3A_154 : vector<16xi32>
      %add3A_156 = arith.constant 100000 : i32
      %add3A_157 = vector.broadcast %add3A_156 : i32 to vector<16xi32>
      %add3A_158 = arith.addi %sub3A, %add3A_157 : vector<16xi32>
      %select_n3A = arith.select %lt3A_155, %add3A_158, %sub3A : vector<16xi1>, vector<16xi32>
      %ge3A = arith.constant 100000 : i32
      %ge3A_159 = vector.broadcast %ge3A : i32 to vector<16xi32>
      %ge3A_160 = arith.cmpi sge, %select_n3A, %ge3A_159 : vector<16xi32>
      %sub3A_161 = arith.constant 100000 : i32
      %sub3A_162 = vector.broadcast %sub3A_161 : i32 to vector<16xi32>
      %sub3A_163 = arith.subi %select_n3A, %sub3A_162 : vector<16xi32>
      %select_n3A_164 = arith.select %ge3A_160, %sub3A_163, %select_n3A : vector<16xi1>, vector<16xi32>
      %swap3A = arith.index_cast %multiple_of3A : i32 to index
      %swap3A_165 = tpu.vector_load %arg7[%swap3A] {strides = array<i32>} : memref<800xi32, #tpu.memory_space<vmem>>, vector<16xi32>,
      %swap3A_166 = vector.shape_cast %swap3A_165 : vector<16xi32> to vector<16xi32>
      %swap3A_167 = vector.shape_cast %select_n3A_164 : vector<16xi32> to vector<16xi32>
      tpu.vector_store %arg7[%swap3A], %swap3A_167 {strides = array<i32>} : memref<800xi32, #tpu.memory_space<vmem>>, vector<16xi32>,
      %get3A_168 = arith.index_cast %multiple_of3A : i32 to index
      %get3A_169 = tpu.vector_load %arg9[%get3A_168] {strides = array<i32>} : memref<800xi32, #tpu.memory_space<vmem>>, vector<16xi32>,
      %get3A_170 = vector.shape_cast %get3A_169 : vector<16xi32> to vector<16xi32>
      %convert_element_type3A_171 = arith.sitofp %get3A_170 : vector<16xi32> to vector<16xf32>
      %mul3A_172 = arith.constant 9.99999974E-6 : f32
      %mul3A_173 = vector.broadcast %mul3A_172 : f32 to vector<16xf32>
      %mul3A_174 = arith.mulf %convert_element_type3A_171, %mul3A_173 : vector<16xf32>
      %convert_element_type3A_175 = arith.fptosi %mul3A_174 : vector<16xf32> to vector<16xi32>
      %mul3A_176 = arith.constant 100000 : i32
      %mul3A_177 = vector.broadcast %mul3A_176 : i32 to vector<16xi32>
      %mul3A_178 = arith.muli %convert_element_type3A_175, %mul3A_177 : vector<16xi32>
      %sub3A_179 = arith.subi %get3A_170, %mul3A_178 : vector<16xi32>
      %lt3A_180 = arith.constant 0 : i32
      %lt3A_181 = vector.broadcast %lt3A_180 : i32 to vector<16xi32>
      %lt3A_182 = arith.cmpi slt, %sub3A_179, %lt3A_181 : vector<16xi32>
      %add3A_183 = arith.constant 100000 : i32
      %add3A_184 = vector.broadcast %add3A_183 : i32 to vector<16xi32>
      %add3A_185 = arith.addi %sub3A_179, %add3A_184 : vector<16xi32>
      %select_n3A_186 = arith.select %lt3A_182, %add3A_185, %sub3A_179 : vector<16xi1>, vector<16xi32>
      %ge3A_187 = arith.constant 100000 : i32
      %ge3A_188 = vector.broadcast %ge3A_187 : i32 to vector<16xi32>
      %ge3A_189 = arith.cmpi sge, %select_n3A_186, %ge3A_188 : vector<16xi32>
      %sub3A_190 = arith.constant 100000 : i32
      %sub3A_191 = vector.broadcast %sub3A_190 : i32 to vector<16xi32>
      %sub3A_192 = arith.subi %select_n3A_186, %sub3A_191 : vector<16xi32>
      %select_n3A_193 = arith.select %ge3A_189, %sub3A_192, %select_n3A_186 : vector<16xi1>, vector<16xi32>
      %swap3A_194 = arith.index_cast %multiple_of3A : i32 to index
      %swap3A_195 = tpu.vector_load %arg9[%swap3A_194] {strides = array<i32>} : memref<800xi32, #tpu.memory_space<vmem>>, vector<16xi32>,
      %swap3A_196 = vector.shape_cast %swap3A_195 : vector<16xi32> to vector<16xi32>
      %swap3A_197 = vector.shape_cast %select_n3A_193 : vector<16xi32> to vector<16xi32>
      tpu.vector_store %arg9[%swap3A_194], %swap3A_197 {strides = array<i32>} : memref<800xi32, #tpu.memory_space<vmem>>, vector<16xi32>,
      %scan3A_198 = arith.constant 0 : i32
      scf.yield %scan3A_198 : i32
    }
    %scan3A_32 = arith.constant 50 : i32
    %dma_start3A_33 = arith.constant 0 : i32
    %dma_start3A_34 = arith.constant 0 : i32
    %dma_start3A_35 = tpu.memref_slice %arg5[%dma_start3A_33, %dma_start3A_34] : memref<100000x16xi32, #tpu.memory_space<hbm>> -> memref<100000x16xi32, #tpu.memory_space<hbm>>
    tpu.enqueue_indirect_dma source(%dma_start3A_35 : memref<100000x16xi32, #tpu.memory_space<hbm>>) target(%arg11 : memref<800x16xi32, #tpu.memory_space<vmem>>) offsets(%arg7 : memref<800xi32, #tpu.memory_space<vmem>>) semaphore(%arg21 : memref<!tpu.dma_semaphore, #tpu.memory_space<semaphore_mem>>)
    %dma_start3A_36 = arith.constant 0 : i32
    %dma_start3A_37 = arith.constant 0 : i32
    %dma_start3A_38 = tpu.memref_slice %arg5[%dma_start3A_36, %dma_start3A_37] : memref<100000x16xi32, #tpu.memory_space<hbm>> -> memref<100000x16xi32, #tpu.memory_space<hbm>>
    tpu.enqueue_indirect_dma source(%dma_start3A_38 : memref<100000x16xi32, #tpu.memory_space<hbm>>) target(%arg13 : memref<800x16xi32, #tpu.memory_space<vmem>>) offsets(%arg9 : memref<800xi32, #tpu.memory_space<vmem>>) semaphore(%arg23 : memref<!tpu.dma_semaphore, #tpu.memory_space<semaphore_mem>>)
    %add3A_39 = arith.constant 16 : i32
    %add3A_40 = arith.addi %mul3A_2, %add3A_39 : i32
    %mul3A_41 = arith.constant 50 : i32
    %mul3A_42 = arith.muli %add3A_40, %mul3A_41 : i32
    %dma_start3A_43 = tpu.memref_slice %arg3[%mul3A_42] : memref<819200xi32, #tpu.memory_space<hbm>> -> memref<800xi32, #tpu.memory_space<hbm>>
    %dma_start3A_44 = tpu.memref_slice %arg3[%mul3A_42] : memref<819200xi32, #tpu.memory_space<hbm>> -> memref<800xi32, #tpu.memory_space<hbm>>
    tpu.enqueue_dma source(%dma_start3A_44 : memref<800xi32, #tpu.memory_space<hbm>>) target(%arg8 : memref<800xi32, #tpu.memory_space<vmem>>) target_semaphore(%arg18 : memref<!tpu.dma_semaphore, #tpu.memory_space<semaphore_mem>>)
    %dma_start3A_45 = tpu.memref_slice %arg4[%mul3A_42] : memref<819200xi32, #tpu.memory_space<hbm>> -> memref<800xi32, #tpu.memory_space<hbm>>
    %dma_start3A_46 = tpu.memref_slice %arg4[%mul3A_42] : memref<819200xi32, #tpu.memory_space<hbm>> -> memref<800xi32, #tpu.memory_space<hbm>>
    tpu.enqueue_dma source(%dma_start3A_46 : memref<800xi32, #tpu.memory_space<hbm>>) target(%arg10 : memref<800xi32, #tpu.memory_space<vmem>>) target_semaphore(%arg20 : memref<!tpu.dma_semaphore, #tpu.memory_space<semaphore_mem>>)
    %dma_start3A_47 = arith.constant 0 : i32
    %dma_start3A_48 = arith.constant 0 : i32
    %dma_start3A_49 = tpu.memref_slice %arg16[%dma_start3A_47, %dma_start3A_48] : memref<16x80xf32, #tpu.memory_space<vmem>> -> memref<16x16xf32, #tpu.memory_space<vmem>>
    %dma_start3A_50 = arith.constant 0 : i32
    %dma_start3A_51 = tpu.memref_slice %arg2[%add3A_40, %dma_start3A_50] : memref<16384x16xf32, #tpu.memory_space<hbm>> -> memref<16x16xf32, #tpu.memory_space<hbm>>
    %dma_start3A_52 = arith.constant 0 : i32
    %dma_start3A_53 = arith.constant 0 : i32
    %dma_start3A_54 = tpu.memref_slice %arg16[%dma_start3A_52, %dma_start3A_53] : memref<16x80xf32, #tpu.memory_space<vmem>> -> memref<16x16xf32, #tpu.memory_space<vmem>>
    %dma_start3A_55 = arith.constant 0 : i32
    %dma_start3A_56 = tpu.memref_slice %arg2[%add3A_40, %dma_start3A_55] : memref<16384x16xf32, #tpu.memory_space<hbm>> -> memref<16x16xf32, #tpu.memory_space<hbm>>
    tpu.enqueue_dma source(%dma_start3A_56 : memref<16x16xf32, #tpu.memory_space<hbm>>) target(%dma_start3A_54 : memref<16x16xf32, #tpu.memory_space<vmem>>) target_semaphore(%arg26 : memref<!tpu.dma_semaphore, #tpu.memory_space<semaphore_mem>>)
    %dma_wait3A_57 = arith.constant 0 : i32
    %dma_wait3A_58 = tpu.memref_slice %arg3[%dma_wait3A_57] : memref<819200xi32, #tpu.memory_space<hbm>> -> memref<800xi32, #tpu.memory_space<hbm>>
    %dma_wait3A_59 = arith.constant 0 : i32
    %dma_wait3A_60 = tpu.memref_slice %arg3[%dma_wait3A_59] : memref<819200xi32, #tpu.memory_space<hbm>> -> memref<800xi32, #tpu.memory_space<hbm>>
    tpu.wait_dma2 semaphore(%arg18 : memref<!tpu.dma_semaphore, #tpu.memory_space<semaphore_mem>>) src(%dma_wait3A_60 : memref<800xi32, #tpu.memory_space<hbm>>) dst(%arg8 : memref<800xi32, #tpu.memory_space<vmem>>)
    %dma_wait3A_61 = arith.constant 0 : i32
    %dma_wait3A_62 = tpu.memref_slice %arg4[%dma_wait3A_61] : memref<819200xi32, #tpu.memory_space<hbm>> -> memref<800xi32, #tpu.memory_space<hbm>>
    %dma_wait3A_63 = arith.constant 0 : i32
    %dma_wait3A_64 = tpu.memref_slice %arg4[%dma_wait3A_63] : memref<819200xi32, #tpu.memory_space<hbm>> -> memref<800xi32, #tpu.memory_space<hbm>>
    tpu.wait_dma2 semaphore(%arg20 : memref<!tpu.dma_semaphore, #tpu.memory_space<semaphore_mem>>) src(%dma_wait3A_64 : memref<800xi32, #tpu.memory_space<hbm>>) dst(%arg10 : memref<800xi32, #tpu.memory_space<vmem>>)
    %scan3A_65 = arith.constant 0 : i32
    %scan3A_66 = arith.constant 0 : i32
    %scan3A_67 = arith.constant 50 : i32
    %scan3A_68 = arith.addi %scan3A_66, %scan3A_67 : i32
    %scan3A_69 = arith.constant 1 : i32
    %scan3A_70 = scf.for %scan3A_141 = %scan3A_66 to %scan3A_68 step %scan3A_69 iter_args(%scan3A_142 = %scan3A_65) -> (i32)  : i32 {
      %mul3A_143 = arith.constant 16 : i32
      %mul3A_144 = arith.muli %scan3A_141, %mul3A_143 : i32
      %multiple_of3A = tpu.assume_multiple %mul3A_144, 8 : i32
      %get3A = arith.index_cast %multiple_of3A : i32 to index
      %get3A_145 = tpu.vector_load %arg8[%get3A] {strides = array<i32>} : memref<800xi32, #tpu.memory_space<vmem>>, vector<16xi32>,
      %get3A_146 = vector.shape_cast %get3A_145 : vector<16xi32> to vector<16xi32>
      %convert_element_type3A = arith.sitofp %get3A_146 : vector<16xi32> to vector<16xf32>
      %mul3A_147 = arith.constant 9.99999974E-6 : f32
      %mul3A_148 = vector.broadcast %mul3A_147 : f32 to vector<16xf32>
      %mul3A_149 = arith.mulf %convert_element_type3A, %mul3A_148 : vector<16xf32>
      %convert_element_type3A_150 = arith.fptosi %mul3A_149 : vector<16xf32> to vector<16xi32>
      %mul3A_151 = arith.constant 100000 : i32
      %mul3A_152 = vector.broadcast %mul3A_151 : i32 to vector<16xi32>
      %mul3A_153 = arith.muli %convert_element_type3A_150, %mul3A_152 : vector<16xi32>
      %sub3A = arith.subi %get3A_146, %mul3A_153 : vector<16xi32>
      %lt3A = arith.constant 0 : i32
      %lt3A_154 = vector.broadcast %lt3A : i32 to vector<16xi32>
      %lt3A_155 = arith.cmpi slt, %sub3A, %lt3A_154 : vector<16xi32>
      %add3A_156 = arith.constant 100000 : i32
      %add3A_157 = vector.broadcast %add3A_156 : i32 to vector<16xi32>
      %add3A_158 = arith.addi %sub3A, %add3A_157 : vector<16xi32>
      %select_n3A = arith.select %lt3A_155, %add3A_158, %sub3A : vector<16xi1>, vector<16xi32>
      %ge3A = arith.constant 100000 : i32
      %ge3A_159 = vector.broadcast %ge3A : i32 to vector<16xi32>
      %ge3A_160 = arith.cmpi sge, %select_n3A, %ge3A_159 : vector<16xi32>
      %sub3A_161 = arith.constant 100000 : i32
      %sub3A_162 = vector.broadcast %sub3A_161 : i32 to vector<16xi32>
      %sub3A_163 = arith.subi %select_n3A, %sub3A_162 : vector<16xi32>
      %select_n3A_164 = arith.select %ge3A_160, %sub3A_163, %select_n3A : vector<16xi1>, vector<16xi32>
      %swap3A = arith.index_cast %multiple_of3A : i32 to index
      %swap3A_165 = tpu.vector_load %arg8[%swap3A] {strides = array<i32>} : memref<800xi32, #tpu.memory_space<vmem>>, vector<16xi32>,
      %swap3A_166 = vector.shape_cast %swap3A_165 : vector<16xi32> to vector<16xi32>
      %swap3A_167 = vector.shape_cast %select_n3A_164 : vector<16xi32> to vector<16xi32>
      tpu.vector_store %arg8[%swap3A], %swap3A_167 {strides = array<i32>} : memref<800xi32, #tpu.memory_space<vmem>>, vector<16xi32>,
      %get3A_168 = arith.index_cast %multiple_of3A : i32 to index
      %get3A_169 = tpu.vector_load %arg10[%get3A_168] {strides = array<i32>} : memref<800xi32, #tpu.memory_space<vmem>>, vector<16xi32>,
      %get3A_170 = vector.shape_cast %get3A_169 : vector<16xi32> to vector<16xi32>
      %convert_element_type3A_171 = arith.sitofp %get3A_170 : vector<16xi32> to vector<16xf32>
      %mul3A_172 = arith.constant 9.99999974E-6 : f32
      %mul3A_173 = vector.broadcast %mul3A_172 : f32 to vector<16xf32>
      %mul3A_174 = arith.mulf %convert_element_type3A_171, %mul3A_173 : vector<16xf32>
      %convert_element_type3A_175 = arith.fptosi %mul3A_174 : vector<16xf32> to vector<16xi32>
      %mul3A_176 = arith.constant 100000 : i32
      %mul3A_177 = vector.broadcast %mul3A_176 : i32 to vector<16xi32>
      %mul3A_178 = arith.muli %convert_element_type3A_175, %mul3A_177 : vector<16xi32>
      %sub3A_179 = arith.subi %get3A_170, %mul3A_178 : vector<16xi32>
      %lt3A_180 = arith.constant 0 : i32
      %lt3A_181 = vector.broadcast %lt3A_180 : i32 to vector<16xi32>
      %lt3A_182 = arith.cmpi slt, %sub3A_179, %lt3A_181 : vector<16xi32>
      %add3A_183 = arith.constant 100000 : i32
      %add3A_184 = vector.broadcast %add3A_183 : i32 to vector<16xi32>
      %add3A_185 = arith.addi %sub3A_179, %add3A_184 : vector<16xi32>
      %select_n3A_186 = arith.select %lt3A_182, %add3A_185, %sub3A_179 : vector<16xi1>, vector<16xi32>
      %ge3A_187 = arith.constant 100000 : i32
      %ge3A_188 = vector.broadcast %ge3A_187 : i32 to vector<16xi32>
      %ge3A_189 = arith.cmpi sge, %select_n3A_186, %ge3A_188 : vector<16xi32>
      %sub3A_190 = arith.constant 100000 : i32
      %sub3A_191 = vector.broadcast %sub3A_190 : i32 to vector<16xi32>
      %sub3A_192 = arith.subi %select_n3A_186, %sub3A_191 : vector<16xi32>
      %select_n3A_193 = arith.select %ge3A_189, %sub3A_192, %select_n3A_186 : vector<16xi1>, vector<16xi32>
      %swap3A_194 = arith.index_cast %multiple_of3A : i32 to index
      %swap3A_195 = tpu.vector_load %arg10[%swap3A_194] {strides = array<i32>} : memref<800xi32, #tpu.memory_space<vmem>>, vector<16xi32>,
      %swap3A_196 = vector.shape_cast %swap3A_195 : vector<16xi32> to vector<16xi32>
      %swap3A_197 = vector.shape_cast %select_n3A_193 : vector<16xi32> to vector<16xi32>
      tpu.vector_store %arg10[%swap3A_194], %swap3A_197 {strides = array<i32>} : memref<800xi32, #tpu.memory_space<vmem>>, vector<16xi32>,
      %scan3A_198 = arith.constant 0 : i32
      scf.yield %scan3A_198 : i32
    }
    %scan3A_71 = arith.constant 50 : i32
    %dma_start3A_72 = arith.constant 0 : i32
    %dma_start3A_73 = arith.constant 0 : i32
    %dma_start3A_74 = tpu.memref_slice %arg5[%dma_start3A_72, %dma_start3A_73] : memref<100000x16xi32, #tpu.memory_space<hbm>> -> memref<100000x16xi32, #tpu.memory_space<hbm>>
    tpu.enqueue_indirect_dma source(%dma_start3A_74 : memref<100000x16xi32, #tpu.memory_space<hbm>>) target(%arg12 : memref<800x16xi32, #tpu.memory_space<vmem>>) offsets(%arg8 : memref<800xi32, #tpu.memory_space<vmem>>) semaphore(%arg22 : memref<!tpu.dma_semaphore, #tpu.memory_space<semaphore_mem>>)
    %dma_start3A_75 = arith.constant 0 : i32
    %dma_start3A_76 = arith.constant 0 : i32
    %dma_start3A_77 = tpu.memref_slice %arg5[%dma_start3A_75, %dma_start3A_76] : memref<100000x16xi32, #tpu.memory_space<hbm>> -> memref<100000x16xi32, #tpu.memory_space<hbm>>
    tpu.enqueue_indirect_dma source(%dma_start3A_77 : memref<100000x16xi32, #tpu.memory_space<hbm>>) target(%arg14 : memref<800x16xi32, #tpu.memory_space<vmem>>) offsets(%arg10 : memref<800xi32, #tpu.memory_space<vmem>>) semaphore(%arg24 : memref<!tpu.dma_semaphore, #tpu.memory_space<semaphore_mem>>)
    %scan3A_78 = arith.constant 0 : i32
    %scan3A_79 = arith.constant 0 : i32
    %scan3A_80 = arith.constant 15 : i32
    %scan3A_81 = arith.addi %scan3A_79, %scan3A_80 : i32
    %scan3A_82 = arith.constant 1 : i32
    %scan3A_83 = scf.for %scan3A_141 = %scan3A_79 to %scan3A_81 step %scan3A_82 iter_args(%scan3A_142 = %scan3A_78) -> (i32)  : i32 {
      %mul3A_143 = arith.constant 2 : i32
      %mul3A_144 = arith.muli %scan3A_141, %mul3A_143 : i32
      %mul3A_145 = arith.constant 16 : i32
      %mul3A_146 = arith.muli %mul3A_144, %mul3A_145 : i32
      %add3A_147 = arith.addi %mul3A_2, %mul3A_146 : i32
      %dma_wait3A_148 = arith.constant 0 : i32
      %dma_wait3A_149 = arith.constant 0 : i32
      %dma_wait3A_150 = tpu.memref_slice %arg5[%dma_wait3A_148, %dma_wait3A_149] : memref<100000x16xi32, #tpu.memory_space<hbm>> -> memref<100000x16xi32, #tpu.memory_space<hbm>>
      tpu.wait_indirect_dma semaphore(%arg21 : memref<!tpu.dma_semaphore, #tpu.memory_space<semaphore_mem>>) src(%dma_wait3A_150 : memref<100000x16xi32, #tpu.memory_space<hbm>>) dst(%arg11 : memref<800x16xi32, #tpu.memory_space<vmem>>)
      %dma_wait3A_151 = arith.constant 0 : i32
      %dma_wait3A_152 = arith.constant 0 : i32
      %dma_wait3A_153 = tpu.memref_slice %arg5[%dma_wait3A_151, %dma_wait3A_152] : memref<100000x16xi32, #tpu.memory_space<hbm>> -> memref<100000x16xi32, #tpu.memory_space<hbm>>
      tpu.wait_indirect_dma semaphore(%arg23 : memref<!tpu.dma_semaphore, #tpu.memory_space<semaphore_mem>>) src(%dma_wait3A_153 : memref<100000x16xi32, #tpu.memory_space<hbm>>) dst(%arg13 : memref<800x16xi32, #tpu.memory_space<vmem>>)
      %dma_wait3A_154 = arith.constant 0 : i32
      %dma_wait3A_155 = arith.constant 0 : i32
      %dma_wait3A_156 = tpu.memref_slice %arg15[%dma_wait3A_154, %dma_wait3A_155] : memref<16x80xf32, #tpu.memory_space<vmem>> -> memref<16x16xf32, #tpu.memory_space<vmem>>
      %dma_wait3A_157 = arith.constant 0 : i32
      %dma_wait3A_158 = arith.constant 0 : i32
      %dma_wait3A_159 = tpu.memref_slice %arg2[%dma_wait3A_157, %dma_wait3A_158] : memref<16384x16xf32, #tpu.memory_space<hbm>> -> memref<16x16xf32, #tpu.memory_space<hbm>>
      %dma_wait3A_160 = arith.constant 0 : i32
      %dma_wait3A_161 = arith.constant 0 : i32
      %dma_wait3A_162 = tpu.memref_slice %arg15[%dma_wait3A_160, %dma_wait3A_161] : memref<16x80xf32, #tpu.memory_space<vmem>> -> memref<16x16xf32, #tpu.memory_space<vmem>>
      %dma_wait3A_163 = arith.constant 0 : i32
      %dma_wait3A_164 = arith.constant 0 : i32
      %dma_wait3A_165 = tpu.memref_slice %arg2[%dma_wait3A_163, %dma_wait3A_164] : memref<16384x16xf32, #tpu.memory_space<hbm>> -> memref<16x16xf32, #tpu.memory_space<hbm>>
      tpu.wait_dma2 semaphore(%arg25 : memref<!tpu.dma_semaphore, #tpu.memory_space<semaphore_mem>>) src(%dma_wait3A_165 : memref<16x16xf32, #tpu.memory_space<hbm>>) dst(%dma_wait3A_162 : memref<16x16xf32, #tpu.memory_space<vmem>>)
      %scan3A_166 = arith.constant 0.00999999977 : f32
      %scan3A_167 = arith.constant 0 : i32
      %scan3A_168 = arith.constant 0 : i32
      %scan3A_169 = arith.constant 16 : i32
      %scan3A_170 = arith.addi %scan3A_168, %scan3A_169 : i32
      %scan3A_171 = arith.constant 1 : i32
      %scan3A_172 = scf.for %scan3A_294 = %scan3A_168 to %scan3A_170 step %scan3A_171 iter_args(%scan3A_295 = %scan3A_167) -> (i32)  : i32 {
        %mul3A_296 = arith.constant 50 : i32
        %mul3A_297 = arith.muli %scan3A_294, %mul3A_296 : i32
        %broadcast_in_dim3A = arith.constant 0.000000e+00 : f32
        %broadcast_in_dim3A_298 = vector.broadcast %broadcast_in_dim3A : f32 to vector<16xf32>
        %broadcast_in_dim3A_299 = arith.constant -65536 : i32
        %broadcast_in_dim3A_300 = vector.broadcast %broadcast_in_dim3A_299 : i32 to vector<16xi32>
        %scan3A_301 = arith.constant 0 : i32
        %scan3A_302 = arith.constant 10 : i32
        %scan3A_303 = arith.addi %scan3A_301, %scan3A_302 : i32
        %scan3A_304 = arith.constant 1 : i32
        %scan3A_305:2 = scf.for %scan3A_347 = %scan3A_301 to %scan3A_303 step %scan3A_304 iter_args(%scan3A_348 = %broadcast_in_dim3A_298, %scan3A_349 = %broadcast_in_dim3A_298) -> (vector<16xf32>, vector<16xf32>)  : i32 {
          %mul3A_350 = arith.constant 5 : i32
          %mul3A_351 = arith.muli %scan3A_347, %mul3A_350 : i32
          %add3A_352 = arith.addi %mul3A_297, %mul3A_351 : i32
          %add3A_353 = arith.constant 0 : i32
          %add3A_354 = arith.addi %add3A_352, %add3A_353 : i32
          %get3A = arith.index_cast %add3A_354 : i32 to index
          %get3A_355 = arith.constant 0 : index
          %get3A_356 = tpu.vector_load %arg11[%get3A, %get3A_355] {strides = array<i32>} : memref<800x16xi32, #tpu.memory_space<vmem>>, vector<1x16xi32>,
          %get3A_357 = vector.shape_cast %get3A_356 : vector<1x16xi32> to vector<16xi32>
          %shift_left3A = arith.constant 16 : i32
          %shift_left3A_358 = vector.broadcast %shift_left3A : i32 to vector<16xi32>
          %shift_left3A_359 = arith.shli %get3A_357, %shift_left3A_358 : vector<16xi32>
          %bitcast_convert_type3A = tpu.bitcast %shift_left3A_359 : vector<16xi32> -> vector<16xf32>
          %and3A = arith.andi %get3A_357, %broadcast_in_dim3A_300 : vector<16xi32>
          %bitcast_convert_type3A_360 = tpu.bitcast %and3A : vector<16xi32> -> vector<16xf32>
          %add3A_361 = arith.addf %scan3A_348, %bitcast_convert_type3A : vector<16xf32>
          %add3A_362 = arith.addf %scan3A_349, %bitcast_convert_type3A_360 : vector<16xf32>
          %mul3A_363 = arith.constant 5 : i32
          %mul3A_364 = arith.muli %scan3A_347, %mul3A_363 : i32
          %add3A_365 = arith.addi %mul3A_297, %mul3A_364 : i32
          %add3A_366 = arith.constant 1 : i32
          %add3A_367 = arith.addi %add3A_365, %add3A_366 : i32
          %get3A_368 = arith.index_cast %add3A_367 : i32 to index
          %get3A_369 = arith.constant 0 : index
          %get3A_370 = tpu.vector_load %arg11[%get3A_368, %get3A_369] {strides = array<i32>} : memref<800x16xi32, #tpu.memory_space<vmem>>, vector<1x16xi32>,
          %get3A_371 = vector.shape_cast %get3A_370 : vector<1x16xi32> to vector<16xi32>
          %shift_left3A_372 = arith.constant 16 : i32
          %shift_left3A_373 = vector.broadcast %shift_left3A_372 : i32 to vector<16xi32>
          %shift_left3A_374 = arith.shli %get3A_371, %shift_left3A_373 : vector<16xi32>
          %bitcast_convert_type3A_375 = tpu.bitcast %shift_left3A_374 : vector<16xi32> -> vector<16xf32>
          %and3A_376 = arith.andi %get3A_371, %broadcast_in_dim3A_300 : vector<16xi32>
          %bitcast_convert_type3A_377 = tpu.bitcast %and3A_376 : vector<16xi32> -> vector<16xf32>
          %add3A_378 = arith.addf %add3A_361, %bitcast_convert_type3A_375 : vector<16xf32>
          %add3A_379 = arith.addf %add3A_362, %bitcast_convert_type3A_377 : vector<16xf32>
          %mul3A_380 = arith.constant 5 : i32
          %mul3A_381 = arith.muli %scan3A_347, %mul3A_380 : i32
          %add3A_382 = arith.addi %mul3A_297, %mul3A_381 : i32
          %add3A_383 = arith.constant 2 : i32
          %add3A_384 = arith.addi %add3A_382, %add3A_383 : i32
          %get3A_385 = arith.index_cast %add3A_384 : i32 to index
          %get3A_386 = arith.constant 0 : index
          %get3A_387 = tpu.vector_load %arg11[%get3A_385, %get3A_386] {strides = array<i32>} : memref<800x16xi32, #tpu.memory_space<vmem>>, vector<1x16xi32>,
          %get3A_388 = vector.shape_cast %get3A_387 : vector<1x16xi32> to vector<16xi32>
          %shift_left3A_389 = arith.constant 16 : i32
          %shift_left3A_390 = vector.broadcast %shift_left3A_389 : i32 to vector<16xi32>
          %shift_left3A_391 = arith.shli %get3A_388, %shift_left3A_390 : vector<16xi32>
          %bitcast_convert_type3A_392 = tpu.bitcast %shift_left3A_391 : vector<16xi32> -> vector<16xf32>
          %and3A_393 = arith.andi %get3A_388, %broadcast_in_dim3A_300 : vector<16xi32>
          %bitcast_convert_type3A_394 = tpu.bitcast %and3A_393 : vector<16xi32> -> vector<16xf32>
          %add3A_395 = arith.addf %add3A_378, %bitcast_convert_type3A_392 : vector<16xf32>
          %add3A_396 = arith.addf %add3A_379, %bitcast_convert_type3A_394 : vector<16xf32>
          %mul3A_397 = arith.constant 5 : i32
          %mul3A_398 = arith.muli %scan3A_347, %mul3A_397 : i32
          %add3A_399 = arith.addi %mul3A_297, %mul3A_398 : i32
          %add3A_400 = arith.constant 3 : i32
          %add3A_401 = arith.addi %add3A_399, %add3A_400 : i32
          %get3A_402 = arith.index_cast %add3A_401 : i32 to index
          %get3A_403 = arith.constant 0 : index
          %get3A_404 = tpu.vector_load %arg11[%get3A_402, %get3A_403] {strides = array<i32>} : memref<800x16xi32, #tpu.memory_space<vmem>>, vector<1x16xi32>,
          %get3A_405 = vector.shape_cast %get3A_404 : vector<1x16xi32> to vector<16xi32>
          %shift_left3A_406 = arith.constant 16 : i32
          %shift_left3A_407 = vector.broadcast %shift_left3A_406 : i32 to vector<16xi32>
          %shift_left3A_408 = arith.shli %get3A_405, %shift_left3A_407 : vector<16xi32>
          %bitcast_convert_type3A_409 = tpu.bitcast %shift_left3A_408 : vector<16xi32> -> vector<16xf32>
          %and3A_410 = arith.andi %get3A_405, %broadcast_in_dim3A_300 : vector<16xi32>
          %bitcast_convert_type3A_411 = tpu.bitcast %and3A_410 : vector<16xi32> -> vector<16xf32>
          %add3A_412 = arith.addf %add3A_395, %bitcast_convert_type3A_409 : vector<16xf32>
          %add3A_413 = arith.addf %add3A_396, %bitcast_convert_type3A_411 : vector<16xf32>
          %mul3A_414 = arith.constant 5 : i32
          %mul3A_415 = arith.muli %scan3A_347, %mul3A_414 : i32
          %add3A_416 = arith.addi %mul3A_297, %mul3A_415 : i32
          %add3A_417 = arith.constant 4 : i32
          %add3A_418 = arith.addi %add3A_416, %add3A_417 : i32
          %get3A_419 = arith.index_cast %add3A_418 : i32 to index
          %get3A_420 = arith.constant 0 : index
          %get3A_421 = tpu.vector_load %arg11[%get3A_419, %get3A_420] {strides = array<i32>} : memref<800x16xi32, #tpu.memory_space<vmem>>, vector<1x16xi32>,
          %get3A_422 = vector.shape_cast %get3A_421 : vector<1x16xi32> to vector<16xi32>
          %shift_left3A_423 = arith.constant 16 : i32
          %shift_left3A_424 = vector.broadcast %shift_left3A_423 : i32 to vector<16xi32>
          %shift_left3A_425 = arith.shli %get3A_422, %shift_left3A_424 : vector<16xi32>
          %bitcast_convert_type3A_426 = tpu.bitcast %shift_left3A_425 : vector<16xi32> -> vector<16xf32>
          %and3A_427 = arith.andi %get3A_422, %broadcast_in_dim3A_300 : vector<16xi32>
          %bitcast_convert_type3A_428 = tpu.bitcast %and3A_427 : vector<16xi32> -> vector<16xf32>
          %add3A_429 = arith.addf %add3A_412, %bitcast_convert_type3A_426 : vector<16xf32>
          %add3A_430 = arith.addf %add3A_413, %bitcast_convert_type3A_428 : vector<16xf32>
          scf.yield %add3A_429, %add3A_430 : vector<16xf32>, vector<16xf32>
        }
        %scan3A_306 = arith.constant 10 : i32
        %mul3A_307 = arith.constant 50 : i32
        %mul3A_308 = arith.muli %scan3A_294, %mul3A_307 : i32
        %broadcast_in_dim3A_309 = arith.constant 0.000000e+00 : f32
        %broadcast_in_dim3A_310 = vector.broadcast %broadcast_in_dim3A_309 : f32 to vector<16xf32>
        %broadcast_in_dim3A_311 = arith.constant -65536 : i32
        %broadcast_in_dim3A_312 = vector.broadcast %broadcast_in_dim3A_311 : i32 to vector<16xi32>
        %scan3A_313 = arith.constant 0 : i32
        %scan3A_314 = arith.constant 10 : i32
        %scan3A_315 = arith.addi %scan3A_313, %scan3A_314 : i32
        %scan3A_316 = arith.constant 1 : i32
        %scan3A_317:2 = scf.for %scan3A_347 = %scan3A_313 to %scan3A_315 step %scan3A_316 iter_args(%scan3A_348 = %broadcast_in_dim3A_310, %scan3A_349 = %broadcast_in_dim3A_310) -> (vector<16xf32>, vector<16xf32>)  : i32 {
          %mul3A_350 = arith.constant 5 : i32
          %mul3A_351 = arith.muli %scan3A_347, %mul3A_350 : i32
          %add3A_352 = arith.addi %mul3A_308, %mul3A_351 : i32
          %add3A_353 = arith.constant 0 : i32
          %add3A_354 = arith.addi %add3A_352, %add3A_353 : i32
          %get3A = arith.index_cast %add3A_354 : i32 to index
          %get3A_355 = arith.constant 0 : index
          %get3A_356 = tpu.vector_load %arg13[%get3A, %get3A_355] {strides = array<i32>} : memref<800x16xi32, #tpu.memory_space<vmem>>, vector<1x16xi32>,
          %get3A_357 = vector.shape_cast %get3A_356 : vector<1x16xi32> to vector<16xi32>
          %shift_left3A = arith.constant 16 : i32
          %shift_left3A_358 = vector.broadcast %shift_left3A : i32 to vector<16xi32>
          %shift_left3A_359 = arith.shli %get3A_357, %shift_left3A_358 : vector<16xi32>
          %bitcast_convert_type3A = tpu.bitcast %shift_left3A_359 : vector<16xi32> -> vector<16xf32>
          %and3A = arith.andi %get3A_357, %broadcast_in_dim3A_312 : vector<16xi32>
          %bitcast_convert_type3A_360 = tpu.bitcast %and3A : vector<16xi32> -> vector<16xf32>
          %add3A_361 = arith.addf %scan3A_348, %bitcast_convert_type3A : vector<16xf32>
          %add3A_362 = arith.addf %scan3A_349, %bitcast_convert_type3A_360 : vector<16xf32>
          %mul3A_363 = arith.constant 5 : i32
          %mul3A_364 = arith.muli %scan3A_347, %mul3A_363 : i32
          %add3A_365 = arith.addi %mul3A_308, %mul3A_364 : i32
          %add3A_366 = arith.constant 1 : i32
          %add3A_367 = arith.addi %add3A_365, %add3A_366 : i32
          %get3A_368 = arith.index_cast %add3A_367 : i32 to index
          %get3A_369 = arith.constant 0 : index
          %get3A_370 = tpu.vector_load %arg13[%get3A_368, %get3A_369] {strides = array<i32>} : memref<800x16xi32, #tpu.memory_space<vmem>>, vector<1x16xi32>,
          %get3A_371 = vector.shape_cast %get3A_370 : vector<1x16xi32> to vector<16xi32>
          %shift_left3A_372 = arith.constant 16 : i32
          %shift_left3A_373 = vector.broadcast %shift_left3A_372 : i32 to vector<16xi32>
          %shift_left3A_374 = arith.shli %get3A_371, %shift_left3A_373 : vector<16xi32>
          %bitcast_convert_type3A_375 = tpu.bitcast %shift_left3A_374 : vector<16xi32> -> vector<16xf32>
          %and3A_376 = arith.andi %get3A_371, %broadcast_in_dim3A_312 : vector<16xi32>
          %bitcast_convert_type3A_377 = tpu.bitcast %and3A_376 : vector<16xi32> -> vector<16xf32>
          %add3A_378 = arith.addf %add3A_361, %bitcast_convert_type3A_375 : vector<16xf32>
          %add3A_379 = arith.addf %add3A_362, %bitcast_convert_type3A_377 : vector<16xf32>
          %mul3A_380 = arith.constant 5 : i32
          %mul3A_381 = arith.muli %scan3A_347, %mul3A_380 : i32
          %add3A_382 = arith.addi %mul3A_308, %mul3A_381 : i32
          %add3A_383 = arith.constant 2 : i32
          %add3A_384 = arith.addi %add3A_382, %add3A_383 : i32
          %get3A_385 = arith.index_cast %add3A_384 : i32 to index
          %get3A_386 = arith.constant 0 : index
          %get3A_387 = tpu.vector_load %arg13[%get3A_385, %get3A_386] {strides = array<i32>} : memref<800x16xi32, #tpu.memory_space<vmem>>, vector<1x16xi32>,
          %get3A_388 = vector.shape_cast %get3A_387 : vector<1x16xi32> to vector<16xi32>
          %shift_left3A_389 = arith.constant 16 : i32
          %shift_left3A_390 = vector.broadcast %shift_left3A_389 : i32 to vector<16xi32>
          %shift_left3A_391 = arith.shli %get3A_388, %shift_left3A_390 : vector<16xi32>
          %bitcast_convert_type3A_392 = tpu.bitcast %shift_left3A_391 : vector<16xi32> -> vector<16xf32>
          %and3A_393 = arith.andi %get3A_388, %broadcast_in_dim3A_312 : vector<16xi32>
          %bitcast_convert_type3A_394 = tpu.bitcast %and3A_393 : vector<16xi32> -> vector<16xf32>
          %add3A_395 = arith.addf %add3A_378, %bitcast_convert_type3A_392 : vector<16xf32>
          %add3A_396 = arith.addf %add3A_379, %bitcast_convert_type3A_394 : vector<16xf32>
          %mul3A_397 = arith.constant 5 : i32
          %mul3A_398 = arith.muli %scan3A_347, %mul3A_397 : i32
          %add3A_399 = arith.addi %mul3A_308, %mul3A_398 : i32
          %add3A_400 = arith.constant 3 : i32
          %add3A_401 = arith.addi %add3A_399, %add3A_400 : i32
          %get3A_402 = arith.index_cast %add3A_401 : i32 to index
          %get3A_403 = arith.constant 0 : index
          %get3A_404 = tpu.vector_load %arg13[%get3A_402, %get3A_403] {strides = array<i32>} : memref<800x16xi32, #tpu.memory_space<vmem>>, vector<1x16xi32>,
          %get3A_405 = vector.shape_cast %get3A_404 : vector<1x16xi32> to vector<16xi32>
          %shift_left3A_406 = arith.constant 16 : i32
          %shift_left3A_407 = vector.broadcast %shift_left3A_406 : i32 to vector<16xi32>
          %shift_left3A_408 = arith.shli %get3A_405, %shift_left3A_407 : vector<16xi32>
          %bitcast_convert_type3A_409 = tpu.bitcast %shift_left3A_408 : vector<16xi32> -> vector<16xf32>
          %and3A_410 = arith.andi %get3A_405, %broadcast_in_dim3A_312 : vector<16xi32>
          %bitcast_convert_type3A_411 = tpu.bitcast %and3A_410 : vector<16xi32> -> vector<16xf32>
          %add3A_412 = arith.addf %add3A_395, %bitcast_convert_type3A_409 : vector<16xf32>
          %add3A_413 = arith.addf %add3A_396, %bitcast_convert_type3A_411 : vector<16xf32>
          %mul3A_414 = arith.constant 5 : i32
          %mul3A_415 = arith.muli %scan3A_347, %mul3A_414 : i32
          %add3A_416 = arith.addi %mul3A_308, %mul3A_415 : i32
          %add3A_417 = arith.constant 4 : i32
          %add3A_418 = arith.addi %add3A_416, %add3A_417 : i32
          %get3A_419 = arith.index_cast %add3A_418 : i32 to index
          %get3A_420 = arith.constant 0 : index
          %get3A_421 = tpu.vector_load %arg13[%get3A_419, %get3A_420] {strides = array<i32>} : memref<800x16xi32, #tpu.memory_space<vmem>>, vector<1x16xi32>,
          %get3A_422 = vector.shape_cast %get3A_421 : vector<1x16xi32> to vector<16xi32>
          %shift_left3A_423 = arith.constant 16 : i32
          %shift_left3A_424 = vector.broadcast %shift_left3A_423 : i32 to vector<16xi32>
          %shift_left3A_425 = arith.shli %get3A_422, %shift_left3A_424 : vector<16xi32>
          %bitcast_convert_type3A_426 = tpu.bitcast %shift_left3A_425 : vector<16xi32> -> vector<16xf32>
          %and3A_427 = arith.andi %get3A_422, %broadcast_in_dim3A_312 : vector<16xi32>
          %bitcast_convert_type3A_428 = tpu.bitcast %and3A_427 : vector<16xi32> -> vector<16xf32>
          %add3A_429 = arith.addf %add3A_412, %bitcast_convert_type3A_426 : vector<16xf32>
          %add3A_430 = arith.addf %add3A_413, %bitcast_convert_type3A_428 : vector<16xf32>
          scf.yield %add3A_429, %add3A_430 : vector<16xf32>, vector<16xf32>
        }
        %scan3A_318 = arith.constant 10 : i32
        %mul3A_319 = vector.broadcast %scan3A_166 : f32 to vector<16xf32>
        %mul3A_320 = arith.mulf %scan3A_305#0, %mul3A_319 : vector<16xf32>
        %swap3A = arith.index_cast %scan3A_294 : i32 to index
        %swap3A_321 = arith.constant 16 : index
        %swap3A_322 = tpu.vector_load %arg15[%swap3A, %swap3A_321] {strides = array<i32>} : memref<16x80xf32, #tpu.memory_space<vmem>>, vector<1x16xf32>,
        %swap3A_323 = vector.shape_cast %swap3A_322 : vector<1x16xf32> to vector<16xf32>
        %swap3A_324 = vector.shape_cast %mul3A_320 : vector<16xf32> to vector<1x16xf32>
        tpu.vector_store %arg15[%swap3A, %swap3A_321], %swap3A_324 {strides = array<i32>} : memref<16x80xf32, #tpu.memory_space<vmem>>, vector<1x16xf32>,
        %mul3A_325 = vector.broadcast %scan3A_166 : f32 to vector<16xf32>
        %mul3A_326 = arith.mulf %scan3A_305#1, %mul3A_325 : vector<16xf32>
        %swap3A_327 = arith.index_cast %scan3A_294 : i32 to index
        %swap3A_328 = arith.constant 32 : index
        %swap3A_329 = tpu.vector_load %arg15[%swap3A_327, %swap3A_328] {strides = array<i32>} : memref<16x80xf32, #tpu.memory_space<vmem>>, vector<1x16xf32>,
        %swap3A_330 = vector.shape_cast %swap3A_329 : vector<1x16xf32> to vector<16xf32>
        %swap3A_331 = vector.shape_cast %mul3A_326 : vector<16xf32> to vector<1x16xf32>
        tpu.vector_store %arg15[%swap3A_327, %swap3A_328], %swap3A_331 {strides = array<i32>} : memref<16x80xf32, #tpu.memory_space<vmem>>, vector<1x16xf32>,
        %mul3A_332 = vector.broadcast %scan3A_166 : f32 to vector<16xf32>
        %mul3A_333 = arith.mulf %scan3A_317#0, %mul3A_332 : vector<16xf32>
        %swap3A_334 = arith.index_cast %scan3A_294 : i32 to index
        %swap3A_335 = arith.constant 48 : index
        %swap3A_336 = tpu.vector_load %arg15[%swap3A_334, %swap3A_335] {strides = array<i32>} : memref<16x80xf32, #tpu.memory_space<vmem>>, vector<1x16xf32>,
        %swap3A_337 = vector.shape_cast %swap3A_336 : vector<1x16xf32> to vector<16xf32>
        %swap3A_338 = vector.shape_cast %mul3A_333 : vector<16xf32> to vector<1x16xf32>
        tpu.vector_store %arg15[%swap3A_334, %swap3A_335], %swap3A_338 {strides = array<i32>} : memref<16x80xf32, #tpu.memory_space<vmem>>, vector<1x16xf32>,
        %mul3A_339 = vector.broadcast %scan3A_166 : f32 to vector<16xf32>
        %mul3A_340 = arith.mulf %scan3A_317#1, %mul3A_339 : vector<16xf32>
        %swap3A_341 = arith.index_cast %scan3A_294 : i32 to index
        %swap3A_342 = arith.constant 64 : index
        %swap3A_343 = tpu.vector_load %arg15[%swap3A_341, %swap3A_342] {strides = array<i32>} : memref<16x80xf32, #tpu.memory_space<vmem>>, vector<1x16xf32>,
        %swap3A_344 = vector.shape_cast %swap3A_343 : vector<1x16xf32> to vector<16xf32>
        %swap3A_345 = vector.shape_cast %mul3A_340 : vector<16xf32> to vector<1x16xf32>
        tpu.vector_store %arg15[%swap3A_341, %swap3A_342], %swap3A_345 {strides = array<i32>} : memref<16x80xf32, #tpu.memory_space<vmem>>, vector<1x16xf32>,
        %scan3A_346 = arith.constant 0 : i32
        scf.yield %scan3A_346 : i32
      }
      %scan3A_173 = arith.constant 16 : i32
      "tpu.region"() ({
        %run_scoped3A = tpu.sem_alloc : memref<!tpu.dma_semaphore, #tpu.memory_space<semaphore_mem>>
        %dma_start3A_294 = arith.constant 0 : i32
        %dma_start3A_295 = tpu.memref_slice %arg6[%add3A_147, %dma_start3A_294] : memref<16384x80xf32, #tpu.memory_space<hbm>> -> memref<16x80xf32, #tpu.memory_space<hbm>>
        %dma_start3A_296 = arith.constant 0 : i32
        %dma_start3A_297 = tpu.memref_slice %arg6[%add3A_147, %dma_start3A_296] : memref<16384x80xf32, #tpu.memory_space<hbm>> -> memref<16x80xf32, #tpu.memory_space<hbm>>
        tpu.enqueue_dma source(%arg15 : memref<16x80xf32, #tpu.memory_space<vmem>>) target(%dma_start3A_297 : memref<16x80xf32, #tpu.memory_space<hbm>>) target_semaphore(%run_scoped3A : memref<!tpu.dma_semaphore, #tpu.memory_space<semaphore_mem>>)
        %dma_wait3A_298 = arith.constant 0 : i32
        %dma_wait3A_299 = tpu.memref_slice %arg6[%add3A_147, %dma_wait3A_298] : memref<16384x80xf32, #tpu.memory_space<hbm>> -> memref<16x80xf32, #tpu.memory_space<hbm>>
        %dma_wait3A_300 = arith.constant 0 : i32
        %dma_wait3A_301 = tpu.memref_slice %arg6[%add3A_147, %dma_wait3A_300] : memref<16384x80xf32, #tpu.memory_space<hbm>> -> memref<16x80xf32, #tpu.memory_space<hbm>>
        tpu.wait_dma2 semaphore(%run_scoped3A : memref<!tpu.dma_semaphore, #tpu.memory_space<semaphore_mem>>) src(%arg15 : memref<16x80xf32, #tpu.memory_space<vmem>>) dst(%dma_wait3A_301 : memref<16x80xf32, #tpu.memory_space<hbm>>)
        tpu.yield
      }) : () -> ()
      %add3A_174 = arith.constant 2 : i32
      %add3A_175 = arith.addi %mul3A_144, %add3A_174 : i32
      %mul3A_176 = arith.constant 16 : i32
      %mul3A_177 = arith.muli %add3A_175, %mul3A_176 : i32
      %add3A_178 = arith.addi %mul3A_2, %mul3A_177 : i32
      %mul3A_179 = arith.constant 50 : i32
      %mul3A_180 = arith.muli %add3A_178, %mul3A_179 : i32
      %dma_start3A_181 = tpu.memref_slice %arg3[%mul3A_180] : memref<819200xi32, #tpu.memory_space<hbm>> -> memref<800xi32, #tpu.memory_space<hbm>>
      %dma_start3A_182 = tpu.memref_slice %arg3[%mul3A_180] : memref<819200xi32, #tpu.memory_space<hbm>> -> memref<800xi32, #tpu.memory_space<hbm>>
      tpu.enqueue_dma source(%dma_start3A_182 : memref<800xi32, #tpu.memory_space<hbm>>) target(%arg7 : memref<800xi32, #tpu.memory_space<vmem>>) target_semaphore(%arg17 : memref<!tpu.dma_semaphore, #tpu.memory_space<semaphore_mem>>)
      %dma_start3A_183 = tpu.memref_slice %arg4[%mul3A_180] : memref<819200xi32, #tpu.memory_space<hbm>> -> memref<800xi32, #tpu.memory_space<hbm>>
      %dma_start3A_184 = tpu.memref_slice %arg4[%mul3A_180] : memref<819200xi32, #tpu.memory_space<hbm>> -> memref<800xi32, #tpu.memory_space<hbm>>
      tpu.enqueue_dma source(%dma_start3A_184 : memref<800xi32, #tpu.memory_space<hbm>>) target(%arg9 : memref<800xi32, #tpu.memory_space<vmem>>) target_semaphore(%arg19 : memref<!tpu.dma_semaphore, #tpu.memory_space<semaphore_mem>>)
      %dma_start3A_185 = arith.constant 0 : i32
      %dma_start3A_186 = arith.constant 0 : i32
      %dma_start3A_187 = tpu.memref_slice %arg15[%dma_start3A_185, %dma_start3A_186] : memref<16x80xf32, #tpu.memory_space<vmem>> -> memref<16x16xf32, #tpu.memory_space<vmem>>
      %dma_start3A_188 = arith.constant 0 : i32
      %dma_start3A_189 = tpu.memref_slice %arg2[%add3A_178, %dma_start3A_188] : memref<16384x16xf32, #tpu.memory_space<hbm>> -> memref<16x16xf32, #tpu.memory_space<hbm>>
      %dma_start3A_190 = arith.constant 0 : i32
      %dma_start3A_191 = arith.constant 0 : i32
      %dma_start3A_192 = tpu.memref_slice %arg15[%dma_start3A_190, %dma_start3A_191] : memref<16x80xf32, #tpu.memory_space<vmem>> -> memref<16x16xf32, #tpu.memory_space<vmem>>
      %dma_start3A_193 = arith.constant 0 : i32
      %dma_start3A_194 = tpu.memref_slice %arg2[%add3A_178, %dma_start3A_193] : memref<16384x16xf32, #tpu.memory_space<hbm>> -> memref<16x16xf32, #tpu.memory_space<hbm>>
      tpu.enqueue_dma source(%dma_start3A_194 : memref<16x16xf32, #tpu.memory_space<hbm>>) target(%dma_start3A_192 : memref<16x16xf32, #tpu.memory_space<vmem>>) target_semaphore(%arg25 : memref<!tpu.dma_semaphore, #tpu.memory_space<semaphore_mem>>)
      %add3A_195 = arith.constant 2 : i32
      %add3A_196 = arith.addi %mul3A_144, %add3A_195 : i32
      %dma_wait3A_197 = arith.constant 0 : i32
      %dma_wait3A_198 = tpu.memref_slice %arg3[%dma_wait3A_197] : memref<819200xi32, #tpu.memory_space<hbm>> -> memref<800xi32, #tpu.memory_space<hbm>>
      %dma_wait3A_199 = arith.constant 0 : i32
      %dma_wait3A_200 = tpu.memref_slice %arg3[%dma_wait3A_199] : memref<819200xi32, #tpu.memory_space<hbm>> -> memref<800xi32, #tpu.memory_space<hbm>>
      tpu.wait_dma2 semaphore(%arg17 : memref<!tpu.dma_semaphore, #tpu.memory_space<semaphore_mem>>) src(%dma_wait3A_200 : memref<800xi32, #tpu.memory_space<hbm>>) dst(%arg7 : memref<800xi32, #tpu.memory_space<vmem>>)
      %dma_wait3A_201 = arith.constant 0 : i32
      %dma_wait3A_202 = tpu.memref_slice %arg4[%dma_wait3A_201] : memref<819200xi32, #tpu.memory_space<hbm>> -> memref<800xi32, #tpu.memory_space<hbm>>
      %dma_wait3A_203 = arith.constant 0 : i32
      %dma_wait3A_204 = tpu.memref_slice %arg4[%dma_wait3A_203] : memref<819200xi32, #tpu.memory_space<hbm>> -> memref<800xi32, #tpu.memory_space<hbm>>
      tpu.wait_dma2 semaphore(%arg19 : memref<!tpu.dma_semaphore, #tpu.memory_space<semaphore_mem>>) src(%dma_wait3A_204 : memref<800xi32, #tpu.memory_space<hbm>>) dst(%arg9 : memref<800xi32, #tpu.memory_space<vmem>>)
      %scan3A_205 = arith.constant 0 : i32
      %scan3A_206 = arith.constant 0 : i32
      %scan3A_207 = arith.constant 50 : i32
      %scan3A_208 = arith.addi %scan3A_206, %scan3A_207 : i32
      %scan3A_209 = arith.constant 1 : i32
      %scan3A_210 = scf.for %scan3A_294 = %scan3A_206 to %scan3A_208 step %scan3A_209 iter_args(%scan3A_295 = %scan3A_205) -> (i32)  : i32 {
        %mul3A_296 = arith.constant 16 : i32
        %mul3A_297 = arith.muli %scan3A_294, %mul3A_296 : i32
        %multiple_of3A = tpu.assume_multiple %mul3A_297, 8 : i32
        %get3A = arith.index_cast %multiple_of3A : i32 to index
        %get3A_298 = tpu.vector_load %arg7[%get3A] {strides = array<i32>} : memref<800xi32, #tpu.memory_space<vmem>>, vector<16xi32>,
        %get3A_299 = vector.shape_cast %get3A_298 : vector<16xi32> to vector<16xi32>
        %convert_element_type3A = arith.sitofp %get3A_299 : vector<16xi32> to vector<16xf32>
        %mul3A_300 = arith.constant 9.99999974E-6 : f32
        %mul3A_301 = vector.broadcast %mul3A_300 : f32 to vector<16xf32>
        %mul3A_302 = arith.mulf %convert_element_type3A, %mul3A_301 : vector<16xf32>
        %convert_element_type3A_303 = arith.fptosi %mul3A_302 : vector<16xf32> to vector<16xi32>
        %mul3A_304 = arith.constant 100000 : i32
        %mul3A_305 = vector.broadcast %mul3A_304 : i32 to vector<16xi32>
        %mul3A_306 = arith.muli %convert_element_type3A_303, %mul3A_305 : vector<16xi32>
        %sub3A = arith.subi %get3A_299, %mul3A_306 : vector<16xi32>
        %lt3A = arith.constant 0 : i32
        %lt3A_307 = vector.broadcast %lt3A : i32 to vector<16xi32>
        %lt3A_308 = arith.cmpi slt, %sub3A, %lt3A_307 : vector<16xi32>
        %add3A_309 = arith.constant 100000 : i32
        %add3A_310 = vector.broadcast %add3A_309 : i32 to vector<16xi32>
        %add3A_311 = arith.addi %sub3A, %add3A_310 : vector<16xi32>
        %select_n3A = arith.select %lt3A_308, %add3A_311, %sub3A : vector<16xi1>, vector<16xi32>
        %ge3A = arith.constant 100000 : i32
        %ge3A_312 = vector.broadcast %ge3A : i32 to vector<16xi32>
        %ge3A_313 = arith.cmpi sge, %select_n3A, %ge3A_312 : vector<16xi32>
        %sub3A_314 = arith.constant 100000 : i32
        %sub3A_315 = vector.broadcast %sub3A_314 : i32 to vector<16xi32>
        %sub3A_316 = arith.subi %select_n3A, %sub3A_315 : vector<16xi32>
        %select_n3A_317 = arith.select %ge3A_313, %sub3A_316, %select_n3A : vector<16xi1>, vector<16xi32>
        %swap3A = arith.index_cast %multiple_of3A : i32 to index
        %swap3A_318 = tpu.vector_load %arg7[%swap3A] {strides = array<i32>} : memref<800xi32, #tpu.memory_space<vmem>>, vector<16xi32>,
        %swap3A_319 = vector.shape_cast %swap3A_318 : vector<16xi32> to vector<16xi32>
        %swap3A_320 = vector.shape_cast %select_n3A_317 : vector<16xi32> to vector<16xi32>
        tpu.vector_store %arg7[%swap3A], %swap3A_320 {strides = array<i32>} : memref<800xi32, #tpu.memory_space<vmem>>, vector<16xi32>,
        %get3A_321 = arith.index_cast %multiple_of3A : i32 to index
        %get3A_322 = tpu.vector_load %arg9[%get3A_321] {strides = array<i32>} : memref<800xi32, #tpu.memory_space<vmem>>, vector<16xi32>,
        %get3A_323 = vector.shape_cast %get3A_322 : vector<16xi32> to vector<16xi32>
        %convert_element_type3A_324 = arith.sitofp %get3A_323 : vector<16xi32> to vector<16xf32>
        %mul3A_325 = arith.constant 9.99999974E-6 : f32
        %mul3A_326 = vector.broadcast %mul3A_325 : f32 to vector<16xf32>
        %mul3A_327 = arith.mulf %convert_element_type3A_324, %mul3A_326 : vector<16xf32>
        %convert_element_type3A_328 = arith.fptosi %mul3A_327 : vector<16xf32> to vector<16xi32>
        %mul3A_329 = arith.constant 100000 : i32
        %mul3A_330 = vector.broadcast %mul3A_329 : i32 to vector<16xi32>
        %mul3A_331 = arith.muli %convert_element_type3A_328, %mul3A_330 : vector<16xi32>
        %sub3A_332 = arith.subi %get3A_323, %mul3A_331 : vector<16xi32>
        %lt3A_333 = arith.constant 0 : i32
        %lt3A_334 = vector.broadcast %lt3A_333 : i32 to vector<16xi32>
        %lt3A_335 = arith.cmpi slt, %sub3A_332, %lt3A_334 : vector<16xi32>
        %add3A_336 = arith.constant 100000 : i32
        %add3A_337 = vector.broadcast %add3A_336 : i32 to vector<16xi32>
        %add3A_338 = arith.addi %sub3A_332, %add3A_337 : vector<16xi32>
        %select_n3A_339 = arith.select %lt3A_335, %add3A_338, %sub3A_332 : vector<16xi1>, vector<16xi32>
        %ge3A_340 = arith.constant 100000 : i32
        %ge3A_341 = vector.broadcast %ge3A_340 : i32 to vector<16xi32>
        %ge3A_342 = arith.cmpi sge, %select_n3A_339, %ge3A_341 : vector<16xi32>
        %sub3A_343 = arith.constant 100000 : i32
        %sub3A_344 = vector.broadcast %sub3A_343 : i32 to vector<16xi32>
        %sub3A_345 = arith.subi %select_n3A_339, %sub3A_344 : vector<16xi32>
        %select_n3A_346 = arith.select %ge3A_342, %sub3A_345, %select_n3A_339 : vector<16xi1>, vector<16xi32>
        %swap3A_347 = arith.index_cast %multiple_of3A : i32 to index
        %swap3A_348 = tpu.vector_load %arg9[%swap3A_347] {strides = array<i32>} : memref<800xi32, #tpu.memory_space<vmem>>, vector<16xi32>,
        %swap3A_349 = vector.shape_cast %swap3A_348 : vector<16xi32> to vector<16xi32>
        %swap3A_350 = vector.shape_cast %select_n3A_346 : vector<16xi32> to vector<16xi32>
        tpu.vector_store %arg9[%swap3A_347], %swap3A_350 {strides = array<i32>} : memref<800xi32, #tpu.memory_space<vmem>>, vector<16xi32>,
        %scan3A_351 = arith.constant 0 : i32
        scf.yield %scan3A_351 : i32
      }
      %scan3A_211 = arith.constant 50 : i32
      %dma_start3A_212 = arith.constant 0 : i32
      %dma_start3A_213 = arith.constant 0 : i32
      %dma_start3A_214 = tpu.memref_slice %arg5[%dma_start3A_212, %dma_start3A_213] : memref<100000x16xi32, #tpu.memory_space<hbm>> -> memref<100000x16xi32, #tpu.memory_space<hbm>>
      tpu.enqueue_indirect_dma source(%dma_start3A_214 : memref<100000x16xi32, #tpu.memory_space<hbm>>) target(%arg11 : memref<800x16xi32, #tpu.memory_space<vmem>>) offsets(%arg7 : memref<800xi32, #tpu.memory_space<vmem>>) semaphore(%arg21 : memref<!tpu.dma_semaphore, #tpu.memory_space<semaphore_mem>>)
      %dma_start3A_215 = arith.constant 0 : i32
      %dma_start3A_216 = arith.constant 0 : i32
      %dma_start3A_217 = tpu.memref_slice %arg5[%dma_start3A_215, %dma_start3A_216] : memref<100000x16xi32, #tpu.memory_space<hbm>> -> memref<100000x16xi32, #tpu.memory_space<hbm>>
      tpu.enqueue_indirect_dma source(%dma_start3A_217 : memref<100000x16xi32, #tpu.memory_space<hbm>>) target(%arg13 : memref<800x16xi32, #tpu.memory_space<vmem>>) offsets(%arg9 : memref<800xi32, #tpu.memory_space<vmem>>) semaphore(%arg23 : memref<!tpu.dma_semaphore, #tpu.memory_space<semaphore_mem>>)
      %add3A_218 = arith.constant 1 : i32
      %add3A_219 = arith.addi %mul3A_144, %add3A_218 : i32
      %mul3A_220 = arith.constant 16 : i32
      %mul3A_221 = arith.muli %add3A_219, %mul3A_220 : i32
      %add3A_222 = arith.addi %mul3A_2, %mul3A_221 : i32
      %dma_wait3A_223 = arith.constant 0 : i32
      %dma_wait3A_224 = arith.constant 0 : i32
      %dma_wait3A_225 = tpu.memref_slice %arg5[%dma_wait3A_223, %dma_wait3A_224] : memref<100000x16xi32, #tpu.memory_space<hbm>> -> memref<100000x16xi32, #tpu.memory_space<hbm>>
      tpu.wait_indirect_dma semaphore(%arg22 : memref<!tpu.dma_semaphore, #tpu.memory_space<semaphore_mem>>) src(%dma_wait3A_225 : memref<100000x16xi32, #tpu.memory_space<hbm>>) dst(%arg12 : memref<800x16xi32, #tpu.memory_space<vmem>>)
      %dma_wait3A_226 = arith.constant 0 : i32
      %dma_wait3A_227 = arith.constant 0 : i32
      %dma_wait3A_228 = tpu.memref_slice %arg5[%dma_wait3A_226, %dma_wait3A_227] : memref<100000x16xi32, #tpu.memory_space<hbm>> -> memref<100000x16xi32, #tpu.memory_space<hbm>>
      tpu.wait_indirect_dma semaphore(%arg24 : memref<!tpu.dma_semaphore, #tpu.memory_space<semaphore_mem>>) src(%dma_wait3A_228 : memref<100000x16xi32, #tpu.memory_space<hbm>>) dst(%arg14 : memref<800x16xi32, #tpu.memory_space<vmem>>)
      %dma_wait3A_229 = arith.constant 0 : i32
      %dma_wait3A_230 = arith.constant 0 : i32
      %dma_wait3A_231 = tpu.memref_slice %arg16[%dma_wait3A_229, %dma_wait3A_230] : memref<16x80xf32, #tpu.memory_space<vmem>> -> memref<16x16xf32, #tpu.memory_space<vmem>>
      %dma_wait3A_232 = arith.constant 0 : i32
      %dma_wait3A_233 = arith.constant 0 : i32
      %dma_wait3A_234 = tpu.memref_slice %arg2[%dma_wait3A_232, %dma_wait3A_233] : memref<16384x16xf32, #tpu.memory_space<hbm>> -> memref<16x16xf32, #tpu.memory_space<hbm>>
      %dma_wait3A_235 = arith.constant 0 : i32
      %dma_wait3A_236 = arith.constant 0 : i32
      %dma_wait3A_237 = tpu.memref_slice %arg16[%dma_wait3A_235, %dma_wait3A_236] : memref<16x80xf32, #tpu.memory_space<vmem>> -> memref<16x16xf32, #tpu.memory_space<vmem>>
      %dma_wait3A_238 = arith.constant 0 : i32
      %dma_wait3A_239 = arith.constant 0 : i32
      %dma_wait3A_240 = tpu.memref_slice %arg2[%dma_wait3A_238, %dma_wait3A_239] : memref<16384x16xf32, #tpu.memory_space<hbm>> -> memref<16x16xf32, #tpu.memory_space<hbm>>
      tpu.wait_dma2 semaphore(%arg26 : memref<!tpu.dma_semaphore, #tpu.memory_space<semaphore_mem>>) src(%dma_wait3A_240 : memref<16x16xf32, #tpu.memory_space<hbm>>) dst(%dma_wait3A_237 : memref<16x16xf32, #tpu.memory_space<vmem>>)
      %scan3A_241 = arith.constant 0.00999999977 : f32
      %scan3A_242 = arith.constant 0 : i32
      %scan3A_243 = arith.constant 0 : i32
      %scan3A_244 = arith.constant 16 : i32
      %scan3A_245 = arith.addi %scan3A_243, %scan3A_244 : i32
      %scan3A_246 = arith.constant 1 : i32
      %scan3A_247 = scf.for %scan3A_294 = %scan3A_243 to %scan3A_245 step %scan3A_246 iter_args(%scan3A_295 = %scan3A_242) -> (i32)  : i32 {
        %mul3A_296 = arith.constant 50 : i32
        %mul3A_297 = arith.muli %scan3A_294, %mul3A_296 : i32
        %broadcast_in_dim3A = arith.constant 0.000000e+00 : f32
        %broadcast_in_dim3A_298 = vector.broadcast %broadcast_in_dim3A : f32 to vector<16xf32>
        %broadcast_in_dim3A_299 = arith.constant -65536 : i32
        %broadcast_in_dim3A_300 = vector.broadcast %broadcast_in_dim3A_299 : i32 to vector<16xi32>
        %scan3A_301 = arith.constant 0 : i32
        %scan3A_302 = arith.constant 10 : i32
        %scan3A_303 = arith.addi %scan3A_301, %scan3A_302 : i32
        %scan3A_304 = arith.constant 1 : i32
        %scan3A_305:2 = scf.for %scan3A_347 = %scan3A_301 to %scan3A_303 step %scan3A_304 iter_args(%scan3A_348 = %broadcast_in_dim3A_298, %scan3A_349 = %broadcast_in_dim3A_298) -> (vector<16xf32>, vector<16xf32>)  : i32 {
          %mul3A_350 = arith.constant 5 : i32
          %mul3A_351 = arith.muli %scan3A_347, %mul3A_350 : i32
          %add3A_352 = arith.addi %mul3A_297, %mul3A_351 : i32
          %add3A_353 = arith.constant 0 : i32
          %add3A_354 = arith.addi %add3A_352, %add3A_353 : i32
          %get3A = arith.index_cast %add3A_354 : i32 to index
          %get3A_355 = arith.constant 0 : index
          %get3A_356 = tpu.vector_load %arg12[%get3A, %get3A_355] {strides = array<i32>} : memref<800x16xi32, #tpu.memory_space<vmem>>, vector<1x16xi32>,
          %get3A_357 = vector.shape_cast %get3A_356 : vector<1x16xi32> to vector<16xi32>
          %shift_left3A = arith.constant 16 : i32
          %shift_left3A_358 = vector.broadcast %shift_left3A : i32 to vector<16xi32>
          %shift_left3A_359 = arith.shli %get3A_357, %shift_left3A_358 : vector<16xi32>
          %bitcast_convert_type3A = tpu.bitcast %shift_left3A_359 : vector<16xi32> -> vector<16xf32>
          %and3A = arith.andi %get3A_357, %broadcast_in_dim3A_300 : vector<16xi32>
          %bitcast_convert_type3A_360 = tpu.bitcast %and3A : vector<16xi32> -> vector<16xf32>
          %add3A_361 = arith.addf %scan3A_348, %bitcast_convert_type3A : vector<16xf32>
          %add3A_362 = arith.addf %scan3A_349, %bitcast_convert_type3A_360 : vector<16xf32>
          %mul3A_363 = arith.constant 5 : i32
          %mul3A_364 = arith.muli %scan3A_347, %mul3A_363 : i32
          %add3A_365 = arith.addi %mul3A_297, %mul3A_364 : i32
          %add3A_366 = arith.constant 1 : i32
          %add3A_367 = arith.addi %add3A_365, %add3A_366 : i32
          %get3A_368 = arith.index_cast %add3A_367 : i32 to index
          %get3A_369 = arith.constant 0 : index
          %get3A_370 = tpu.vector_load %arg12[%get3A_368, %get3A_369] {strides = array<i32>} : memref<800x16xi32, #tpu.memory_space<vmem>>, vector<1x16xi32>,
          %get3A_371 = vector.shape_cast %get3A_370 : vector<1x16xi32> to vector<16xi32>
          %shift_left3A_372 = arith.constant 16 : i32
          %shift_left3A_373 = vector.broadcast %shift_left3A_372 : i32 to vector<16xi32>
          %shift_left3A_374 = arith.shli %get3A_371, %shift_left3A_373 : vector<16xi32>
          %bitcast_convert_type3A_375 = tpu.bitcast %shift_left3A_374 : vector<16xi32> -> vector<16xf32>
          %and3A_376 = arith.andi %get3A_371, %broadcast_in_dim3A_300 : vector<16xi32>
          %bitcast_convert_type3A_377 = tpu.bitcast %and3A_376 : vector<16xi32> -> vector<16xf32>
          %add3A_378 = arith.addf %add3A_361, %bitcast_convert_type3A_375 : vector<16xf32>
          %add3A_379 = arith.addf %add3A_362, %bitcast_convert_type3A_377 : vector<16xf32>
          %mul3A_380 = arith.constant 5 : i32
          %mul3A_381 = arith.muli %scan3A_347, %mul3A_380 : i32
          %add3A_382 = arith.addi %mul3A_297, %mul3A_381 : i32
          %add3A_383 = arith.constant 2 : i32
          %add3A_384 = arith.addi %add3A_382, %add3A_383 : i32
          %get3A_385 = arith.index_cast %add3A_384 : i32 to index
          %get3A_386 = arith.constant 0 : index
          %get3A_387 = tpu.vector_load %arg12[%get3A_385, %get3A_386] {strides = array<i32>} : memref<800x16xi32, #tpu.memory_space<vmem>>, vector<1x16xi32>,
          %get3A_388 = vector.shape_cast %get3A_387 : vector<1x16xi32> to vector<16xi32>
          %shift_left3A_389 = arith.constant 16 : i32
          %shift_left3A_390 = vector.broadcast %shift_left3A_389 : i32 to vector<16xi32>
          %shift_left3A_391 = arith.shli %get3A_388, %shift_left3A_390 : vector<16xi32>
          %bitcast_convert_type3A_392 = tpu.bitcast %shift_left3A_391 : vector<16xi32> -> vector<16xf32>
          %and3A_393 = arith.andi %get3A_388, %broadcast_in_dim3A_300 : vector<16xi32>
          %bitcast_convert_type3A_394 = tpu.bitcast %and3A_393 : vector<16xi32> -> vector<16xf32>
          %add3A_395 = arith.addf %add3A_378, %bitcast_convert_type3A_392 : vector<16xf32>
          %add3A_396 = arith.addf %add3A_379, %bitcast_convert_type3A_394 : vector<16xf32>
          %mul3A_397 = arith.constant 5 : i32
          %mul3A_398 = arith.muli %scan3A_347, %mul3A_397 : i32
          %add3A_399 = arith.addi %mul3A_297, %mul3A_398 : i32
          %add3A_400 = arith.constant 3 : i32
          %add3A_401 = arith.addi %add3A_399, %add3A_400 : i32
          %get3A_402 = arith.index_cast %add3A_401 : i32 to index
          %get3A_403 = arith.constant 0 : index
          %get3A_404 = tpu.vector_load %arg12[%get3A_402, %get3A_403] {strides = array<i32>} : memref<800x16xi32, #tpu.memory_space<vmem>>, vector<1x16xi32>,
          %get3A_405 = vector.shape_cast %get3A_404 : vector<1x16xi32> to vector<16xi32>
          %shift_left3A_406 = arith.constant 16 : i32
          %shift_left3A_407 = vector.broadcast %shift_left3A_406 : i32 to vector<16xi32>
          %shift_left3A_408 = arith.shli %get3A_405, %shift_left3A_407 : vector<16xi32>
          %bitcast_convert_type3A_409 = tpu.bitcast %shift_left3A_408 : vector<16xi32> -> vector<16xf32>
          %and3A_410 = arith.andi %get3A_405, %broadcast_in_dim3A_300 : vector<16xi32>
          %bitcast_convert_type3A_411 = tpu.bitcast %and3A_410 : vector<16xi32> -> vector<16xf32>
          %add3A_412 = arith.addf %add3A_395, %bitcast_convert_type3A_409 : vector<16xf32>
          %add3A_413 = arith.addf %add3A_396, %bitcast_convert_type3A_411 : vector<16xf32>
          %mul3A_414 = arith.constant 5 : i32
          %mul3A_415 = arith.muli %scan3A_347, %mul3A_414 : i32
          %add3A_416 = arith.addi %mul3A_297, %mul3A_415 : i32
          %add3A_417 = arith.constant 4 : i32
          %add3A_418 = arith.addi %add3A_416, %add3A_417 : i32
          %get3A_419 = arith.index_cast %add3A_418 : i32 to index
          %get3A_420 = arith.constant 0 : index
          %get3A_421 = tpu.vector_load %arg12[%get3A_419, %get3A_420] {strides = array<i32>} : memref<800x16xi32, #tpu.memory_space<vmem>>, vector<1x16xi32>,
          %get3A_422 = vector.shape_cast %get3A_421 : vector<1x16xi32> to vector<16xi32>
          %shift_left3A_423 = arith.constant 16 : i32
          %shift_left3A_424 = vector.broadcast %shift_left3A_423 : i32 to vector<16xi32>
          %shift_left3A_425 = arith.shli %get3A_422, %shift_left3A_424 : vector<16xi32>
          %bitcast_convert_type3A_426 = tpu.bitcast %shift_left3A_425 : vector<16xi32> -> vector<16xf32>
          %and3A_427 = arith.andi %get3A_422, %broadcast_in_dim3A_300 : vector<16xi32>
          %bitcast_convert_type3A_428 = tpu.bitcast %and3A_427 : vector<16xi32> -> vector<16xf32>
          %add3A_429 = arith.addf %add3A_412, %bitcast_convert_type3A_426 : vector<16xf32>
          %add3A_430 = arith.addf %add3A_413, %bitcast_convert_type3A_428 : vector<16xf32>
          scf.yield %add3A_429, %add3A_430 : vector<16xf32>, vector<16xf32>
        }
        %scan3A_306 = arith.constant 10 : i32
        %mul3A_307 = arith.constant 50 : i32
        %mul3A_308 = arith.muli %scan3A_294, %mul3A_307 : i32
        %broadcast_in_dim3A_309 = arith.constant 0.000000e+00 : f32
        %broadcast_in_dim3A_310 = vector.broadcast %broadcast_in_dim3A_309 : f32 to vector<16xf32>
        %broadcast_in_dim3A_311 = arith.constant -65536 : i32
        %broadcast_in_dim3A_312 = vector.broadcast %broadcast_in_dim3A_311 : i32 to vector<16xi32>
        %scan3A_313 = arith.constant 0 : i32
        %scan3A_314 = arith.constant 10 : i32
        %scan3A_315 = arith.addi %scan3A_313, %scan3A_314 : i32
        %scan3A_316 = arith.constant 1 : i32
        %scan3A_317:2 = scf.for %scan3A_347 = %scan3A_313 to %scan3A_315 step %scan3A_316 iter_args(%scan3A_348 = %broadcast_in_dim3A_310, %scan3A_349 = %broadcast_in_dim3A_310) -> (vector<16xf32>, vector<16xf32>)  : i32 {
          %mul3A_350 = arith.constant 5 : i32
          %mul3A_351 = arith.muli %scan3A_347, %mul3A_350 : i32
          %add3A_352 = arith.addi %mul3A_308, %mul3A_351 : i32
          %add3A_353 = arith.constant 0 : i32
          %add3A_354 = arith.addi %add3A_352, %add3A_353 : i32
          %get3A = arith.index_cast %add3A_354 : i32 to index
          %get3A_355 = arith.constant 0 : index
          %get3A_356 = tpu.vector_load %arg14[%get3A, %get3A_355] {strides = array<i32>} : memref<800x16xi32, #tpu.memory_space<vmem>>, vector<1x16xi32>,
          %get3A_357 = vector.shape_cast %get3A_356 : vector<1x16xi32> to vector<16xi32>
          %shift_left3A = arith.constant 16 : i32
          %shift_left3A_358 = vector.broadcast %shift_left3A : i32 to vector<16xi32>
          %shift_left3A_359 = arith.shli %get3A_357, %shift_left3A_358 : vector<16xi32>
          %bitcast_convert_type3A = tpu.bitcast %shift_left3A_359 : vector<16xi32> -> vector<16xf32>
          %and3A = arith.andi %get3A_357, %broadcast_in_dim3A_312 : vector<16xi32>
          %bitcast_convert_type3A_360 = tpu.bitcast %and3A : vector<16xi32> -> vector<16xf32>
          %add3A_361 = arith.addf %scan3A_348, %bitcast_convert_type3A : vector<16xf32>
          %add3A_362 = arith.addf %scan3A_349, %bitcast_convert_type3A_360 : vector<16xf32>
          %mul3A_363 = arith.constant 5 : i32
          %mul3A_364 = arith.muli %scan3A_347, %mul3A_363 : i32
          %add3A_365 = arith.addi %mul3A_308, %mul3A_364 : i32
          %add3A_366 = arith.constant 1 : i32
          %add3A_367 = arith.addi %add3A_365, %add3A_366 : i32
          %get3A_368 = arith.index_cast %add3A_367 : i32 to index
          %get3A_369 = arith.constant 0 : index
          %get3A_370 = tpu.vector_load %arg14[%get3A_368, %get3A_369] {strides = array<i32>} : memref<800x16xi32, #tpu.memory_space<vmem>>, vector<1x16xi32>,
          %get3A_371 = vector.shape_cast %get3A_370 : vector<1x16xi32> to vector<16xi32>
          %shift_left3A_372 = arith.constant 16 : i32
          %shift_left3A_373 = vector.broadcast %shift_left3A_372 : i32 to vector<16xi32>
          %shift_left3A_374 = arith.shli %get3A_371, %shift_left3A_373 : vector<16xi32>
          %bitcast_convert_type3A_375 = tpu.bitcast %shift_left3A_374 : vector<16xi32> -> vector<16xf32>
          %and3A_376 = arith.andi %get3A_371, %broadcast_in_dim3A_312 : vector<16xi32>
          %bitcast_convert_type3A_377 = tpu.bitcast %and3A_376 : vector<16xi32> -> vector<16xf32>
          %add3A_378 = arith.addf %add3A_361, %bitcast_convert_type3A_375 : vector<16xf32>
          %add3A_379 = arith.addf %add3A_362, %bitcast_convert_type3A_377 : vector<16xf32>
          %mul3A_380 = arith.constant 5 : i32
          %mul3A_381 = arith.muli %scan3A_347, %mul3A_380 : i32
          %add3A_382 = arith.addi %mul3A_308, %mul3A_381 : i32
          %add3A_383 = arith.constant 2 : i32
          %add3A_384 = arith.addi %add3A_382, %add3A_383 : i32
          %get3A_385 = arith.index_cast %add3A_384 : i32 to index
          %get3A_386 = arith.constant 0 : index
          %get3A_387 = tpu.vector_load %arg14[%get3A_385, %get3A_386] {strides = array<i32>} : memref<800x16xi32, #tpu.memory_space<vmem>>, vector<1x16xi32>,
          %get3A_388 = vector.shape_cast %get3A_387 : vector<1x16xi32> to vector<16xi32>
          %shift_left3A_389 = arith.constant 16 : i32
          %shift_left3A_390 = vector.broadcast %shift_left3A_389 : i32 to vector<16xi32>
          %shift_left3A_391 = arith.shli %get3A_388, %shift_left3A_390 : vector<16xi32>
          %bitcast_convert_type3A_392 = tpu.bitcast %shift_left3A_391 : vector<16xi32> -> vector<16xf32>
          %and3A_393 = arith.andi %get3A_388, %broadcast_in_dim3A_312 : vector<16xi32>
          %bitcast_convert_type3A_394 = tpu.bitcast %and3A_393 : vector<16xi32> -> vector<16xf32>
          %add3A_395 = arith.addf %add3A_378, %bitcast_convert_type3A_392 : vector<16xf32>
          %add3A_396 = arith.addf %add3A_379, %bitcast_convert_type3A_394 : vector<16xf32>
          %mul3A_397 = arith.constant 5 : i32
          %mul3A_398 = arith.muli %scan3A_347, %mul3A_397 : i32
          %add3A_399 = arith.addi %mul3A_308, %mul3A_398 : i32
          %add3A_400 = arith.constant 3 : i32
          %add3A_401 = arith.addi %add3A_399, %add3A_400 : i32
          %get3A_402 = arith.index_cast %add3A_401 : i32 to index
          %get3A_403 = arith.constant 0 : index
          %get3A_404 = tpu.vector_load %arg14[%get3A_402, %get3A_403] {strides = array<i32>} : memref<800x16xi32, #tpu.memory_space<vmem>>, vector<1x16xi32>,
          %get3A_405 = vector.shape_cast %get3A_404 : vector<1x16xi32> to vector<16xi32>
          %shift_left3A_406 = arith.constant 16 : i32
          %shift_left3A_407 = vector.broadcast %shift_left3A_406 : i32 to vector<16xi32>
          %shift_left3A_408 = arith.shli %get3A_405, %shift_left3A_407 : vector<16xi32>
          %bitcast_convert_type3A_409 = tpu.bitcast %shift_left3A_408 : vector<16xi32> -> vector<16xf32>
          %and3A_410 = arith.andi %get3A_405, %broadcast_in_dim3A_312 : vector<16xi32>
          %bitcast_convert_type3A_411 = tpu.bitcast %and3A_410 : vector<16xi32> -> vector<16xf32>
          %add3A_412 = arith.addf %add3A_395, %bitcast_convert_type3A_409 : vector<16xf32>
          %add3A_413 = arith.addf %add3A_396, %bitcast_convert_type3A_411 : vector<16xf32>
          %mul3A_414 = arith.constant 5 : i32
          %mul3A_415 = arith.muli %scan3A_347, %mul3A_414 : i32
          %add3A_416 = arith.addi %mul3A_308, %mul3A_415 : i32
          %add3A_417 = arith.constant 4 : i32
          %add3A_418 = arith.addi %add3A_416, %add3A_417 : i32
          %get3A_419 = arith.index_cast %add3A_418 : i32 to index
          %get3A_420 = arith.constant 0 : index
          %get3A_421 = tpu.vector_load %arg14[%get3A_419, %get3A_420] {strides = array<i32>} : memref<800x16xi32, #tpu.memory_space<vmem>>, vector<1x16xi32>,
          %get3A_422 = vector.shape_cast %get3A_421 : vector<1x16xi32> to vector<16xi32>
          %shift_left3A_423 = arith.constant 16 : i32
          %shift_left3A_424 = vector.broadcast %shift_left3A_423 : i32 to vector<16xi32>
          %shift_left3A_425 = arith.shli %get3A_422, %shift_left3A_424 : vector<16xi32>
          %bitcast_convert_type3A_426 = tpu.bitcast %shift_left3A_425 : vector<16xi32> -> vector<16xf32>
          %and3A_427 = arith.andi %get3A_422, %broadcast_in_dim3A_312 : vector<16xi32>
          %bitcast_convert_type3A_428 = tpu.bitcast %and3A_427 : vector<16xi32> -> vector<16xf32>
          %add3A_429 = arith.addf %add3A_412, %bitcast_convert_type3A_426 : vector<16xf32>
          %add3A_430 = arith.addf %add3A_413, %bitcast_convert_type3A_428 : vector<16xf32>
          scf.yield %add3A_429, %add3A_430 : vector<16xf32>, vector<16xf32>
        }
        %scan3A_318 = arith.constant 10 : i32
        %mul3A_319 = vector.broadcast %scan3A_241 : f32 to vector<16xf32>
        %mul3A_320 = arith.mulf %scan3A_305#0, %mul3A_319 : vector<16xf32>
        %swap3A = arith.index_cast %scan3A_294 : i32 to index
        %swap3A_321 = arith.constant 16 : index
        %swap3A_322 = tpu.vector_load %arg16[%swap3A, %swap3A_321] {strides = array<i32>} : memref<16x80xf32, #tpu.memory_space<vmem>>, vector<1x16xf32>,
        %swap3A_323 = vector.shape_cast %swap3A_322 : vector<1x16xf32> to vector<16xf32>
        %swap3A_324 = vector.shape_cast %mul3A_320 : vector<16xf32> to vector<1x16xf32>
        tpu.vector_store %arg16[%swap3A, %swap3A_321], %swap3A_324 {strides = array<i32>} : memref<16x80xf32, #tpu.memory_space<vmem>>, vector<1x16xf32>,
        %mul3A_325 = vector.broadcast %scan3A_241 : f32 to vector<16xf32>
        %mul3A_326 = arith.mulf %scan3A_305#1, %mul3A_325 : vector<16xf32>
        %swap3A_327 = arith.index_cast %scan3A_294 : i32 to index
        %swap3A_328 = arith.constant 32 : index
        %swap3A_329 = tpu.vector_load %arg16[%swap3A_327, %swap3A_328] {strides = array<i32>} : memref<16x80xf32, #tpu.memory_space<vmem>>, vector<1x16xf32>,
        %swap3A_330 = vector.shape_cast %swap3A_329 : vector<1x16xf32> to vector<16xf32>
        %swap3A_331 = vector.shape_cast %mul3A_326 : vector<16xf32> to vector<1x16xf32>
        tpu.vector_store %arg16[%swap3A_327, %swap3A_328], %swap3A_331 {strides = array<i32>} : memref<16x80xf32, #tpu.memory_space<vmem>>, vector<1x16xf32>,
        %mul3A_332 = vector.broadcast %scan3A_241 : f32 to vector<16xf32>
        %mul3A_333 = arith.mulf %scan3A_317#0, %mul3A_332 : vector<16xf32>
        %swap3A_334 = arith.index_cast %scan3A_294 : i32 to index
        %swap3A_335 = arith.constant 48 : index
        %swap3A_336 = tpu.vector_load %arg16[%swap3A_334, %swap3A_335] {strides = array<i32>} : memref<16x80xf32, #tpu.memory_space<vmem>>, vector<1x16xf32>,
        %swap3A_337 = vector.shape_cast %swap3A_336 : vector<1x16xf32> to vector<16xf32>
        %swap3A_338 = vector.shape_cast %mul3A_333 : vector<16xf32> to vector<1x16xf32>
        tpu.vector_store %arg16[%swap3A_334, %swap3A_335], %swap3A_338 {strides = array<i32>} : memref<16x80xf32, #tpu.memory_space<vmem>>, vector<1x16xf32>,
        %mul3A_339 = vector.broadcast %scan3A_241 : f32 to vector<16xf32>
        %mul3A_340 = arith.mulf %scan3A_317#1, %mul3A_339 : vector<16xf32>
        %swap3A_341 = arith.index_cast %scan3A_294 : i32 to index
        %swap3A_342 = arith.constant 64 : index
        %swap3A_343 = tpu.vector_load %arg16[%swap3A_341, %swap3A_342] {strides = array<i32>} : memref<16x80xf32, #tpu.memory_space<vmem>>, vector<1x16xf32>,
        %swap3A_344 = vector.shape_cast %swap3A_343 : vector<1x16xf32> to vector<16xf32>
        %swap3A_345 = vector.shape_cast %mul3A_340 : vector<16xf32> to vector<1x16xf32>
        tpu.vector_store %arg16[%swap3A_341, %swap3A_342], %swap3A_345 {strides = array<i32>} : memref<16x80xf32, #tpu.memory_space<vmem>>, vector<1x16xf32>,
        %scan3A_346 = arith.constant 0 : i32
        scf.yield %scan3A_346 : i32
      }
      %scan3A_248 = arith.constant 16 : i32
      "tpu.region"() ({
        %run_scoped3A = tpu.sem_alloc : memref<!tpu.dma_semaphore, #tpu.memory_space<semaphore_mem>>
        %dma_start3A_294 = arith.constant 0 : i32
        %dma_start3A_295 = tpu.memref_slice %arg6[%add3A_222, %dma_start3A_294] : memref<16384x80xf32, #tpu.memory_space<hbm>> -> memref<16x80xf32, #tpu.memory_space<hbm>>
        %dma_start3A_296 = arith.constant 0 : i32
        %dma_start3A_297 = tpu.memref_slice %arg6[%add3A_222, %dma_start3A_296] : memref<16384x80xf32, #tpu.memory_space<hbm>> -> memref<16x80xf32, #tpu.memory_space<hbm>>
        tpu.enqueue_dma source(%arg16 : memref<16x80xf32, #tpu.memory_space<vmem>>) target(%dma_start3A_297 : memref<16x80xf32, #tpu.memory_space<hbm>>) target_semaphore(%run_scoped3A : memref<!tpu.dma_semaphore, #tpu.memory_space<semaphore_mem>>)
        %dma_wait3A_298 = arith.constant 0 : i32
        %dma_wait3A_299 = tpu.memref_slice %arg6[%add3A_222, %dma_wait3A_298] : memref<16384x80xf32, #tpu.memory_space<hbm>> -> memref<16x80xf32, #tpu.memory_space<hbm>>
        %dma_wait3A_300 = arith.constant 0 : i32
        %dma_wait3A_301 = tpu.memref_slice %arg6[%add3A_222, %dma_wait3A_300] : memref<16384x80xf32, #tpu.memory_space<hbm>> -> memref<16x80xf32, #tpu.memory_space<hbm>>
        tpu.wait_dma2 semaphore(%run_scoped3A : memref<!tpu.dma_semaphore, #tpu.memory_space<semaphore_mem>>) src(%arg16 : memref<16x80xf32, #tpu.memory_space<vmem>>) dst(%dma_wait3A_301 : memref<16x80xf32, #tpu.memory_space<hbm>>)
        tpu.yield
      }) : () -> ()
      %add3A_249 = arith.constant 3 : i32
      %add3A_250 = arith.addi %mul3A_144, %add3A_249 : i32
      %mul3A_251 = arith.constant 16 : i32
      %mul3A_252 = arith.muli %add3A_250, %mul3A_251 : i32
      %add3A_253 = arith.addi %mul3A_2, %mul3A_252 : i32
      %mul3A_254 = arith.constant 50 : i32
      %mul3A_255 = arith.muli %add3A_253, %mul3A_254 : i32
      %dma_start3A_256 = tpu.memref_slice %arg3[%mul3A_255] : memref<819200xi32, #tpu.memory_space<hbm>> -> memref<800xi32, #tpu.memory_space<hbm>>
      %dma_start3A_257 = tpu.memref_slice %arg3[%mul3A_255] : memref<819200xi32, #tpu.memory_space<hbm>> -> memref<800xi32, #tpu.memory_space<hbm>>
      tpu.enqueue_dma source(%dma_start3A_257 : memref<800xi32, #tpu.memory_space<hbm>>) target(%arg8 : memref<800xi32, #tpu.memory_space<vmem>>) target_semaphore(%arg18 : memref<!tpu.dma_semaphore, #tpu.memory_space<semaphore_mem>>)
      %dma_start3A_258 = tpu.memref_slice %arg4[%mul3A_255] : memref<819200xi32, #tpu.memory_space<hbm>> -> memref<800xi32, #tpu.memory_space<hbm>>
      %dma_start3A_259 = tpu.memref_slice %arg4[%mul3A_255] : memref<819200xi32, #tpu.memory_space<hbm>> -> memref<800xi32, #tpu.memory_space<hbm>>
      tpu.enqueue_dma source(%dma_start3A_259 : memref<800xi32, #tpu.memory_space<hbm>>) target(%arg10 : memref<800xi32, #tpu.memory_space<vmem>>) target_semaphore(%arg20 : memref<!tpu.dma_semaphore, #tpu.memory_space<semaphore_mem>>)
      %dma_start3A_260 = arith.constant 0 : i32
      %dma_start3A_261 = arith.constant 0 : i32
      %dma_start3A_262 = tpu.memref_slice %arg16[%dma_start3A_260, %dma_start3A_261] : memref<16x80xf32, #tpu.memory_space<vmem>> -> memref<16x16xf32, #tpu.memory_space<vmem>>
      %dma_start3A_263 = arith.constant 0 : i32
      %dma_start3A_264 = tpu.memref_slice %arg2[%add3A_253, %dma_start3A_263] : memref<16384x16xf32, #tpu.memory_space<hbm>> -> memref<16x16xf32, #tpu.memory_space<hbm>>
      %dma_start3A_265 = arith.constant 0 : i32
      %dma_start3A_266 = arith.constant 0 : i32
      %dma_start3A_267 = tpu.memref_slice %arg16[%dma_start3A_265, %dma_start3A_266] : memref<16x80xf32, #tpu.memory_space<vmem>> -> memref<16x16xf32, #tpu.memory_space<vmem>>
      %dma_start3A_268 = arith.constant 0 : i32
      %dma_start3A_269 = tpu.memref_slice %arg2[%add3A_253, %dma_start3A_268] : memref<16384x16xf32, #tpu.memory_space<hbm>> -> memref<16x16xf32, #tpu.memory_space<hbm>>
      tpu.enqueue_dma source(%dma_start3A_269 : memref<16x16xf32, #tpu.memory_space<hbm>>) target(%dma_start3A_267 : memref<16x16xf32, #tpu.memory_space<vmem>>) target_semaphore(%arg26 : memref<!tpu.dma_semaphore, #tpu.memory_space<semaphore_mem>>)
      %add3A_270 = arith.constant 3 : i32
      %add3A_271 = arith.addi %mul3A_144, %add3A_270 : i32
      %dma_wait3A_272 = arith.constant 0 : i32
      %dma_wait3A_273 = tpu.memref_slice %arg3[%dma_wait3A_272] : memref<819200xi32, #tpu.memory_space<hbm>> -> memref<800xi32, #tpu.memory_space<hbm>>
      %dma_wait3A_274 = arith.constant 0 : i32
      %dma_wait3A_275 = tpu.memref_slice %arg3[%dma_wait3A_274] : memref<819200xi32, #tpu.memory_space<hbm>> -> memref<800xi32, #tpu.memory_space<hbm>>
      tpu.wait_dma2 semaphore(%arg18 : memref<!tpu.dma_semaphore, #tpu.memory_space<semaphore_mem>>) src(%dma_wait3A_275 : memref<800xi32, #tpu.memory_space<hbm>>) dst(%arg8 : memref<800xi32, #tpu.memory_space<vmem>>)
      %dma_wait3A_276 = arith.constant 0 : i32
      %dma_wait3A_277 = tpu.memref_slice %arg4[%dma_wait3A_276] : memref<819200xi32, #tpu.memory_space<hbm>> -> memref<800xi32, #tpu.memory_space<hbm>>
      %dma_wait3A_278 = arith.constant 0 : i32
      %dma_wait3A_279 = tpu.memref_slice %arg4[%dma_wait3A_278] : memref<819200xi32, #tpu.memory_space<hbm>> -> memref<800xi32, #tpu.memory_space<hbm>>
      tpu.wait_dma2 semaphore(%arg20 : memref<!tpu.dma_semaphore, #tpu.memory_space<semaphore_mem>>) src(%dma_wait3A_279 : memref<800xi32, #tpu.memory_space<hbm>>) dst(%arg10 : memref<800xi32, #tpu.memory_space<vmem>>)
      %scan3A_280 = arith.constant 0 : i32
      %scan3A_281 = arith.constant 0 : i32
      %scan3A_282 = arith.constant 50 : i32
      %scan3A_283 = arith.addi %scan3A_281, %scan3A_282 : i32
      %scan3A_284 = arith.constant 1 : i32
      %scan3A_285 = scf.for %scan3A_294 = %scan3A_281 to %scan3A_283 step %scan3A_284 iter_args(%scan3A_295 = %scan3A_280) -> (i32)  : i32 {
        %mul3A_296 = arith.constant 16 : i32
        %mul3A_297 = arith.muli %scan3A_294, %mul3A_296 : i32
        %multiple_of3A = tpu.assume_multiple %mul3A_297, 8 : i32
        %get3A = arith.index_cast %multiple_of3A : i32 to index
        %get3A_298 = tpu.vector_load %arg8[%get3A] {strides = array<i32>} : memref<800xi32, #tpu.memory_space<vmem>>, vector<16xi32>,
        %get3A_299 = vector.shape_cast %get3A_298 : vector<16xi32> to vector<16xi32>
        %convert_element_type3A = arith.sitofp %get3A_299 : vector<16xi32> to vector<16xf32>
        %mul3A_300 = arith.constant 9.99999974E-6 : f32
        %mul3A_301 = vector.broadcast %mul3A_300 : f32 to vector<16xf32>
        %mul3A_302 = arith.mulf %convert_element_type3A, %mul3A_301 : vector<16xf32>
        %convert_element_type3A_303 = arith.fptosi %mul3A_302 : vector<16xf32> to vector<16xi32>
        %mul3A_304 = arith.constant 100000 : i32
        %mul3A_305 = vector.broadcast %mul3A_304 : i32 to vector<16xi32>
        %mul3A_306 = arith.muli %convert_element_type3A_303, %mul3A_305 : vector<16xi32>
        %sub3A = arith.subi %get3A_299, %mul3A_306 : vector<16xi32>
        %lt3A = arith.constant 0 : i32
        %lt3A_307 = vector.broadcast %lt3A : i32 to vector<16xi32>
        %lt3A_308 = arith.cmpi slt, %sub3A, %lt3A_307 : vector<16xi32>
        %add3A_309 = arith.constant 100000 : i32
        %add3A_310 = vector.broadcast %add3A_309 : i32 to vector<16xi32>
        %add3A_311 = arith.addi %sub3A, %add3A_310 : vector<16xi32>
        %select_n3A = arith.select %lt3A_308, %add3A_311, %sub3A : vector<16xi1>, vector<16xi32>
        %ge3A = arith.constant 100000 : i32
        %ge3A_312 = vector.broadcast %ge3A : i32 to vector<16xi32>
        %ge3A_313 = arith.cmpi sge, %select_n3A, %ge3A_312 : vector<16xi32>
        %sub3A_314 = arith.constant 100000 : i32
        %sub3A_315 = vector.broadcast %sub3A_314 : i32 to vector<16xi32>
        %sub3A_316 = arith.subi %select_n3A, %sub3A_315 : vector<16xi32>
        %select_n3A_317 = arith.select %ge3A_313, %sub3A_316, %select_n3A : vector<16xi1>, vector<16xi32>
        %swap3A = arith.index_cast %multiple_of3A : i32 to index
        %swap3A_318 = tpu.vector_load %arg8[%swap3A] {strides = array<i32>} : memref<800xi32, #tpu.memory_space<vmem>>, vector<16xi32>,
        %swap3A_319 = vector.shape_cast %swap3A_318 : vector<16xi32> to vector<16xi32>
        %swap3A_320 = vector.shape_cast %select_n3A_317 : vector<16xi32> to vector<16xi32>
        tpu.vector_store %arg8[%swap3A], %swap3A_320 {strides = array<i32>} : memref<800xi32, #tpu.memory_space<vmem>>, vector<16xi32>,
        %get3A_321 = arith.index_cast %multiple_of3A : i32 to index
        %get3A_322 = tpu.vector_load %arg10[%get3A_321] {strides = array<i32>} : memref<800xi32, #tpu.memory_space<vmem>>, vector<16xi32>,
        %get3A_323 = vector.shape_cast %get3A_322 : vector<16xi32> to vector<16xi32>
        %convert_element_type3A_324 = arith.sitofp %get3A_323 : vector<16xi32> to vector<16xf32>
        %mul3A_325 = arith.constant 9.99999974E-6 : f32
        %mul3A_326 = vector.broadcast %mul3A_325 : f32 to vector<16xf32>
        %mul3A_327 = arith.mulf %convert_element_type3A_324, %mul3A_326 : vector<16xf32>
        %convert_element_type3A_328 = arith.fptosi %mul3A_327 : vector<16xf32> to vector<16xi32>
        %mul3A_329 = arith.constant 100000 : i32
        %mul3A_330 = vector.broadcast %mul3A_329 : i32 to vector<16xi32>
        %mul3A_331 = arith.muli %convert_element_type3A_328, %mul3A_330 : vector<16xi32>
        %sub3A_332 = arith.subi %get3A_323, %mul3A_331 : vector<16xi32>
        %lt3A_333 = arith.constant 0 : i32
        %lt3A_334 = vector.broadcast %lt3A_333 : i32 to vector<16xi32>
        %lt3A_335 = arith.cmpi slt, %sub3A_332, %lt3A_334 : vector<16xi32>
        %add3A_336 = arith.constant 100000 : i32
        %add3A_337 = vector.broadcast %add3A_336 : i32 to vector<16xi32>
        %add3A_338 = arith.addi %sub3A_332, %add3A_337 : vector<16xi32>
        %select_n3A_339 = arith.select %lt3A_335, %add3A_338, %sub3A_332 : vector<16xi1>, vector<16xi32>
        %ge3A_340 = arith.constant 100000 : i32
        %ge3A_341 = vector.broadcast %ge3A_340 : i32 to vector<16xi32>
        %ge3A_342 = arith.cmpi sge, %select_n3A_339, %ge3A_341 : vector<16xi32>
        %sub3A_343 = arith.constant 100000 : i32
        %sub3A_344 = vector.broadcast %sub3A_343 : i32 to vector<16xi32>
        %sub3A_345 = arith.subi %select_n3A_339, %sub3A_344 : vector<16xi32>
        %select_n3A_346 = arith.select %ge3A_342, %sub3A_345, %select_n3A_339 : vector<16xi1>, vector<16xi32>
        %swap3A_347 = arith.index_cast %multiple_of3A : i32 to index
        %swap3A_348 = tpu.vector_load %arg10[%swap3A_347] {strides = array<i32>} : memref<800xi32, #tpu.memory_space<vmem>>, vector<16xi32>,
        %swap3A_349 = vector.shape_cast %swap3A_348 : vector<16xi32> to vector<16xi32>
        %swap3A_350 = vector.shape_cast %select_n3A_346 : vector<16xi32> to vector<16xi32>
        tpu.vector_store %arg10[%swap3A_347], %swap3A_350 {strides = array<i32>} : memref<800xi32, #tpu.memory_space<vmem>>, vector<16xi32>,
        %scan3A_351 = arith.constant 0 : i32
        scf.yield %scan3A_351 : i32
      }
      %scan3A_286 = arith.constant 50 : i32
      %dma_start3A_287 = arith.constant 0 : i32
      %dma_start3A_288 = arith.constant 0 : i32
      %dma_start3A_289 = tpu.memref_slice %arg5[%dma_start3A_287, %dma_start3A_288] : memref<100000x16xi32, #tpu.memory_space<hbm>> -> memref<100000x16xi32, #tpu.memory_space<hbm>>
      tpu.enqueue_indirect_dma source(%dma_start3A_289 : memref<100000x16xi32, #tpu.memory_space<hbm>>) target(%arg12 : memref<800x16xi32, #tpu.memory_space<vmem>>) offsets(%arg8 : memref<800xi32, #tpu.memory_space<vmem>>) semaphore(%arg22 : memref<!tpu.dma_semaphore, #tpu.memory_space<semaphore_mem>>)
      %dma_start3A_290 = arith.constant 0 : i32
      %dma_start3A_291 = arith.constant 0 : i32
      %dma_start3A_292 = tpu.memref_slice %arg5[%dma_start3A_290, %dma_start3A_291] : memref<100000x16xi32, #tpu.memory_space<hbm>> -> memref<100000x16xi32, #tpu.memory_space<hbm>>
      tpu.enqueue_indirect_dma source(%dma_start3A_292 : memref<100000x16xi32, #tpu.memory_space<hbm>>) target(%arg14 : memref<800x16xi32, #tpu.memory_space<vmem>>) offsets(%arg10 : memref<800xi32, #tpu.memory_space<vmem>>) semaphore(%arg24 : memref<!tpu.dma_semaphore, #tpu.memory_space<semaphore_mem>>)
      %scan3A_293 = arith.constant 0 : i32
      scf.yield %scan3A_293 : i32
    }
    %scan3A_84 = arith.constant 15 : i32
    %add3A_85 = arith.constant 480 : i32
    %add3A_86 = arith.addi %mul3A_2, %add3A_85 : i32
    %dma_wait3A_87 = arith.constant 0 : i32
    %dma_wait3A_88 = arith.constant 0 : i32
    %dma_wait3A_89 = tpu.memref_slice %arg5[%dma_wait3A_87, %dma_wait3A_88] : memref<100000x16xi32, #tpu.memory_space<hbm>> -> memref<100000x16xi32, #tpu.memory_space<hbm>>
    tpu.wait_indirect_dma semaphore(%arg21 : memref<!tpu.dma_semaphore, #tpu.memory_space<semaphore_mem>>) src(%dma_wait3A_89 : memref<100000x16xi32, #tpu.memory_space<hbm>>) dst(%arg11 : memref<800x16xi32, #tpu.memory_space<vmem>>)
    %dma_wait3A_90 = arith.constant 0 : i32
    %dma_wait3A_91 = arith.constant 0 : i32
    %dma_wait3A_92 = tpu.memref_slice %arg5[%dma_wait3A_90, %dma_wait3A_91] : memref<100000x16xi32, #tpu.memory_space<hbm>> -> memref<100000x16xi32, #tpu.memory_space<hbm>>
    tpu.wait_indirect_dma semaphore(%arg23 : memref<!tpu.dma_semaphore, #tpu.memory_space<semaphore_mem>>) src(%dma_wait3A_92 : memref<100000x16xi32, #tpu.memory_space<hbm>>) dst(%arg13 : memref<800x16xi32, #tpu.memory_space<vmem>>)
    %dma_wait3A_93 = arith.constant 0 : i32
    %dma_wait3A_94 = arith.constant 0 : i32
    %dma_wait3A_95 = tpu.memref_slice %arg15[%dma_wait3A_93, %dma_wait3A_94] : memref<16x80xf32, #tpu.memory_space<vmem>> -> memref<16x16xf32, #tpu.memory_space<vmem>>
    %dma_wait3A_96 = arith.constant 0 : i32
    %dma_wait3A_97 = arith.constant 0 : i32
    %dma_wait3A_98 = tpu.memref_slice %arg2[%dma_wait3A_96, %dma_wait3A_97] : memref<16384x16xf32, #tpu.memory_space<hbm>> -> memref<16x16xf32, #tpu.memory_space<hbm>>
    %dma_wait3A_99 = arith.constant 0 : i32
    %dma_wait3A_100 = arith.constant 0 : i32
    %dma_wait3A_101 = tpu.memref_slice %arg15[%dma_wait3A_99, %dma_wait3A_100] : memref<16x80xf32, #tpu.memory_space<vmem>> -> memref<16x16xf32, #tpu.memory_space<vmem>>
    %dma_wait3A_102 = arith.constant 0 : i32
    %dma_wait3A_103 = arith.constant 0 : i32
    %dma_wait3A_104 = tpu.memref_slice %arg2[%dma_wait3A_102, %dma_wait3A_103] : memref<16384x16xf32, #tpu.memory_space<hbm>> -> memref<16x16xf32, #tpu.memory_space<hbm>>
    tpu.wait_dma2 semaphore(%arg25 : memref<!tpu.dma_semaphore, #tpu.memory_space<semaphore_mem>>) src(%dma_wait3A_104 : memref<16x16xf32, #tpu.memory_space<hbm>>) dst(%dma_wait3A_101 : memref<16x16xf32, #tpu.memory_space<vmem>>)
    %scan3A_105 = arith.constant 0.00999999977 : f32
    %scan3A_106 = arith.constant 0 : i32
    %scan3A_107 = arith.constant 0 : i32
    %scan3A_108 = arith.constant 16 : i32
    %scan3A_109 = arith.addi %scan3A_107, %scan3A_108 : i32
    %scan3A_110 = arith.constant 1 : i32
    %scan3A_111 = scf.for %scan3A_141 = %scan3A_107 to %scan3A_109 step %scan3A_110 iter_args(%scan3A_142 = %scan3A_106) -> (i32)  : i32 {
      %mul3A_143 = arith.constant 50 : i32
      %mul3A_144 = arith.muli %scan3A_141, %mul3A_143 : i32
      %broadcast_in_dim3A = arith.constant 0.000000e+00 : f32
      %broadcast_in_dim3A_145 = vector.broadcast %broadcast_in_dim3A : f32 to vector<16xf32>
      %broadcast_in_dim3A_146 = arith.constant -65536 : i32
      %broadcast_in_dim3A_147 = vector.broadcast %broadcast_in_dim3A_146 : i32 to vector<16xi32>
      %scan3A_148 = arith.constant 0 : i32
      %scan3A_149 = arith.constant 10 : i32
      %scan3A_150 = arith.addi %scan3A_148, %scan3A_149 : i32
      %scan3A_151 = arith.constant 1 : i32
      %scan3A_152:2 = scf.for %scan3A_194 = %scan3A_148 to %scan3A_150 step %scan3A_151 iter_args(%scan3A_195 = %broadcast_in_dim3A_145, %scan3A_196 = %broadcast_in_dim3A_145) -> (vector<16xf32>, vector<16xf32>)  : i32 {
        %mul3A_197 = arith.constant 5 : i32
        %mul3A_198 = arith.muli %scan3A_194, %mul3A_197 : i32
        %add3A_199 = arith.addi %mul3A_144, %mul3A_198 : i32
        %add3A_200 = arith.constant 0 : i32
        %add3A_201 = arith.addi %add3A_199, %add3A_200 : i32
        %get3A = arith.index_cast %add3A_201 : i32 to index
        %get3A_202 = arith.constant 0 : index
        %get3A_203 = tpu.vector_load %arg11[%get3A, %get3A_202] {strides = array<i32>} : memref<800x16xi32, #tpu.memory_space<vmem>>, vector<1x16xi32>,
        %get3A_204 = vector.shape_cast %get3A_203 : vector<1x16xi32> to vector<16xi32>
        %shift_left3A = arith.constant 16 : i32
        %shift_left3A_205 = vector.broadcast %shift_left3A : i32 to vector<16xi32>
        %shift_left3A_206 = arith.shli %get3A_204, %shift_left3A_205 : vector<16xi32>
        %bitcast_convert_type3A = tpu.bitcast %shift_left3A_206 : vector<16xi32> -> vector<16xf32>
        %and3A = arith.andi %get3A_204, %broadcast_in_dim3A_147 : vector<16xi32>
        %bitcast_convert_type3A_207 = tpu.bitcast %and3A : vector<16xi32> -> vector<16xf32>
        %add3A_208 = arith.addf %scan3A_195, %bitcast_convert_type3A : vector<16xf32>
        %add3A_209 = arith.addf %scan3A_196, %bitcast_convert_type3A_207 : vector<16xf32>
        %mul3A_210 = arith.constant 5 : i32
        %mul3A_211 = arith.muli %scan3A_194, %mul3A_210 : i32
        %add3A_212 = arith.addi %mul3A_144, %mul3A_211 : i32
        %add3A_213 = arith.constant 1 : i32
        %add3A_214 = arith.addi %add3A_212, %add3A_213 : i32
        %get3A_215 = arith.index_cast %add3A_214 : i32 to index
        %get3A_216 = arith.constant 0 : index
        %get3A_217 = tpu.vector_load %arg11[%get3A_215, %get3A_216] {strides = array<i32>} : memref<800x16xi32, #tpu.memory_space<vmem>>, vector<1x16xi32>,
        %get3A_218 = vector.shape_cast %get3A_217 : vector<1x16xi32> to vector<16xi32>
        %shift_left3A_219 = arith.constant 16 : i32
        %shift_left3A_220 = vector.broadcast %shift_left3A_219 : i32 to vector<16xi32>
        %shift_left3A_221 = arith.shli %get3A_218, %shift_left3A_220 : vector<16xi32>
        %bitcast_convert_type3A_222 = tpu.bitcast %shift_left3A_221 : vector<16xi32> -> vector<16xf32>
        %and3A_223 = arith.andi %get3A_218, %broadcast_in_dim3A_147 : vector<16xi32>
        %bitcast_convert_type3A_224 = tpu.bitcast %and3A_223 : vector<16xi32> -> vector<16xf32>
        %add3A_225 = arith.addf %add3A_208, %bitcast_convert_type3A_222 : vector<16xf32>
        %add3A_226 = arith.addf %add3A_209, %bitcast_convert_type3A_224 : vector<16xf32>
        %mul3A_227 = arith.constant 5 : i32
        %mul3A_228 = arith.muli %scan3A_194, %mul3A_227 : i32
        %add3A_229 = arith.addi %mul3A_144, %mul3A_228 : i32
        %add3A_230 = arith.constant 2 : i32
        %add3A_231 = arith.addi %add3A_229, %add3A_230 : i32
        %get3A_232 = arith.index_cast %add3A_231 : i32 to index
        %get3A_233 = arith.constant 0 : index
        %get3A_234 = tpu.vector_load %arg11[%get3A_232, %get3A_233] {strides = array<i32>} : memref<800x16xi32, #tpu.memory_space<vmem>>, vector<1x16xi32>,
        %get3A_235 = vector.shape_cast %get3A_234 : vector<1x16xi32> to vector<16xi32>
        %shift_left3A_236 = arith.constant 16 : i32
        %shift_left3A_237 = vector.broadcast %shift_left3A_236 : i32 to vector<16xi32>
        %shift_left3A_238 = arith.shli %get3A_235, %shift_left3A_237 : vector<16xi32>
        %bitcast_convert_type3A_239 = tpu.bitcast %shift_left3A_238 : vector<16xi32> -> vector<16xf32>
        %and3A_240 = arith.andi %get3A_235, %broadcast_in_dim3A_147 : vector<16xi32>
        %bitcast_convert_type3A_241 = tpu.bitcast %and3A_240 : vector<16xi32> -> vector<16xf32>
        %add3A_242 = arith.addf %add3A_225, %bitcast_convert_type3A_239 : vector<16xf32>
        %add3A_243 = arith.addf %add3A_226, %bitcast_convert_type3A_241 : vector<16xf32>
        %mul3A_244 = arith.constant 5 : i32
        %mul3A_245 = arith.muli %scan3A_194, %mul3A_244 : i32
        %add3A_246 = arith.addi %mul3A_144, %mul3A_245 : i32
        %add3A_247 = arith.constant 3 : i32
        %add3A_248 = arith.addi %add3A_246, %add3A_247 : i32
        %get3A_249 = arith.index_cast %add3A_248 : i32 to index
        %get3A_250 = arith.constant 0 : index
        %get3A_251 = tpu.vector_load %arg11[%get3A_249, %get3A_250] {strides = array<i32>} : memref<800x16xi32, #tpu.memory_space<vmem>>, vector<1x16xi32>,
        %get3A_252 = vector.shape_cast %get3A_251 : vector<1x16xi32> to vector<16xi32>
        %shift_left3A_253 = arith.constant 16 : i32
        %shift_left3A_254 = vector.broadcast %shift_left3A_253 : i32 to vector<16xi32>
        %shift_left3A_255 = arith.shli %get3A_252, %shift_left3A_254 : vector<16xi32>
        %bitcast_convert_type3A_256 = tpu.bitcast %shift_left3A_255 : vector<16xi32> -> vector<16xf32>
        %and3A_257 = arith.andi %get3A_252, %broadcast_in_dim3A_147 : vector<16xi32>
        %bitcast_convert_type3A_258 = tpu.bitcast %and3A_257 : vector<16xi32> -> vector<16xf32>
        %add3A_259 = arith.addf %add3A_242, %bitcast_convert_type3A_256 : vector<16xf32>
        %add3A_260 = arith.addf %add3A_243, %bitcast_convert_type3A_258 : vector<16xf32>
        %mul3A_261 = arith.constant 5 : i32
        %mul3A_262 = arith.muli %scan3A_194, %mul3A_261 : i32
        %add3A_263 = arith.addi %mul3A_144, %mul3A_262 : i32
        %add3A_264 = arith.constant 4 : i32
        %add3A_265 = arith.addi %add3A_263, %add3A_264 : i32
        %get3A_266 = arith.index_cast %add3A_265 : i32 to index
        %get3A_267 = arith.constant 0 : index
        %get3A_268 = tpu.vector_load %arg11[%get3A_266, %get3A_267] {strides = array<i32>} : memref<800x16xi32, #tpu.memory_space<vmem>>, vector<1x16xi32>,
        %get3A_269 = vector.shape_cast %get3A_268 : vector<1x16xi32> to vector<16xi32>
        %shift_left3A_270 = arith.constant 16 : i32
        %shift_left3A_271 = vector.broadcast %shift_left3A_270 : i32 to vector<16xi32>
        %shift_left3A_272 = arith.shli %get3A_269, %shift_left3A_271 : vector<16xi32>
        %bitcast_convert_type3A_273 = tpu.bitcast %shift_left3A_272 : vector<16xi32> -> vector<16xf32>
        %and3A_274 = arith.andi %get3A_269, %broadcast_in_dim3A_147 : vector<16xi32>
        %bitcast_convert_type3A_275 = tpu.bitcast %and3A_274 : vector<16xi32> -> vector<16xf32>
        %add3A_276 = arith.addf %add3A_259, %bitcast_convert_type3A_273 : vector<16xf32>
        %add3A_277 = arith.addf %add3A_260, %bitcast_convert_type3A_275 : vector<16xf32>
        scf.yield %add3A_276, %add3A_277 : vector<16xf32>, vector<16xf32>
      }
      %scan3A_153 = arith.constant 10 : i32
      %mul3A_154 = arith.constant 50 : i32
      %mul3A_155 = arith.muli %scan3A_141, %mul3A_154 : i32
      %broadcast_in_dim3A_156 = arith.constant 0.000000e+00 : f32
      %broadcast_in_dim3A_157 = vector.broadcast %broadcast_in_dim3A_156 : f32 to vector<16xf32>
      %broadcast_in_dim3A_158 = arith.constant -65536 : i32
      %broadcast_in_dim3A_159 = vector.broadcast %broadcast_in_dim3A_158 : i32 to vector<16xi32>
      %scan3A_160 = arith.constant 0 : i32
      %scan3A_161 = arith.constant 10 : i32
      %scan3A_162 = arith.addi %scan3A_160, %scan3A_161 : i32
      %scan3A_163 = arith.constant 1 : i32
      %scan3A_164:2 = scf.for %scan3A_194 = %scan3A_160 to %scan3A_162 step %scan3A_163 iter_args(%scan3A_195 = %broadcast_in_dim3A_157, %scan3A_196 = %broadcast_in_dim3A_157) -> (vector<16xf32>, vector<16xf32>)  : i32 {
        %mul3A_197 = arith.constant 5 : i32
        %mul3A_198 = arith.muli %scan3A_194, %mul3A_197 : i32
        %add3A_199 = arith.addi %mul3A_155, %mul3A_198 : i32
        %add3A_200 = arith.constant 0 : i32
        %add3A_201 = arith.addi %add3A_199, %add3A_200 : i32
        %get3A = arith.index_cast %add3A_201 : i32 to index
        %get3A_202 = arith.constant 0 : index
        %get3A_203 = tpu.vector_load %arg13[%get3A, %get3A_202] {strides = array<i32>} : memref<800x16xi32, #tpu.memory_space<vmem>>, vector<1x16xi32>,
        %get3A_204 = vector.shape_cast %get3A_203 : vector<1x16xi32> to vector<16xi32>
        %shift_left3A = arith.constant 16 : i32
        %shift_left3A_205 = vector.broadcast %shift_left3A : i32 to vector<16xi32>
        %shift_left3A_206 = arith.shli %get3A_204, %shift_left3A_205 : vector<16xi32>
        %bitcast_convert_type3A = tpu.bitcast %shift_left3A_206 : vector<16xi32> -> vector<16xf32>
        %and3A = arith.andi %get3A_204, %broadcast_in_dim3A_159 : vector<16xi32>
        %bitcast_convert_type3A_207 = tpu.bitcast %and3A : vector<16xi32> -> vector<16xf32>
        %add3A_208 = arith.addf %scan3A_195, %bitcast_convert_type3A : vector<16xf32>
        %add3A_209 = arith.addf %scan3A_196, %bitcast_convert_type3A_207 : vector<16xf32>
        %mul3A_210 = arith.constant 5 : i32
        %mul3A_211 = arith.muli %scan3A_194, %mul3A_210 : i32
        %add3A_212 = arith.addi %mul3A_155, %mul3A_211 : i32
        %add3A_213 = arith.constant 1 : i32
        %add3A_214 = arith.addi %add3A_212, %add3A_213 : i32
        %get3A_215 = arith.index_cast %add3A_214 : i32 to index
        %get3A_216 = arith.constant 0 : index
        %get3A_217 = tpu.vector_load %arg13[%get3A_215, %get3A_216] {strides = array<i32>} : memref<800x16xi32, #tpu.memory_space<vmem>>, vector<1x16xi32>,
        %get3A_218 = vector.shape_cast %get3A_217 : vector<1x16xi32> to vector<16xi32>
        %shift_left3A_219 = arith.constant 16 : i32
        %shift_left3A_220 = vector.broadcast %shift_left3A_219 : i32 to vector<16xi32>
        %shift_left3A_221 = arith.shli %get3A_218, %shift_left3A_220 : vector<16xi32>
        %bitcast_convert_type3A_222 = tpu.bitcast %shift_left3A_221 : vector<16xi32> -> vector<16xf32>
        %and3A_223 = arith.andi %get3A_218, %broadcast_in_dim3A_159 : vector<16xi32>
        %bitcast_convert_type3A_224 = tpu.bitcast %and3A_223 : vector<16xi32> -> vector<16xf32>
        %add3A_225 = arith.addf %add3A_208, %bitcast_convert_type3A_222 : vector<16xf32>
        %add3A_226 = arith.addf %add3A_209, %bitcast_convert_type3A_224 : vector<16xf32>
        %mul3A_227 = arith.constant 5 : i32
        %mul3A_228 = arith.muli %scan3A_194, %mul3A_227 : i32
        %add3A_229 = arith.addi %mul3A_155, %mul3A_228 : i32
        %add3A_230 = arith.constant 2 : i32
        %add3A_231 = arith.addi %add3A_229, %add3A_230 : i32
        %get3A_232 = arith.index_cast %add3A_231 : i32 to index
        %get3A_233 = arith.constant 0 : index
        %get3A_234 = tpu.vector_load %arg13[%get3A_232, %get3A_233] {strides = array<i32>} : memref<800x16xi32, #tpu.memory_space<vmem>>, vector<1x16xi32>,
        %get3A_235 = vector.shape_cast %get3A_234 : vector<1x16xi32> to vector<16xi32>
        %shift_left3A_236 = arith.constant 16 : i32
        %shift_left3A_237 = vector.broadcast %shift_left3A_236 : i32 to vector<16xi32>
        %shift_left3A_238 = arith.shli %get3A_235, %shift_left3A_237 : vector<16xi32>
        %bitcast_convert_type3A_239 = tpu.bitcast %shift_left3A_238 : vector<16xi32> -> vector<16xf32>
        %and3A_240 = arith.andi %get3A_235, %broadcast_in_dim3A_159 : vector<16xi32>
        %bitcast_convert_type3A_241 = tpu.bitcast %and3A_240 : vector<16xi32> -> vector<16xf32>
        %add3A_242 = arith.addf %add3A_225, %bitcast_convert_type3A_239 : vector<16xf32>
        %add3A_243 = arith.addf %add3A_226, %bitcast_convert_type3A_241 : vector<16xf32>
        %mul3A_244 = arith.constant 5 : i32
        %mul3A_245 = arith.muli %scan3A_194, %mul3A_244 : i32
        %add3A_246 = arith.addi %mul3A_155, %mul3A_245 : i32
        %add3A_247 = arith.constant 3 : i32
        %add3A_248 = arith.addi %add3A_246, %add3A_247 : i32
        %get3A_249 = arith.index_cast %add3A_248 : i32 to index
        %get3A_250 = arith.constant 0 : index
        %get3A_251 = tpu.vector_load %arg13[%get3A_249, %get3A_250] {strides = array<i32>} : memref<800x16xi32, #tpu.memory_space<vmem>>, vector<1x16xi32>,
        %get3A_252 = vector.shape_cast %get3A_251 : vector<1x16xi32> to vector<16xi32>
        %shift_left3A_253 = arith.constant 16 : i32
        %shift_left3A_254 = vector.broadcast %shift_left3A_253 : i32 to vector<16xi32>
        %shift_left3A_255 = arith.shli %get3A_252, %shift_left3A_254 : vector<16xi32>
        %bitcast_convert_type3A_256 = tpu.bitcast %shift_left3A_255 : vector<16xi32> -> vector<16xf32>
        %and3A_257 = arith.andi %get3A_252, %broadcast_in_dim3A_159 : vector<16xi32>
        %bitcast_convert_type3A_258 = tpu.bitcast %and3A_257 : vector<16xi32> -> vector<16xf32>
        %add3A_259 = arith.addf %add3A_242, %bitcast_convert_type3A_256 : vector<16xf32>
        %add3A_260 = arith.addf %add3A_243, %bitcast_convert_type3A_258 : vector<16xf32>
        %mul3A_261 = arith.constant 5 : i32
        %mul3A_262 = arith.muli %scan3A_194, %mul3A_261 : i32
        %add3A_263 = arith.addi %mul3A_155, %mul3A_262 : i32
        %add3A_264 = arith.constant 4 : i32
        %add3A_265 = arith.addi %add3A_263, %add3A_264 : i32
        %get3A_266 = arith.index_cast %add3A_265 : i32 to index
        %get3A_267 = arith.constant 0 : index
        %get3A_268 = tpu.vector_load %arg13[%get3A_266, %get3A_267] {strides = array<i32>} : memref<800x16xi32, #tpu.memory_space<vmem>>, vector<1x16xi32>,
        %get3A_269 = vector.shape_cast %get3A_268 : vector<1x16xi32> to vector<16xi32>
        %shift_left3A_270 = arith.constant 16 : i32
        %shift_left3A_271 = vector.broadcast %shift_left3A_270 : i32 to vector<16xi32>
        %shift_left3A_272 = arith.shli %get3A_269, %shift_left3A_271 : vector<16xi32>
        %bitcast_convert_type3A_273 = tpu.bitcast %shift_left3A_272 : vector<16xi32> -> vector<16xf32>
        %and3A_274 = arith.andi %get3A_269, %broadcast_in_dim3A_159 : vector<16xi32>
        %bitcast_convert_type3A_275 = tpu.bitcast %and3A_274 : vector<16xi32> -> vector<16xf32>
        %add3A_276 = arith.addf %add3A_259, %bitcast_convert_type3A_273 : vector<16xf32>
        %add3A_277 = arith.addf %add3A_260, %bitcast_convert_type3A_275 : vector<16xf32>
        scf.yield %add3A_276, %add3A_277 : vector<16xf32>, vector<16xf32>
      }
      %scan3A_165 = arith.constant 10 : i32
      %mul3A_166 = vector.broadcast %scan3A_105 : f32 to vector<16xf32>
      %mul3A_167 = arith.mulf %scan3A_152#0, %mul3A_166 : vector<16xf32>
      %swap3A = arith.index_cast %scan3A_141 : i32 to index
      %swap3A_168 = arith.constant 16 : index
      %swap3A_169 = tpu.vector_load %arg15[%swap3A, %swap3A_168] {strides = array<i32>} : memref<16x80xf32, #tpu.memory_space<vmem>>, vector<1x16xf32>,
      %swap3A_170 = vector.shape_cast %swap3A_169 : vector<1x16xf32> to vector<16xf32>
      %swap3A_171 = vector.shape_cast %mul3A_167 : vector<16xf32> to vector<1x16xf32>
      tpu.vector_store %arg15[%swap3A, %swap3A_168], %swap3A_171 {strides = array<i32>} : memref<16x80xf32, #tpu.memory_space<vmem>>, vector<1x16xf32>,
      %mul3A_172 = vector.broadcast %scan3A_105 : f32 to vector<16xf32>
      %mul3A_173 = arith.mulf %scan3A_152#1, %mul3A_172 : vector<16xf32>
      %swap3A_174 = arith.index_cast %scan3A_141 : i32 to index
      %swap3A_175 = arith.constant 32 : index
      %swap3A_176 = tpu.vector_load %arg15[%swap3A_174, %swap3A_175] {strides = array<i32>} : memref<16x80xf32, #tpu.memory_space<vmem>>, vector<1x16xf32>,
      %swap3A_177 = vector.shape_cast %swap3A_176 : vector<1x16xf32> to vector<16xf32>
      %swap3A_178 = vector.shape_cast %mul3A_173 : vector<16xf32> to vector<1x16xf32>
      tpu.vector_store %arg15[%swap3A_174, %swap3A_175], %swap3A_178 {strides = array<i32>} : memref<16x80xf32, #tpu.memory_space<vmem>>, vector<1x16xf32>,
      %mul3A_179 = vector.broadcast %scan3A_105 : f32 to vector<16xf32>
      %mul3A_180 = arith.mulf %scan3A_164#0, %mul3A_179 : vector<16xf32>
      %swap3A_181 = arith.index_cast %scan3A_141 : i32 to index
      %swap3A_182 = arith.constant 48 : index
      %swap3A_183 = tpu.vector_load %arg15[%swap3A_181, %swap3A_182] {strides = array<i32>} : memref<16x80xf32, #tpu.memory_space<vmem>>, vector<1x16xf32>,
      %swap3A_184 = vector.shape_cast %swap3A_183 : vector<1x16xf32> to vector<16xf32>
      %swap3A_185 = vector.shape_cast %mul3A_180 : vector<16xf32> to vector<1x16xf32>
      tpu.vector_store %arg15[%swap3A_181, %swap3A_182], %swap3A_185 {strides = array<i32>} : memref<16x80xf32, #tpu.memory_space<vmem>>, vector<1x16xf32>,
      %mul3A_186 = vector.broadcast %scan3A_105 : f32 to vector<16xf32>
      %mul3A_187 = arith.mulf %scan3A_164#1, %mul3A_186 : vector<16xf32>
      %swap3A_188 = arith.index_cast %scan3A_141 : i32 to index
      %swap3A_189 = arith.constant 64 : index
      %swap3A_190 = tpu.vector_load %arg15[%swap3A_188, %swap3A_189] {strides = array<i32>} : memref<16x80xf32, #tpu.memory_space<vmem>>, vector<1x16xf32>,
      %swap3A_191 = vector.shape_cast %swap3A_190 : vector<1x16xf32> to vector<16xf32>
      %swap3A_192 = vector.shape_cast %mul3A_187 : vector<16xf32> to vector<1x16xf32>
      tpu.vector_store %arg15[%swap3A_188, %swap3A_189], %swap3A_192 {strides = array<i32>} : memref<16x80xf32, #tpu.memory_space<vmem>>, vector<1x16xf32>,
      %scan3A_193 = arith.constant 0 : i32
      scf.yield %scan3A_193 : i32
    }
    %scan3A_112 = arith.constant 16 : i32
    "tpu.region"() ({
      %run_scoped3A = tpu.sem_alloc : memref<!tpu.dma_semaphore, #tpu.memory_space<semaphore_mem>>
      %dma_start3A_141 = arith.constant 0 : i32
      %dma_start3A_142 = tpu.memref_slice %arg6[%add3A_86, %dma_start3A_141] : memref<16384x80xf32, #tpu.memory_space<hbm>> -> memref<16x80xf32, #tpu.memory_space<hbm>>
      %dma_start3A_143 = arith.constant 0 : i32
      %dma_start3A_144 = tpu.memref_slice %arg6[%add3A_86, %dma_start3A_143] : memref<16384x80xf32, #tpu.memory_space<hbm>> -> memref<16x80xf32, #tpu.memory_space<hbm>>
      tpu.enqueue_dma source(%arg15 : memref<16x80xf32, #tpu.memory_space<vmem>>) target(%dma_start3A_144 : memref<16x80xf32, #tpu.memory_space<hbm>>) target_semaphore(%run_scoped3A : memref<!tpu.dma_semaphore, #tpu.memory_space<semaphore_mem>>)
      %dma_wait3A_145 = arith.constant 0 : i32
      %dma_wait3A_146 = tpu.memref_slice %arg6[%add3A_86, %dma_wait3A_145] : memref<16384x80xf32, #tpu.memory_space<hbm>> -> memref<16x80xf32, #tpu.memory_space<hbm>>
      %dma_wait3A_147 = arith.constant 0 : i32
      %dma_wait3A_148 = tpu.memref_slice %arg6[%add3A_86, %dma_wait3A_147] : memref<16384x80xf32, #tpu.memory_space<hbm>> -> memref<16x80xf32, #tpu.memory_space<hbm>>
      tpu.wait_dma2 semaphore(%run_scoped3A : memref<!tpu.dma_semaphore, #tpu.memory_space<semaphore_mem>>) src(%arg15 : memref<16x80xf32, #tpu.memory_space<vmem>>) dst(%dma_wait3A_148 : memref<16x80xf32, #tpu.memory_space<hbm>>)
      tpu.yield
    }) : () -> ()
    %add3A_113 = arith.constant 496 : i32
    %add3A_114 = arith.addi %mul3A_2, %add3A_113 : i32
    %dma_wait3A_115 = arith.constant 0 : i32
    %dma_wait3A_116 = arith.constant 0 : i32
    %dma_wait3A_117 = tpu.memref_slice %arg5[%dma_wait3A_115, %dma_wait3A_116] : memref<100000x16xi32, #tpu.memory_space<hbm>> -> memref<100000x16xi32, #tpu.memory_space<hbm>>
    tpu.wait_indirect_dma semaphore(%arg22 : memref<!tpu.dma_semaphore, #tpu.memory_space<semaphore_mem>>) src(%dma_wait3A_117 : memref<100000x16xi32, #tpu.memory_space<hbm>>) dst(%arg12 : memref<800x16xi32, #tpu.memory_space<vmem>>)
    %dma_wait3A_118 = arith.constant 0 : i32
    %dma_wait3A_119 = arith.constant 0 : i32
    %dma_wait3A_120 = tpu.memref_slice %arg5[%dma_wait3A_118, %dma_wait3A_119] : memref<100000x16xi32, #tpu.memory_space<hbm>> -> memref<100000x16xi32, #tpu.memory_space<hbm>>
    tpu.wait_indirect_dma semaphore(%arg24 : memref<!tpu.dma_semaphore, #tpu.memory_space<semaphore_mem>>) src(%dma_wait3A_120 : memref<100000x16xi32, #tpu.memory_space<hbm>>) dst(%arg14 : memref<800x16xi32, #tpu.memory_space<vmem>>)
    %dma_wait3A_121 = arith.constant 0 : i32
    %dma_wait3A_122 = arith.constant 0 : i32
    %dma_wait3A_123 = tpu.memref_slice %arg16[%dma_wait3A_121, %dma_wait3A_122] : memref<16x80xf32, #tpu.memory_space<vmem>> -> memref<16x16xf32, #tpu.memory_space<vmem>>
    %dma_wait3A_124 = arith.constant 0 : i32
    %dma_wait3A_125 = arith.constant 0 : i32
    %dma_wait3A_126 = tpu.memref_slice %arg2[%dma_wait3A_124, %dma_wait3A_125] : memref<16384x16xf32, #tpu.memory_space<hbm>> -> memref<16x16xf32, #tpu.memory_space<hbm>>
    %dma_wait3A_127 = arith.constant 0 : i32
    %dma_wait3A_128 = arith.constant 0 : i32
    %dma_wait3A_129 = tpu.memref_slice %arg16[%dma_wait3A_127, %dma_wait3A_128] : memref<16x80xf32, #tpu.memory_space<vmem>> -> memref<16x16xf32, #tpu.memory_space<vmem>>
    %dma_wait3A_130 = arith.constant 0 : i32
    %dma_wait3A_131 = arith.constant 0 : i32
    %dma_wait3A_132 = tpu.memref_slice %arg2[%dma_wait3A_130, %dma_wait3A_131] : memref<16384x16xf32, #tpu.memory_space<hbm>> -> memref<16x16xf32, #tpu.memory_space<hbm>>
    tpu.wait_dma2 semaphore(%arg26 : memref<!tpu.dma_semaphore, #tpu.memory_space<semaphore_mem>>) src(%dma_wait3A_132 : memref<16x16xf32, #tpu.memory_space<hbm>>) dst(%dma_wait3A_129 : memref<16x16xf32, #tpu.memory_space<vmem>>)
    %scan3A_133 = arith.constant 0.00999999977 : f32
    %scan3A_134 = arith.constant 0 : i32
    %scan3A_135 = arith.constant 0 : i32
    %scan3A_136 = arith.constant 16 : i32
    %scan3A_137 = arith.addi %scan3A_135, %scan3A_136 : i32
    %scan3A_138 = arith.constant 1 : i32
    %scan3A_139 = scf.for %scan3A_141 = %scan3A_135 to %scan3A_137 step %scan3A_138 iter_args(%scan3A_142 = %scan3A_134) -> (i32)  : i32 {
      %mul3A_143 = arith.constant 50 : i32
      %mul3A_144 = arith.muli %scan3A_141, %mul3A_143 : i32
      %broadcast_in_dim3A = arith.constant 0.000000e+00 : f32
      %broadcast_in_dim3A_145 = vector.broadcast %broadcast_in_dim3A : f32 to vector<16xf32>
      %broadcast_in_dim3A_146 = arith.constant -65536 : i32
      %broadcast_in_dim3A_147 = vector.broadcast %broadcast_in_dim3A_146 : i32 to vector<16xi32>
      %scan3A_148 = arith.constant 0 : i32
      %scan3A_149 = arith.constant 10 : i32
      %scan3A_150 = arith.addi %scan3A_148, %scan3A_149 : i32
      %scan3A_151 = arith.constant 1 : i32
      %scan3A_152:2 = scf.for %scan3A_194 = %scan3A_148 to %scan3A_150 step %scan3A_151 iter_args(%scan3A_195 = %broadcast_in_dim3A_145, %scan3A_196 = %broadcast_in_dim3A_145) -> (vector<16xf32>, vector<16xf32>)  : i32 {
        %mul3A_197 = arith.constant 5 : i32
        %mul3A_198 = arith.muli %scan3A_194, %mul3A_197 : i32
        %add3A_199 = arith.addi %mul3A_144, %mul3A_198 : i32
        %add3A_200 = arith.constant 0 : i32
        %add3A_201 = arith.addi %add3A_199, %add3A_200 : i32
        %get3A = arith.index_cast %add3A_201 : i32 to index
        %get3A_202 = arith.constant 0 : index
        %get3A_203 = tpu.vector_load %arg12[%get3A, %get3A_202] {strides = array<i32>} : memref<800x16xi32, #tpu.memory_space<vmem>>, vector<1x16xi32>,
        %get3A_204 = vector.shape_cast %get3A_203 : vector<1x16xi32> to vector<16xi32>
        %shift_left3A = arith.constant 16 : i32
        %shift_left3A_205 = vector.broadcast %shift_left3A : i32 to vector<16xi32>
        %shift_left3A_206 = arith.shli %get3A_204, %shift_left3A_205 : vector<16xi32>
        %bitcast_convert_type3A = tpu.bitcast %shift_left3A_206 : vector<16xi32> -> vector<16xf32>
        %and3A = arith.andi %get3A_204, %broadcast_in_dim3A_147 : vector<16xi32>
        %bitcast_convert_type3A_207 = tpu.bitcast %and3A : vector<16xi32> -> vector<16xf32>
        %add3A_208 = arith.addf %scan3A_195, %bitcast_convert_type3A : vector<16xf32>
        %add3A_209 = arith.addf %scan3A_196, %bitcast_convert_type3A_207 : vector<16xf32>
        %mul3A_210 = arith.constant 5 : i32
        %mul3A_211 = arith.muli %scan3A_194, %mul3A_210 : i32
        %add3A_212 = arith.addi %mul3A_144, %mul3A_211 : i32
        %add3A_213 = arith.constant 1 : i32
        %add3A_214 = arith.addi %add3A_212, %add3A_213 : i32
        %get3A_215 = arith.index_cast %add3A_214 : i32 to index
        %get3A_216 = arith.constant 0 : index
        %get3A_217 = tpu.vector_load %arg12[%get3A_215, %get3A_216] {strides = array<i32>} : memref<800x16xi32, #tpu.memory_space<vmem>>, vector<1x16xi32>,
        %get3A_218 = vector.shape_cast %get3A_217 : vector<1x16xi32> to vector<16xi32>
        %shift_left3A_219 = arith.constant 16 : i32
        %shift_left3A_220 = vector.broadcast %shift_left3A_219 : i32 to vector<16xi32>
        %shift_left3A_221 = arith.shli %get3A_218, %shift_left3A_220 : vector<16xi32>
        %bitcast_convert_type3A_222 = tpu.bitcast %shift_left3A_221 : vector<16xi32> -> vector<16xf32>
        %and3A_223 = arith.andi %get3A_218, %broadcast_in_dim3A_147 : vector<16xi32>
        %bitcast_convert_type3A_224 = tpu.bitcast %and3A_223 : vector<16xi32> -> vector<16xf32>
        %add3A_225 = arith.addf %add3A_208, %bitcast_convert_type3A_222 : vector<16xf32>
        %add3A_226 = arith.addf %add3A_209, %bitcast_convert_type3A_224 : vector<16xf32>
        %mul3A_227 = arith.constant 5 : i32
        %mul3A_228 = arith.muli %scan3A_194, %mul3A_227 : i32
        %add3A_229 = arith.addi %mul3A_144, %mul3A_228 : i32
        %add3A_230 = arith.constant 2 : i32
        %add3A_231 = arith.addi %add3A_229, %add3A_230 : i32
        %get3A_232 = arith.index_cast %add3A_231 : i32 to index
        %get3A_233 = arith.constant 0 : index
        %get3A_234 = tpu.vector_load %arg12[%get3A_232, %get3A_233] {strides = array<i32>} : memref<800x16xi32, #tpu.memory_space<vmem>>, vector<1x16xi32>,
        %get3A_235 = vector.shape_cast %get3A_234 : vector<1x16xi32> to vector<16xi32>
        %shift_left3A_236 = arith.constant 16 : i32
        %shift_left3A_237 = vector.broadcast %shift_left3A_236 : i32 to vector<16xi32>
        %shift_left3A_238 = arith.shli %get3A_235, %shift_left3A_237 : vector<16xi32>
        %bitcast_convert_type3A_239 = tpu.bitcast %shift_left3A_238 : vector<16xi32> -> vector<16xf32>
        %and3A_240 = arith.andi %get3A_235, %broadcast_in_dim3A_147 : vector<16xi32>
        %bitcast_convert_type3A_241 = tpu.bitcast %and3A_240 : vector<16xi32> -> vector<16xf32>
        %add3A_242 = arith.addf %add3A_225, %bitcast_convert_type3A_239 : vector<16xf32>
        %add3A_243 = arith.addf %add3A_226, %bitcast_convert_type3A_241 : vector<16xf32>
        %mul3A_244 = arith.constant 5 : i32
        %mul3A_245 = arith.muli %scan3A_194, %mul3A_244 : i32
        %add3A_246 = arith.addi %mul3A_144, %mul3A_245 : i32
        %add3A_247 = arith.constant 3 : i32
        %add3A_248 = arith.addi %add3A_246, %add3A_247 : i32
        %get3A_249 = arith.index_cast %add3A_248 : i32 to index
        %get3A_250 = arith.constant 0 : index
        %get3A_251 = tpu.vector_load %arg12[%get3A_249, %get3A_250] {strides = array<i32>} : memref<800x16xi32, #tpu.memory_space<vmem>>, vector<1x16xi32>,
        %get3A_252 = vector.shape_cast %get3A_251 : vector<1x16xi32> to vector<16xi32>
        %shift_left3A_253 = arith.constant 16 : i32
        %shift_left3A_254 = vector.broadcast %shift_left3A_253 : i32 to vector<16xi32>
        %shift_left3A_255 = arith.shli %get3A_252, %shift_left3A_254 : vector<16xi32>
        %bitcast_convert_type3A_256 = tpu.bitcast %shift_left3A_255 : vector<16xi32> -> vector<16xf32>
        %and3A_257 = arith.andi %get3A_252, %broadcast_in_dim3A_147 : vector<16xi32>
        %bitcast_convert_type3A_258 = tpu.bitcast %and3A_257 : vector<16xi32> -> vector<16xf32>
        %add3A_259 = arith.addf %add3A_242, %bitcast_convert_type3A_256 : vector<16xf32>
        %add3A_260 = arith.addf %add3A_243, %bitcast_convert_type3A_258 : vector<16xf32>
        %mul3A_261 = arith.constant 5 : i32
        %mul3A_262 = arith.muli %scan3A_194, %mul3A_261 : i32
        %add3A_263 = arith.addi %mul3A_144, %mul3A_262 : i32
        %add3A_264 = arith.constant 4 : i32
        %add3A_265 = arith.addi %add3A_263, %add3A_264 : i32
        %get3A_266 = arith.index_cast %add3A_265 : i32 to index
        %get3A_267 = arith.constant 0 : index
        %get3A_268 = tpu.vector_load %arg12[%get3A_266, %get3A_267] {strides = array<i32>} : memref<800x16xi32, #tpu.memory_space<vmem>>, vector<1x16xi32>,
        %get3A_269 = vector.shape_cast %get3A_268 : vector<1x16xi32> to vector<16xi32>
        %shift_left3A_270 = arith.constant 16 : i32
        %shift_left3A_271 = vector.broadcast %shift_left3A_270 : i32 to vector<16xi32>
        %shift_left3A_272 = arith.shli %get3A_269, %shift_left3A_271 : vector<16xi32>
        %bitcast_convert_type3A_273 = tpu.bitcast %shift_left3A_272 : vector<16xi32> -> vector<16xf32>
        %and3A_274 = arith.andi %get3A_269, %broadcast_in_dim3A_147 : vector<16xi32>
        %bitcast_convert_type3A_275 = tpu.bitcast %and3A_274 : vector<16xi32> -> vector<16xf32>
        %add3A_276 = arith.addf %add3A_259, %bitcast_convert_type3A_273 : vector<16xf32>
        %add3A_277 = arith.addf %add3A_260, %bitcast_convert_type3A_275 : vector<16xf32>
        scf.yield %add3A_276, %add3A_277 : vector<16xf32>, vector<16xf32>
      }
      %scan3A_153 = arith.constant 10 : i32
      %mul3A_154 = arith.constant 50 : i32
      %mul3A_155 = arith.muli %scan3A_141, %mul3A_154 : i32
      %broadcast_in_dim3A_156 = arith.constant 0.000000e+00 : f32
      %broadcast_in_dim3A_157 = vector.broadcast %broadcast_in_dim3A_156 : f32 to vector<16xf32>
      %broadcast_in_dim3A_158 = arith.constant -65536 : i32
      %broadcast_in_dim3A_159 = vector.broadcast %broadcast_in_dim3A_158 : i32 to vector<16xi32>
      %scan3A_160 = arith.constant 0 : i32
      %scan3A_161 = arith.constant 10 : i32
      %scan3A_162 = arith.addi %scan3A_160, %scan3A_161 : i32
      %scan3A_163 = arith.constant 1 : i32
      %scan3A_164:2 = scf.for %scan3A_194 = %scan3A_160 to %scan3A_162 step %scan3A_163 iter_args(%scan3A_195 = %broadcast_in_dim3A_157, %scan3A_196 = %broadcast_in_dim3A_157) -> (vector<16xf32>, vector<16xf32>)  : i32 {
        %mul3A_197 = arith.constant 5 : i32
        %mul3A_198 = arith.muli %scan3A_194, %mul3A_197 : i32
        %add3A_199 = arith.addi %mul3A_155, %mul3A_198 : i32
        %add3A_200 = arith.constant 0 : i32
        %add3A_201 = arith.addi %add3A_199, %add3A_200 : i32
        %get3A = arith.index_cast %add3A_201 : i32 to index
        %get3A_202 = arith.constant 0 : index
        %get3A_203 = tpu.vector_load %arg14[%get3A, %get3A_202] {strides = array<i32>} : memref<800x16xi32, #tpu.memory_space<vmem>>, vector<1x16xi32>,
        %get3A_204 = vector.shape_cast %get3A_203 : vector<1x16xi32> to vector<16xi32>
        %shift_left3A = arith.constant 16 : i32
        %shift_left3A_205 = vector.broadcast %shift_left3A : i32 to vector<16xi32>
        %shift_left3A_206 = arith.shli %get3A_204, %shift_left3A_205 : vector<16xi32>
        %bitcast_convert_type3A = tpu.bitcast %shift_left3A_206 : vector<16xi32> -> vector<16xf32>
        %and3A = arith.andi %get3A_204, %broadcast_in_dim3A_159 : vector<16xi32>
        %bitcast_convert_type3A_207 = tpu.bitcast %and3A : vector<16xi32> -> vector<16xf32>
        %add3A_208 = arith.addf %scan3A_195, %bitcast_convert_type3A : vector<16xf32>
        %add3A_209 = arith.addf %scan3A_196, %bitcast_convert_type3A_207 : vector<16xf32>
        %mul3A_210 = arith.constant 5 : i32
        %mul3A_211 = arith.muli %scan3A_194, %mul3A_210 : i32
        %add3A_212 = arith.addi %mul3A_155, %mul3A_211 : i32
        %add3A_213 = arith.constant 1 : i32
        %add3A_214 = arith.addi %add3A_212, %add3A_213 : i32
        %get3A_215 = arith.index_cast %add3A_214 : i32 to index
        %get3A_216 = arith.constant 0 : index
        %get3A_217 = tpu.vector_load %arg14[%get3A_215, %get3A_216] {strides = array<i32>} : memref<800x16xi32, #tpu.memory_space<vmem>>, vector<1x16xi32>,
        %get3A_218 = vector.shape_cast %get3A_217 : vector<1x16xi32> to vector<16xi32>
        %shift_left3A_219 = arith.constant 16 : i32
        %shift_left3A_220 = vector.broadcast %shift_left3A_219 : i32 to vector<16xi32>
        %shift_left3A_221 = arith.shli %get3A_218, %shift_left3A_220 : vector<16xi32>
        %bitcast_convert_type3A_222 = tpu.bitcast %shift_left3A_221 : vector<16xi32> -> vector<16xf32>
        %and3A_223 = arith.andi %get3A_218, %broadcast_in_dim3A_159 : vector<16xi32>
        %bitcast_convert_type3A_224 = tpu.bitcast %and3A_223 : vector<16xi32> -> vector<16xf32>
        %add3A_225 = arith.addf %add3A_208, %bitcast_convert_type3A_222 : vector<16xf32>
        %add3A_226 = arith.addf %add3A_209, %bitcast_convert_type3A_224 : vector<16xf32>
        %mul3A_227 = arith.constant 5 : i32
        %mul3A_228 = arith.muli %scan3A_194, %mul3A_227 : i32
        %add3A_229 = arith.addi %mul3A_155, %mul3A_228 : i32
        %add3A_230 = arith.constant 2 : i32
        %add3A_231 = arith.addi %add3A_229, %add3A_230 : i32
        %get3A_232 = arith.index_cast %add3A_231 : i32 to index
        %get3A_233 = arith.constant 0 : index
        %get3A_234 = tpu.vector_load %arg14[%get3A_232, %get3A_233] {strides = array<i32>} : memref<800x16xi32, #tpu.memory_space<vmem>>, vector<1x16xi32>,
        %get3A_235 = vector.shape_cast %get3A_234 : vector<1x16xi32> to vector<16xi32>
        %shift_left3A_236 = arith.constant 16 : i32
        %shift_left3A_237 = vector.broadcast %shift_left3A_236 : i32 to vector<16xi32>
        %shift_left3A_238 = arith.shli %get3A_235, %shift_left3A_237 : vector<16xi32>
        %bitcast_convert_type3A_239 = tpu.bitcast %shift_left3A_238 : vector<16xi32> -> vector<16xf32>
        %and3A_240 = arith.andi %get3A_235, %broadcast_in_dim3A_159 : vector<16xi32>
        %bitcast_convert_type3A_241 = tpu.bitcast %and3A_240 : vector<16xi32> -> vector<16xf32>
        %add3A_242 = arith.addf %add3A_225, %bitcast_convert_type3A_239 : vector<16xf32>
        %add3A_243 = arith.addf %add3A_226, %bitcast_convert_type3A_241 : vector<16xf32>
        %mul3A_244 = arith.constant 5 : i32
        %mul3A_245 = arith.muli %scan3A_194, %mul3A_244 : i32
        %add3A_246 = arith.addi %mul3A_155, %mul3A_245 : i32
        %add3A_247 = arith.constant 3 : i32
        %add3A_248 = arith.addi %add3A_246, %add3A_247 : i32
        %get3A_249 = arith.index_cast %add3A_248 : i32 to index
        %get3A_250 = arith.constant 0 : index
        %get3A_251 = tpu.vector_load %arg14[%get3A_249, %get3A_250] {strides = array<i32>} : memref<800x16xi32, #tpu.memory_space<vmem>>, vector<1x16xi32>,
        %get3A_252 = vector.shape_cast %get3A_251 : vector<1x16xi32> to vector<16xi32>
        %shift_left3A_253 = arith.constant 16 : i32
        %shift_left3A_254 = vector.broadcast %shift_left3A_253 : i32 to vector<16xi32>
        %shift_left3A_255 = arith.shli %get3A_252, %shift_left3A_254 : vector<16xi32>
        %bitcast_convert_type3A_256 = tpu.bitcast %shift_left3A_255 : vector<16xi32> -> vector<16xf32>
        %and3A_257 = arith.andi %get3A_252, %broadcast_in_dim3A_159 : vector<16xi32>
        %bitcast_convert_type3A_258 = tpu.bitcast %and3A_257 : vector<16xi32> -> vector<16xf32>
        %add3A_259 = arith.addf %add3A_242, %bitcast_convert_type3A_256 : vector<16xf32>
        %add3A_260 = arith.addf %add3A_243, %bitcast_convert_type3A_258 : vector<16xf32>
        %mul3A_261 = arith.constant 5 : i32
        %mul3A_262 = arith.muli %scan3A_194, %mul3A_261 : i32
        %add3A_263 = arith.addi %mul3A_155, %mul3A_262 : i32
        %add3A_264 = arith.constant 4 : i32
        %add3A_265 = arith.addi %add3A_263, %add3A_264 : i32
        %get3A_266 = arith.index_cast %add3A_265 : i32 to index
        %get3A_267 = arith.constant 0 : index
        %get3A_268 = tpu.vector_load %arg14[%get3A_266, %get3A_267] {strides = array<i32>} : memref<800x16xi32, #tpu.memory_space<vmem>>, vector<1x16xi32>,
        %get3A_269 = vector.shape_cast %get3A_268 : vector<1x16xi32> to vector<16xi32>
        %shift_left3A_270 = arith.constant 16 : i32
        %shift_left3A_271 = vector.broadcast %shift_left3A_270 : i32 to vector<16xi32>
        %shift_left3A_272 = arith.shli %get3A_269, %shift_left3A_271 : vector<16xi32>
        %bitcast_convert_type3A_273 = tpu.bitcast %shift_left3A_272 : vector<16xi32> -> vector<16xf32>
        %and3A_274 = arith.andi %get3A_269, %broadcast_in_dim3A_159 : vector<16xi32>
        %bitcast_convert_type3A_275 = tpu.bitcast %and3A_274 : vector<16xi32> -> vector<16xf32>
        %add3A_276 = arith.addf %add3A_259, %bitcast_convert_type3A_273 : vector<16xf32>
        %add3A_277 = arith.addf %add3A_260, %bitcast_convert_type3A_275 : vector<16xf32>
        scf.yield %add3A_276, %add3A_277 : vector<16xf32>, vector<16xf32>
      }
      %scan3A_165 = arith.constant 10 : i32
      %mul3A_166 = vector.broadcast %scan3A_133 : f32 to vector<16xf32>
      %mul3A_167 = arith.mulf %scan3A_152#0, %mul3A_166 : vector<16xf32>
      %swap3A = arith.index_cast %scan3A_141 : i32 to index
      %swap3A_168 = arith.constant 16 : index
      %swap3A_169 = tpu.vector_load %arg16[%swap3A, %swap3A_168] {strides = array<i32>} : memref<16x80xf32, #tpu.memory_space<vmem>>, vector<1x16xf32>,
      %swap3A_170 = vector.shape_cast %swap3A_169 : vector<1x16xf32> to vector<16xf32>
      %swap3A_171 = vector.shape_cast %mul3A_167 : vector<16xf32> to vector<1x16xf32>
      tpu.vector_store %arg16[%swap3A, %swap3A_168], %swap3A_171 {strides = array<i32>} : memref<16x80xf32, #tpu.memory_space<vmem>>, vector<1x16xf32>,
      %mul3A_172 = vector.broadcast %scan3A_133 : f32 to vector<16xf32>
      %mul3A_173 = arith.mulf %scan3A_152#1, %mul3A_172 : vector<16xf32>
      %swap3A_174 = arith.index_cast %scan3A_141 : i32 to index
      %swap3A_175 = arith.constant 32 : index
      %swap3A_176 = tpu.vector_load %arg16[%swap3A_174, %swap3A_175] {strides = array<i32>} : memref<16x80xf32, #tpu.memory_space<vmem>>, vector<1x16xf32>,
      %swap3A_177 = vector.shape_cast %swap3A_176 : vector<1x16xf32> to vector<16xf32>
      %swap3A_178 = vector.shape_cast %mul3A_173 : vector<16xf32> to vector<1x16xf32>
      tpu.vector_store %arg16[%swap3A_174, %swap3A_175], %swap3A_178 {strides = array<i32>} : memref<16x80xf32, #tpu.memory_space<vmem>>, vector<1x16xf32>,
      %mul3A_179 = vector.broadcast %scan3A_133 : f32 to vector<16xf32>
      %mul3A_180 = arith.mulf %scan3A_164#0, %mul3A_179 : vector<16xf32>
      %swap3A_181 = arith.index_cast %scan3A_141 : i32 to index
      %swap3A_182 = arith.constant 48 : index
      %swap3A_183 = tpu.vector_load %arg16[%swap3A_181, %swap3A_182] {strides = array<i32>} : memref<16x80xf32, #tpu.memory_space<vmem>>, vector<1x16xf32>,
      %swap3A_184 = vector.shape_cast %swap3A_183 : vector<1x16xf32> to vector<16xf32>
      %swap3A_185 = vector.shape_cast %mul3A_180 : vector<16xf32> to vector<1x16xf32>
      tpu.vector_store %arg16[%swap3A_181, %swap3A_182], %swap3A_185 {strides = array<i32>} : memref<16x80xf32, #tpu.memory_space<vmem>>, vector<1x16xf32>,
      %mul3A_186 = vector.broadcast %scan3A_133 : f32 to vector<16xf32>
      %mul3A_187 = arith.mulf %scan3A_164#1, %mul3A_186 : vector<16xf32>
      %swap3A_188 = arith.index_cast %scan3A_141 : i32 to index
      %swap3A_189 = arith.constant 64 : index
      %swap3A_190 = tpu.vector_load %arg16[%swap3A_188, %swap3A_189] {strides = array<i32>} : memref<16x80xf32, #tpu.memory_space<vmem>>, vector<1x16xf32>,
      %swap3A_191 = vector.shape_cast %swap3A_190 : vector<1x16xf32> to vector<16xf32>
      %swap3A_192 = vector.shape_cast %mul3A_187 : vector<16xf32> to vector<1x16xf32>
      tpu.vector_store %arg16[%swap3A_188, %swap3A_189], %swap3A_192 {strides = array<i32>} : memref<16x80xf32, #tpu.memory_space<vmem>>, vector<1x16xf32>,
      %scan3A_193 = arith.constant 0 : i32
      scf.yield %scan3A_193 : i32
    }
    %scan3A_140 = arith.constant 16 : i32
    "tpu.region"() ({
      %run_scoped3A = tpu.sem_alloc : memref<!tpu.dma_semaphore, #tpu.memory_space<semaphore_mem>>
      %dma_start3A_141 = arith.constant 0 : i32
      %dma_start3A_142 = tpu.memref_slice %arg6[%add3A_114, %dma_start3A_141] : memref<16384x80xf32, #tpu.memory_space<hbm>> -> memref<16x80xf32, #tpu.memory_space<hbm>>
      %dma_start3A_143 = arith.constant 0 : i32
      %dma_start3A_144 = tpu.memref_slice %arg6[%add3A_114, %dma_start3A_143] : memref<16384x80xf32, #tpu.memory_space<hbm>> -> memref<16x80xf32, #tpu.memory_space<hbm>>
      tpu.enqueue_dma source(%arg16 : memref<16x80xf32, #tpu.memory_space<vmem>>) target(%dma_start3A_144 : memref<16x80xf32, #tpu.memory_space<hbm>>) target_semaphore(%run_scoped3A : memref<!tpu.dma_semaphore, #tpu.memory_space<semaphore_mem>>)
      %dma_wait3A_145 = arith.constant 0 : i32
      %dma_wait3A_146 = tpu.memref_slice %arg6[%add3A_114, %dma_wait3A_145] : memref<16384x80xf32, #tpu.memory_space<hbm>> -> memref<16x80xf32, #tpu.memory_space<hbm>>
      %dma_wait3A_147 = arith.constant 0 : i32
      %dma_wait3A_148 = tpu.memref_slice %arg6[%add3A_114, %dma_wait3A_147] : memref<16384x80xf32, #tpu.memory_space<hbm>> -> memref<16x80xf32, #tpu.memory_space<hbm>>
      tpu.wait_dma2 semaphore(%run_scoped3A : memref<!tpu.dma_semaphore, #tpu.memory_space<semaphore_mem>>) src(%arg16 : memref<16x80xf32, #tpu.memory_space<vmem>>) dst(%dma_wait3A_148 : memref<16x80xf32, #tpu.memory_space<hbm>>)
      tpu.yield
    }) : () -> ()
    return
  }
}

</mosaic_0001>

<sc_bundles>
// kernel: _run.4.cloned.1.call-start
scs
__scs_entry_jumppad:
0x0: {  	(pc) =	sbr.rel $0x88, $3  }
0x1: {  	(tag) =	ssettag $0x0;
	lr =	simm.s32 $0x1  }
0x2: {  	[smem:$0x3F9C] =	sst lr;
	_ =	strace $0xD0000000  }
0x3: {  	_ = 	snop  }
0x4: {  	_ = 	snop  }
0x5: {  	_ = 	snop  }
0x6: {  	_ = 	snop  }
0x7: {  	_ = 	snop  }
__scs_overlays_trampoline_lowered:
0x8: {  	[smem:$0x3FAB] =	sst s0  }
0x9: {  	[smem:$0x3FAC] =	sst s1  }
0xa: {  	[smem:$0x3FAD] =	sst s2  }
0xb: {  	[smem:$0x3FAE] =	sst s3  }
0xc: {  	[smem:$0x3FAF] =	sst s4  }
0xd: {  	[smem:$0x3FB0] =	sst s5  }
0xe: {  	[smem:$0x3FB1] =	sst s6  }
0xf: {  	[smem:$0x3FB2] =	sst s7  }
0x10: {  	[smem:$0x3FB3] =	sst s8  }
0x11: {  	[smem:$0x3FB4] =	sst s9;
	s0 =	simm.s32 @!p0 $0x0  }
0x12: {  	s1 =	sld [smem:$0x3F9A];
	s0 =	simm.s32 @p0 $0x1  }
0x13: {  	[smem:$0x3FB5] =	sst s0;
	s0 =	simm.s32 @!p1 $0x0  }
0x14: {  	s2 =	sld [smem:$0x3F99];
	s0 =	simm.s32 @p1 $0x1  }
0x15: {  	[smem:$0x3FB6] =	sst s0;
	s0 =	simm.s32 @!p2 $0x0  }
0x16: {  	s3 =	sld [smem:$0x3FDB];
	s0 =	simm.s32 @p2 $0x1  }
0x17: {  	s4 =	simm.s32 $0x1BF5;
	[smem:$0x3FB8] =	sst s0  }
0x18: {  	s0 =	sld [smem:$0x3F9B];
	_ =	swait.ge [sflag:s4], $0x0  }
0x19: {  	s7 =	sld [smem:$0x3F9C]  }
0x1a: {  	s8 =	sadd.s32 $0xFFFFE003, lr  }
0x1b: {  	s9 =	sadd.s32 $0xFFFFFEF7, lr;
	s5 =	simm.s32 $0xFFFFFFFF;
	p2 =	slt.u32 s8, $0xFFFFF086  }
0x1c: {  	p1 =	slt.u32 s9, $0xF7A;
	s5 =	simm.s32 @!p2 $0x0  }
0x1d: {  	s5 =	simm.s32 @p1 $0x1;
	p0 =	seq.s32 s7, s2  }
0x1e: {  	s7 =	smul.u32 @!p0 $0xF7A, s2;
	p2 =	seq.s32 @!p0 s5, $0x0  }
0x1f: {  	s9 =	smul.u32 $0xF7A, s1;
	s8 =	simm.s32 @!p0 $0x1BF5;
	p2 =	por !p2, p0  }
0x20: {  	[sflag:s8] =	ssyncset.s32 @!p0 $0xFFFFF086;
	s6 =	sadd.s32 @!p0 s3, s7;
	s7 =	simm.s32 @!p0 $0x108  }
0x21: {  	s3 =	sadd.s32 s3, s9;
	s6 =	sadd.s32 @!p0 $0x88, s6;
	s7 =	simm.s32 @p2 $0x1082  }
0x22: {  	[simem:s7], [sflag:s8] =	dma.local @!p0 [hbm:s6], $0xF7A  }
0x23: {  	s9 =	sor.u32 $0xD0000000, s2;
	s6 =	simm.s32 $0x108;
	_ =	swait.ge @!p0 [sflag:s8], $0x0  }
0x24: {  	s3 =	sadd.s32 $0x88, s3;
	s6 =	simm.s32 @!p1 $0x1082;
	[sflag:s4] =	ssyncset.s32 $0xFFFFF086  }
0x25: {  	[simem:s6], [sflag:s4] =	dma.local [hbm:s3], $0xF7A  }
0x26: {  	[smem:$0x3F9C] =	sst s1;
	(tag) =	ssettag s2;
	_ =	strace s9  }
0x27: {  	s1 =	sld [smem:$0x3FAC]  }
0x28: {  	s2 =	sld [smem:$0x3FAD]  }
0x29: {  	s4 =	sld [smem:$0x3FAF]  }
0x2a: {  	p0 =	seq.s32 s5, $0x0;
	s5 =	sld [smem:$0x3FB0]  }
0x2b: {  	s6 =	sld [smem:$0x3FB1]  }
0x2c: {  	s7 =	sld [smem:$0x3FB2]  }
0x2d: {  	s3 =	simm.s32 $0x108;
	s8 =	sld [smem:$0x3FB3]  }
0x2e: {  	s3 =	simm.s32 @!p0 $0x1082;
	s9 =	sld [smem:$0x3FB4]  }
0x2f: {  	lr =	sadd.s32 s0, s3;
	s0 =	sld [smem:$0x3FAB]  }
0x30: {  	s3 =	sld [smem:$0x3FAE]  }
0x31: {  	[smem:$0x3FB7] =	sst s10  }
0x32: {  	s10 =	sld [smem:$0x3FB5];
	_ =	sdelay $0x3  }
0x33: {  	p0 =	seq.s32 s10, $0x1;
	s10 =	sld [smem:$0x3FB7];
	_ =	sdelay $0x3  }
0x34: {  	[smem:$0x3FB7] =	sst s10  }
0x35: {  	s10 =	sld [smem:$0x3FB6];
	_ =	sdelay $0x3  }
0x36: {  	p1 =	seq.s32 s10, $0x1;
	s10 =	sld [smem:$0x3FB7];
	_ =	sdelay $0x3  }
0x37: {  	[smem:$0x3FB7] =	sst s10  }
0x38: {  	s10 =	sld [smem:$0x3FB8]  }
0x39: {  	_ = 	snop;
	(pc) =	sbr.ind lr, $3  }
0x3a: {  	_ = 	snop  }
0x3b: {  	_ = 	snop  }
0x3c: {  	p2 =	seq.s32 s10, $0x1;
	s10 =	sld [smem:$0x3FB7]  }
0x3d: {  	_ =	shalt  }
0x3e: {  	_ =	shalt  }
0x3f: {  	_ =	shalt  }
0x40: {  	_ =	shalt  }
0x41: {  	_ =	shalt  }
0x42: {  	_ =	shalt  }
0x43: {  	_ =	shalt  }
0x44: {  	_ =	shalt  }
0x45: {  	_ =	shalt  }
0x46: {  	_ =	shalt  }
0x47: {  	_ =	shalt  }
0x48: {  	_ =	shalt  }
0x49: {  	_ =	shalt  }
0x4a: {  	_ =	shalt  }
0x4b: {  	_ =	shalt  }
0x4c: {  	_ =	shalt  }
0x4d: {  	_ =	shalt  }
0x4e: {  	_ =	shalt  }
0x4f: {  	_ =	shalt  }
0x50: {  	_ =	shalt  }
0x51: {  	_ =	shalt  }
0x52: {  	_ =	shalt  }
0x53: {  	_ =	shalt  }
0x54: {  	_ =	shalt  }
0x55: {  	_ =	shalt  }
0x56: {  	_ =	shalt  }
0x57: {  	_ =	shalt  }
0x58: {  	_ =	shalt  }
0x59: {  	_ =	shalt  }
0x5a: {  	_ =	shalt  }
0x5b: {  	_ =	shalt  }
0x5c: {  	_ =	shalt  }
0x5d: {  	_ =	shalt  }
0x5e: {  	_ =	shalt  }
0x5f: {  	_ =	shalt  }
0x60: {  	_ =	shalt  }
0x61: {  	_ =	shalt  }
0x62: {  	_ =	shalt  }
0x63: {  	_ =	shalt  }
0x64: {  	_ =	shalt  }
0x65: {  	_ =	shalt  }
0x66: {  	_ =	shalt  }
0x67: {  	_ =	shalt  }
0x68: {  	_ =	shalt  }
0x69: {  	_ =	shalt  }
0x6a: {  	_ =	shalt  }
0x6b: {  	_ =	shalt  }
0x6c: {  	_ =	shalt  }
0x6d: {  	_ =	shalt  }
0x6e: {  	_ =	shalt  }
0x6f: {  	_ =	shalt  }
0x70: {  	_ =	shalt  }
0x71: {  	_ =	shalt  }
0x72: {  	_ =	shalt  }
0x73: {  	_ =	shalt  }
0x74: {  	_ =	shalt  }
0x75: {  	_ =	shalt  }
0x76: {  	_ =	shalt  }
0x77: {  	_ =	shalt  }
0x78: {  	_ =	shalt  }
0x79: {  	_ =	shalt  }
0x7a: {  	_ =	shalt  }
0x7b: {  	_ =	shalt  }
0x7c: {  	_ =	shalt  }
0x7d: {  	_ =	shalt  }
0x7e: {  	_ =	shalt  }
0x7f: {  	_ =	shalt  }
0x80: {  	_ =	shalt  }
0x81: {  	_ =	shalt  }
0x82: {  	_ =	shalt  }
0x83: {  	_ =	shalt  }
0x84: {  	_ =	shalt  }
0x85: {  	_ =	shalt  }
0x86: {  	_ =	shalt  }
0x87: {  	_ =	shalt  }
.Lfunc_end0:
.L_simem_size_0:
called_computation_lowered:
.L_overlay_start_0:
0x88: {  	s2 =	sld [smem:$0x3FD9]  }
0x89: {  	s3 =	sld [smem:$0x3FFE];
	_ =	sdelay $0x1  }
0x8a: {  	s1 =	srdreg.scid  }
0x8b: {  	s0 =	sand.u32 $0x1, s1  }
0x8c: {  	s17 =	sshll.u32 s0, $0xA;
	s2 =	sadd.s32 s3, s2  }
0x8d: {  	s2 =	sadd.s32 s2, s17  }
0x8e: {  	[smem:$0x3FC3] =	sst s2  }
0x8f: {  	_ = 	snop  }
0x90: {  	s2 =	sld [smem:$0x3FC8]  }
0x91: {  	s18 =	sld [smem:$0x3FC7]  }
0x92: {  	s4 =	sld [smem:$0x3FD0];
	(tm) =	ssettm $0x1  }
0x93: {  	s5 =	sld [smem:$0x3FFB];
	_ =	sdelay $0x3  }
0x94: {  	_ =	strace s5  }
0x95: {  	s5 =	sld [smem:$0x3FFC];
	_ =	sdelay $0x3  }
0x96: {  	_ =	strace s5  }
0x97: {  	s5 =	sld [smem:$0x3FFD];
	_ =	sdelay $0x3  }
0x98: {  	_ =	strace s5  }
0x99: {  	_ =	strace $0x8FFFFFFF  }
0x9a: {  	s19 =	sld [smem:$0x3FDB];
	_ =	sdelay $0x1  }
0x9b: {  	s6 =	simm.s32 $_scs_section_size  }
0x9c: {  	s7 =	simm.s32 $_size__tile_overlayer_lowered;
	s8 =	simm.s32 $_tile_overlayer_lowered  }
0x9d: {  	s22 =	simm.s32 $0x1BFF;
	s21 =	sshll.u32 s8, $0x1;
	s5 =	sadd.s32 s6, s19  }
0x9e: {  	s9 =	simm.s32 $0x0;
	s20 =	sshll.u32 s7, $0x1;
	s7 =	sadd.s32 s21, s5  }
0x9f: {  	[timem:s9], [sflag:s22] =	dma.local [hbm:s7], s20  }
0xa0: {  	_ =	swait.ge [sflag:s22], s20  }
0xa1: {  	s6 =	ssub.s32 $0x0, s20;
	[sflag:s22] =	ssyncset.done $0x0  }
0xa2: {  	[sflag:s22] =	ssyncadd.s32 s6;
	_ =	sdelay $0x1  }
0xa3: {  	s23 =	simm.s32 $0x1B8B  }
0xa4: {  	_ =	swait.ge [sflag:s23], $0x1  }
0xa5: {  	[sflag:s23] =	ssyncset.done $0x0  }
0xa6: {  	s25 =	simm.s32 $0x1B8E;
	s24 =	sld [smem:$0x3FFE];
	[sflag:s23] =	ssyncadd.s32 $0xFFFFFFFF  }
0xa7: {  	s26 =	simm.s32 $execute0_lowered;
	[smem:$0x3FD2] =	sst s25  }
0xa8: {  	s7 =	sshll.u32 s26, $0x1;
	_ =	strace $0x80000046;
	[dreg:$0x1] =	wrdreg $0xFFFFFFFF  }
0xa9: {  	s28 =	simm.s32 $_size_execute0_lowered;
	s5 =	sadd.s32 s5, s7;
	[dreg:$0x0] =	wrdreg $0x0  }
0xaa: {  	s7 =	sshll.u32 s28, $0x1;
	[dreg:$0x2] =	wrdreg s5  }
0xab: {  	[dreg:$0x3] =	wrdreg s7  }
0xac: {  	[dreg:$0x4] =	wrdreg $0xC0  }
0xad: {  	_ =	task [dreg:s9], $0x5FFFF  }
0xae: {  	[dreg:$0x1] =	wrdreg $0xFFFFFFFF  }
0xaf: {  	[dreg:$0x0] =	wrdreg $0x60  }
0xb0: {  	[dreg:$0x2] =	wrdreg s4  }
0xb1: {  	[dreg:$0x3] =	wrdreg s2  }
0xb2: {  	[dreg:$0x4] =	wrdreg s18  }
0xb3: {  	[dreg:$0x5] =	wrdreg s24  }
0xb4: {  	[dreg:$0x6] =	wrdreg $0x9  }
0xb5: {  	_ =	task.clear_ibuf [dreg:s9], $0x7FFFF;
	_ =	strace $0x90000046  }
0xb6: {  	s29 =	simm.s32 $0x9;
	_ =	strace $0x80000048  }
0xb7: {  	_ =	swait.ge [sflag:s29], $0x1  }
0xb8: {  	[sflag:s29] =	ssyncadd.s32 $0xFFFFFFFF  }
0xb9: {  	_ =	strace $0x90000048  }
0xba: {  	_ =	sfence  }
0xbb: {  	s30 =	sld [smem:$0x0];
	_ =	sdelay $0x2  }
0xbc: {  	s31 =	sshll.u32 s1, $0xD;
	s1 =	sshrl.u32 s1, $0x2  }
0xbd: {  	s3 =	sand.u32 $0x4000, s31;
	s1 =	sadd.s32 s1, s30  }
0xbe: {  	s0 =	sor.u32 s3, s0;
	s1 =	sshll.u32 s1, $0x11  }
0xbf: {  	s0 =	sor.u32 s1, s0  }
0xc0: {  	s0 =	sadd.s32 $0x8F2B, s0  }
0xc1: {  	[sflag:s0] =	ssyncadd.remote.s32 $0x1  }
0xc2: {  	_ =	sfence.sel $0xFFFF  }
0xc3: {  	[dreg:$0x0] =	wrdreg $0xFFFFFFFF;
	(pc) =	sbr.abs _section_cstart, $3  }
0xc4: {  	[dreg:$0x1] =	wrdreg $0xFFFFFFFF  }
0xc5: {  	_ =	task.clear_ibuf [dreg:s9], $0x2FFFF;
	_ =	strace $0x9FFFFFFF  }
0xc6: {  	(tm) =	ssettm $0x7FFFFFFF  }
0xc7: {  	_ =	shalt  }
tec
execute0_lowered:
.L_overlay_start_1:
0x0: {  	(tag) =	ssettag $0x1  }
0x1: {  	s1 =	rddreg [dreg:$0x0]  }
0x2: {  	s2 =	rddreg [dreg:$0x1]  }
0x3: {  	s3 =	rddreg [dreg:$0x2]  }
0x4: {  	s0 =	rddreg [dreg:$0x3]  }
0x5: {  	s4 =	srdreg.scid;
	s5 =	stileid.u32  }
0x6: {  	s19 =	simm.s32 $0x0;
	s4 =	sand.u32 $0x1, s4;
	s5 =	sshll.u32 s5, $0x1  }
0x7: {  	[smem:$0x7FF] =	sst s19;
	s6 =	sadd.s32 $0x187600, s0;
	s5 =	sor.u32 s4, s5  }
0x8: {  	s8 =	sadd.s32 $0xC00, s0;
	s4 =	ssub.s32 $0x2, s4;
	s9 =	smul.u32 $0xC80, s5  }
0x9: {  	_ =	strace $0x80000047;
	s7 =	sshll.u32 s5, $0x9;
	s23 =	sshrl.u32 s4, $0x1  }
0xa: {  	s10 =	sor.u32 $0x10, s7;
	s0 =	ssub.s32 s4, s23;
	s24 =	sadd.s32 s2, s9  }
0xb: {  	s11 =	smul.u32 $0x32, s10;
	s25 =	sadd.s32 s3, s9;
	[dreg:$0x5] =	wrdreg s24  }
0xc: {  	s31 =	sshll.u32 s10, $0x1;
	s0 =	smax.u32 s0, $0x1;
	[dreg:$0x6] =	wrdreg s25  }
0xd: {  	s26 =	sshll.u32 s5, $0xA;
	s4 =	sadd.s32 s1, s31;
	[dreg:$0xd] =	wrdreg s0  }
0xe: {  	s29 =	sshrl.u32 s11, $0x3;
	s11 =	sadd.s32 s1, s26;
	[dreg:$0xa] =	wrdreg s4  }
0xf: {  	s30 =	sadd.s32 s2, s29;
	[dreg:$0x7] =	wrdreg s11  }
0x10: {  	s9 =	sadd.s32 s3, s29;
	[dreg:$0x8] =	wrdreg s30  }
0x11: {  	s12 =	sadd.s32 $0x2, s11;
	[dreg:$0x9] =	wrdreg s9  }
0x12: {  	s13 =	sadd.s32 $0x4, s11;
	[dreg:$0xe] =	wrdreg s12  }
0x13: {  	s14 =	sadd.s32 $0x6, s11;
	[dreg:$0xf] =	wrdreg s13  }
0x14: {  	s17 =	sadd.s32 $0x8, s11;
	[dreg:$0x10] =	wrdreg s14  }
0x15: {  	s18 =	sadd.s32 $0xA, s11;
	[dreg:$0x11] =	wrdreg s17  }
0x16: {  	s20 =	sadd.s32 $0xC, s11;
	[dreg:$0x12] =	wrdreg s18  }
0x17: {  	s21 =	sadd.s32 $0xE, s11;
	[dreg:$0x13] =	wrdreg s20  }
0x18: {  	s22 =	sadd.s32 $0x10, s11;
	[dreg:$0x14] =	wrdreg s21  }
0x19: {  	s23 =	sadd.s32 $0x12, s11;
	[dreg:$0x15] =	wrdreg s22  }
0x1a: {  	s28 =	simm.s32 $0xA;
	s24 =	sadd.s32 $0x14, s11;
	[dreg:$0x16] =	wrdreg s23  }
0x1b: {  	s5 =	smul.u32 $0xA000, s5;
	s25 =	sadd.s32 $0x16, s11;
	[dreg:$0x17] =	wrdreg s24  }
0x1c: {  	s15 =	sor.u32 $0x20, s7;
	s26 =	sadd.s32 $0x18, s11;
	[dreg:$0x18] =	wrdreg s25  }
0x1d: {  	s16 =	sor.u32 $0x30, s7;
	s29 =	sadd.s32 $0x1A, s11;
	[dreg:$0x19] =	wrdreg s26  }
0x1e: {  	s31 =	sadd.s32 $0x1E, s11;
	s9 =	sshrl.u32 s5, $0x3;
	[dreg:$0x1a] =	wrdreg s29  }
0x1f: {  	s30 =	sadd.s32 $0x1C, s11;
	[dreg:$0x1c] =	wrdreg s31;
	s12 =	simm.s32 $0x640  }
0x20: {  	s13 =	simm.s32 $0xD480;
	s14 =	simm.s32 $0x960;
	s17 =	simm.s32 $0xD980  }
0x21: {  	s5 =	simm.s32 $0x2;
	s18 =	simm.s32 $0x4;
	s21 =	simm.s32 $0x5  }
0x22: {  	s22 =	simm.s32 $0x7;
	s23 =	simm.s32 $0x9;
	s24 =	simm.s32 $0xB  }
0x23: {  	s25 =	simm.s32 $0x6;
	s26 =	simm.s32 $0x8;
	s4 =	sadd.s32 s8, s9  }
0x24: {  	s11 =	simm.s32 $0x0;
	[dreg:$0x1b] =	wrdreg s30;
	s10 =	sadd.s32 $0x12C0, s4  }
0x25: {  	s9 =	simm.s32 $0x3;
	s4 =	sadd.s32 $0x1360, s4;
	[dreg:$0xb] =	wrdreg s10  }
0x26: {  	[dreg:$0xc] =	wrdreg s4;
	s4 =	simm.s32 $0x1;
	s10 =	simm.s32 $0x320  }
.LBB2_1:
0x27: {  	[dreg:$0x1d] =	wrdreg s11  }
0x28: {  	s0 =	rddreg [dreg:$0x5]  }
0x29: {  	[tilespmem:s19], [sflag:$0x1] =	stream.linear.gather [hbm4b:s0+s19], $0x320, $0x38;
	[tilespmem:$0xDE80] =	vst v63  }
0x2a: {  	s20 =	rddreg [dreg:$0x6]  }
0x2b: {  	[tilespmem:s12], [sflag:$0x3] =	stream.linear.gather [hbm4b:s20+s19], $0x320, $0x38;
	[tilespmem:$0xDE80] =	vst v63  }
0x2c: {  	s29 =	rddreg [dreg:$0x7]  }
0x2d: {  	[tilespmem:s13], [sflag:$0x9] =	stream.linear.gather [hbm4b:s29+s19], $0x10, $0x38;
	[tilespmem:$0xDE80] =	vst v63  }
0x2e: {  	s30 =	rddreg [dreg:$0xe];
	s31 =	simm.s32 $0xD4D0  }
0x2f: {  	[tilespmem:s31], [sflag:$0x9] =	stream.linear.gather [hbm4b:s30+s19], $0x10, $0x38;
	[tilespmem:$0xDE80] =	vst v63  }
0x30: {  	s20 =	rddreg [dreg:$0xf];
	s29 =	simm.s32 $0xD520  }
0x31: {  	[tilespmem:s29], [sflag:$0x9] =	stream.linear.gather [hbm4b:s20+s19], $0x10, $0x38;
	[tilespmem:$0xDE80] =	vst v63  }
0x32: {  	s30 =	rddreg [dreg:$0x10];
	s31 =	simm.s32 $0xD570  }
0x33: {  	[tilespmem:s31], [sflag:$0x9] =	stream.linear.gather [hbm4b:s30+s19], $0x10, $0x38;
	[tilespmem:$0xDE80] =	vst v63  }
0x34: {  	s20 =	rddreg [dreg:$0x11];
	s29 =	simm.s32 $0xD5C0  }
0x35: {  	[tilespmem:s29], [sflag:$0x9] =	stream.linear.gather [hbm4b:s20+s19], $0x10, $0x38;
	[tilespmem:$0xDE80] =	vst v63  }
0x36: {  	s30 =	rddreg [dreg:$0x12];
	s31 =	simm.s32 $0xD610  }
0x37: {  	[tilespmem:s31], [sflag:$0x9] =	stream.linear.gather [hbm4b:s30+s19], $0x10, $0x38;
	[tilespmem:$0xDE80] =	vst v63  }
0x38: {  	s20 =	rddreg [dreg:$0x13];
	s29 =	simm.s32 $0xD660  }
0x39: {  	[tilespmem:s29], [sflag:$0x9] =	stream.linear.gather [hbm4b:s20+s19], $0x10, $0x38;
	[tilespmem:$0xDE80] =	vst v63  }
0x3a: {  	s30 =	rddreg [dreg:$0x14];
	s31 =	simm.s32 $0xD6B0  }
0x3b: {  	[tilespmem:s31], [sflag:$0x9] =	stream.linear.gather [hbm4b:s30+s19], $0x10, $0x38;
	[tilespmem:$0xDE80] =	vst v63  }
0x3c: {  	s20 =	rddreg [dreg:$0x15];
	s29 =	simm.s32 $0xD700  }
0x3d: {  	[tilespmem:s29], [sflag:$0x9] =	stream.linear.gather [hbm4b:s20+s19], $0x10, $0x38;
	[tilespmem:$0xDE80] =	vst v63  }
0x3e: {  	s30 =	rddreg [dreg:$0x16];
	s31 =	simm.s32 $0xD750  }
0x3f: {  	[tilespmem:s31], [sflag:$0x9] =	stream.linear.gather [hbm4b:s30+s19], $0x10, $0x38;
	[tilespmem:$0xDE80] =	vst v63  }
0x40: {  	s20 =	rddreg [dreg:$0x17];
	s29 =	simm.s32 $0xD7A0  }
0x41: {  	[tilespmem:s29], [sflag:$0x9] =	stream.linear.gather [hbm4b:s20+s19], $0x10, $0x38;
	[tilespmem:$0xDE80] =	vst v63  }
0x42: {  	s30 =	rddreg [dreg:$0x18];
	s31 =	simm.s32 $0xD7F0  }
0x43: {  	[tilespmem:s31], [sflag:$0x9] =	stream.linear.gather [hbm4b:s30+s19], $0x10, $0x38;
	[tilespmem:$0xDE80] =	vst v63  }
0x44: {  	s20 =	rddreg [dreg:$0x19];
	s29 =	simm.s32 $0xD840  }
0x45: {  	[tilespmem:s29], [sflag:$0x9] =	stream.linear.gather [hbm4b:s20+s19], $0x10, $0x38;
	[tilespmem:$0xDE80] =	vst v63  }
0x46: {  	s30 =	rddreg [dreg:$0x1a];
	s31 =	simm.s32 $0xD890  }
0x47: {  	[tilespmem:s31], [sflag:$0x9] =	stream.linear.gather [hbm4b:s30+s19], $0x10, $0x38;
	[tilespmem:$0xDE80] =	vst v63  }
0x48: {  	s20 =	rddreg [dreg:$0x1b];
	s29 =	simm.s32 $0xD8E0  }
0x49: {  	[tilespmem:s29], [sflag:$0x9] =	stream.linear.gather [hbm4b:s20+s19], $0x10, $0x38;
	[tilespmem:$0xDE80] =	vst v63  }
0x4a: {  	s30 =	rddreg [dreg:$0x1c];
	s31 =	simm.s32 $0xD930  }
0x4b: {  	[tilespmem:s31], [sflag:$0x9] =	stream.linear.gather [hbm4b:s30+s19], $0x10, $0x38;
	[tilespmem:$0xDE80] =	vst v63  }
0x4c: {  	_ =	swait.ge [sflag:s4], $0x320  }
0x4d: {  	[sflag:s4] =	ssyncset.done $0x0  }
0x4e: {  	[sflag:s4] =	ssyncadd.s32 $0xFFFFFCE0  }
0x4f: {  	_ =	swait.ge [sflag:s9], $0x320  }
0x50: {  	[sflag:s9] =	ssyncset.done $0x0  }
0x51: {  	s0 =	simm.s32 $0x0;
	[sflag:s9] =	ssyncadd.s32 $0xFFFFFCE0  }
0x52: {  	s11 =	simm.s32 $0x40;
	v0 =	vld [tilespmem:s0+$0x0]  }
.LBB2_2:
0x53: {  	p0 =	sne.s32 s11, $0xC40;
	v1 =	vld [tilespmem:s0+$0x640];
	_ =	sdelay $0x3  }
0x54: {  	v2 =	vcvt.s32.f32 v0  }
0x55: {  	v3 =	vcvt.s32.f32 v1  }
0x56: {  	v2 =	vmul.f32 $9.999999740e-06, v2  }
0x57: {  	v3 =	vmul.f32 $9.999999740e-06, v3  }
0x58: {  	v2 =	vtrunc.f32 v2  }
0x59: {  	v2 =	vcvt.f32.s32 v2;
	v3 =	vtrunc.f32 v3  }
0x5a: {  	v3 =	vcvt.f32.s32 v3  }
0x5b: {  	v2 =	vmul.u32 $0xFFFE7960, v2  }
0x5c: {  	v3 =	vmul.u32 $0xFFFE7960, v3  }
0x5d: {  	v0 =	vadd.s32 v0, v2  }
0x5e: {  	vm0 =	vlt.s32 v0, $0x0;
	v2 =	vadd.s32 $0x186A0, v0;
	v1 =	vadd.s32 v1, v3  }
.Ltmp0:
0x5f: {  	v0 =	vsel vm0, v2, v0;
	vm0 =	vlt.s32 v1, $0x0;
	v2 =	vadd.s32 $0x186A0, v1;
	(pc) =	sbr.rel @p0 .LBB2_2-.Ltmp0, $4  }
0x60: {  	vm1 =	vgt.s32 v0, $0x1869F;
	v3 =	vadd.s32 $0xFFFE7960, v0;
	v1 =	vsel vm0, v2, v1  }
0x61: {  	v0 =	vsel vm1, v3, v0;
	vm0 =	vgt.s32 v1, $0x1869F;
	v2 =	vadd.s32 $0xFFFE7960, v1  }
0x62: {  	s19 =	sshra.s32 s11, $0x2;
	[tilespmem:s0+$0x0] =	vst v0;
	v1 =	vsel vm0, v2, v1  }
0x63: {  	s11 =	sadd.s32 $0x40, s11;
	v0 =	vld [tilespmem:s19+$0x0];
	[tilespmem:s0+$0x640] =	vst v1;
	s0 =	smov.u32 s19  }
0x64: {  	v1 =	vld [tilespmem:s0+$0x640];
	_ =	sdelay $0x3  }
0x65: {  	v2 =	vcvt.s32.f32 v0  }
0x66: {  	v3 =	vcvt.s32.f32 v1  }
0x67: {  	v2 =	vmul.f32 $9.999999740e-06, v2  }
0x68: {  	v3 =	vmul.f32 $9.999999740e-06, v3  }
0x69: {  	v2 =	vtrunc.f32 v2  }
0x6a: {  	v2 =	vcvt.f32.s32 v2;
	v3 =	vtrunc.f32 v3  }
0x6b: {  	v3 =	vcvt.f32.s32 v3  }
0x6c: {  	v2 =	vmul.u32 $0xFFFE7960, v2  }
0x6d: {  	v3 =	vmul.u32 $0xFFFE7960, v3  }
0x6e: {  	v0 =	vadd.s32 v0, v2  }
0x6f: {  	vm0 =	vlt.s32 v0, $0x0;
	v2 =	vadd.s32 $0x186A0, v0;
	v1 =	vadd.s32 v1, v3  }
0x70: {  	v0 =	vsel vm0, v2, v0;
	vm15 =	vlt.s32 v1, $0x0;
	v2 =	vadd.s32 $0x186A0, v1  }
0x71: {  	vm1 =	vgt.s32 v0, $0x1869F;
	v3 =	vadd.s32 $0xFFFE7960, v0;
	v1 =	vsel vm15, v2, v1  }
0x72: {  	v0 =	vsel vm1, v3, v0;
	vm0 =	vgt.s32 v1, $0x1869F;
	v2 =	vadd.s32 $0xFFFE7960, v1  }
0x73: {  	[tilespmem:s0+$0x0] =	vst v0;
	v0 =	vsel vm0, v2, v1  }
0x74: {  	s11 =	simm.s32 $0xC80;
	[tilespmem:s0+$0x640] =	vst v0;
	s0 =	simm.s32 $0x0  }
0x75: {  	[tilespmem:s11], [sflag:$0x5] =	stream.indirect.gather [hbm4b:s6+s10], $0x10, s0, s10, $0xb8;
	[tilespmem:$0xDE80] =	vst v63  }
0x76: {  	s20 =	simm.s32 $0x7080  }
0x77: {  	[tilespmem:s20], [sflag:$0x7] =	stream.indirect.gather [hbm4b:s6+s10], $0x10, s12, s10, $0xb8;
	[tilespmem:$0xDE80] =	vst v63  }
0x78: {  	s29 =	rddreg [dreg:$0x8]  }
0x79: {  	[tilespmem:s10], [sflag:$0x2] =	stream.linear.gather [hbm4b:s29+s0], $0x320, $0x38;
	[tilespmem:$0xDE80] =	vst v63  }
0x7a: {  	s30 =	rddreg [dreg:$0x9]  }
0x7b: {  	[tilespmem:s14], [sflag:$0x4] =	stream.linear.gather [hbm4b:s30+s0], $0x320, $0x38;
	[tilespmem:$0xDE80] =	vst v63  }
0x7c: {  	s19 =	rddreg [dreg:$0xa]  }
0x7d: {  	[tilespmem:s17], [sflag:$0xA] =	stream.linear.gather [hbm4b:s19+s0], $0x10, $0x38;
	[tilespmem:$0xDE80] =	vst v63  }
0x7e: {  	s31 =	sadd.s32 $0x2, s19;
	s20 =	simm.s32 $0xD9D0  }
0x7f: {  	[tilespmem:s20], [sflag:$0xA] =	stream.linear.gather [hbm4b:s31+s0], $0x10, $0x38;
	[tilespmem:$0xDE80] =	vst v63  }
0x80: {  	s29 =	simm.s32 $0xDA20;
	s20 =	sadd.s32 $0x4, s19  }
0x81: {  	[tilespmem:s29], [sflag:$0xA] =	stream.linear.gather [hbm4b:s20+s0], $0x10, $0x38;
	[tilespmem:$0xDE80] =	vst v63  }
0x82: {  	s30 =	sadd.s32 $0x6, s19;
	s31 =	simm.s32 $0xDA70  }
0x83: {  	[tilespmem:s31], [sflag:$0xA] =	stream.linear.gather [hbm4b:s30+s0], $0x10, $0x38;
	[tilespmem:$0xDE80] =	vst v63  }
0x84: {  	s20 =	sadd.s32 $0x8, s19;
	s29 =	simm.s32 $0xDAC0  }
0x85: {  	[tilespmem:s29], [sflag:$0xA] =	stream.linear.gather [hbm4b:s20+s0], $0x10, $0x38;
	[tilespmem:$0xDE80] =	vst v63  }
0x86: {  	s30 =	sadd.s32 $0xA, s19;
	s31 =	simm.s32 $0xDB10  }
0x87: {  	[tilespmem:s31], [sflag:$0xA] =	stream.linear.gather [hbm4b:s30+s0], $0x10, $0x38;
	[tilespmem:$0xDE80] =	vst v63  }
0x88: {  	s20 =	sadd.s32 $0xC, s19;
	s29 =	simm.s32 $0xDB60  }
0x89: {  	[tilespmem:s29], [sflag:$0xA] =	stream.linear.gather [hbm4b:s20+s0], $0x10, $0x38;
	[tilespmem:$0xDE80] =	vst v63  }
0x8a: {  	s30 =	sadd.s32 $0xE, s19;
	s31 =	simm.s32 $0xDBB0  }
0x8b: {  	[tilespmem:s31], [sflag:$0xA] =	stream.linear.gather [hbm4b:s30+s0], $0x10, $0x38;
	[tilespmem:$0xDE80] =	vst v63  }
0x8c: {  	s20 =	sadd.s32 $0x10, s19;
	s29 =	simm.s32 $0xDC00  }
0x8d: {  	[tilespmem:s29], [sflag:$0xA] =	stream.linear.gather [hbm4b:s20+s0], $0x10, $0x38;
	[tilespmem:$0xDE80] =	vst v63  }
0x8e: {  	s30 =	sadd.s32 $0x12, s19;
	s31 =	simm.s32 $0xDC50  }
0x8f: {  	[tilespmem:s31], [sflag:$0xA] =	stream.linear.gather [hbm4b:s30+s0], $0x10, $0x38;
	[tilespmem:$0xDE80] =	vst v63  }
0x90: {  	s20 =	sadd.s32 $0x14, s19;
	s29 =	simm.s32 $0xDCA0  }
0x91: {  	[tilespmem:s29], [sflag:$0xA] =	stream.linear.gather [hbm4b:s20+s0], $0x10, $0x38;
	[tilespmem:$0xDE80] =	vst v63  }
0x92: {  	s30 =	sadd.s32 $0x16, s19;
	s31 =	simm.s32 $0xDCF0  }
0x93: {  	[tilespmem:s31], [sflag:$0xA] =	stream.linear.gather [hbm4b:s30+s0], $0x10, $0x38;
	[tilespmem:$0xDE80] =	vst v63  }
0x94: {  	s20 =	sadd.s32 $0x18, s19;
	s29 =	simm.s32 $0xDD40  }
0x95: {  	[tilespmem:s29], [sflag:$0xA] =	stream.linear.gather [hbm4b:s20+s0], $0x10, $0x38;
	[tilespmem:$0xDE80] =	vst v63  }
0x96: {  	s30 =	sadd.s32 $0x1A, s19;
	s31 =	simm.s32 $0xDD90  }
0x97: {  	[tilespmem:s31], [sflag:$0xA] =	stream.linear.gather [hbm4b:s30+s0], $0x10, $0x38;
	[tilespmem:$0xDE80] =	vst v63  }
0x98: {  	s20 =	sadd.s32 $0x1C, s19;
	s29 =	simm.s32 $0xDDE0  }
0x99: {  	[tilespmem:s29], [sflag:$0xA] =	stream.linear.gather [hbm4b:s20+s0], $0x10, $0x38;
	[tilespmem:$0xDE80] =	vst v63  }
0x9a: {  	s30 =	sadd.s32 $0x1E, s19;
	s31 =	simm.s32 $0xDE30  }
0x9b: {  	[tilespmem:s31], [sflag:$0xA] =	stream.linear.gather [hbm4b:s30+s0], $0x10, $0x38;
	[tilespmem:$0xDE80] =	vst v63  }
0x9c: {  	_ =	swait.ge [sflag:s5], $0x320  }
0x9d: {  	[sflag:s5] =	ssyncset.done $0x0  }
0x9e: {  	[sflag:s5] =	ssyncadd.s32 $0xFFFFFCE0  }
0x9f: {  	_ =	swait.ge [sflag:s18], $0x320  }
0xa0: {  	[sflag:s18] =	ssyncset.done $0x0  }
0xa1: {  	s0 =	simm.s32 $0x0;
	[sflag:s18] =	ssyncadd.s32 $0xFFFFFCE0  }
0xa2: {  	s11 =	simm.s32 $0x40;
	v0 =	vld [tilespmem:s0+$0x320]  }
.LBB2_4:
0xa3: {  	p0 =	sne.s32 s11, $0xC40;
	v1 =	vld [tilespmem:s0+$0x960];
	_ =	sdelay $0x3  }
0xa4: {  	v2 =	vcvt.s32.f32 v0  }
0xa5: {  	v3 =	vcvt.s32.f32 v1  }
0xa6: {  	v2 =	vmul.f32 $9.999999740e-06, v2  }
0xa7: {  	v3 =	vmul.f32 $9.999999740e-06, v3  }
0xa8: {  	v2 =	vtrunc.f32 v2  }
0xa9: {  	v2 =	vcvt.f32.s32 v2;
	v3 =	vtrunc.f32 v3  }
0xaa: {  	v3 =	vcvt.f32.s32 v3  }
0xab: {  	v2 =	vmul.u32 $0xFFFE7960, v2  }
0xac: {  	v3 =	vmul.u32 $0xFFFE7960, v3  }
0xad: {  	v0 =	vadd.s32 v0, v2  }
0xae: {  	vm0 =	vlt.s32 v0, $0x0;
	v2 =	vadd.s32 $0x186A0, v0;
	v1 =	vadd.s32 v1, v3  }
.Ltmp1:
0xaf: {  	v0 =	vsel vm0, v2, v0;
	vm0 =	vlt.s32 v1, $0x0;
	v2 =	vadd.s32 $0x186A0, v1;
	(pc) =	sbr.rel @p0 .LBB2_4-.Ltmp1, $4  }
0xb0: {  	vm1 =	vgt.s32 v0, $0x1869F;
	v3 =	vadd.s32 $0xFFFE7960, v0;
	v1 =	vsel vm0, v2, v1  }
0xb1: {  	v0 =	vsel vm1, v3, v0;
	vm0 =	vgt.s32 v1, $0x1869F;
	v2 =	vadd.s32 $0xFFFE7960, v1  }
0xb2: {  	s19 =	sshra.s32 s11, $0x2;
	[tilespmem:s0+$0x320] =	vst v0;
	v1 =	vsel vm0, v2, v1  }
0xb3: {  	s11 =	sadd.s32 $0x40, s11;
	v0 =	vld [tilespmem:s19+$0x320];
	[tilespmem:s0+$0x960] =	vst v1;
	s0 =	smov.u32 s19  }
0xb4: {  	v1 =	vld [tilespmem:s0+$0x960];
	_ =	sdelay $0x3  }
0xb5: {  	v2 =	vcvt.s32.f32 v0  }
0xb6: {  	v3 =	vcvt.s32.f32 v1  }
0xb7: {  	v2 =	vmul.f32 $9.999999740e-06, v2  }
0xb8: {  	v3 =	vmul.f32 $9.999999740e-06, v3  }
0xb9: {  	v2 =	vtrunc.f32 v2  }
0xba: {  	v2 =	vcvt.f32.s32 v2;
	v3 =	vtrunc.f32 v3  }
0xbb: {  	v3 =	vcvt.f32.s32 v3  }
0xbc: {  	v2 =	vmul.u32 $0xFFFE7960, v2  }
0xbd: {  	v3 =	vmul.u32 $0xFFFE7960, v3  }
0xbe: {  	v60 =	vadd.s32 v0, v2  }
0xbf: {  	vm0 =	vlt.s32 v60, $0x0;
	v2 =	vadd.s32 $0x186A0, v60;
	v1 =	vadd.s32 v1, v3  }
0xc0: {  	v0 =	vsel vm0, v2, v60;
	vm15 =	vlt.s32 v1, $0x0;
	v61 =	vadd.s32 $0x186A0, v1  }
0xc1: {  	vm1 =	vgt.s32 v0, $0x1869F;
	v62 =	vadd.s32 $0xFFFE7960, v0;
	v1 =	vsel vm15, v61, v1  }
0xc2: {  	v0 =	vsel vm1, v62, v0;
	vm0 =	vgt.s32 v1, $0x1869F;
	v2 =	vadd.s32 $0xFFFE7960, v1  }
0xc3: {  	[tilespmem:s0+$0x320] =	vst v0;
	v63 =	vsel vm0, v2, v1  }
0xc4: {  	s30 =	simm.s32 $0x3E80;
	[tilespmem:s0+$0x960] =	vst v63  }
0xc5: {  	[tilespmem:s30], [sflag:$0x6] =	stream.indirect.gather [hbm4b:s6+s10], $0x10, s10, s10, $0xb8;
	[tilespmem:$0xDE80] =	vst v63  }
0xc6: {  	s31 =	simm.s32 $0xA280;
	s29 =	simm.s32 $0x0  }
0xc7: {  	[tilespmem:s31], [sflag:$0x8] =	stream.indirect.gather [hbm4b:s6+s10], $0x10, s14, s10, $0xb8;
	[tilespmem:$0xDE80] =	vst v63  }
.LBB2_6:
0xc8: {  	_ =	swait.ge [sflag:s21], $0x3200  }
0xc9: {  	[sflag:s21] =	ssyncset.done $0x0  }
0xca: {  	[sflag:s21] =	ssyncadd.s32 $0xFFFFCE00  }
0xcb: {  	_ =	swait.ge [sflag:s22], $0x3200  }
0xcc: {  	[sflag:s22] =	ssyncset.done $0x0  }
0xcd: {  	[sflag:s22] =	ssyncadd.s32 $0xFFFFCE00  }
0xce: {  	_ =	swait.ge [sflag:s23], $0x100  }
0xcf: {  	s30 =	simm.s32 $0xCA0;
	[sflag:s23] =	ssyncset.done $0x0  }
0xd0: {  	s31 =	simm.s32 $0x70A0;
	s0 =	simm.s32 $0x0;
	[sflag:s23] =	ssyncadd.s32 $0xFFFFFF00  }
.LBB2_7:
0xd1: {  	v1 =	vmov s30;
	_ =	sdelay $0x3  }
0xd2: {  	s11 =	simm.s32 $0x0  }
0xd3: {  	v2 =	vld.idx.msk [tilespmem:v1+s11+$0xFFFFFFE0 ss:$0x1], $0xffff;
	_ =	sdelay $0x1  }
0xd4: {  	v5 =	vld.idx.msk [tilespmem:v1+s11+$0xFFFFFFF0 ss:$0x1], $0xffff;
	_ =	sdelay $0x1  }
0xd5: {  	v3 =	vld.idx.msk [tilespmem:v1+s11+$0x0 ss:$0x1], $0xffff  }
0xd6: {  	v0 =	vimm.f32 $0.0e+00;
	v4 =	vshll.u32 v2, $0x10;
	v2 =	vand.u32 $0xFFFF0000, v2  }
0xd7: {  	v6 =	vadd.f32 v4, v0;
	v7 =	vadd.f32 v2, v0;
	v4 =	vld.idx.msk [tilespmem:v1+s11+$0x10 ss:$0x1], $0xffff  }
0xd8: {  	v8 =	vshll.u32 v5, $0x10;
	v9 =	vand.u32 $0xFFFF0000, v5  }
0xd9: {  	s19 =	simm.s32 $0x280;
	v2 =	vld.idx.msk [tilespmem:v1+s11+$0x20 ss:$0x1], $0xffff;
	s11 =	simm.s32 $0x50;
	v5 =	vadd.f32 v8, v6;
	v6 =	vadd.f32 v9, v7  }
.LBB2_8:
0xda: {  	p0 =	sne.s32 s19, $0xB40;
	v7 =	vld.idx.msk [tilespmem:v1+s11+$0xFFFFFFE0 ss:$0x1], $0xffff;
	v8 =	vshll.u32 v3, $0x10;
	v3 =	vand.u32 $0xFFFF0000, v3  }
0xdb: {  	v5 =	vadd.f32 v8, v5;
	v3 =	vadd.f32 v3, v6  }
0xdc: {  	v8 =	vshll.u32 v4, $0x10;
	v4 =	vand.u32 $0xFFFF0000, v4;
	v6 =	vld.idx.msk [tilespmem:v1+s11+$0xFFFFFFF0 ss:$0x1], $0xffff  }
0xdd: {  	v5 =	vadd.f32 v8, v5;
	v4 =	vadd.f32 v4, v3  }
0xde: {  	v8 =	vshll.u32 v2, $0x10;
	v2 =	vand.u32 $0xFFFF0000, v2;
	v3 =	vld.idx.msk [tilespmem:v1+s11+$0x0 ss:$0x1], $0xffff  }
.Ltmp2:
0xdf: {  	v5 =	vadd.f32 v8, v5;
	v2 =	vadd.f32 v2, v4;
	(pc) =	sbr.rel @p0 .LBB2_8-.Ltmp2, $4  }
0xe0: {  	v8 =	vshll.u32 v7, $0x10;
	v7 =	vand.u32 $0xFFFF0000, v7;
	v4 =	vld.idx.msk [tilespmem:v1+s11+$0x10 ss:$0x1], $0xffff  }
0xe1: {  	v5 =	vadd.f32 v8, v5;
	v7 =	vadd.f32 v7, v2  }
0xe2: {  	v8 =	vshll.u32 v6, $0x10;
	v6 =	vand.u32 $0xFFFF0000, v6;
	v2 =	vld.idx.msk [tilespmem:v1+s11+$0x20 ss:$0x1], $0xffff  }
0xe3: {  	s11 =	sshra.s32 s19, $0x2;
	s19 =	sadd.s32 $0x140, s19;
	v5 =	vadd.f32 v8, v5;
	v6 =	vadd.f32 v6, v7  }
0xe4: {  	_ =	sdelay $0x2  }
0xe5: {  	v7 =	vshll.u32 v3, $0x10  }
0xe6: {  	v8 =	vld.idx.msk [tilespmem:v1+s11+$0xFFFFFFE0 ss:$0x1], $0xffff;
	v3 =	vand.u32 $0xFFFF0000, v3;
	v5 =	vadd.f32 v7, v5  }
0xe7: {  	v3 =	vadd.f32 v3, v6;
	v6 =	vshll.u32 v4, $0x10  }
0xe8: {  	v7 =	vld.idx.msk [tilespmem:v1+s11+$0xFFFFFFF0 ss:$0x1], $0xffff;
	v4 =	vand.u32 $0xFFFF0000, v4;
	v5 =	vadd.f32 v6, v5  }
0xe9: {  	v3 =	vadd.f32 v4, v3;
	v4 =	vshll.u32 v2, $0x10  }
0xea: {  	v6 =	vld.idx.msk [tilespmem:v1+s11+$0x0 ss:$0x1], $0xffff;
	v2 =	vand.u32 $0xFFFF0000, v2;
	v4 =	vadd.f32 v4, v5  }
0xeb: {  	v2 =	vadd.f32 v2, v3;
	v3 =	vshll.u32 v8, $0x10  }
0xec: {  	v5 =	vand.u32 $0xFFFF0000, v8;
	v8 =	vld.idx.msk [tilespmem:v1+s11+$0x10 ss:$0x1], $0xffff;
	v3 =	vadd.f32 v3, v4  }
0xed: {  	v2 =	vadd.f32 v5, v2;
	v4 =	vshll.u32 v7, $0x10  }
0xee: {  	s20 =	sadd.s32 $0x0, s31;
	v5 =	vand.u32 $0xFFFF0000, v7;
	v7 =	vld.idx.msk [tilespmem:v1+s11+$0x20 ss:$0x1], $0xffff;
	v1 =	vadd.f32 v4, v3  }
0xef: {  	v2 =	vadd.f32 v5, v2;
	v3 =	vshll.u32 v6, $0x10;
	v4 =	vld [tilespmem:s20+$0xFFFFFFE0]  }
0xf0: {  	v5 =	vand.u32 $0xFFFF0000, v6;
	v1 =	vadd.f32 v3, v1  }
0xf1: {  	v2 =	vadd.f32 v5, v2;
	v3 =	vshll.u32 v8, $0x10  }
0xf2: {  	v6 =	vand.u32 $0xFFFF0000, v8;
	v5 =	vld [tilespmem:s20+$0xFFFFFFF0];
	v1 =	vadd.f32 v3, v1  }
0xf3: {  	v3 =	vadd.f32 v6, v2;
	v2 =	vshll.u32 v7, $0x10  }
0xf4: {  	v6 =	vshll.u32 v4, $0x10;
	v1 =	vadd.f32 v2, v1;
	v2 =	vld [tilespmem:s20+$0x0]  }
0xf5: {  	v7 =	vand.u32 $0xFFFF0000, v7;
	v4 =	vand.u32 $0xFFFF0000, v4;
	v6 =	vadd.f32 v6, v0  }
0xf6: {  	v4 =	vadd.f32 v4, v0;
	v0 =	vadd.f32 v7, v3;
	v3 =	vld [tilespmem:s20+$0x10]  }
0xf7: {  	v7 =	vshll.u32 v5, $0x10;
	v8 =	vand.u32 $0xFFFF0000, v5  }
0xf8: {  	s19 =	simm.s32 $0x50;
	s11 =	simm.s32 $0x280;
	v5 =	vadd.f32 v7, v6;
	v6 =	vadd.f32 v8, v4;
	v4 =	vld [tilespmem:s20+$0x20]  }
.LBB2_10:
0xf9: {  	p0 =	sne.s32 s11, $0xB40;
	s20 =	sadd.s32 s19, s31;
	v7 =	vshll.u32 v2, $0x10;
	v2 =	vand.u32 $0xFFFF0000, v2  }
0xfa: {  	v8 =	vld [tilespmem:s20+$0xFFFFFFE0];
	v5 =	vadd.f32 v7, v5;
	v2 =	vadd.f32 v2, v6  }
0xfb: {  	v6 =	vshll.u32 v3, $0x10;
	v3 =	vand.u32 $0xFFFF0000, v3  }
0xfc: {  	v7 =	vld [tilespmem:s20+$0xFFFFFFF0];
	v5 =	vadd.f32 v6, v5;
	v3 =	vadd.f32 v3, v2  }
0xfd: {  	v6 =	vshll.u32 v4, $0x10;
	v4 =	vand.u32 $0xFFFF0000, v4  }
.Ltmp3:
0xfe: {  	v2 =	vld [tilespmem:s20+$0x0];
	v5 =	vadd.f32 v6, v5;
	v3 =	vadd.f32 v4, v3;
	(pc) =	sbr.rel @p0 .LBB2_10-.Ltmp3, $4  }
0xff: {  	v4 =	vshll.u32 v8, $0x10;
	v6 =	vand.u32 $0xFFFF0000, v8  }
0x100: {  	v4 =	vadd.f32 v4, v5;
	v6 =	vadd.f32 v6, v3;
	v3 =	vld [tilespmem:s20+$0x10]  }
0x101: {  	v5 =	vshll.u32 v7, $0x10;
	v7 =	vand.u32 $0xFFFF0000, v7  }
0x102: {  	s19 =	sshra.s32 s11, $0x2;
	s11 =	sadd.s32 $0x140, s11;
	v5 =	vadd.f32 v5, v4;
	v6 =	vadd.f32 v7, v6;
	v4 =	vld [tilespmem:s20+$0x20]  }
0x103: {  	s11 =	sadd.s32 s19, s31;
	v7 =	vshll.u32 v2, $0x10  }
0x104: {  	v47 =	vand.u32 $0xFFFF0000, v2;
	v8 =	vld [tilespmem:s11+$0xFFFFFFE0];
	v5 =	vadd.f32 v7, v5  }
0x105: {  	v2 =	vadd.f32 v47, v6;
	v48 =	vshll.u32 v3, $0x10  }
0x106: {  	v50 =	vld [tilespmem:s11+$0xFFFFFFF0];
	v49 =	vand.u32 $0xFFFF0000, v3;
	v5 =	vadd.f32 v48, v5  }
0x107: {  	v2 =	vadd.f32 v49, v2;
	v51 =	vshll.u32 v4, $0x10  }
0x108: {  	v53 =	vld [tilespmem:s11+$0x0];
	v52 =	vand.u32 $0xFFFF0000, v4;
	v3 =	vadd.f32 v51, v5  }
0x109: {  	v2 =	vadd.f32 v52, v2;
	v54 =	vshll.u32 v8, $0x10  }
0x10a: {  	v56 =	vld [tilespmem:s11+$0x10];
	v55 =	vand.u32 $0xFFFF0000, v8;
	v3 =	vadd.f32 v54, v3  }
0x10b: {  	v57 =	vshll.u32 v50, $0x10;
	v2 =	vadd.f32 v55, v2  }
0x10c: {  	v58 =	vld [tilespmem:s11+$0x20];
	v7 =	vand.u32 $0xFFFF0000, v50;
	v3 =	vadd.f32 v57, v3  }
0x10d: {  	v59 =	vshll.u32 v53, $0x10;
	v2 =	vadd.f32 v7, v2  }
0x10e: {  	v6 =	vand.u32 $0xFFFF0000, v53;
	v3 =	vadd.f32 v59, v3  }
0x10f: {  	v60 =	vshll.u32 v56, $0x10;
	v2 =	vadd.f32 v6, v2  }
0x110: {  	v4 =	vand.u32 $0xFFFF0000, v56;
	v3 =	vadd.f32 v60, v3  }
0x111: {  	s20 =	smul.u32 $0x140, s0;
	s0 =	sadd.s32 $0x1, s0;
	v61 =	vshll.u32 v58, $0x10;
	v2 =	vadd.f32 v4, v2  }
0x112: {  	v1 =	vmul.f32 $9.999999770e-03, v1;
	p0 =	sne.s32 s0, $0x10;
	v5 =	vand.u32 $0xFFFF0000, v58;
	v3 =	vadd.f32 v61, v3  }
.Ltmp4:
0x113: {  	v0 =	vmul.f32 $9.999999770e-03, v0;
	s11 =	sshra.s32 s20, $0x2;
	v2 =	vadd.f32 v5, v2;
	(pc) =	sbr.rel @p0 .LBB2_7-.Ltmp4, $4  }
0x114: {  	[tilespmem:s11+$0xD490] =	vst v1;
	v62 =	vmul.f32 $9.999999770e-03, v3  }
0x115: {  	[tilespmem:s11+$0xD4A0] =	vst v0;
	v63 =	vmul.f32 $9.999999770e-03, v2  }
0x116: {  	[tilespmem:s11+$0xD4B0] =	vst v62  }
0x117: {  	s30 =	sadd.s32 $0x320, s30;
	s31 =	sadd.s32 $0x320, s31;
	[tilespmem:s11+$0xD4C0] =	vst v63  }
0x118: {  	s30 =	sshll.u32 s29, $0x5  }
0x119: {  	s0 =	sadd.s32 s7, s30  }
0x11a: {  	s0 =	smul.u32 $0xA, s0  }
0x11b: {  	s31 =	sadd.s32 s30, s15  }
0x11c: {  	s11 =	simm.s32 $0x0;
	s19 =	smul.u32 $0x32, s31;
	s0 =	sadd.s32 s8, s0  }
0x11d: {  	[hbm4b:s0+s11] =	stream.linear.scatter [tilespmem:s13], [sflag:$0xB], $0x500, $0x38;
	[tilespmem:$0xDE80] =	vst v63  }
0x11e: {  	_ =	swait.ge [sflag:s24], $0x500  }
0x11f: {  	s19 =	sshrl.u32 s19, $0x3;
	[sflag:s24] =	ssyncset.done $0x0  }
0x120: {  	s20 =	sadd.s32 s2, s19;
	s0 =	sshll.u32 s31, $0x1;
	[sflag:s24] =	ssyncadd.s32 $0xFFFFFB00  }
0x121: {  	[tilespmem:s11], [sflag:$0x1] =	stream.linear.gather [hbm4b:s20+s11], $0x320, $0x38;
	[tilespmem:$0xDE80] =	vst v63  }
0x122: {  	s19 =	sadd.s32 s3, s19;
	s0 =	sand.u32 $0x1FFFFFC0, s0  }
0x123: {  	[tilespmem:s12], [sflag:$0x3] =	stream.linear.gather [hbm4b:s19+s11], $0x320, $0x38;
	[tilespmem:$0xDE80] =	vst v63  }
0x124: {  	s0 =	sadd.s32 s1, s0  }
0x125: {  	[tilespmem:s13], [sflag:$0x9] =	stream.linear.gather [hbm4b:s0+s11], $0x10, $0x38;
	[tilespmem:$0xDE80] =	vst v63  }
0x126: {  	s31 =	simm.s32 $0xD4D0;
	s20 =	sadd.s32 $0x2, s0  }
0x127: {  	[tilespmem:s31], [sflag:$0x9] =	stream.linear.gather [hbm4b:s20+s11], $0x10, $0x38;
	[tilespmem:$0xDE80] =	vst v63  }
0x128: {  	s20 =	sadd.s32 $0x4, s0;
	s31 =	simm.s32 $0xD520  }
0x129: {  	[tilespmem:s31], [sflag:$0x9] =	stream.linear.gather [hbm4b:s20+s11], $0x10, $0x38;
	[tilespmem:$0xDE80] =	vst v63  }
0x12a: {  	s20 =	sadd.s32 $0x6, s0;
	s31 =	simm.s32 $0xD570  }
0x12b: {  	[tilespmem:s31], [sflag:$0x9] =	stream.linear.gather [hbm4b:s20+s11], $0x10, $0x38;
	[tilespmem:$0xDE80] =	vst v63  }
0x12c: {  	s20 =	sadd.s32 $0x8, s0;
	s31 =	simm.s32 $0xD5C0  }
0x12d: {  	[tilespmem:s31], [sflag:$0x9] =	stream.linear.gather [hbm4b:s20+s11], $0x10, $0x38;
	[tilespmem:$0xDE80] =	vst v63  }
0x12e: {  	s20 =	sadd.s32 $0xA, s0;
	s31 =	simm.s32 $0xD610  }
0x12f: {  	[tilespmem:s31], [sflag:$0x9] =	stream.linear.gather [hbm4b:s20+s11], $0x10, $0x38;
	[tilespmem:$0xDE80] =	vst v63  }
0x130: {  	s20 =	sadd.s32 $0xC, s0;
	s31 =	simm.s32 $0xD660  }
0x131: {  	[tilespmem:s31], [sflag:$0x9] =	stream.linear.gather [hbm4b:s20+s11], $0x10, $0x38;
	[tilespmem:$0xDE80] =	vst v63  }
0x132: {  	s20 =	sadd.s32 $0xE, s0;
	s31 =	simm.s32 $0xD6B0  }
0x133: {  	[tilespmem:s31], [sflag:$0x9] =	stream.linear.gather [hbm4b:s20+s11], $0x10, $0x38;
	[tilespmem:$0xDE80] =	vst v63  }
0x134: {  	s20 =	sadd.s32 $0x10, s0;
	s31 =	simm.s32 $0xD700  }
0x135: {  	[tilespmem:s31], [sflag:$0x9] =	stream.linear.gather [hbm4b:s20+s11], $0x10, $0x38;
	[tilespmem:$0xDE80] =	vst v63  }
0x136: {  	s20 =	sadd.s32 $0x12, s0;
	s31 =	simm.s32 $0xD750  }
0x137: {  	[tilespmem:s31], [sflag:$0x9] =	stream.linear.gather [hbm4b:s20+s11], $0x10, $0x38;
	[tilespmem:$0xDE80] =	vst v63  }
0x138: {  	s20 =	sadd.s32 $0x14, s0;
	s31 =	simm.s32 $0xD7A0  }
0x139: {  	[tilespmem:s31], [sflag:$0x9] =	stream.linear.gather [hbm4b:s20+s11], $0x10, $0x38;
	[tilespmem:$0xDE80] =	vst v63  }
0x13a: {  	s20 =	sadd.s32 $0x16, s0;
	s31 =	simm.s32 $0xD7F0  }
0x13b: {  	[tilespmem:s31], [sflag:$0x9] =	stream.linear.gather [hbm4b:s20+s11], $0x10, $0x38;
	[tilespmem:$0xDE80] =	vst v63  }
0x13c: {  	s20 =	sadd.s32 $0x18, s0;
	s31 =	simm.s32 $0xD840  }
0x13d: {  	[tilespmem:s31], [sflag:$0x9] =	stream.linear.gather [hbm4b:s20+s11], $0x10, $0x38;
	[tilespmem:$0xDE80] =	vst v63  }
0x13e: {  	s20 =	sadd.s32 $0x1A, s0;
	s31 =	simm.s32 $0xD890  }
0x13f: {  	[tilespmem:s31], [sflag:$0x9] =	stream.linear.gather [hbm4b:s20+s11], $0x10, $0x38;
	[tilespmem:$0xDE80] =	vst v63  }
0x140: {  	s20 =	sadd.s32 $0x1C, s0;
	s31 =	simm.s32 $0xD8E0  }
0x141: {  	[tilespmem:s31], [sflag:$0x9] =	stream.linear.gather [hbm4b:s20+s11], $0x10, $0x38;
	[tilespmem:$0xDE80] =	vst v63  }
0x142: {  	s0 =	sadd.s32 $0x1E, s0;
	s31 =	simm.s32 $0xD930  }
0x143: {  	[tilespmem:s31], [sflag:$0x9] =	stream.linear.gather [hbm4b:s0+s11], $0x10, $0x38;
	[tilespmem:$0xDE80] =	vst v63  }
0x144: {  	_ =	swait.ge [sflag:s4], $0x320  }
0x145: {  	[sflag:s4] =	ssyncset.done $0x0  }
0x146: {  	[sflag:s4] =	ssyncadd.s32 $0xFFFFFCE0  }
0x147: {  	_ =	swait.ge [sflag:s9], $0x320  }
0x148: {  	[sflag:s9] =	ssyncset.done $0x0  }
0x149: {  	s0 =	simm.s32 $0x0;
	[sflag:s9] =	ssyncadd.s32 $0xFFFFFCE0  }
0x14a: {  	s11 =	simm.s32 $0x40;
	v0 =	vld [tilespmem:s0+$0x0]  }
.LBB2_13:
0x14b: {  	p0 =	sne.s32 s11, $0xC40;
	v1 =	vld [tilespmem:s0+$0x640];
	_ =	sdelay $0x3  }
0x14c: {  	v2 =	vcvt.s32.f32 v0  }
0x14d: {  	v3 =	vcvt.s32.f32 v1  }
0x14e: {  	v2 =	vmul.f32 $9.999999740e-06, v2  }
0x14f: {  	v3 =	vmul.f32 $9.999999740e-06, v3  }
0x150: {  	v2 =	vtrunc.f32 v2  }
0x151: {  	v2 =	vcvt.f32.s32 v2;
	v3 =	vtrunc.f32 v3  }
0x152: {  	v3 =	vcvt.f32.s32 v3  }
0x153: {  	v2 =	vmul.u32 $0xFFFE7960, v2  }
0x154: {  	v3 =	vmul.u32 $0xFFFE7960, v3  }
0x155: {  	v0 =	vadd.s32 v0, v2  }
0x156: {  	vm0 =	vlt.s32 v0, $0x0;
	v2 =	vadd.s32 $0x186A0, v0;
	v1 =	vadd.s32 v1, v3  }
.Ltmp5:
0x157: {  	v0 =	vsel vm0, v2, v0;
	vm0 =	vlt.s32 v1, $0x0;
	v2 =	vadd.s32 $0x186A0, v1;
	(pc) =	sbr.rel @p0 .LBB2_13-.Ltmp5, $4  }
0x158: {  	vm1 =	vgt.s32 v0, $0x1869F;
	v3 =	vadd.s32 $0xFFFE7960, v0;
	v1 =	vsel vm0, v2, v1  }
0x159: {  	v0 =	vsel vm1, v3, v0;
	vm0 =	vgt.s32 v1, $0x1869F;
	v2 =	vadd.s32 $0xFFFE7960, v1  }
0x15a: {  	s19 =	sshra.s32 s11, $0x2;
	[tilespmem:s0+$0x0] =	vst v0;
	v1 =	vsel vm0, v2, v1  }
0x15b: {  	s11 =	sadd.s32 $0x40, s11;
	v0 =	vld [tilespmem:s19+$0x0];
	[tilespmem:s0+$0x640] =	vst v1;
	s0 =	smov.u32 s19  }
0x15c: {  	v1 =	vld [tilespmem:s0+$0x640];
	_ =	sdelay $0x3  }
0x15d: {  	v2 =	vcvt.s32.f32 v0  }
0x15e: {  	v3 =	vcvt.s32.f32 v1  }
0x15f: {  	v2 =	vmul.f32 $9.999999740e-06, v2  }
0x160: {  	v3 =	vmul.f32 $9.999999740e-06, v3  }
0x161: {  	v2 =	vtrunc.f32 v2  }
0x162: {  	v2 =	vcvt.f32.s32 v2;
	v3 =	vtrunc.f32 v3  }
0x163: {  	v3 =	vcvt.f32.s32 v3  }
0x164: {  	v2 =	vmul.u32 $0xFFFE7960, v2  }
0x165: {  	v3 =	vmul.u32 $0xFFFE7960, v3  }
0x166: {  	v60 =	vadd.s32 v0, v2  }
0x167: {  	vm0 =	vlt.s32 v60, $0x0;
	v2 =	vadd.s32 $0x186A0, v60;
	v1 =	vadd.s32 v1, v3  }
0x168: {  	v0 =	vsel vm0, v2, v60;
	vm15 =	vlt.s32 v1, $0x0;
	v61 =	vadd.s32 $0x186A0, v1  }
0x169: {  	vm1 =	vgt.s32 v0, $0x1869F;
	v62 =	vadd.s32 $0xFFFE7960, v0;
	v1 =	vsel vm15, v61, v1  }
0x16a: {  	v0 =	vsel vm1, v62, v0;
	vm0 =	vgt.s32 v1, $0x1869F;
	v2 =	vadd.s32 $0xFFFE7960, v1  }
0x16b: {  	[tilespmem:s0+$0x0] =	vst v0;
	v63 =	vsel vm0, v2, v1  }
0x16c: {  	s31 =	simm.s32 $0x0;
	s19 =	simm.s32 $0xC80;
	[tilespmem:s0+$0x640] =	vst v63  }
0x16d: {  	[tilespmem:s19], [sflag:$0x5] =	stream.indirect.gather [hbm4b:s6+s10], $0x10, s31, s10, $0xb8;
	[tilespmem:$0xDE80] =	vst v63  }
0x16e: {  	s20 =	simm.s32 $0x7080  }
0x16f: {  	[tilespmem:s20], [sflag:$0x7] =	stream.indirect.gather [hbm4b:s6+s10], $0x10, s12, s10, $0xb8;
	[tilespmem:$0xDE80] =	vst v63  }
0x170: {  	_ =	swait.ge [sflag:s25], $0x3200  }
0x171: {  	[sflag:s25] =	ssyncset.done $0x0  }
0x172: {  	[sflag:s25] =	ssyncadd.s32 $0xFFFFCE00  }
0x173: {  	_ =	swait.ge [sflag:s26], $0x3200  }
0x174: {  	[sflag:s26] =	ssyncset.done $0x0  }
0x175: {  	[sflag:s26] =	ssyncadd.s32 $0xFFFFCE00  }
0x176: {  	_ =	swait.ge [sflag:s28], $0x100  }
0x177: {  	[sflag:s28] =	ssyncset.done $0x0  }
0x178: {  	s11 =	simm.s32 $0xA2A0;
	s0 =	simm.s32 $0x3EA0;
	[sflag:s28] =	ssyncadd.s32 $0xFFFFFF00  }
.LBB2_15:
0x179: {  	v2 =	vmov s0;
	_ =	sdelay $0x3  }
0x17a: {  	s19 =	simm.s32 $0x0  }
0x17b: {  	v0 =	vld.idx.msk [tilespmem:v2+s19+$0xFFFFFFE0 ss:$0x1], $0xffff;
	_ =	sdelay $0x1  }
0x17c: {  	v5 =	vld.idx.msk [tilespmem:v2+s19+$0xFFFFFFF0 ss:$0x1], $0xffff;
	_ =	sdelay $0x1  }
0x17d: {  	v3 =	vld.idx.msk [tilespmem:v2+s19+$0x0 ss:$0x1], $0xffff  }
0x17e: {  	v1 =	vimm.f32 $0.0e+00;
	v4 =	vshll.u32 v0, $0x10;
	v0 =	vand.u32 $0xFFFF0000, v0  }
0x17f: {  	v6 =	vadd.f32 v4, v1;
	v7 =	vadd.f32 v0, v1;
	v4 =	vld.idx.msk [tilespmem:v2+s19+$0x10 ss:$0x1], $0xffff  }
0x180: {  	v8 =	vshll.u32 v5, $0x10;
	v9 =	vand.u32 $0xFFFF0000, v5  }
0x181: {  	s20 =	simm.s32 $0x280;
	v0 =	vld.idx.msk [tilespmem:v2+s19+$0x20 ss:$0x1], $0xffff;
	s19 =	simm.s32 $0x50;
	v5 =	vadd.f32 v8, v6;
	v6 =	vadd.f32 v9, v7  }
.LBB2_16:
0x182: {  	p0 =	sne.s32 s20, $0xB40;
	v7 =	vld.idx.msk [tilespmem:v2+s19+$0xFFFFFFE0 ss:$0x1], $0xffff;
	v8 =	vshll.u32 v3, $0x10;
	v3 =	vand.u32 $0xFFFF0000, v3  }
0x183: {  	v5 =	vadd.f32 v8, v5;
	v3 =	vadd.f32 v3, v6  }
0x184: {  	v8 =	vshll.u32 v4, $0x10;
	v4 =	vand.u32 $0xFFFF0000, v4;
	v6 =	vld.idx.msk [tilespmem:v2+s19+$0xFFFFFFF0 ss:$0x1], $0xffff  }
0x185: {  	v5 =	vadd.f32 v8, v5;
	v4 =	vadd.f32 v4, v3  }
0x186: {  	v8 =	vshll.u32 v0, $0x10;
	v0 =	vand.u32 $0xFFFF0000, v0;
	v3 =	vld.idx.msk [tilespmem:v2+s19+$0x0 ss:$0x1], $0xffff  }
.Ltmp6:
0x187: {  	v5 =	vadd.f32 v8, v5;
	v0 =	vadd.f32 v0, v4;
	(pc) =	sbr.rel @p0 .LBB2_16-.Ltmp6, $4  }
0x188: {  	v8 =	vshll.u32 v7, $0x10;
	v7 =	vand.u32 $0xFFFF0000, v7;
	v4 =	vld.idx.msk [tilespmem:v2+s19+$0x10 ss:$0x1], $0xffff  }
0x189: {  	v5 =	vadd.f32 v8, v5;
	v7 =	vadd.f32 v7, v0  }
0x18a: {  	v8 =	vshll.u32 v6, $0x10;
	v6 =	vand.u32 $0xFFFF0000, v6;
	v0 =	vld.idx.msk [tilespmem:v2+s19+$0x20 ss:$0x1], $0xffff  }
0x18b: {  	s19 =	sshra.s32 s20, $0x2;
	s20 =	sadd.s32 $0x140, s20;
	v5 =	vadd.f32 v8, v5;
	v6 =	vadd.f32 v6, v7  }
0x18c: {  	_ =	sdelay $0x2  }
0x18d: {  	v7 =	vshll.u32 v3, $0x10  }
0x18e: {  	v8 =	vld.idx.msk [tilespmem:v2+s19+$0xFFFFFFE0 ss:$0x1], $0xffff;
	v3 =	vand.u32 $0xFFFF0000, v3;
	v5 =	vadd.f32 v7, v5  }
0x18f: {  	v3 =	vadd.f32 v3, v6;
	v6 =	vshll.u32 v4, $0x10  }
0x190: {  	v7 =	vld.idx.msk [tilespmem:v2+s19+$0xFFFFFFF0 ss:$0x1], $0xffff;
	v4 =	vand.u32 $0xFFFF0000, v4;
	v5 =	vadd.f32 v6, v5  }
0x191: {  	v3 =	vadd.f32 v4, v3;
	v4 =	vshll.u32 v0, $0x10  }
0x192: {  	v6 =	vld.idx.msk [tilespmem:v2+s19+$0x0 ss:$0x1], $0xffff;
	v4 =	vadd.f32 v4, v5  }
0x193: {  	v9 =	vand.u32 $0xFFFF0000, v0;
	v0 =	vmov s11;
	v5 =	vshll.u32 v8, $0x10  }
0x194: {  	v62 =	vld.idx.msk [tilespmem:v2+s19+$0x10 ss:$0x1], $0xffff;
	v3 =	vadd.f32 v9, v3;
	v4 =	vadd.f32 v5, v4  }
0x195: {  	v8 =	vand.u32 $0xFFFF0000, v8;
	v5 =	vshll.u32 v7, $0x10  }
0x196: {  	v3 =	vadd.f32 v8, v3;
	v8 =	vld.idx.msk [tilespmem:v2+s19+$0x20 ss:$0x1], $0xffff;
	v2 =	vadd.f32 v5, v4  }
0x197: {  	s20 =	simm.s32 $0x0;
	v7 =	vand.u32 $0xFFFF0000, v7;
	v4 =	vshll.u32 v6, $0x10  }
0x198: {  	v3 =	vadd.f32 v7, v3;
	v5 =	vld.idx.msk [tilespmem:v0+s20+$0xFFFFFFE0 ss:$0x1], $0xffff;
	v2 =	vadd.f32 v4, v2  }
0x199: {  	v6 =	vand.u32 $0xFFFF0000, v6;
	v4 =	vshll.u32 v62, $0x10  }
0x19a: {  	v3 =	vadd.f32 v6, v3;
	v6 =	vld.idx.msk [tilespmem:v0+s20+$0xFFFFFFF0 ss:$0x1], $0xffff;
	v2 =	vadd.f32 v4, v2  }
0x19b: {  	v4 =	vshll.u32 v8, $0x10  }
0x19c: {  	v7 =	vand.u32 $0xFFFF0000, v62;
	v2 =	vadd.f32 v4, v2;
	v4 =	vld.idx.msk [tilespmem:v0+s20+$0x0 ss:$0x1], $0xffff  }
0x19d: {  	v3 =	vadd.f32 v7, v3;
	v7 =	vshll.u32 v5, $0x10;
	v5 =	vand.u32 $0xFFFF0000, v5  }
0x19e: {  	v8 =	vand.u32 $0xFFFF0000, v8;
	v7 =	vadd.f32 v7, v1;
	v63 =	vadd.f32 v5, v1;
	v5 =	vld.idx.msk [tilespmem:v0+s20+$0x10 ss:$0x1], $0xffff  }
0x19f: {  	v1 =	vadd.f32 v8, v3;
	v8 =	vshll.u32 v6, $0x10;
	v10 =	vand.u32 $0xFFFF0000, v6  }
0x1a0: {  	s19 =	simm.s32 $0x50;
	v3 =	vld.idx.msk [tilespmem:v0+s20+$0x20 ss:$0x1], $0xffff;
	s20 =	simm.s32 $0x280;
	v6 =	vadd.f32 v8, v7;
	v7 =	vadd.f32 v10, v63  }
.LBB2_18:
0x1a1: {  	p0 =	sne.s32 s20, $0xB40;
	v8 =	vld.idx.msk [tilespmem:v0+s19+$0xFFFFFFE0 ss:$0x1], $0xffff;
	v9 =	vshll.u32 v4, $0x10;
	v4 =	vand.u32 $0xFFFF0000, v4  }
0x1a2: {  	v6 =	vadd.f32 v9, v6;
	v4 =	vadd.f32 v4, v7  }
0x1a3: {  	v9 =	vshll.u32 v5, $0x10;
	v5 =	vand.u32 $0xFFFF0000, v5;
	v7 =	vld.idx.msk [tilespmem:v0+s19+$0xFFFFFFF0 ss:$0x1], $0xffff  }
0x1a4: {  	v6 =	vadd.f32 v9, v6;
	v5 =	vadd.f32 v5, v4  }
0x1a5: {  	v9 =	vshll.u32 v3, $0x10;
	v3 =	vand.u32 $0xFFFF0000, v3;
	v4 =	vld.idx.msk [tilespmem:v0+s19+$0x0 ss:$0x1], $0xffff  }
.Ltmp7:
0x1a6: {  	v6 =	vadd.f32 v9, v6;
	v3 =	vadd.f32 v3, v5;
	(pc) =	sbr.rel @p0 .LBB2_18-.Ltmp7, $4  }
0x1a7: {  	v9 =	vshll.u32 v8, $0x10;
	v8 =	vand.u32 $0xFFFF0000, v8;
	v5 =	vld.idx.msk [tilespmem:v0+s19+$0x10 ss:$0x1], $0xffff  }
0x1a8: {  	v6 =	vadd.f32 v9, v6;
	v8 =	vadd.f32 v8, v3  }
0x1a9: {  	v9 =	vshll.u32 v7, $0x10;
	v7 =	vand.u32 $0xFFFF0000, v7;
	v3 =	vld.idx.msk [tilespmem:v0+s19+$0x20 ss:$0x1], $0xffff  }
0x1aa: {  	s19 =	sshra.s32 s20, $0x2;
	s20 =	sadd.s32 $0x140, s20;
	v6 =	vadd.f32 v9, v6;
	v7 =	vadd.f32 v7, v8  }
0x1ab: {  	_ =	sdelay $0x2  }
0x1ac: {  	v8 =	vshll.u32 v4, $0x10  }
0x1ad: {  	v9 =	vld.idx.msk [tilespmem:v0+s19+$0xFFFFFFE0 ss:$0x1], $0xffff;
	v45 =	vand.u32 $0xFFFF0000, v4;
	v6 =	vadd.f32 v8, v6  }
0x1ae: {  	v4 =	vadd.f32 v45, v7;
	v46 =	vshll.u32 v5, $0x10  }
0x1af: {  	v47 =	vld.idx.msk [tilespmem:v0+s19+$0xFFFFFFF0 ss:$0x1], $0xffff;
	v48 =	vand.u32 $0xFFFF0000, v5;
	v6 =	vadd.f32 v46, v6  }
0x1b0: {  	v4 =	vadd.f32 v48, v4;
	v49 =	vshll.u32 v3, $0x10  }
0x1b1: {  	v50 =	vld.idx.msk [tilespmem:v0+s19+$0x0 ss:$0x1], $0xffff;
	v51 =	vand.u32 $0xFFFF0000, v3;
	v5 =	vadd.f32 v49, v6  }
0x1b2: {  	v3 =	vadd.f32 v51, v4;
	v52 =	vshll.u32 v9, $0x10  }
0x1b3: {  	v54 =	vld.idx.msk [tilespmem:v0+s19+$0x10 ss:$0x1], $0xffff;
	v53 =	vand.u32 $0xFFFF0000, v9;
	v4 =	vadd.f32 v52, v5  }
0x1b4: {  	v55 =	vshll.u32 v47, $0x10;
	v3 =	vadd.f32 v53, v3  }
0x1b5: {  	v57 =	vld.idx.msk [tilespmem:v0+s19+$0x20 ss:$0x1], $0xffff;
	v56 =	vand.u32 $0xFFFF0000, v47;
	v4 =	vadd.f32 v55, v4  }
0x1b6: {  	v58 =	vshll.u32 v50, $0x10;
	v3 =	vadd.f32 v56, v3  }
0x1b7: {  	v59 =	vand.u32 $0xFFFF0000, v50;
	v4 =	vadd.f32 v58, v4  }
0x1b8: {  	v60 =	vshll.u32 v54, $0x10;
	v3 =	vadd.f32 v59, v3  }
0x1b9: {  	v61 =	vand.u32 $0xFFFF0000, v54;
	v4 =	vadd.f32 v60, v4  }
0x1ba: {  	s20 =	smul.u32 $0x140, s31;
	s31 =	sadd.s32 $0x1, s31;
	v62 =	vshll.u32 v57, $0x10;
	v3 =	vadd.f32 v61, v3  }
0x1bb: {  	v2 =	vmul.f32 $9.999999770e-03, v2;
	p0 =	sne.s32 s31, $0x10;
	v0 =	vand.u32 $0xFFFF0000, v57;
	v4 =	vadd.f32 v62, v4  }
.Ltmp8:
0x1bc: {  	v1 =	vmul.f32 $9.999999770e-03, v1;
	s19 =	sshra.s32 s20, $0x2;
	v0 =	vadd.f32 v0, v3;
	(pc) =	sbr.rel @p0 .LBB2_15-.Ltmp8, $4  }
0x1bd: {  	[tilespmem:s19+$0xD990] =	vst v2;
	v63 =	vmul.f32 $9.999999770e-03, v4  }
0x1be: {  	[tilespmem:s19+$0xD9A0] =	vst v1;
	v0 =	vmul.f32 $9.999999770e-03, v0  }
0x1bf: {  	[tilespmem:s19+$0xD9B0] =	vst v63  }
0x1c0: {  	s0 =	sadd.s32 $0x320, s0;
	s11 =	sadd.s32 $0x320, s11;
	[tilespmem:s19+$0xD9C0] =	vst v0  }
0x1c1: {  	s0 =	sadd.s32 s30, s7  }
0x1c2: {  	s0 =	smul.u32 $0xA, s0;
	_ =	sdelay $0x1  }
0x1c3: {  	s31 =	sadd.s32 s30, s16;
	s0 =	sadd.s32 s8, s0  }
0x1c4: {  	s11 =	simm.s32 $0x0;
	s19 =	smul.u32 $0x32, s31;
	s0 =	sadd.s32 $0xA0, s0  }
0x1c5: {  	[hbm4b:s0+s11] =	stream.linear.scatter [tilespmem:s17], [sflag:$0xB], $0x500, $0x38;
	[tilespmem:$0xDE80] =	vst v63  }
0x1c6: {  	_ =	swait.ge [sflag:s24], $0x500  }
0x1c7: {  	s19 =	sshrl.u32 s19, $0x3;
	[sflag:s24] =	ssyncset.done $0x0  }
0x1c8: {  	s20 =	sadd.s32 s2, s19;
	s0 =	sshll.u32 s31, $0x1;
	[sflag:s24] =	ssyncadd.s32 $0xFFFFFB00  }
0x1c9: {  	[tilespmem:s10], [sflag:$0x2] =	stream.linear.gather [hbm4b:s20+s11], $0x320, $0x38;
	[tilespmem:$0xDE80] =	vst v63  }
0x1ca: {  	s19 =	sadd.s32 s3, s19;
	s0 =	sand.u32 $0x1FFFFFE0, s0  }
0x1cb: {  	[tilespmem:s14], [sflag:$0x4] =	stream.linear.gather [hbm4b:s19+s11], $0x320, $0x38;
	[tilespmem:$0xDE80] =	vst v63  }
0x1cc: {  	s0 =	sadd.s32 s1, s0  }
0x1cd: {  	[tilespmem:s17], [sflag:$0xA] =	stream.linear.gather [hbm4b:s0+s11], $0x10, $0x38;
	[tilespmem:$0xDE80] =	vst v63  }
0x1ce: {  	s31 =	simm.s32 $0xD9D0;
	s30 =	sadd.s32 $0x2, s0  }
0x1cf: {  	[tilespmem:s31], [sflag:$0xA] =	stream.linear.gather [hbm4b:s30+s11], $0x10, $0x38;
	[tilespmem:$0xDE80] =	vst v63  }
0x1d0: {  	s30 =	sadd.s32 $0x4, s0;
	s31 =	simm.s32 $0xDA20  }
0x1d1: {  	[tilespmem:s31], [sflag:$0xA] =	stream.linear.gather [hbm4b:s30+s11], $0x10, $0x38;
	[tilespmem:$0xDE80] =	vst v63  }
0x1d2: {  	s30 =	sadd.s32 $0x6, s0;
	s31 =	simm.s32 $0xDA70  }
0x1d3: {  	[tilespmem:s31], [sflag:$0xA] =	stream.linear.gather [hbm4b:s30+s11], $0x10, $0x38;
	[tilespmem:$0xDE80] =	vst v63  }
0x1d4: {  	s30 =	sadd.s32 $0x8, s0;
	s31 =	simm.s32 $0xDAC0  }
0x1d5: {  	[tilespmem:s31], [sflag:$0xA] =	stream.linear.gather [hbm4b:s30+s11], $0x10, $0x38;
	[tilespmem:$0xDE80] =	vst v63  }
0x1d6: {  	s30 =	sadd.s32 $0xA, s0;
	s31 =	simm.s32 $0xDB10  }
0x1d7: {  	[tilespmem:s31], [sflag:$0xA] =	stream.linear.gather [hbm4b:s30+s11], $0x10, $0x38;
	[tilespmem:$0xDE80] =	vst v63  }
0x1d8: {  	s30 =	sadd.s32 $0xC, s0;
	s31 =	simm.s32 $0xDB60  }
0x1d9: {  	[tilespmem:s31], [sflag:$0xA] =	stream.linear.gather [hbm4b:s30+s11], $0x10, $0x38;
	[tilespmem:$0xDE80] =	vst v63  }
0x1da: {  	s30 =	sadd.s32 $0xE, s0;
	s31 =	simm.s32 $0xDBB0  }
0x1db: {  	[tilespmem:s31], [sflag:$0xA] =	stream.linear.gather [hbm4b:s30+s11], $0x10, $0x38;
	[tilespmem:$0xDE80] =	vst v63  }
0x1dc: {  	s30 =	sadd.s32 $0x10, s0;
	s31 =	simm.s32 $0xDC00  }
0x1dd: {  	[tilespmem:s31], [sflag:$0xA] =	stream.linear.gather [hbm4b:s30+s11], $0x10, $0x38;
	[tilespmem:$0xDE80] =	vst v63  }
0x1de: {  	s30 =	sadd.s32 $0x12, s0;
	s31 =	simm.s32 $0xDC50  }
0x1df: {  	[tilespmem:s31], [sflag:$0xA] =	stream.linear.gather [hbm4b:s30+s11], $0x10, $0x38;
	[tilespmem:$0xDE80] =	vst v63  }
0x1e0: {  	s30 =	sadd.s32 $0x14, s0;
	s31 =	simm.s32 $0xDCA0  }
0x1e1: {  	[tilespmem:s31], [sflag:$0xA] =	stream.linear.gather [hbm4b:s30+s11], $0x10, $0x38;
	[tilespmem:$0xDE80] =	vst v63  }
0x1e2: {  	s30 =	sadd.s32 $0x16, s0;
	s31 =	simm.s32 $0xDCF0  }
0x1e3: {  	[tilespmem:s31], [sflag:$0xA] =	stream.linear.gather [hbm4b:s30+s11], $0x10, $0x38;
	[tilespmem:$0xDE80] =	vst v63  }
0x1e4: {  	s30 =	sadd.s32 $0x18, s0;
	s31 =	simm.s32 $0xDD40  }
0x1e5: {  	[tilespmem:s31], [sflag:$0xA] =	stream.linear.gather [hbm4b:s30+s11], $0x10, $0x38;
	[tilespmem:$0xDE80] =	vst v63  }
0x1e6: {  	s30 =	sadd.s32 $0x1A, s0;
	s31 =	simm.s32 $0xDD90  }
0x1e7: {  	[tilespmem:s31], [sflag:$0xA] =	stream.linear.gather [hbm4b:s30+s11], $0x10, $0x38;
	[tilespmem:$0xDE80] =	vst v63  }
0x1e8: {  	s20 =	sadd.s32 $0x1C, s0;
	s30 =	simm.s32 $0xDDE0  }
0x1e9: {  	[tilespmem:s30], [sflag:$0xA] =	stream.linear.gather [hbm4b:s20+s11], $0x10, $0x38;
	[tilespmem:$0xDE80] =	vst v63  }
0x1ea: {  	s0 =	sadd.s32 $0x1E, s0;
	s31 =	simm.s32 $0xDE30  }
0x1eb: {  	[tilespmem:s31], [sflag:$0xA] =	stream.linear.gather [hbm4b:s0+s11], $0x10, $0x38;
	[tilespmem:$0xDE80] =	vst v63  }
0x1ec: {  	_ =	swait.ge [sflag:s5], $0x320  }
0x1ed: {  	[sflag:s5] =	ssyncset.done $0x0  }
0x1ee: {  	[sflag:s5] =	ssyncadd.s32 $0xFFFFFCE0  }
0x1ef: {  	_ =	swait.ge [sflag:s18], $0x320  }
0x1f0: {  	[sflag:s18] =	ssyncset.done $0x0  }
0x1f1: {  	s0 =	simm.s32 $0x0;
	[sflag:s18] =	ssyncadd.s32 $0xFFFFFCE0  }
0x1f2: {  	s11 =	simm.s32 $0x40;
	v0 =	vld [tilespmem:s0+$0x320]  }
.LBB2_21:
0x1f3: {  	p0 =	sne.s32 s11, $0xC40;
	v1 =	vld [tilespmem:s0+$0x960];
	_ =	sdelay $0x3  }
0x1f4: {  	v2 =	vcvt.s32.f32 v0  }
0x1f5: {  	v3 =	vcvt.s32.f32 v1  }
0x1f6: {  	v2 =	vmul.f32 $9.999999740e-06, v2  }
0x1f7: {  	v3 =	vmul.f32 $9.999999740e-06, v3  }
0x1f8: {  	v2 =	vtrunc.f32 v2  }
0x1f9: {  	v2 =	vcvt.f32.s32 v2;
	v3 =	vtrunc.f32 v3  }
0x1fa: {  	v3 =	vcvt.f32.s32 v3  }
0x1fb: {  	v2 =	vmul.u32 $0xFFFE7960, v2  }
0x1fc: {  	v3 =	vmul.u32 $0xFFFE7960, v3  }
0x1fd: {  	v0 =	vadd.s32 v0, v2  }
0x1fe: {  	vm0 =	vlt.s32 v0, $0x0;
	v2 =	vadd.s32 $0x186A0, v0;
	v1 =	vadd.s32 v1, v3  }
.Ltmp9:
0x1ff: {  	v0 =	vsel vm0, v2, v0;
	vm0 =	vlt.s32 v1, $0x0;
	v2 =	vadd.s32 $0x186A0, v1;
	(pc) =	sbr.rel @p0 .LBB2_21-.Ltmp9, $4  }
0x200: {  	vm1 =	vgt.s32 v0, $0x1869F;
	v3 =	vadd.s32 $0xFFFE7960, v0;
	v1 =	vsel vm0, v2, v1  }
0x201: {  	v0 =	vsel vm1, v3, v0;
	vm0 =	vgt.s32 v1, $0x1869F;
	v2 =	vadd.s32 $0xFFFE7960, v1  }
0x202: {  	s19 =	sshra.s32 s11, $0x2;
	[tilespmem:s0+$0x320] =	vst v0;
	v1 =	vsel vm0, v2, v1  }
0x203: {  	s11 =	sadd.s32 $0x40, s11;
	v0 =	vld [tilespmem:s19+$0x320];
	[tilespmem:s0+$0x960] =	vst v1;
	s0 =	smov.u32 s19  }
0x204: {  	v1 =	vld [tilespmem:s0+$0x960];
	_ =	sdelay $0x3  }
0x205: {  	v2 =	vcvt.s32.f32 v0  }
0x206: {  	v3 =	vcvt.s32.f32 v1  }
0x207: {  	v2 =	vmul.f32 $9.999999740e-06, v2  }
0x208: {  	v3 =	vmul.f32 $9.999999740e-06, v3  }
0x209: {  	v2 =	vtrunc.f32 v2  }
0x20a: {  	v2 =	vcvt.f32.s32 v2;
	v3 =	vtrunc.f32 v3  }
0x20b: {  	v3 =	vcvt.f32.s32 v3  }
0x20c: {  	v2 =	vmul.u32 $0xFFFE7960, v2  }
0x20d: {  	v3 =	vmul.u32 $0xFFFE7960, v3  }
0x20e: {  	v60 =	vadd.s32 v0, v2  }
0x20f: {  	vm0 =	vlt.s32 v60, $0x0;
	v2 =	vadd.s32 $0x186A0, v60;
	v1 =	vadd.s32 v1, v3  }
0x210: {  	v0 =	vsel vm0, v2, v60;
	vm15 =	vlt.s32 v1, $0x0;
	v61 =	vadd.s32 $0x186A0, v1  }
0x211: {  	s29 =	sadd.s32 $0x1, s29;
	vm1 =	vgt.s32 v0, $0x1869F;
	v62 =	vadd.s32 $0xFFFE7960, v0;
	v1 =	vsel vm15, v61, v1  }
0x212: {  	p0 =	sne.s32 s29, $0xF;
	v0 =	vsel vm1, v62, v0;
	vm0 =	vgt.s32 v1, $0x1869F;
	v2 =	vadd.s32 $0xFFFE7960, v1  }
.Ltmp10:
0x213: {  	[tilespmem:s0+$0x320] =	vst v0;
	v63 =	vsel vm0, v2, v1;
	(pc) =	sbr.rel @p0 .LBB2_6-.Ltmp10, $4  }
0x214: {  	s30 =	simm.s32 $0x3E80;
	[tilespmem:s0+$0x960] =	vst v63  }
0x215: {  	[tilespmem:s30], [sflag:$0x6] =	stream.indirect.gather [hbm4b:s6+s10], $0x10, s10, s10, $0xb8;
	[tilespmem:$0xDE80] =	vst v63  }
0x216: {  	s31 =	simm.s32 $0xA280  }
0x217: {  	[tilespmem:s31], [sflag:$0x8] =	stream.indirect.gather [hbm4b:s6+s10], $0x10, s14, s10, $0xb8;
	[tilespmem:$0xDE80] =	vst v63  }
0x218: {  	_ =	swait.ge [sflag:s21], $0x3200  }
0x219: {  	[sflag:s21] =	ssyncset.done $0x0  }
0x21a: {  	[sflag:s21] =	ssyncadd.s32 $0xFFFFCE00  }
0x21b: {  	_ =	swait.ge [sflag:s22], $0x3200  }
0x21c: {  	[sflag:s22] =	ssyncset.done $0x0  }
0x21d: {  	[sflag:s22] =	ssyncadd.s32 $0xFFFFCE00  }
0x21e: {  	_ =	swait.ge [sflag:s23], $0x100  }
0x21f: {  	s0 =	simm.s32 $0x0;
	[sflag:s23] =	ssyncset.done $0x0  }
0x220: {  	s29 =	simm.s32 $0xCA0;
	s11 =	simm.s32 $0x70A0;
	[sflag:s23] =	ssyncadd.s32 $0xFFFFFF00  }
.LBB2_24:
0x221: {  	v2 =	vmov s29;
	_ =	sdelay $0x3  }
0x222: {  	s19 =	simm.s32 $0x0  }
0x223: {  	v0 =	vld.idx.msk [tilespmem:v2+s19+$0xFFFFFFE0 ss:$0x1], $0xffff;
	_ =	sdelay $0x1  }
0x224: {  	v5 =	vld.idx.msk [tilespmem:v2+s19+$0xFFFFFFF0 ss:$0x1], $0xffff;
	_ =	sdelay $0x1  }
0x225: {  	v3 =	vld.idx.msk [tilespmem:v2+s19+$0x0 ss:$0x1], $0xffff  }
0x226: {  	v1 =	vimm.f32 $0.0e+00;
	v4 =	vshll.u32 v0, $0x10;
	v0 =	vand.u32 $0xFFFF0000, v0  }
0x227: {  	v6 =	vadd.f32 v4, v1;
	v7 =	vadd.f32 v0, v1;
	v4 =	vld.idx.msk [tilespmem:v2+s19+$0x10 ss:$0x1], $0xffff  }
0x228: {  	v8 =	vshll.u32 v5, $0x10;
	v9 =	vand.u32 $0xFFFF0000, v5  }
0x229: {  	s20 =	simm.s32 $0x280;
	v0 =	vld.idx.msk [tilespmem:v2+s19+$0x20 ss:$0x1], $0xffff;
	s19 =	simm.s32 $0x50;
	v5 =	vadd.f32 v8, v6;
	v6 =	vadd.f32 v9, v7  }
.LBB2_25:
0x22a: {  	p0 =	sne.s32 s20, $0xB40;
	v7 =	vld.idx.msk [tilespmem:v2+s19+$0xFFFFFFE0 ss:$0x1], $0xffff;
	v8 =	vshll.u32 v3, $0x10;
	v3 =	vand.u32 $0xFFFF0000, v3  }
0x22b: {  	v5 =	vadd.f32 v8, v5;
	v3 =	vadd.f32 v3, v6  }
0x22c: {  	v8 =	vshll.u32 v4, $0x10;
	v4 =	vand.u32 $0xFFFF0000, v4;
	v6 =	vld.idx.msk [tilespmem:v2+s19+$0xFFFFFFF0 ss:$0x1], $0xffff  }
0x22d: {  	v5 =	vadd.f32 v8, v5;
	v4 =	vadd.f32 v4, v3  }
0x22e: {  	v8 =	vshll.u32 v0, $0x10;
	v0 =	vand.u32 $0xFFFF0000, v0;
	v3 =	vld.idx.msk [tilespmem:v2+s19+$0x0 ss:$0x1], $0xffff  }
.Ltmp11:
0x22f: {  	v5 =	vadd.f32 v8, v5;
	v0 =	vadd.f32 v0, v4;
	(pc) =	sbr.rel @p0 .LBB2_25-.Ltmp11, $4  }
0x230: {  	v8 =	vshll.u32 v7, $0x10;
	v7 =	vand.u32 $0xFFFF0000, v7;
	v4 =	vld.idx.msk [tilespmem:v2+s19+$0x10 ss:$0x1], $0xffff  }
0x231: {  	v5 =	vadd.f32 v8, v5;
	v7 =	vadd.f32 v7, v0  }
0x232: {  	v8 =	vshll.u32 v6, $0x10;
	v6 =	vand.u32 $0xFFFF0000, v6;
	v0 =	vld.idx.msk [tilespmem:v2+s19+$0x20 ss:$0x1], $0xffff  }
0x233: {  	s19 =	sshra.s32 s20, $0x2;
	s20 =	sadd.s32 $0x140, s20;
	v5 =	vadd.f32 v8, v5;
	v6 =	vadd.f32 v6, v7  }
0x234: {  	_ =	sdelay $0x2  }
0x235: {  	v7 =	vshll.u32 v3, $0x10  }
0x236: {  	v8 =	vld.idx.msk [tilespmem:v2+s19+$0xFFFFFFE0 ss:$0x1], $0xffff;
	v3 =	vand.u32 $0xFFFF0000, v3;
	v5 =	vadd.f32 v7, v5  }
0x237: {  	v3 =	vadd.f32 v3, v6;
	v6 =	vshll.u32 v4, $0x10  }
0x238: {  	v7 =	vld.idx.msk [tilespmem:v2+s19+$0xFFFFFFF0 ss:$0x1], $0xffff;
	v4 =	vand.u32 $0xFFFF0000, v4;
	v5 =	vadd.f32 v6, v5  }
0x239: {  	v3 =	vadd.f32 v4, v3;
	v4 =	vshll.u32 v0, $0x10  }
0x23a: {  	v6 =	vld.idx.msk [tilespmem:v2+s19+$0x0 ss:$0x1], $0xffff;
	v4 =	vadd.f32 v4, v5  }
0x23b: {  	v9 =	vand.u32 $0xFFFF0000, v0;
	v0 =	vmov s11;
	v5 =	vshll.u32 v8, $0x10  }
0x23c: {  	v62 =	vld.idx.msk [tilespmem:v2+s19+$0x10 ss:$0x1], $0xffff;
	v3 =	vadd.f32 v9, v3;
	v4 =	vadd.f32 v5, v4  }
0x23d: {  	v8 =	vand.u32 $0xFFFF0000, v8;
	v5 =	vshll.u32 v7, $0x10  }
0x23e: {  	v3 =	vadd.f32 v8, v3;
	v8 =	vld.idx.msk [tilespmem:v2+s19+$0x20 ss:$0x1], $0xffff;
	v2 =	vadd.f32 v5, v4  }
0x23f: {  	s31 =	simm.s32 $0x0;
	v7 =	vand.u32 $0xFFFF0000, v7;
	v4 =	vshll.u32 v6, $0x10  }
0x240: {  	v3 =	vadd.f32 v7, v3;
	v5 =	vld.idx.msk [tilespmem:v0+s31+$0xFFFFFFE0 ss:$0x1], $0xffff;
	v2 =	vadd.f32 v4, v2  }
0x241: {  	v6 =	vand.u32 $0xFFFF0000, v6;
	v4 =	vshll.u32 v62, $0x10  }
0x242: {  	v3 =	vadd.f32 v6, v3;
	v6 =	vld.idx.msk [tilespmem:v0+s31+$0xFFFFFFF0 ss:$0x1], $0xffff;
	v2 =	vadd.f32 v4, v2  }
0x243: {  	v4 =	vshll.u32 v8, $0x10  }
0x244: {  	v7 =	vand.u32 $0xFFFF0000, v62;
	v2 =	vadd.f32 v4, v2;
	v4 =	vld.idx.msk [tilespmem:v0+s31+$0x0 ss:$0x1], $0xffff  }
0x245: {  	v3 =	vadd.f32 v7, v3;
	v7 =	vshll.u32 v5, $0x10;
	v5 =	vand.u32 $0xFFFF0000, v5  }
0x246: {  	v8 =	vand.u32 $0xFFFF0000, v8;
	v7 =	vadd.f32 v7, v1;
	v63 =	vadd.f32 v5, v1;
	v5 =	vld.idx.msk [tilespmem:v0+s31+$0x10 ss:$0x1], $0xffff  }
0x247: {  	v1 =	vadd.f32 v8, v3;
	v8 =	vshll.u32 v6, $0x10;
	v10 =	vand.u32 $0xFFFF0000, v6  }
0x248: {  	s20 =	simm.s32 $0x280;
	s19 =	simm.s32 $0x50;
	v3 =	vld.idx.msk [tilespmem:v0+s31+$0x20 ss:$0x1], $0xffff;
	v6 =	vadd.f32 v8, v7;
	v7 =	vadd.f32 v10, v63  }
.LBB2_27:
0x249: {  	p0 =	sne.s32 s20, $0xB40;
	v8 =	vld.idx.msk [tilespmem:v0+s19+$0xFFFFFFE0 ss:$0x1], $0xffff;
	v9 =	vshll.u32 v4, $0x10;
	v4 =	vand.u32 $0xFFFF0000, v4  }
0x24a: {  	v6 =	vadd.f32 v9, v6;
	v4 =	vadd.f32 v4, v7  }
0x24b: {  	v9 =	vshll.u32 v5, $0x10;
	v5 =	vand.u32 $0xFFFF0000, v5;
	v7 =	vld.idx.msk [tilespmem:v0+s19+$0xFFFFFFF0 ss:$0x1], $0xffff  }
0x24c: {  	v6 =	vadd.f32 v9, v6;
	v5 =	vadd.f32 v5, v4  }
0x24d: {  	v9 =	vshll.u32 v3, $0x10;
	v3 =	vand.u32 $0xFFFF0000, v3;
	v4 =	vld.idx.msk [tilespmem:v0+s19+$0x0 ss:$0x1], $0xffff  }
.Ltmp12:
0x24e: {  	v6 =	vadd.f32 v9, v6;
	v3 =	vadd.f32 v3, v5;
	(pc) =	sbr.rel @p0 .LBB2_27-.Ltmp12, $4  }
0x24f: {  	v9 =	vshll.u32 v8, $0x10;
	v8 =	vand.u32 $0xFFFF0000, v8;
	v5 =	vld.idx.msk [tilespmem:v0+s19+$0x10 ss:$0x1], $0xffff  }
0x250: {  	v6 =	vadd.f32 v9, v6;
	v8 =	vadd.f32 v8, v3  }
0x251: {  	v9 =	vshll.u32 v7, $0x10;
	v7 =	vand.u32 $0xFFFF0000, v7;
	v3 =	vld.idx.msk [tilespmem:v0+s19+$0x20 ss:$0x1], $0xffff  }
0x252: {  	s19 =	sshra.s32 s20, $0x2;
	s20 =	sadd.s32 $0x140, s20;
	v6 =	vadd.f32 v9, v6;
	v7 =	vadd.f32 v7, v8  }
0x253: {  	_ =	sdelay $0x2  }
0x254: {  	v8 =	vshll.u32 v4, $0x10  }
0x255: {  	v9 =	vld.idx.msk [tilespmem:v0+s19+$0xFFFFFFE0 ss:$0x1], $0xffff;
	v45 =	vand.u32 $0xFFFF0000, v4;
	v6 =	vadd.f32 v8, v6  }
0x256: {  	v4 =	vadd.f32 v45, v7;
	v46 =	vshll.u32 v5, $0x10  }
0x257: {  	v47 =	vld.idx.msk [tilespmem:v0+s19+$0xFFFFFFF0 ss:$0x1], $0xffff;
	v48 =	vand.u32 $0xFFFF0000, v5;
	v6 =	vadd.f32 v46, v6  }
0x258: {  	v4 =	vadd.f32 v48, v4;
	v49 =	vshll.u32 v3, $0x10  }
0x259: {  	v50 =	vld.idx.msk [tilespmem:v0+s19+$0x0 ss:$0x1], $0xffff;
	v51 =	vand.u32 $0xFFFF0000, v3;
	v5 =	vadd.f32 v49, v6  }
0x25a: {  	v3 =	vadd.f32 v51, v4;
	v52 =	vshll.u32 v9, $0x10  }
0x25b: {  	v54 =	vld.idx.msk [tilespmem:v0+s19+$0x10 ss:$0x1], $0xffff;
	v53 =	vand.u32 $0xFFFF0000, v9;
	v4 =	vadd.f32 v52, v5  }
0x25c: {  	v55 =	vshll.u32 v47, $0x10;
	v3 =	vadd.f32 v53, v3  }
0x25d: {  	v57 =	vld.idx.msk [tilespmem:v0+s19+$0x20 ss:$0x1], $0xffff;
	v56 =	vand.u32 $0xFFFF0000, v47;
	v4 =	vadd.f32 v55, v4  }
0x25e: {  	v58 =	vshll.u32 v50, $0x10;
	v3 =	vadd.f32 v56, v3  }
0x25f: {  	v59 =	vand.u32 $0xFFFF0000, v50;
	v4 =	vadd.f32 v58, v4  }
0x260: {  	v60 =	vshll.u32 v54, $0x10;
	v3 =	vadd.f32 v59, v3  }
0x261: {  	v61 =	vand.u32 $0xFFFF0000, v54;
	v4 =	vadd.f32 v60, v4  }
0x262: {  	s31 =	smul.u32 $0x140, s0;
	s0 =	sadd.s32 $0x1, s0;
	v62 =	vshll.u32 v57, $0x10;
	v3 =	vadd.f32 v61, v3  }
0x263: {  	v2 =	vmul.f32 $9.999999770e-03, v2;
	p0 =	sne.s32 s0, $0x10;
	v0 =	vand.u32 $0xFFFF0000, v57;
	v4 =	vadd.f32 v62, v4  }
.Ltmp13:
0x264: {  	v1 =	vmul.f32 $9.999999770e-03, v1;
	s19 =	sshra.s32 s31, $0x2;
	v0 =	vadd.f32 v0, v3;
	(pc) =	sbr.rel @p0 .LBB2_24-.Ltmp13, $4  }
0x265: {  	[tilespmem:s19+$0xD490] =	vst v2;
	v63 =	vmul.f32 $9.999999770e-03, v4  }
0x266: {  	[tilespmem:s19+$0xD4A0] =	vst v1;
	v0 =	vmul.f32 $9.999999770e-03, v0  }
0x267: {  	[tilespmem:s19+$0xD4B0] =	vst v63  }
0x268: {  	s29 =	sadd.s32 $0x320, s29;
	s11 =	sadd.s32 $0x320, s11;
	[tilespmem:s19+$0xD4C0] =	vst v0  }
0x269: {  	s29 =	simm.s32 $0x0;
	s0 =	rddreg [dreg:$0xb]  }
0x26a: {  	[hbm4b:s0+s29] =	stream.linear.scatter [tilespmem:s13], [sflag:$0xB], $0x500, $0x38;
	[tilespmem:$0xDE80] =	vst v63  }
0x26b: {  	_ =	swait.ge [sflag:s24], $0x500  }
0x26c: {  	[sflag:s24] =	ssyncset.done $0x0  }
0x26d: {  	[sflag:s24] =	ssyncadd.s32 $0xFFFFFB00  }
0x26e: {  	_ =	swait.ge [sflag:s25], $0x3200  }
0x26f: {  	[sflag:s25] =	ssyncset.done $0x0  }
0x270: {  	[sflag:s25] =	ssyncadd.s32 $0xFFFFCE00  }
0x271: {  	_ =	swait.ge [sflag:s26], $0x3200  }
0x272: {  	[sflag:s26] =	ssyncset.done $0x0  }
0x273: {  	[sflag:s26] =	ssyncadd.s32 $0xFFFFCE00  }
0x274: {  	_ =	swait.ge [sflag:s28], $0x100  }
0x275: {  	[sflag:s28] =	ssyncset.done $0x0  }
0x276: {  	s11 =	simm.s32 $0xA2A0;
	s0 =	simm.s32 $0x3EA0;
	[sflag:s28] =	ssyncadd.s32 $0xFFFFFF00  }
.LBB2_30:
0x277: {  	v2 =	vmov s0;
	_ =	sdelay $0x3  }
0x278: {  	s19 =	simm.s32 $0x0  }
0x279: {  	v0 =	vld.idx.msk [tilespmem:v2+s19+$0xFFFFFFE0 ss:$0x1], $0xffff;
	_ =	sdelay $0x1  }
0x27a: {  	v5 =	vld.idx.msk [tilespmem:v2+s19+$0xFFFFFFF0 ss:$0x1], $0xffff;
	_ =	sdelay $0x1  }
0x27b: {  	v3 =	vld.idx.msk [tilespmem:v2+s19+$0x0 ss:$0x1], $0xffff  }
0x27c: {  	v1 =	vimm.f32 $0.0e+00;
	v4 =	vshll.u32 v0, $0x10;
	v0 =	vand.u32 $0xFFFF0000, v0  }
0x27d: {  	v6 =	vadd.f32 v4, v1;
	v7 =	vadd.f32 v0, v1;
	v4 =	vld.idx.msk [tilespmem:v2+s19+$0x10 ss:$0x1], $0xffff  }
0x27e: {  	v8 =	vshll.u32 v5, $0x10;
	v9 =	vand.u32 $0xFFFF0000, v5  }
0x27f: {  	s20 =	simm.s32 $0x280;
	v0 =	vld.idx.msk [tilespmem:v2+s19+$0x20 ss:$0x1], $0xffff;
	s19 =	simm.s32 $0x50;
	v5 =	vadd.f32 v8, v6;
	v6 =	vadd.f32 v9, v7  }
.LBB2_31:
0x280: {  	p0 =	sne.s32 s20, $0xB40;
	v7 =	vld.idx.msk [tilespmem:v2+s19+$0xFFFFFFE0 ss:$0x1], $0xffff;
	v8 =	vshll.u32 v3, $0x10;
	v3 =	vand.u32 $0xFFFF0000, v3  }
0x281: {  	v5 =	vadd.f32 v8, v5;
	v3 =	vadd.f32 v3, v6  }
0x282: {  	v8 =	vshll.u32 v4, $0x10;
	v4 =	vand.u32 $0xFFFF0000, v4;
	v6 =	vld.idx.msk [tilespmem:v2+s19+$0xFFFFFFF0 ss:$0x1], $0xffff  }
0x283: {  	v5 =	vadd.f32 v8, v5;
	v4 =	vadd.f32 v4, v3  }
0x284: {  	v8 =	vshll.u32 v0, $0x10;
	v0 =	vand.u32 $0xFFFF0000, v0;
	v3 =	vld.idx.msk [tilespmem:v2+s19+$0x0 ss:$0x1], $0xffff  }
.Ltmp14:
0x285: {  	v5 =	vadd.f32 v8, v5;
	v0 =	vadd.f32 v0, v4;
	(pc) =	sbr.rel @p0 .LBB2_31-.Ltmp14, $4  }
0x286: {  	v8 =	vshll.u32 v7, $0x10;
	v7 =	vand.u32 $0xFFFF0000, v7;
	v4 =	vld.idx.msk [tilespmem:v2+s19+$0x10 ss:$0x1], $0xffff  }
0x287: {  	v5 =	vadd.f32 v8, v5;
	v7 =	vadd.f32 v7, v0  }
0x288: {  	v8 =	vshll.u32 v6, $0x10;
	v6 =	vand.u32 $0xFFFF0000, v6;
	v0 =	vld.idx.msk [tilespmem:v2+s19+$0x20 ss:$0x1], $0xffff  }
0x289: {  	s19 =	sshra.s32 s20, $0x2;
	s20 =	sadd.s32 $0x140, s20;
	v5 =	vadd.f32 v8, v5;
	v6 =	vadd.f32 v6, v7  }
0x28a: {  	_ =	sdelay $0x2  }
0x28b: {  	v7 =	vshll.u32 v3, $0x10  }
0x28c: {  	v8 =	vld.idx.msk [tilespmem:v2+s19+$0xFFFFFFE0 ss:$0x1], $0xffff;
	v3 =	vand.u32 $0xFFFF0000, v3;
	v5 =	vadd.f32 v7, v5  }
0x28d: {  	v3 =	vadd.f32 v3, v6;
	v6 =	vshll.u32 v4, $0x10  }
0x28e: {  	v7 =	vld.idx.msk [tilespmem:v2+s19+$0xFFFFFFF0 ss:$0x1], $0xffff;
	v4 =	vand.u32 $0xFFFF0000, v4;
	v5 =	vadd.f32 v6, v5  }
0x28f: {  	v3 =	vadd.f32 v4, v3;
	v4 =	vshll.u32 v0, $0x10  }
0x290: {  	v6 =	vld.idx.msk [tilespmem:v2+s19+$0x0 ss:$0x1], $0xffff;
	v4 =	vadd.f32 v4, v5  }
0x291: {  	v9 =	vand.u32 $0xFFFF0000, v0;
	v0 =	vmov s11;
	v5 =	vshll.u32 v8, $0x10  }
0x292: {  	v62 =	vld.idx.msk [tilespmem:v2+s19+$0x10 ss:$0x1], $0xffff;
	v3 =	vadd.f32 v9, v3;
	v4 =	vadd.f32 v5, v4  }
0x293: {  	v8 =	vand.u32 $0xFFFF0000, v8;
	v5 =	vshll.u32 v7, $0x10  }
0x294: {  	v3 =	vadd.f32 v8, v3;
	v8 =	vld.idx.msk [tilespmem:v2+s19+$0x20 ss:$0x1], $0xffff;
	v2 =	vadd.f32 v5, v4  }
0x295: {  	s31 =	simm.s32 $0x0;
	v7 =	vand.u32 $0xFFFF0000, v7;
	v4 =	vshll.u32 v6, $0x10  }
0x296: {  	v3 =	vadd.f32 v7, v3;
	v5 =	vld.idx.msk [tilespmem:v0+s31+$0xFFFFFFE0 ss:$0x1], $0xffff;
	v2 =	vadd.f32 v4, v2  }
0x297: {  	v6 =	vand.u32 $0xFFFF0000, v6;
	v4 =	vshll.u32 v62, $0x10  }
0x298: {  	v3 =	vadd.f32 v6, v3;
	v6 =	vld.idx.msk [tilespmem:v0+s31+$0xFFFFFFF0 ss:$0x1], $0xffff;
	v2 =	vadd.f32 v4, v2  }
0x299: {  	v4 =	vshll.u32 v8, $0x10  }
0x29a: {  	v7 =	vand.u32 $0xFFFF0000, v62;
	v2 =	vadd.f32 v4, v2;
	v4 =	vld.idx.msk [tilespmem:v0+s31+$0x0 ss:$0x1], $0xffff  }
0x29b: {  	v3 =	vadd.f32 v7, v3;
	v7 =	vshll.u32 v5, $0x10;
	v5 =	vand.u32 $0xFFFF0000, v5  }
0x29c: {  	v8 =	vand.u32 $0xFFFF0000, v8;
	v7 =	vadd.f32 v7, v1;
	v63 =	vadd.f32 v5, v1;
	v5 =	vld.idx.msk [tilespmem:v0+s31+$0x10 ss:$0x1], $0xffff  }
0x29d: {  	v1 =	vadd.f32 v8, v3;
	v8 =	vshll.u32 v6, $0x10;
	v10 =	vand.u32 $0xFFFF0000, v6  }
0x29e: {  	s20 =	simm.s32 $0x280;
	s19 =	simm.s32 $0x50;
	v3 =	vld.idx.msk [tilespmem:v0+s31+$0x20 ss:$0x1], $0xffff;
	v6 =	vadd.f32 v8, v7;
	v7 =	vadd.f32 v10, v63  }
.LBB2_33:
0x29f: {  	p0 =	sne.s32 s20, $0xB40;
	v8 =	vld.idx.msk [tilespmem:v0+s19+$0xFFFFFFE0 ss:$0x1], $0xffff;
	v9 =	vshll.u32 v4, $0x10;
	v4 =	vand.u32 $0xFFFF0000, v4  }
0x2a0: {  	v6 =	vadd.f32 v9, v6;
	v4 =	vadd.f32 v4, v7  }
0x2a1: {  	v9 =	vshll.u32 v5, $0x10;
	v5 =	vand.u32 $0xFFFF0000, v5;
	v7 =	vld.idx.msk [tilespmem:v0+s19+$0xFFFFFFF0 ss:$0x1], $0xffff  }
0x2a2: {  	v6 =	vadd.f32 v9, v6;
	v5 =	vadd.f32 v5, v4  }
0x2a3: {  	v9 =	vshll.u32 v3, $0x10;
	v3 =	vand.u32 $0xFFFF0000, v3;
	v4 =	vld.idx.msk [tilespmem:v0+s19+$0x0 ss:$0x1], $0xffff  }
.Ltmp15:
0x2a4: {  	v6 =	vadd.f32 v9, v6;
	v3 =	vadd.f32 v3, v5;
	(pc) =	sbr.rel @p0 .LBB2_33-.Ltmp15, $4  }
0x2a5: {  	v9 =	vshll.u32 v8, $0x10;
	v8 =	vand.u32 $0xFFFF0000, v8;
	v5 =	vld.idx.msk [tilespmem:v0+s19+$0x10 ss:$0x1], $0xffff  }
0x2a6: {  	v6 =	vadd.f32 v9, v6;
	v8 =	vadd.f32 v8, v3  }
0x2a7: {  	v9 =	vshll.u32 v7, $0x10;
	v7 =	vand.u32 $0xFFFF0000, v7;
	v3 =	vld.idx.msk [tilespmem:v0+s19+$0x20 ss:$0x1], $0xffff  }
0x2a8: {  	s19 =	sshra.s32 s20, $0x2;
	s20 =	sadd.s32 $0x140, s20;
	v6 =	vadd.f32 v9, v6;
	v7 =	vadd.f32 v7, v8  }
0x2a9: {  	_ =	sdelay $0x2  }
0x2aa: {  	v8 =	vshll.u32 v4, $0x10  }
0x2ab: {  	v9 =	vld.idx.msk [tilespmem:v0+s19+$0xFFFFFFE0 ss:$0x1], $0xffff;
	v45 =	vand.u32 $0xFFFF0000, v4;
	v6 =	vadd.f32 v8, v6  }
0x2ac: {  	v4 =	vadd.f32 v45, v7;
	v46 =	vshll.u32 v5, $0x10  }
0x2ad: {  	v47 =	vld.idx.msk [tilespmem:v0+s19+$0xFFFFFFF0 ss:$0x1], $0xffff;
	v48 =	vand.u32 $0xFFFF0000, v5;
	v6 =	vadd.f32 v46, v6  }
0x2ae: {  	v4 =	vadd.f32 v48, v4;
	v49 =	vshll.u32 v3, $0x10  }
0x2af: {  	v50 =	vld.idx.msk [tilespmem:v0+s19+$0x0 ss:$0x1], $0xffff;
	v51 =	vand.u32 $0xFFFF0000, v3;
	v5 =	vadd.f32 v49, v6  }
0x2b0: {  	v3 =	vadd.f32 v51, v4;
	v52 =	vshll.u32 v9, $0x10  }
0x2b1: {  	v54 =	vld.idx.msk [tilespmem:v0+s19+$0x10 ss:$0x1], $0xffff;
	v53 =	vand.u32 $0xFFFF0000, v9;
	v4 =	vadd.f32 v52, v5  }
0x2b2: {  	v55 =	vshll.u32 v47, $0x10;
	v3 =	vadd.f32 v53, v3  }
0x2b3: {  	v57 =	vld.idx.msk [tilespmem:v0+s19+$0x20 ss:$0x1], $0xffff;
	v56 =	vand.u32 $0xFFFF0000, v47;
	v4 =	vadd.f32 v55, v4  }
0x2b4: {  	v58 =	vshll.u32 v50, $0x10;
	v3 =	vadd.f32 v56, v3  }
0x2b5: {  	v59 =	vand.u32 $0xFFFF0000, v50;
	v4 =	vadd.f32 v58, v4  }
0x2b6: {  	v60 =	vshll.u32 v54, $0x10;
	v3 =	vadd.f32 v59, v3  }
0x2b7: {  	v61 =	vand.u32 $0xFFFF0000, v54;
	v4 =	vadd.f32 v60, v4  }
0x2b8: {  	s31 =	smul.u32 $0x140, s29;
	s29 =	sadd.s32 $0x1, s29;
	v62 =	vshll.u32 v57, $0x10;
	v3 =	vadd.f32 v61, v3  }
0x2b9: {  	v2 =	vmul.f32 $9.999999770e-03, v2;
	p0 =	sne.s32 s29, $0x10;
	v0 =	vand.u32 $0xFFFF0000, v57;
	v4 =	vadd.f32 v62, v4  }
.Ltmp16:
0x2ba: {  	v1 =	vmul.f32 $9.999999770e-03, v1;
	s19 =	sshra.s32 s31, $0x2;
	v0 =	vadd.f32 v0, v3;
	(pc) =	sbr.rel @p0 .LBB2_30-.Ltmp16, $4  }
0x2bb: {  	[tilespmem:s19+$0xD990] =	vst v2;
	v63 =	vmul.f32 $9.999999770e-03, v4  }
0x2bc: {  	[tilespmem:s19+$0xD9A0] =	vst v1;
	v0 =	vmul.f32 $9.999999770e-03, v0  }
0x2bd: {  	[tilespmem:s19+$0xD9B0] =	vst v63  }
0x2be: {  	s0 =	sadd.s32 $0x320, s0;
	s11 =	sadd.s32 $0x320, s11;
	[tilespmem:s19+$0xD9C0] =	vst v0  }
0x2bf: {  	s19 =	simm.s32 $0x0;
	s0 =	rddreg [dreg:$0xc]  }
0x2c0: {  	[hbm4b:s0+s19] =	stream.linear.scatter [tilespmem:s17], [sflag:$0xB], $0x500, $0x38;
	[tilespmem:$0xDE80] =	vst v63  }
0x2c1: {  	_ =	swait.ge [sflag:s24], $0x500  }
0x2c2: {  	s11 =	rddreg [dreg:$0x1d]  }
0x2c3: {  	s31 =	rddreg [dreg:$0xd];
	s11 =	sadd.s32 $0x1, s11  }
0x2c4: {  	p0 =	sne.s32 s11, s31  }
.Ltmp17:
0x2c5: {  	_ = 	snop;
	(pc) =	sbr.rel @p0 .LBB2_1-.Ltmp17, $3  }
0x2c6: {  	_ =	sdelay $0x1  }
0x2c7: {  	[sflag:s24] =	ssyncset.done $0x0  }
0x2c8: {  	[sflag:s24] =	ssyncadd.s32 $0xFFFFFB00  }
0x2c9: {  	_ =	sfence.sel $0x180000  }
0x2ca: {  	[bflag:$0x0] =	sbarrier.arrive $0xFFFF  }
0x2cb: {  	_ =	strace $0x90000047  }
0x2cc: {  	s0 =	stileid.u32;
	[bflag:$0x2] =	sbarrier.arrive $0xFFFF  }
0x2cd: {  	p0 =	sne.s32 s0, $0x0;
	s0 =	rddreg [dreg:$0x4]  }
0x2ce: {  	s0 =	sadd.s32 @!p0 $0x100000, s0  }
0x2cf: {  	[sflag:s0] =	ssyncadd.tile.s32 @!p0 $0x1;
	_ =	shalt  }
.Lfunc_end2:
_tile_overlayer_lowered:
.L_overlay_start_2:
0x2d0: {  	(tag) =	ssettag $0x2  }
0x2d1: {  	s0 =	rddreg [dreg:$0x0];
	s2 =	stileid.u32  }
0x2d2: {  	s1 =	rddreg [dreg:$0x1];
	p0 =	sne.s32 s2, $0x0  }
0x2d3: {  	s3 =	rddreg [dreg:$0x2];
	[bflag:$0x3] =	sbarrier.arrive $0xFFFF;
	s2 =	simm.s32 @!p0 $0x1C0B  }
0x2d4: {  	[timem:s3], [sflag:s2] =	dma.local @!p0 [hbm:s0], s1  }
0x2d5: {  	s0 =	simm.s32 @!p0 $0xB  }
0x2d6: {  	_ =	swait.ge @!p0 [sflag:s0], s1  }
0x2d7: {  	s1 =	ssub.s32 @!p0 $0x0, s1;
	[sflag:s0] =	ssyncset.done @!p0 $0x0  }
0x2d8: {  	[sflag:s0] =	ssyncadd.s32 @!p0 s1  }
0x2d9: {  	[bflag:$0x3] =	sbarrier.arrive $0xFFFF  }
0x2da: {  	_ =	shalt  }

// kernel: _run.7.cloned.1.call-start
scs
__scs_entry_jumppad:
0x0: {  	(pc) =	sbr.rel $0x88, $3  }
0x1: {  	(tag) =	ssettag $0x0;
	lr =	simm.s32 $0x1  }
0x2: {  	[smem:$0x3F9C] =	sst lr;
	_ =	strace $0xD0000000  }
0x3: {  	_ = 	snop  }
0x4: {  	_ = 	snop  }
0x5: {  	_ = 	snop  }
0x6: {  	_ = 	snop  }
0x7: {  	_ = 	snop  }
__scs_overlays_trampoline_lowered:
0x8: {  	[smem:$0x3FAB] =	sst s0  }
0x9: {  	[smem:$0x3FAC] =	sst s1  }
0xa: {  	[smem:$0x3FAD] =	sst s2  }
0xb: {  	[smem:$0x3FAE] =	sst s3  }
0xc: {  	[smem:$0x3FAF] =	sst s4  }
0xd: {  	[smem:$0x3FB0] =	sst s5  }
0xe: {  	[smem:$0x3FB1] =	sst s6  }
0xf: {  	[smem:$0x3FB2] =	sst s7  }
0x10: {  	[smem:$0x3FB3] =	sst s8  }
0x11: {  	[smem:$0x3FB4] =	sst s9;
	s0 =	simm.s32 @!p0 $0x0  }
0x12: {  	s1 =	sld [smem:$0x3F9A];
	s0 =	simm.s32 @p0 $0x1  }
0x13: {  	[smem:$0x3FB5] =	sst s0;
	s0 =	simm.s32 @!p1 $0x0  }
0x14: {  	s2 =	sld [smem:$0x3F99];
	s0 =	simm.s32 @p1 $0x1  }
0x15: {  	[smem:$0x3FB6] =	sst s0;
	s0 =	simm.s32 @!p2 $0x0  }
0x16: {  	s3 =	sld [smem:$0x3FDB];
	s0 =	simm.s32 @p2 $0x1  }
0x17: {  	s4 =	simm.s32 $0x1BF5;
	[smem:$0x3FB8] =	sst s0  }
0x18: {  	s0 =	sld [smem:$0x3F9B];
	_ =	swait.ge [sflag:s4], $0x0  }
0x19: {  	s7 =	sld [smem:$0x3F9C]  }
0x1a: {  	s8 =	sadd.s32 $0xFFFFE003, lr  }
0x1b: {  	s9 =	sadd.s32 $0xFFFFFEF7, lr;
	s5 =	simm.s32 $0xFFFFFFFF;
	p2 =	slt.u32 s8, $0xFFFFF086  }
0x1c: {  	p1 =	slt.u32 s9, $0xF7A;
	s5 =	simm.s32 @!p2 $0x0  }
0x1d: {  	s5 =	simm.s32 @p1 $0x1;
	p0 =	seq.s32 s7, s2  }
0x1e: {  	s7 =	smul.u32 @!p0 $0xF7A, s2;
	p2 =	seq.s32 @!p0 s5, $0x0  }
0x1f: {  	s9 =	smul.u32 $0xF7A, s1;
	s8 =	simm.s32 @!p0 $0x1BF5;
	p2 =	por !p2, p0  }
0x20: {  	[sflag:s8] =	ssyncset.s32 @!p0 $0xFFFFF086;
	s6 =	sadd.s32 @!p0 s3, s7;
	s7 =	simm.s32 @!p0 $0x108  }
0x21: {  	s3 =	sadd.s32 s3, s9;
	s6 =	sadd.s32 @!p0 $0x88, s6;
	s7 =	simm.s32 @p2 $0x1082  }
0x22: {  	[simem:s7], [sflag:s8] =	dma.local @!p0 [hbm:s6], $0xF7A  }
0x23: {  	s9 =	sor.u32 $0xD0000000, s2;
	s6 =	simm.s32 $0x108;
	_ =	swait.ge @!p0 [sflag:s8], $0x0  }
0x24: {  	s3 =	sadd.s32 $0x88, s3;
	s6 =	simm.s32 @!p1 $0x1082;
	[sflag:s4] =	ssyncset.s32 $0xFFFFF086  }
0x25: {  	[simem:s6], [sflag:s4] =	dma.local [hbm:s3], $0xF7A  }
0x26: {  	[smem:$0x3F9C] =	sst s1;
	(tag) =	ssettag s2;
	_ =	strace s9  }
0x27: {  	s1 =	sld [smem:$0x3FAC]  }
0x28: {  	s2 =	sld [smem:$0x3FAD]  }
0x29: {  	s4 =	sld [smem:$0x3FAF]  }
0x2a: {  	p0 =	seq.s32 s5, $0x0;
	s5 =	sld [smem:$0x3FB0]  }
0x2b: {  	s6 =	sld [smem:$0x3FB1]  }
0x2c: {  	s7 =	sld [smem:$0x3FB2]  }
0x2d: {  	s3 =	simm.s32 $0x108;
	s8 =	sld [smem:$0x3FB3]  }
0x2e: {  	s3 =	simm.s32 @!p0 $0x1082;
	s9 =	sld [smem:$0x3FB4]  }
0x2f: {  	lr =	sadd.s32 s0, s3;
	s0 =	sld [smem:$0x3FAB]  }
0x30: {  	s3 =	sld [smem:$0x3FAE]  }
0x31: {  	[smem:$0x3FB7] =	sst s10  }
0x32: {  	s10 =	sld [smem:$0x3FB5];
	_ =	sdelay $0x3  }
0x33: {  	p0 =	seq.s32 s10, $0x1;
	s10 =	sld [smem:$0x3FB7];
	_ =	sdelay $0x3  }
0x34: {  	[smem:$0x3FB7] =	sst s10  }
0x35: {  	s10 =	sld [smem:$0x3FB6];
	_ =	sdelay $0x3  }
0x36: {  	p1 =	seq.s32 s10, $0x1;
	s10 =	sld [smem:$0x3FB7];
	_ =	sdelay $0x3  }
0x37: {  	[smem:$0x3FB7] =	sst s10  }
0x38: {  	s10 =	sld [smem:$0x3FB8]  }
0x39: {  	_ = 	snop;
	(pc) =	sbr.ind lr, $3  }
0x3a: {  	_ = 	snop  }
0x3b: {  	_ = 	snop  }
0x3c: {  	p2 =	seq.s32 s10, $0x1;
	s10 =	sld [smem:$0x3FB7]  }
0x3d: {  	_ =	shalt  }
0x3e: {  	_ =	shalt  }
0x3f: {  	_ =	shalt  }
0x40: {  	_ =	shalt  }
0x41: {  	_ =	shalt  }
0x42: {  	_ =	shalt  }
0x43: {  	_ =	shalt  }
0x44: {  	_ =	shalt  }
0x45: {  	_ =	shalt  }
0x46: {  	_ =	shalt  }
0x47: {  	_ =	shalt  }
0x48: {  	_ =	shalt  }
0x49: {  	_ =	shalt  }
0x4a: {  	_ =	shalt  }
0x4b: {  	_ =	shalt  }
0x4c: {  	_ =	shalt  }
0x4d: {  	_ =	shalt  }
0x4e: {  	_ =	shalt  }
0x4f: {  	_ =	shalt  }
0x50: {  	_ =	shalt  }
0x51: {  	_ =	shalt  }
0x52: {  	_ =	shalt  }
0x53: {  	_ =	shalt  }
0x54: {  	_ =	shalt  }
0x55: {  	_ =	shalt  }
0x56: {  	_ =	shalt  }
0x57: {  	_ =	shalt  }
0x58: {  	_ =	shalt  }
0x59: {  	_ =	shalt  }
0x5a: {  	_ =	shalt  }
0x5b: {  	_ =	shalt  }
0x5c: {  	_ =	shalt  }
0x5d: {  	_ =	shalt  }
0x5e: {  	_ =	shalt  }
0x5f: {  	_ =	shalt  }
0x60: {  	_ =	shalt  }
0x61: {  	_ =	shalt  }
0x62: {  	_ =	shalt  }
0x63: {  	_ =	shalt  }
0x64: {  	_ =	shalt  }
0x65: {  	_ =	shalt  }
0x66: {  	_ =	shalt  }
0x67: {  	_ =	shalt  }
0x68: {  	_ =	shalt  }
0x69: {  	_ =	shalt  }
0x6a: {  	_ =	shalt  }
0x6b: {  	_ =	shalt  }
0x6c: {  	_ =	shalt  }
0x6d: {  	_ =	shalt  }
0x6e: {  	_ =	shalt  }
0x6f: {  	_ =	shalt  }
0x70: {  	_ =	shalt  }
0x71: {  	_ =	shalt  }
0x72: {  	_ =	shalt  }
0x73: {  	_ =	shalt  }
0x74: {  	_ =	shalt  }
0x75: {  	_ =	shalt  }
0x76: {  	_ =	shalt  }
0x77: {  	_ =	shalt  }
0x78: {  	_ =	shalt  }
0x79: {  	_ =	shalt  }
0x7a: {  	_ =	shalt  }
0x7b: {  	_ =	shalt  }
0x7c: {  	_ =	shalt  }
0x7d: {  	_ =	shalt  }
0x7e: {  	_ =	shalt  }
0x7f: {  	_ =	shalt  }
0x80: {  	_ =	shalt  }
0x81: {  	_ =	shalt  }
0x82: {  	_ =	shalt  }
0x83: {  	_ =	shalt  }
0x84: {  	_ =	shalt  }
0x85: {  	_ =	shalt  }
0x86: {  	_ =	shalt  }
0x87: {  	_ =	shalt  }
.Lfunc_end0:
.L_simem_size_0:
called_computation.1_lowered:
.L_overlay_start_0:
0x88: {  	s2 =	sld [smem:$0x3FD9]  }
0x89: {  	s3 =	sld [smem:$0x3FFE];
	_ =	sdelay $0x1  }
0x8a: {  	s1 =	srdreg.scid  }
0x8b: {  	s0 =	sand.u32 $0x1, s1  }
0x8c: {  	s17 =	sshll.u32 s0, $0xA;
	s2 =	sadd.s32 s3, s2  }
0x8d: {  	s2 =	sadd.s32 s2, s17  }
0x8e: {  	[smem:$0x3FC3] =	sst s2  }
0x8f: {  	_ = 	snop  }
0x90: {  	s2 =	sld [smem:$0x3FC8]  }
0x91: {  	s18 =	sld [smem:$0x3FC7]  }
0x92: {  	s4 =	sld [smem:$0x3FD0];
	(tm) =	ssettm $0x1  }
0x93: {  	s5 =	sld [smem:$0x3FFB];
	_ =	sdelay $0x3  }
0x94: {  	_ =	strace s5  }
0x95: {  	s5 =	sld [smem:$0x3FFC];
	_ =	sdelay $0x3  }
0x96: {  	_ =	strace s5  }
0x97: {  	s5 =	sld [smem:$0x3FFD];
	_ =	sdelay $0x3  }
0x98: {  	_ =	strace s5  }
0x99: {  	_ =	strace $0x8FFFFFFF  }
0x9a: {  	s19 =	sld [smem:$0x3FDB];
	_ =	sdelay $0x1  }
0x9b: {  	s6 =	simm.s32 $_scs_section_size  }
0x9c: {  	s7 =	simm.s32 $_size__tile_overlayer_lowered;
	s8 =	simm.s32 $_tile_overlayer_lowered  }
0x9d: {  	s22 =	simm.s32 $0x1BFF;
	s21 =	sshll.u32 s8, $0x1;
	s5 =	sadd.s32 s6, s19  }
0x9e: {  	s9 =	simm.s32 $0x0;
	s20 =	sshll.u32 s7, $0x1;
	s7 =	sadd.s32 s21, s5  }
0x9f: {  	[timem:s9], [sflag:s22] =	dma.local [hbm:s7], s20  }
0xa0: {  	_ =	swait.ge [sflag:s22], s20  }
0xa1: {  	s6 =	ssub.s32 $0x0, s20;
	[sflag:s22] =	ssyncset.done $0x0  }
0xa2: {  	[sflag:s22] =	ssyncadd.s32 s6;
	_ =	sdelay $0x1  }
0xa3: {  	s23 =	simm.s32 $0x1B8B  }
0xa4: {  	_ =	swait.ge [sflag:s23], $0x1  }
0xa5: {  	[sflag:s23] =	ssyncset.done $0x0  }
0xa6: {  	s25 =	simm.s32 $0x1B8E;
	s24 =	sld [smem:$0x3FFE];
	[sflag:s23] =	ssyncadd.s32 $0xFFFFFFFF  }
0xa7: {  	s26 =	simm.s32 $execute0_lowered;
	[smem:$0x3FD2] =	sst s25  }
0xa8: {  	s7 =	sshll.u32 s26, $0x1;
	_ =	strace $0x80000049;
	[dreg:$0x1] =	wrdreg $0xFFFFFFFF  }
0xa9: {  	s28 =	simm.s32 $_size_execute0_lowered;
	s5 =	sadd.s32 s5, s7;
	[dreg:$0x0] =	wrdreg $0x0  }
0xaa: {  	s7 =	sshll.u32 s28, $0x1;
	[dreg:$0x2] =	wrdreg s5  }
0xab: {  	[dreg:$0x3] =	wrdreg s7  }
0xac: {  	[dreg:$0x4] =	wrdreg $0xC0  }
0xad: {  	_ =	task [dreg:s9], $0x5FFFF  }
0xae: {  	[dreg:$0x1] =	wrdreg $0xFFFFFFFF  }
0xaf: {  	[dreg:$0x0] =	wrdreg $0x60  }
0xb0: {  	[dreg:$0x2] =	wrdreg s24  }
0xb1: {  	[dreg:$0x3] =	wrdreg s2  }
0xb2: {  	[dreg:$0x4] =	wrdreg s18  }
0xb3: {  	[dreg:$0x5] =	wrdreg s4  }
0xb4: {  	[dreg:$0x6] =	wrdreg $0x9  }
0xb5: {  	_ =	task.clear_ibuf [dreg:s9], $0x7FFFF;
	_ =	strace $0x90000049  }
0xb6: {  	s29 =	simm.s32 $0x9;
	_ =	strace $0x8000004B  }
0xb7: {  	_ =	swait.ge [sflag:s29], $0x1  }
0xb8: {  	[sflag:s29] =	ssyncadd.s32 $0xFFFFFFFF  }
0xb9: {  	_ =	strace $0x9000004B  }
0xba: {  	_ =	sfence  }
0xbb: {  	s30 =	sld [smem:$0x0];
	_ =	sdelay $0x2  }
0xbc: {  	s31 =	sshll.u32 s1, $0xD;
	s1 =	sshrl.u32 s1, $0x2  }
0xbd: {  	s3 =	sand.u32 $0x4000, s31;
	s1 =	sadd.s32 s1, s30  }
0xbe: {  	s0 =	sor.u32 s3, s0;
	s1 =	sshll.u32 s1, $0x11  }
0xbf: {  	s0 =	sor.u32 s1, s0  }
0xc0: {  	s0 =	sadd.s32 $0x8F2B, s0  }
0xc1: {  	[sflag:s0] =	ssyncadd.remote.s32 $0x1  }
0xc2: {  	_ =	sfence.sel $0xFFFF  }
0xc3: {  	[dreg:$0x0] =	wrdreg $0xFFFFFFFF;
	(pc) =	sbr.abs _section_cstart, $3  }
0xc4: {  	[dreg:$0x1] =	wrdreg $0xFFFFFFFF  }
0xc5: {  	_ =	task.clear_ibuf [dreg:s9], $0x2FFFF;
	_ =	strace $0x9FFFFFFF  }
0xc6: {  	(tm) =	ssettm $0x7FFFFFFF  }
0xc7: {  	_ =	shalt  }
tec
execute0_lowered:
.L_overlay_start_1:
0x0: {  	(tag) =	ssettag $0x1  }
0x1: {  	s0 =	rddreg [dreg:$0x0]  }
0x2: {  	s14 =	rddreg [dreg:$0x1]  }
0x3: {  	s15 =	rddreg [dreg:$0x2]  }
0x4: {  	s17 =	rddreg [dreg:$0x3];
	s1 =	srdreg.scid  }
0x5: {  	s2 =	stileid.u32;
	s5 =	simm.s32 $0x0;
	s28 =	simm.s32 $0x960  }
0x6: {  	s29 =	simm.s32 $0xD980;
	s30 =	simm.s32 $0x2;
	s31 =	simm.s32 $0x4  }
0x7: {  	s1 =	sand.u32 $0x1, s1;
	s2 =	sshll.u32 s2, $0x1;
	[smem:$0x7FF] =	sst s5  }
0x8: {  	s7 =	sadd.s32 $0xC00, s0;
	s8 =	sadd.s32 $0x10FA800, s0;
	s2 =	sor.u32 s1, s2  }
0x9: {  	_ =	strace $0x8000004A;
	s1 =	ssub.s32 $0x2, s1;
	s9 =	smul.u32 $0xC80, s2  }
0xa: {  	s6 =	sshll.u32 s2, $0x9;
	s10 =	smul.u32 $0x1400, s2;
	s12 =	sshrl.u32 s1, $0x1  }
0xb: {  	s2 =	smul.u32 $0xA000, s2;
	s11 =	sor.u32 $0x10, s6;
	s18 =	ssub.s32 s1, s12  }
0xc: {  	s25 =	sor.u32 $0x20, s6;
	s16 =	sor.u32 $0x30, s6;
	s13 =	smul.u32 $0x32, s11  }
0xd: {  	s12 =	simm.s32 $0xB;
	s19 =	smul.u32 $0xA, s11;
	s3 =	sadd.s32 s14, s9  }
0xe: {  	s21 =	sadd.s32 s15, s9;
	s22 =	sadd.s32 s7, s10;
	[dreg:$0xb] =	wrdreg s25  }
0xf: {  	s24 =	sshrl.u32 s2, $0x3;
	s0 =	smax.u32 s18, $0x1;
	[dreg:$0x5] =	wrdreg s3  }
0x10: {  	s9 =	simm.s32 $0x5;
	s10 =	simm.s32 $0x7;
	[dreg:$0x6] =	wrdreg s21  }
0x11: {  	s11 =	simm.s32 $0x9;
	[dreg:$0x7] =	wrdreg s22;
	s3 =	smov.u32 s14  }
0x12: {  	[dreg:$0xe] =	wrdreg s0;
	s21 =	simm.s32 $0xD480;
	s22 =	simm.s32 $0x1  }
0x13: {  	s20 =	sshrl.u32 s13, $0x3;
	s1 =	sadd.s32 s7, s19;
	s13 =	simm.s32 $0x6  }
0x14: {  	s4 =	sadd.s32 s14, s20;
	s23 =	sadd.s32 s15, s20;
	[dreg:$0xa] =	wrdreg s1  }
0x15: {  	s1 =	sadd.s32 s17, s24;
	s20 =	simm.s32 $0x640;
	s24 =	simm.s32 $0x320  }
0x16: {  	s14 =	simm.s32 $0x8;
	[dreg:$0x8] =	wrdreg s4;
	s4 =	smov.u32 s15  }
0x17: {  	[dreg:$0x9] =	wrdreg s23;
	s15 =	smov.u32 s17;
	s26 =	sadd.s32 $0x12C0, s1  }
0x18: {  	s1 =	sadd.s32 $0x1360, s1;
	s23 =	simm.s32 $0x3;
	[dreg:$0xc] =	wrdreg s26  }
0x19: {  	s17 =	simm.s32 $0xA;
	[dreg:$0xd] =	wrdreg s1;
	s1 =	simm.s32 $0x0  }
.LBB2_1:
0x1a: {  	[dreg:$0xf] =	wrdreg s1  }
0x1b: {  	s0 =	rddreg [dreg:$0x5]  }
0x1c: {  	[tilespmem:s5], [sflag:$0x1] =	stream.linear.gather [hbm4b:s0+s5], $0x320, $0x38;
	[tilespmem:$0xDE80] =	vst v63  }
0x1d: {  	s19 =	rddreg [dreg:$0x6]  }
0x1e: {  	[tilespmem:s20], [sflag:$0x3] =	stream.linear.gather [hbm4b:s19+s5], $0x320, $0x38;
	[tilespmem:$0xDE80] =	vst v63  }
0x1f: {  	s25 =	rddreg [dreg:$0x7]  }
0x20: {  	[tilespmem:s21], [sflag:$0x9] =	stream.linear.gather [hbm4b:s25+s5], $0x500, $0x38;
	[tilespmem:$0xDE80] =	vst v63  }
0x21: {  	_ =	swait.ge [sflag:s22], $0x320  }
0x22: {  	[sflag:s22] =	ssyncset.done $0x0  }
0x23: {  	[sflag:s22] =	ssyncadd.s32 $0xFFFFFCE0  }
0x24: {  	_ =	swait.ge [sflag:s23], $0x320  }
0x25: {  	[sflag:s23] =	ssyncset.done $0x0  }
0x26: {  	s26 =	simm.s32 $0xC80;
	[sflag:s23] =	ssyncadd.s32 $0xFFFFFCE0  }
0x27: {  	[tilespmem:s26], [sflag:$0x5] =	stream.indirect.gather [hbm4b:s8+s24], $0x10, s5, s24, $0xb8;
	[tilespmem:$0xDE80] =	vst v63  }
0x28: {  	s1 =	simm.s32 $0x7080  }
0x29: {  	[tilespmem:s1], [sflag:$0x7] =	stream.indirect.gather [hbm4b:s8+s24], $0x10, s20, s24, $0xb8;
	[tilespmem:$0xDE80] =	vst v63  }
0x2a: {  	s2 =	rddreg [dreg:$0x8]  }
0x2b: {  	[tilespmem:s24], [sflag:$0x2] =	stream.linear.gather [hbm4b:s2+s5], $0x320, $0x38;
	[tilespmem:$0xDE80] =	vst v63  }
0x2c: {  	s18 =	rddreg [dreg:$0x9]  }
0x2d: {  	[tilespmem:s28], [sflag:$0x4] =	stream.linear.gather [hbm4b:s18+s5], $0x320, $0x38;
	[tilespmem:$0xDE80] =	vst v63  }
0x2e: {  	s19 =	rddreg [dreg:$0xa]  }
0x2f: {  	[tilespmem:s29], [sflag:$0xA] =	stream.linear.gather [hbm4b:s19+s5], $0x500, $0x38;
	[tilespmem:$0xDE80] =	vst v63  }
0x30: {  	_ =	swait.ge [sflag:s30], $0x320  }
0x31: {  	[sflag:s30] =	ssyncset.done $0x0  }
0x32: {  	[sflag:s30] =	ssyncadd.s32 $0xFFFFFCE0  }
0x33: {  	_ =	swait.ge [sflag:s31], $0x320  }
0x34: {  	[sflag:s31] =	ssyncset.done $0x0  }
0x35: {  	s25 =	simm.s32 $0x3E80;
	[sflag:s31] =	ssyncadd.s32 $0xFFFFFCE0  }
0x36: {  	[tilespmem:s25], [sflag:$0x6] =	stream.indirect.gather [hbm4b:s8+s24], $0x10, s24, s24, $0xb8;
	[tilespmem:$0xDE80] =	vst v63  }
0x37: {  	s26 =	simm.s32 $0xA280;
	s19 =	simm.s32 $0x0  }
0x38: {  	[tilespmem:s26], [sflag:$0x8] =	stream.indirect.gather [hbm4b:s8+s24], $0x10, s28, s24, $0xb8;
	[tilespmem:$0xDE80] =	vst v63  }
.LBB2_2:
0x39: {  	_ =	swait.ge [sflag:s9], $0x3200  }
0x3a: {  	[sflag:s9] =	ssyncset.done $0x0  }
0x3b: {  	[sflag:s9] =	ssyncadd.s32 $0xFFFFCE00  }
0x3c: {  	_ =	swait.ge [sflag:s10], $0x3200  }
0x3d: {  	[sflag:s10] =	ssyncset.done $0x0  }
0x3e: {  	[sflag:s10] =	ssyncadd.s32 $0xFFFFCE00  }
0x3f: {  	_ =	swait.ge [sflag:s11], $0x500  }
0x40: {  	s18 =	simm.s32 $0x0;
	[sflag:s11] =	ssyncset.done $0x0  }
0x41: {  	s25 =	simm.s32 $0xCA0;
	s26 =	simm.s32 $0x70A0;
	[sflag:s11] =	ssyncadd.s32 $0xFFFFFB00  }
.LBB2_3:
0x42: {  	v2 =	vmov s25;
	_ =	sdelay $0x3  }
0x43: {  	s0 =	simm.s32 $0x0  }
0x44: {  	v0 =	vld.idx.msk [tilespmem:v2+s0+$0xFFFFFFE0 ss:$0x1], $0xffff;
	_ =	sdelay $0x1  }
0x45: {  	v5 =	vld.idx.msk [tilespmem:v2+s0+$0xFFFFFFF0 ss:$0x1], $0xffff;
	_ =	sdelay $0x1  }
0x46: {  	v3 =	vld.idx.msk [tilespmem:v2+s0+$0x0 ss:$0x1], $0xffff  }
0x47: {  	v1 =	vimm.f32 $0.0e+00;
	v4 =	vshll.u32 v0, $0x10;
	v0 =	vand.u32 $0xFFFF0000, v0  }
0x48: {  	v6 =	vadd.f32 v4, v1;
	v7 =	vadd.f32 v0, v1;
	v4 =	vld.idx.msk [tilespmem:v2+s0+$0x10 ss:$0x1], $0xffff  }
0x49: {  	v8 =	vshll.u32 v5, $0x10;
	v9 =	vand.u32 $0xFFFF0000, v5  }
0x4a: {  	s1 =	simm.s32 $0x280;
	v0 =	vld.idx.msk [tilespmem:v2+s0+$0x20 ss:$0x1], $0xffff;
	s0 =	simm.s32 $0x50;
	v5 =	vadd.f32 v8, v6;
	v6 =	vadd.f32 v9, v7  }
.LBB2_4:
0x4b: {  	p0 =	sne.s32 s1, $0xB40;
	v7 =	vld.idx.msk [tilespmem:v2+s0+$0xFFFFFFE0 ss:$0x1], $0xffff;
	v8 =	vshll.u32 v3, $0x10;
	v3 =	vand.u32 $0xFFFF0000, v3  }
0x4c: {  	v5 =	vadd.f32 v8, v5;
	v3 =	vadd.f32 v3, v6  }
0x4d: {  	v8 =	vshll.u32 v4, $0x10;
	v4 =	vand.u32 $0xFFFF0000, v4;
	v6 =	vld.idx.msk [tilespmem:v2+s0+$0xFFFFFFF0 ss:$0x1], $0xffff  }
0x4e: {  	v5 =	vadd.f32 v8, v5;
	v4 =	vadd.f32 v4, v3  }
0x4f: {  	v8 =	vshll.u32 v0, $0x10;
	v0 =	vand.u32 $0xFFFF0000, v0;
	v3 =	vld.idx.msk [tilespmem:v2+s0+$0x0 ss:$0x1], $0xffff  }
.Ltmp0:
0x50: {  	v5 =	vadd.f32 v8, v5;
	v0 =	vadd.f32 v0, v4;
	(pc) =	sbr.rel @p0 .LBB2_4-.Ltmp0, $4  }
0x51: {  	v8 =	vshll.u32 v7, $0x10;
	v7 =	vand.u32 $0xFFFF0000, v7;
	v4 =	vld.idx.msk [tilespmem:v2+s0+$0x10 ss:$0x1], $0xffff  }
0x52: {  	v5 =	vadd.f32 v8, v5;
	v7 =	vadd.f32 v7, v0  }
0x53: {  	v8 =	vshll.u32 v6, $0x10;
	v6 =	vand.u32 $0xFFFF0000, v6;
	v0 =	vld.idx.msk [tilespmem:v2+s0+$0x20 ss:$0x1], $0xffff  }
0x54: {  	s0 =	sshra.s32 s1, $0x2;
	s1 =	sadd.s32 $0x140, s1;
	v5 =	vadd.f32 v8, v5;
	v6 =	vadd.f32 v6, v7  }
0x55: {  	_ =	sdelay $0x2  }
0x56: {  	v7 =	vshll.u32 v3, $0x10  }
0x57: {  	v8 =	vld.idx.msk [tilespmem:v2+s0+$0xFFFFFFE0 ss:$0x1], $0xffff;
	v3 =	vand.u32 $0xFFFF0000, v3;
	v5 =	vadd.f32 v7, v5  }
0x58: {  	v3 =	vadd.f32 v3, v6;
	v6 =	vshll.u32 v4, $0x10  }
0x59: {  	v7 =	vld.idx.msk [tilespmem:v2+s0+$0xFFFFFFF0 ss:$0x1], $0xffff;
	v4 =	vand.u32 $0xFFFF0000, v4;
	v5 =	vadd.f32 v6, v5  }
0x5a: {  	v3 =	vadd.f32 v4, v3;
	v4 =	vshll.u32 v0, $0x10  }
0x5b: {  	v6 =	vld.idx.msk [tilespmem:v2+s0+$0x0 ss:$0x1], $0xffff;
	v4 =	vadd.f32 v4, v5  }
0x5c: {  	v9 =	vand.u32 $0xFFFF0000, v0;
	v0 =	vmov s26;
	v5 =	vshll.u32 v8, $0x10  }
0x5d: {  	v62 =	vld.idx.msk [tilespmem:v2+s0+$0x10 ss:$0x1], $0xffff;
	v3 =	vadd.f32 v9, v3;
	v4 =	vadd.f32 v5, v4  }
0x5e: {  	v8 =	vand.u32 $0xFFFF0000, v8;
	v5 =	vshll.u32 v7, $0x10  }
0x5f: {  	v3 =	vadd.f32 v8, v3;
	v8 =	vld.idx.msk [tilespmem:v2+s0+$0x20 ss:$0x1], $0xffff;
	v2 =	vadd.f32 v5, v4  }
0x60: {  	s2 =	simm.s32 $0x0;
	v7 =	vand.u32 $0xFFFF0000, v7;
	v4 =	vshll.u32 v6, $0x10  }
0x61: {  	v3 =	vadd.f32 v7, v3;
	v5 =	vld.idx.msk [tilespmem:v0+s2+$0xFFFFFFE0 ss:$0x1], $0xffff;
	v2 =	vadd.f32 v4, v2  }
0x62: {  	v6 =	vand.u32 $0xFFFF0000, v6;
	v4 =	vshll.u32 v62, $0x10  }
0x63: {  	v3 =	vadd.f32 v6, v3;
	v6 =	vld.idx.msk [tilespmem:v0+s2+$0xFFFFFFF0 ss:$0x1], $0xffff;
	v2 =	vadd.f32 v4, v2  }
0x64: {  	v4 =	vshll.u32 v8, $0x10  }
0x65: {  	v7 =	vand.u32 $0xFFFF0000, v62;
	v2 =	vadd.f32 v4, v2;
	v4 =	vld.idx.msk [tilespmem:v0+s2+$0x0 ss:$0x1], $0xffff  }
0x66: {  	v3 =	vadd.f32 v7, v3;
	v7 =	vshll.u32 v5, $0x10;
	v5 =	vand.u32 $0xFFFF0000, v5  }
0x67: {  	v8 =	vand.u32 $0xFFFF0000, v8;
	v7 =	vadd.f32 v7, v1;
	v63 =	vadd.f32 v5, v1;
	v5 =	vld.idx.msk [tilespmem:v0+s2+$0x10 ss:$0x1], $0xffff  }
0x68: {  	v1 =	vadd.f32 v8, v3;
	v8 =	vshll.u32 v6, $0x10;
	v10 =	vand.u32 $0xFFFF0000, v6  }
0x69: {  	s0 =	simm.s32 $0x50;
	v3 =	vld.idx.msk [tilespmem:v0+s2+$0x20 ss:$0x1], $0xffff;
	s2 =	simm.s32 $0x280;
	v6 =	vadd.f32 v8, v7;
	v7 =	vadd.f32 v10, v63  }
.LBB2_6:
0x6a: {  	p0 =	sne.s32 s2, $0xB40;
	v8 =	vld.idx.msk [tilespmem:v0+s0+$0xFFFFFFE0 ss:$0x1], $0xffff;
	v9 =	vshll.u32 v4, $0x10;
	v4 =	vand.u32 $0xFFFF0000, v4  }
0x6b: {  	v6 =	vadd.f32 v9, v6;
	v4 =	vadd.f32 v4, v7  }
0x6c: {  	v9 =	vshll.u32 v5, $0x10;
	v5 =	vand.u32 $0xFFFF0000, v5;
	v7 =	vld.idx.msk [tilespmem:v0+s0+$0xFFFFFFF0 ss:$0x1], $0xffff  }
0x6d: {  	v6 =	vadd.f32 v9, v6;
	v5 =	vadd.f32 v5, v4  }
0x6e: {  	v9 =	vshll.u32 v3, $0x10;
	v3 =	vand.u32 $0xFFFF0000, v3;
	v4 =	vld.idx.msk [tilespmem:v0+s0+$0x0 ss:$0x1], $0xffff  }
.Ltmp1:
0x6f: {  	v6 =	vadd.f32 v9, v6;
	v3 =	vadd.f32 v3, v5;
	(pc) =	sbr.rel @p0 .LBB2_6-.Ltmp1, $4  }
0x70: {  	v9 =	vshll.u32 v8, $0x10;
	v8 =	vand.u32 $0xFFFF0000, v8;
	v5 =	vld.idx.msk [tilespmem:v0+s0+$0x10 ss:$0x1], $0xffff  }
0x71: {  	v6 =	vadd.f32 v9, v6;
	v8 =	vadd.f32 v8, v3  }
0x72: {  	v9 =	vshll.u32 v7, $0x10;
	v7 =	vand.u32 $0xFFFF0000, v7;
	v3 =	vld.idx.msk [tilespmem:v0+s0+$0x20 ss:$0x1], $0xffff  }
0x73: {  	s0 =	sshra.s32 s2, $0x2;
	s2 =	sadd.s32 $0x140, s2;
	v6 =	vadd.f32 v9, v6;
	v7 =	vadd.f32 v7, v8  }
0x74: {  	_ =	sdelay $0x2  }
0x75: {  	v8 =	vshll.u32 v4, $0x10  }
0x76: {  	v9 =	vld.idx.msk [tilespmem:v0+s0+$0xFFFFFFE0 ss:$0x1], $0xffff;
	v40 =	vand.u32 $0xFFFF0000, v4;
	v6 =	vadd.f32 v8, v6  }
0x77: {  	v4 =	vadd.f32 v40, v7;
	v41 =	vshll.u32 v5, $0x10  }
0x78: {  	v42 =	vld.idx.msk [tilespmem:v0+s0+$0xFFFFFFF0 ss:$0x1], $0xffff;
	v43 =	vand.u32 $0xFFFF0000, v5;
	v6 =	vadd.f32 v41, v6  }
0x79: {  	v4 =	vadd.f32 v43, v4;
	v44 =	vshll.u32 v3, $0x10  }
0x7a: {  	v45 =	vld.idx.msk [tilespmem:v0+s0+$0x0 ss:$0x1], $0xffff;
	v46 =	vand.u32 $0xFFFF0000, v3;
	v5 =	vadd.f32 v44, v6  }
0x7b: {  	v3 =	vadd.f32 v46, v4;
	v47 =	vshll.u32 v9, $0x10  }
0x7c: {  	v49 =	vld.idx.msk [tilespmem:v0+s0+$0x10 ss:$0x1], $0xffff;
	v48 =	vand.u32 $0xFFFF0000, v9;
	v4 =	vadd.f32 v47, v5  }
0x7d: {  	v50 =	vshll.u32 v42, $0x10;
	v3 =	vadd.f32 v48, v3  }
0x7e: {  	v52 =	vld.idx.msk [tilespmem:v0+s0+$0x20 ss:$0x1], $0xffff;
	s2 =	smul.u32 $0x140, s18;
	v51 =	vand.u32 $0xFFFF0000, v42;
	v4 =	vadd.f32 v50, v4  }
0x7f: {  	v53 =	vshll.u32 v45, $0x10;
	v3 =	vadd.f32 v51, v3  }
0x80: {  	s0 =	sshra.s32 s2, $0x2;
	v54 =	vand.u32 $0xFFFF0000, v45;
	v4 =	vadd.f32 v53, v4  }
0x81: {  	v56 =	vld [tilespmem:s0+$0xD490];
	v55 =	vshll.u32 v49, $0x10;
	v3 =	vadd.f32 v54, v3  }
0x82: {  	v58 =	vld [tilespmem:s0+$0xD4A0];
	v57 =	vand.u32 $0xFFFF0000, v49;
	v4 =	vadd.f32 v55, v4  }
0x83: {  	v60 =	vld [tilespmem:s0+$0xD4B0];
	v59 =	vshll.u32 v52, $0x10;
	v3 =	vadd.f32 v57, v3  }
0x84: {  	v2 =	vmul.f32 $9.999999770e-03, v2;
	v61 =	vld [tilespmem:s0+$0xD4C0];
	v0 =	vand.u32 $0xFFFF0000, v52;
	v4 =	vadd.f32 v59, v4  }
0x85: {  	v1 =	vmul.f32 $9.999999770e-03, v1;
	s18 =	sadd.s32 $0x1, s18;
	v0 =	vadd.f32 v0, v3  }
0x86: {  	p0 =	sne.s32 s18, $0x10;
	v2 =	vadd.f32 v56, v2;
	v62 =	vmul.f32 $9.999999770e-03, v4  }
.Ltmp2:
0x87: {  	v1 =	vadd.f32 v58, v1;
	v0 =	vmul.f32 $9.999999770e-03, v0;
	(pc) =	sbr.rel @p0 .LBB2_3-.Ltmp2, $4  }
0x88: {  	[tilespmem:s0+$0xD490] =	vst v2;
	v63 =	vadd.f32 v60, v62  }
0x89: {  	[tilespmem:s0+$0xD4A0] =	vst v1;
	v0 =	vadd.f32 v61, v0  }
0x8a: {  	[tilespmem:s0+$0xD4B0] =	vst v63  }
0x8b: {  	s25 =	sadd.s32 $0x320, s25;
	s26 =	sadd.s32 $0x320, s26;
	[tilespmem:s0+$0xD4C0] =	vst v0  }
0x8c: {  	s18 =	sshll.u32 s19, $0x5  }
0x8d: {  	s0 =	sadd.s32 s6, s18  }
0x8e: {  	s0 =	smul.u32 $0xA, s0;
	_ =	sdelay $0x1  }
0x8f: {  	s25 =	simm.s32 $0x0;
	s1 =	rddreg [dreg:$0xb];
	s0 =	sadd.s32 s15, s0  }
0x90: {  	[hbm4b:s0+s25] =	stream.linear.scatter [tilespmem:s21], [sflag:$0xB], $0x500, $0x38;
	[tilespmem:$0xDE80] =	vst v63  }
0x91: {  	s0 =	sadd.s32 s18, s1  }
0x92: {  	s1 =	smul.u32 $0x32, s0  }
0x93: {  	_ =	swait.ge [sflag:s12], $0x500  }
0x94: {  	[sflag:s12] =	ssyncset.done $0x0;
	s1 =	sshrl.u32 s1, $0x3  }
0x95: {  	[sflag:s12] =	ssyncadd.s32 $0xFFFFFB00;
	s2 =	sadd.s32 s3, s1  }
0x96: {  	[tilespmem:s25], [sflag:$0x1] =	stream.linear.gather [hbm4b:s2+s25], $0x320, $0x38;
	[tilespmem:$0xDE80] =	vst v63  }
0x97: {  	s0 =	smul.u32 $0xA, s0;
	s1 =	sadd.s32 s4, s1  }
0x98: {  	[tilespmem:s20], [sflag:$0x3] =	stream.linear.gather [hbm4b:s1+s25], $0x320, $0x38;
	[tilespmem:$0xDE80] =	vst v63  }
0x99: {  	s0 =	sadd.s32 s7, s0  }
0x9a: {  	[tilespmem:s21], [sflag:$0x9] =	stream.linear.gather [hbm4b:s0+s25], $0x500, $0x38;
	[tilespmem:$0xDE80] =	vst v63  }
0x9b: {  	_ =	swait.ge [sflag:s22], $0x320  }
0x9c: {  	[sflag:s22] =	ssyncset.done $0x0  }
0x9d: {  	[sflag:s22] =	ssyncadd.s32 $0xFFFFFCE0  }
0x9e: {  	_ =	swait.ge [sflag:s23], $0x320  }
0x9f: {  	[sflag:s23] =	ssyncset.done $0x0  }
0xa0: {  	s2 =	simm.s32 $0xC80;
	[sflag:s23] =	ssyncadd.s32 $0xFFFFFCE0  }
0xa1: {  	[tilespmem:s2], [sflag:$0x5] =	stream.indirect.gather [hbm4b:s8+s24], $0x10, s25, s24, $0xb8;
	[tilespmem:$0xDE80] =	vst v63  }
0xa2: {  	s26 =	simm.s32 $0x7080  }
0xa3: {  	[tilespmem:s26], [sflag:$0x7] =	stream.indirect.gather [hbm4b:s8+s24], $0x10, s20, s24, $0xb8;
	[tilespmem:$0xDE80] =	vst v63  }
0xa4: {  	_ =	swait.ge [sflag:s13], $0x3200  }
0xa5: {  	[sflag:s13] =	ssyncset.done $0x0  }
0xa6: {  	[sflag:s13] =	ssyncadd.s32 $0xFFFFCE00  }
0xa7: {  	_ =	swait.ge [sflag:s14], $0x3200  }
0xa8: {  	[sflag:s14] =	ssyncset.done $0x0  }
0xa9: {  	[sflag:s14] =	ssyncadd.s32 $0xFFFFCE00  }
0xaa: {  	_ =	swait.ge [sflag:s17], $0x500  }
0xab: {  	[sflag:s17] =	ssyncset.done $0x0  }
0xac: {  	s0 =	simm.s32 $0xA2A0;
	s26 =	simm.s32 $0x3EA0;
	[sflag:s17] =	ssyncadd.s32 $0xFFFFFB00  }
.LBB2_9:
0xad: {  	v2 =	vmov s26;
	_ =	sdelay $0x3  }
0xae: {  	s1 =	simm.s32 $0x0  }
0xaf: {  	v0 =	vld.idx.msk [tilespmem:v2+s1+$0xFFFFFFE0 ss:$0x1], $0xffff;
	_ =	sdelay $0x1  }
0xb0: {  	v5 =	vld.idx.msk [tilespmem:v2+s1+$0xFFFFFFF0 ss:$0x1], $0xffff;
	_ =	sdelay $0x1  }
0xb1: {  	v3 =	vld.idx.msk [tilespmem:v2+s1+$0x0 ss:$0x1], $0xffff  }
0xb2: {  	v1 =	vimm.f32 $0.0e+00;
	v4 =	vshll.u32 v0, $0x10;
	v0 =	vand.u32 $0xFFFF0000, v0  }
0xb3: {  	v6 =	vadd.f32 v4, v1;
	v7 =	vadd.f32 v0, v1;
	v4 =	vld.idx.msk [tilespmem:v2+s1+$0x10 ss:$0x1], $0xffff  }
0xb4: {  	v8 =	vshll.u32 v5, $0x10;
	v9 =	vand.u32 $0xFFFF0000, v5  }
0xb5: {  	s2 =	simm.s32 $0x50;
	v0 =	vld.idx.msk [tilespmem:v2+s1+$0x20 ss:$0x1], $0xffff;
	s1 =	simm.s32 $0x280;
	v5 =	vadd.f32 v8, v6;
	v6 =	vadd.f32 v9, v7  }
.LBB2_10:
0xb6: {  	p0 =	sne.s32 s1, $0xB40;
	v7 =	vld.idx.msk [tilespmem:v2+s2+$0xFFFFFFE0 ss:$0x1], $0xffff;
	v8 =	vshll.u32 v3, $0x10;
	v3 =	vand.u32 $0xFFFF0000, v3  }
0xb7: {  	v5 =	vadd.f32 v8, v5;
	v3 =	vadd.f32 v3, v6  }
0xb8: {  	v8 =	vshll.u32 v4, $0x10;
	v4 =	vand.u32 $0xFFFF0000, v4;
	v6 =	vld.idx.msk [tilespmem:v2+s2+$0xFFFFFFF0 ss:$0x1], $0xffff  }
0xb9: {  	v5 =	vadd.f32 v8, v5;
	v4 =	vadd.f32 v4, v3  }
0xba: {  	v8 =	vshll.u32 v0, $0x10;
	v0 =	vand.u32 $0xFFFF0000, v0;
	v3 =	vld.idx.msk [tilespmem:v2+s2+$0x0 ss:$0x1], $0xffff  }
.Ltmp3:
0xbb: {  	v5 =	vadd.f32 v8, v5;
	v0 =	vadd.f32 v0, v4;
	(pc) =	sbr.rel @p0 .LBB2_10-.Ltmp3, $4  }
0xbc: {  	v8 =	vshll.u32 v7, $0x10;
	v7 =	vand.u32 $0xFFFF0000, v7;
	v4 =	vld.idx.msk [tilespmem:v2+s2+$0x10 ss:$0x1], $0xffff  }
0xbd: {  	v5 =	vadd.f32 v8, v5;
	v7 =	vadd.f32 v7, v0  }
0xbe: {  	v8 =	vshll.u32 v6, $0x10;
	v6 =	vand.u32 $0xFFFF0000, v6;
	v0 =	vld.idx.msk [tilespmem:v2+s2+$0x20 ss:$0x1], $0xffff  }
0xbf: {  	s2 =	sshra.s32 s1, $0x2;
	s1 =	sadd.s32 $0x140, s1;
	v5 =	vadd.f32 v8, v5;
	v6 =	vadd.f32 v6, v7  }
0xc0: {  	_ =	sdelay $0x2  }
0xc1: {  	v7 =	vshll.u32 v3, $0x10  }
0xc2: {  	v8 =	vld.idx.msk [tilespmem:v2+s2+$0xFFFFFFE0 ss:$0x1], $0xffff;
	v3 =	vand.u32 $0xFFFF0000, v3;
	v5 =	vadd.f32 v7, v5  }
0xc3: {  	v3 =	vadd.f32 v3, v6;
	v6 =	vshll.u32 v4, $0x10  }
0xc4: {  	v7 =	vld.idx.msk [tilespmem:v2+s2+$0xFFFFFFF0 ss:$0x1], $0xffff;
	v4 =	vand.u32 $0xFFFF0000, v4;
	v5 =	vadd.f32 v6, v5  }
0xc5: {  	v3 =	vadd.f32 v4, v3;
	v4 =	vshll.u32 v0, $0x10  }
0xc6: {  	v6 =	vld.idx.msk [tilespmem:v2+s2+$0x0 ss:$0x1], $0xffff;
	v4 =	vadd.f32 v4, v5  }
0xc7: {  	v9 =	vand.u32 $0xFFFF0000, v0;
	v0 =	vmov s0;
	v5 =	vshll.u32 v8, $0x10  }
0xc8: {  	v62 =	vld.idx.msk [tilespmem:v2+s2+$0x10 ss:$0x1], $0xffff;
	v3 =	vadd.f32 v9, v3;
	v4 =	vadd.f32 v5, v4  }
0xc9: {  	v8 =	vand.u32 $0xFFFF0000, v8;
	v5 =	vshll.u32 v7, $0x10  }
0xca: {  	v3 =	vadd.f32 v8, v3;
	v8 =	vld.idx.msk [tilespmem:v2+s2+$0x20 ss:$0x1], $0xffff;
	v2 =	vadd.f32 v5, v4  }
0xcb: {  	s1 =	simm.s32 $0x0;
	v7 =	vand.u32 $0xFFFF0000, v7;
	v4 =	vshll.u32 v6, $0x10  }
0xcc: {  	v3 =	vadd.f32 v7, v3;
	v5 =	vld.idx.msk [tilespmem:v0+s1+$0xFFFFFFE0 ss:$0x1], $0xffff;
	v2 =	vadd.f32 v4, v2  }
0xcd: {  	v6 =	vand.u32 $0xFFFF0000, v6;
	v4 =	vshll.u32 v62, $0x10  }
0xce: {  	v3 =	vadd.f32 v6, v3;
	v6 =	vld.idx.msk [tilespmem:v0+s1+$0xFFFFFFF0 ss:$0x1], $0xffff;
	v2 =	vadd.f32 v4, v2  }
0xcf: {  	v4 =	vshll.u32 v8, $0x10  }
0xd0: {  	v7 =	vand.u32 $0xFFFF0000, v62;
	v2 =	vadd.f32 v4, v2;
	v4 =	vld.idx.msk [tilespmem:v0+s1+$0x0 ss:$0x1], $0xffff  }
0xd1: {  	v3 =	vadd.f32 v7, v3;
	v7 =	vshll.u32 v5, $0x10;
	v5 =	vand.u32 $0xFFFF0000, v5  }
0xd2: {  	v8 =	vand.u32 $0xFFFF0000, v8;
	v7 =	vadd.f32 v7, v1;
	v63 =	vadd.f32 v5, v1;
	v5 =	vld.idx.msk [tilespmem:v0+s1+$0x10 ss:$0x1], $0xffff  }
0xd3: {  	v1 =	vadd.f32 v8, v3;
	v8 =	vshll.u32 v6, $0x10;
	v10 =	vand.u32 $0xFFFF0000, v6  }
0xd4: {  	s2 =	simm.s32 $0x50;
	v3 =	vld.idx.msk [tilespmem:v0+s1+$0x20 ss:$0x1], $0xffff;
	s1 =	simm.s32 $0x280;
	v6 =	vadd.f32 v8, v7;
	v7 =	vadd.f32 v10, v63  }
.LBB2_12:
0xd5: {  	p0 =	sne.s32 s1, $0xB40;
	v8 =	vld.idx.msk [tilespmem:v0+s2+$0xFFFFFFE0 ss:$0x1], $0xffff;
	v9 =	vshll.u32 v4, $0x10;
	v4 =	vand.u32 $0xFFFF0000, v4  }
0xd6: {  	v6 =	vadd.f32 v9, v6;
	v4 =	vadd.f32 v4, v7  }
0xd7: {  	v9 =	vshll.u32 v5, $0x10;
	v5 =	vand.u32 $0xFFFF0000, v5;
	v7 =	vld.idx.msk [tilespmem:v0+s2+$0xFFFFFFF0 ss:$0x1], $0xffff  }
0xd8: {  	v6 =	vadd.f32 v9, v6;
	v5 =	vadd.f32 v5, v4  }
0xd9: {  	v9 =	vshll.u32 v3, $0x10;
	v3 =	vand.u32 $0xFFFF0000, v3;
	v4 =	vld.idx.msk [tilespmem:v0+s2+$0x0 ss:$0x1], $0xffff  }
.Ltmp4:
0xda: {  	v6 =	vadd.f32 v9, v6;
	v3 =	vadd.f32 v3, v5;
	(pc) =	sbr.rel @p0 .LBB2_12-.Ltmp4, $4  }
0xdb: {  	v9 =	vshll.u32 v8, $0x10;
	v8 =	vand.u32 $0xFFFF0000, v8;
	v5 =	vld.idx.msk [tilespmem:v0+s2+$0x10 ss:$0x1], $0xffff  }
0xdc: {  	v6 =	vadd.f32 v9, v6;
	v8 =	vadd.f32 v8, v3  }
0xdd: {  	v9 =	vshll.u32 v7, $0x10;
	v7 =	vand.u32 $0xFFFF0000, v7;
	v3 =	vld.idx.msk [tilespmem:v0+s2+$0x20 ss:$0x1], $0xffff  }
0xde: {  	s2 =	sshra.s32 s1, $0x2;
	s1 =	sadd.s32 $0x140, s1;
	v6 =	vadd.f32 v9, v6;
	v7 =	vadd.f32 v7, v8  }
0xdf: {  	_ =	sdelay $0x2  }
0xe0: {  	v8 =	vshll.u32 v4, $0x10  }
0xe1: {  	v9 =	vld.idx.msk [tilespmem:v0+s2+$0xFFFFFFE0 ss:$0x1], $0xffff;
	v40 =	vand.u32 $0xFFFF0000, v4;
	v6 =	vadd.f32 v8, v6  }
0xe2: {  	v4 =	vadd.f32 v40, v7;
	v41 =	vshll.u32 v5, $0x10  }
0xe3: {  	v42 =	vld.idx.msk [tilespmem:v0+s2+$0xFFFFFFF0 ss:$0x1], $0xffff;
	v43 =	vand.u32 $0xFFFF0000, v5;
	v6 =	vadd.f32 v41, v6  }
0xe4: {  	v4 =	vadd.f32 v43, v4;
	v44 =	vshll.u32 v3, $0x10  }
0xe5: {  	v45 =	vld.idx.msk [tilespmem:v0+s2+$0x0 ss:$0x1], $0xffff;
	v46 =	vand.u32 $0xFFFF0000, v3;
	v5 =	vadd.f32 v44, v6  }
0xe6: {  	v3 =	vadd.f32 v46, v4;
	v47 =	vshll.u32 v9, $0x10  }
0xe7: {  	v49 =	vld.idx.msk [tilespmem:v0+s2+$0x10 ss:$0x1], $0xffff;
	v48 =	vand.u32 $0xFFFF0000, v9;
	v4 =	vadd.f32 v47, v5  }
0xe8: {  	v50 =	vshll.u32 v42, $0x10;
	v3 =	vadd.f32 v48, v3  }
0xe9: {  	v52 =	vld.idx.msk [tilespmem:v0+s2+$0x20 ss:$0x1], $0xffff;
	s1 =	smul.u32 $0x140, s25;
	v51 =	vand.u32 $0xFFFF0000, v42;
	v4 =	vadd.f32 v50, v4  }
0xea: {  	v53 =	vshll.u32 v45, $0x10;
	v3 =	vadd.f32 v51, v3  }
0xeb: {  	s1 =	sshra.s32 s1, $0x2;
	v54 =	vand.u32 $0xFFFF0000, v45;
	v4 =	vadd.f32 v53, v4  }
0xec: {  	v56 =	vld [tilespmem:s1+$0xD990];
	v55 =	vshll.u32 v49, $0x10;
	v3 =	vadd.f32 v54, v3  }
0xed: {  	v58 =	vld [tilespmem:s1+$0xD9A0];
	v57 =	vand.u32 $0xFFFF0000, v49;
	v4 =	vadd.f32 v55, v4  }
0xee: {  	v60 =	vld [tilespmem:s1+$0xD9B0];
	v59 =	vshll.u32 v52, $0x10;
	v3 =	vadd.f32 v57, v3  }
0xef: {  	v2 =	vmul.f32 $9.999999770e-03, v2;
	v61 =	vld [tilespmem:s1+$0xD9C0];
	v0 =	vand.u32 $0xFFFF0000, v52;
	v4 =	vadd.f32 v59, v4  }
0xf0: {  	v1 =	vmul.f32 $9.999999770e-03, v1;
	s25 =	sadd.s32 $0x1, s25;
	v0 =	vadd.f32 v0, v3  }
0xf1: {  	p0 =	sne.s32 s25, $0x10;
	v2 =	vadd.f32 v56, v2;
	v62 =	vmul.f32 $9.999999770e-03, v4  }
.Ltmp5:
0xf2: {  	v1 =	vadd.f32 v58, v1;
	v0 =	vmul.f32 $9.999999770e-03, v0;
	(pc) =	sbr.rel @p0 .LBB2_9-.Ltmp5, $4  }
0xf3: {  	[tilespmem:s1+$0xD990] =	vst v2;
	v63 =	vadd.f32 v60, v62  }
0xf4: {  	[tilespmem:s1+$0xD9A0] =	vst v1;
	v0 =	vadd.f32 v61, v0  }
0xf5: {  	[tilespmem:s1+$0xD9B0] =	vst v63  }
0xf6: {  	s26 =	sadd.s32 $0x320, s26;
	s0 =	sadd.s32 $0x320, s0;
	[tilespmem:s1+$0xD9C0] =	vst v0  }
0xf7: {  	s0 =	sadd.s32 s18, s6  }
0xf8: {  	s0 =	smul.u32 $0xA, s0;
	_ =	sdelay $0x1  }
0xf9: {  	s18 =	sadd.s32 s18, s16;
	s0 =	sadd.s32 s15, s0  }
0xfa: {  	s1 =	smul.u32 $0x32, s18;
	s0 =	sadd.s32 $0xA0, s0  }
0xfb: {  	[hbm4b:s0+s5] =	stream.linear.scatter [tilespmem:s29], [sflag:$0xB], $0x500, $0x38;
	[tilespmem:$0xDE80] =	vst v63  }
0xfc: {  	_ =	swait.ge [sflag:s12], $0x500  }
0xfd: {  	s1 =	sshrl.u32 s1, $0x3;
	[sflag:s12] =	ssyncset.done $0x0  }
0xfe: {  	s2 =	sadd.s32 s3, s1;
	[sflag:s12] =	ssyncadd.s32 $0xFFFFFB00  }
0xff: {  	[tilespmem:s24], [sflag:$0x2] =	stream.linear.gather [hbm4b:s2+s5], $0x320, $0x38;
	[tilespmem:$0xDE80] =	vst v63  }
0x100: {  	s1 =	sadd.s32 s4, s1;
	s0 =	smul.u32 $0xA, s18  }
0x101: {  	[tilespmem:s28], [sflag:$0x4] =	stream.linear.gather [hbm4b:s1+s5], $0x320, $0x38;
	[tilespmem:$0xDE80] =	vst v63  }
0x102: {  	s0 =	sadd.s32 s7, s0  }
0x103: {  	[tilespmem:s29], [sflag:$0xA] =	stream.linear.gather [hbm4b:s0+s5], $0x500, $0x38;
	[tilespmem:$0xDE80] =	vst v63  }
0x104: {  	_ =	swait.ge [sflag:s30], $0x320  }
0x105: {  	[sflag:s30] =	ssyncset.done $0x0  }
0x106: {  	s19 =	sadd.s32 $0x1, s19;
	[sflag:s30] =	ssyncadd.s32 $0xFFFFFCE0  }
0x107: {  	p0 =	sne.s32 s19, $0xF;
	_ =	swait.ge [sflag:s31], $0x320  }
.Ltmp6:
0x108: {  	[sflag:s31] =	ssyncset.done $0x0;
	(pc) =	sbr.rel @p0 .LBB2_2-.Ltmp6, $4  }
0x109: {  	s25 =	simm.s32 $0x3E80;
	[sflag:s31] =	ssyncadd.s32 $0xFFFFFCE0  }
0x10a: {  	[tilespmem:s25], [sflag:$0x6] =	stream.indirect.gather [hbm4b:s8+s24], $0x10, s24, s24, $0xb8;
	[tilespmem:$0xDE80] =	vst v63  }
0x10b: {  	s26 =	simm.s32 $0xA280  }
0x10c: {  	[tilespmem:s26], [sflag:$0x8] =	stream.indirect.gather [hbm4b:s8+s24], $0x10, s28, s24, $0xb8;
	[tilespmem:$0xDE80] =	vst v63  }
0x10d: {  	_ =	swait.ge [sflag:s9], $0x3200  }
0x10e: {  	[sflag:s9] =	ssyncset.done $0x0  }
0x10f: {  	[sflag:s9] =	ssyncadd.s32 $0xFFFFCE00  }
0x110: {  	_ =	swait.ge [sflag:s10], $0x3200  }
0x111: {  	[sflag:s10] =	ssyncset.done $0x0  }
0x112: {  	[sflag:s10] =	ssyncadd.s32 $0xFFFFCE00  }
0x113: {  	_ =	swait.ge [sflag:s11], $0x500  }
0x114: {  	s18 =	simm.s32 $0x0;
	[sflag:s11] =	ssyncset.done $0x0  }
0x115: {  	s19 =	simm.s32 $0xCA0;
	s0 =	simm.s32 $0x70A0;
	[sflag:s11] =	ssyncadd.s32 $0xFFFFFB00  }
.LBB2_16:
0x116: {  	v2 =	vmov s19;
	_ =	sdelay $0x3  }
0x117: {  	s1 =	simm.s32 $0x0  }
0x118: {  	v0 =	vld.idx.msk [tilespmem:v2+s1+$0xFFFFFFE0 ss:$0x1], $0xffff;
	_ =	sdelay $0x1  }
0x119: {  	v5 =	vld.idx.msk [tilespmem:v2+s1+$0xFFFFFFF0 ss:$0x1], $0xffff;
	_ =	sdelay $0x1  }
0x11a: {  	v3 =	vld.idx.msk [tilespmem:v2+s1+$0x0 ss:$0x1], $0xffff  }
0x11b: {  	v1 =	vimm.f32 $0.0e+00;
	v4 =	vshll.u32 v0, $0x10;
	v0 =	vand.u32 $0xFFFF0000, v0  }
0x11c: {  	v6 =	vadd.f32 v4, v1;
	v7 =	vadd.f32 v0, v1;
	v4 =	vld.idx.msk [tilespmem:v2+s1+$0x10 ss:$0x1], $0xffff  }
0x11d: {  	v8 =	vshll.u32 v5, $0x10;
	v9 =	vand.u32 $0xFFFF0000, v5  }
0x11e: {  	s2 =	simm.s32 $0x50;
	v0 =	vld.idx.msk [tilespmem:v2+s1+$0x20 ss:$0x1], $0xffff;
	s1 =	simm.s32 $0x280;
	v5 =	vadd.f32 v8, v6;
	v6 =	vadd.f32 v9, v7  }
.LBB2_17:
0x11f: {  	p0 =	sne.s32 s1, $0xB40;
	v7 =	vld.idx.msk [tilespmem:v2+s2+$0xFFFFFFE0 ss:$0x1], $0xffff;
	v8 =	vshll.u32 v3, $0x10;
	v3 =	vand.u32 $0xFFFF0000, v3  }
0x120: {  	v5 =	vadd.f32 v8, v5;
	v3 =	vadd.f32 v3, v6  }
0x121: {  	v8 =	vshll.u32 v4, $0x10;
	v4 =	vand.u32 $0xFFFF0000, v4;
	v6 =	vld.idx.msk [tilespmem:v2+s2+$0xFFFFFFF0 ss:$0x1], $0xffff  }
0x122: {  	v5 =	vadd.f32 v8, v5;
	v4 =	vadd.f32 v4, v3  }
0x123: {  	v8 =	vshll.u32 v0, $0x10;
	v0 =	vand.u32 $0xFFFF0000, v0;
	v3 =	vld.idx.msk [tilespmem:v2+s2+$0x0 ss:$0x1], $0xffff  }
.Ltmp7:
0x124: {  	v5 =	vadd.f32 v8, v5;
	v0 =	vadd.f32 v0, v4;
	(pc) =	sbr.rel @p0 .LBB2_17-.Ltmp7, $4  }
0x125: {  	v8 =	vshll.u32 v7, $0x10;
	v7 =	vand.u32 $0xFFFF0000, v7;
	v4 =	vld.idx.msk [tilespmem:v2+s2+$0x10 ss:$0x1], $0xffff  }
0x126: {  	v5 =	vadd.f32 v8, v5;
	v7 =	vadd.f32 v7, v0  }
0x127: {  	v8 =	vshll.u32 v6, $0x10;
	v6 =	vand.u32 $0xFFFF0000, v6;
	v0 =	vld.idx.msk [tilespmem:v2+s2+$0x20 ss:$0x1], $0xffff  }
0x128: {  	s2 =	sshra.s32 s1, $0x2;
	s1 =	sadd.s32 $0x140, s1;
	v5 =	vadd.f32 v8, v5;
	v6 =	vadd.f32 v6, v7  }
0x129: {  	_ =	sdelay $0x2  }
0x12a: {  	v7 =	vshll.u32 v3, $0x10  }
0x12b: {  	v8 =	vld.idx.msk [tilespmem:v2+s2+$0xFFFFFFE0 ss:$0x1], $0xffff;
	v3 =	vand.u32 $0xFFFF0000, v3;
	v5 =	vadd.f32 v7, v5  }
0x12c: {  	v3 =	vadd.f32 v3, v6;
	v6 =	vshll.u32 v4, $0x10  }
0x12d: {  	v7 =	vld.idx.msk [tilespmem:v2+s2+$0xFFFFFFF0 ss:$0x1], $0xffff;
	v4 =	vand.u32 $0xFFFF0000, v4;
	v5 =	vadd.f32 v6, v5  }
0x12e: {  	v3 =	vadd.f32 v4, v3;
	v4 =	vshll.u32 v0, $0x10  }
0x12f: {  	v6 =	vld.idx.msk [tilespmem:v2+s2+$0x0 ss:$0x1], $0xffff;
	v4 =	vadd.f32 v4, v5  }
0x130: {  	v9 =	vand.u32 $0xFFFF0000, v0;
	v0 =	vmov s0;
	v5 =	vshll.u32 v8, $0x10  }
0x131: {  	v62 =	vld.idx.msk [tilespmem:v2+s2+$0x10 ss:$0x1], $0xffff;
	v3 =	vadd.f32 v9, v3;
	v4 =	vadd.f32 v5, v4  }
0x132: {  	v8 =	vand.u32 $0xFFFF0000, v8;
	v5 =	vshll.u32 v7, $0x10  }
0x133: {  	v3 =	vadd.f32 v8, v3;
	v8 =	vld.idx.msk [tilespmem:v2+s2+$0x20 ss:$0x1], $0xffff;
	v2 =	vadd.f32 v5, v4  }
0x134: {  	s1 =	simm.s32 $0x0;
	v7 =	vand.u32 $0xFFFF0000, v7;
	v4 =	vshll.u32 v6, $0x10  }
0x135: {  	v3 =	vadd.f32 v7, v3;
	v5 =	vld.idx.msk [tilespmem:v0+s1+$0xFFFFFFE0 ss:$0x1], $0xffff;
	v2 =	vadd.f32 v4, v2  }
0x136: {  	v6 =	vand.u32 $0xFFFF0000, v6;
	v4 =	vshll.u32 v62, $0x10  }
0x137: {  	v3 =	vadd.f32 v6, v3;
	v6 =	vld.idx.msk [tilespmem:v0+s1+$0xFFFFFFF0 ss:$0x1], $0xffff;
	v2 =	vadd.f32 v4, v2  }
0x138: {  	v4 =	vshll.u32 v8, $0x10  }
0x139: {  	v7 =	vand.u32 $0xFFFF0000, v62;
	v2 =	vadd.f32 v4, v2;
	v4 =	vld.idx.msk [tilespmem:v0+s1+$0x0 ss:$0x1], $0xffff  }
0x13a: {  	v3 =	vadd.f32 v7, v3;
	v7 =	vshll.u32 v5, $0x10;
	v5 =	vand.u32 $0xFFFF0000, v5  }
0x13b: {  	v8 =	vand.u32 $0xFFFF0000, v8;
	v7 =	vadd.f32 v7, v1;
	v63 =	vadd.f32 v5, v1;
	v5 =	vld.idx.msk [tilespmem:v0+s1+$0x10 ss:$0x1], $0xffff  }
0x13c: {  	v1 =	vadd.f32 v8, v3;
	v8 =	vshll.u32 v6, $0x10;
	v10 =	vand.u32 $0xFFFF0000, v6  }
0x13d: {  	s2 =	simm.s32 $0x50;
	v3 =	vld.idx.msk [tilespmem:v0+s1+$0x20 ss:$0x1], $0xffff;
	s1 =	simm.s32 $0x280;
	v6 =	vadd.f32 v8, v7;
	v7 =	vadd.f32 v10, v63  }
.LBB2_19:
0x13e: {  	p0 =	sne.s32 s1, $0xB40;
	v8 =	vld.idx.msk [tilespmem:v0+s2+$0xFFFFFFE0 ss:$0x1], $0xffff;
	v9 =	vshll.u32 v4, $0x10;
	v4 =	vand.u32 $0xFFFF0000, v4  }
0x13f: {  	v6 =	vadd.f32 v9, v6;
	v4 =	vadd.f32 v4, v7  }
0x140: {  	v9 =	vshll.u32 v5, $0x10;
	v5 =	vand.u32 $0xFFFF0000, v5;
	v7 =	vld.idx.msk [tilespmem:v0+s2+$0xFFFFFFF0 ss:$0x1], $0xffff  }
0x141: {  	v6 =	vadd.f32 v9, v6;
	v5 =	vadd.f32 v5, v4  }
0x142: {  	v9 =	vshll.u32 v3, $0x10;
	v3 =	vand.u32 $0xFFFF0000, v3;
	v4 =	vld.idx.msk [tilespmem:v0+s2+$0x0 ss:$0x1], $0xffff  }
.Ltmp8:
0x143: {  	v6 =	vadd.f32 v9, v6;
	v3 =	vadd.f32 v3, v5;
	(pc) =	sbr.rel @p0 .LBB2_19-.Ltmp8, $4  }
0x144: {  	v9 =	vshll.u32 v8, $0x10;
	v8 =	vand.u32 $0xFFFF0000, v8;
	v5 =	vld.idx.msk [tilespmem:v0+s2+$0x10 ss:$0x1], $0xffff  }
0x145: {  	v6 =	vadd.f32 v9, v6;
	v8 =	vadd.f32 v8, v3  }
0x146: {  	v9 =	vshll.u32 v7, $0x10;
	v7 =	vand.u32 $0xFFFF0000, v7;
	v3 =	vld.idx.msk [tilespmem:v0+s2+$0x20 ss:$0x1], $0xffff  }
0x147: {  	s2 =	sshra.s32 s1, $0x2;
	s1 =	sadd.s32 $0x140, s1;
	v6 =	vadd.f32 v9, v6;
	v7 =	vadd.f32 v7, v8  }
0x148: {  	_ =	sdelay $0x2  }
0x149: {  	v8 =	vshll.u32 v4, $0x10  }
0x14a: {  	v9 =	vld.idx.msk [tilespmem:v0+s2+$0xFFFFFFE0 ss:$0x1], $0xffff;
	v40 =	vand.u32 $0xFFFF0000, v4;
	v6 =	vadd.f32 v8, v6  }
0x14b: {  	v4 =	vadd.f32 v40, v7;
	v41 =	vshll.u32 v5, $0x10  }
0x14c: {  	v42 =	vld.idx.msk [tilespmem:v0+s2+$0xFFFFFFF0 ss:$0x1], $0xffff;
	v43 =	vand.u32 $0xFFFF0000, v5;
	v6 =	vadd.f32 v41, v6  }
0x14d: {  	v4 =	vadd.f32 v43, v4;
	v44 =	vshll.u32 v3, $0x10  }
0x14e: {  	v45 =	vld.idx.msk [tilespmem:v0+s2+$0x0 ss:$0x1], $0xffff;
	v46 =	vand.u32 $0xFFFF0000, v3;
	v5 =	vadd.f32 v44, v6  }
0x14f: {  	v3 =	vadd.f32 v46, v4;
	v47 =	vshll.u32 v9, $0x10  }
0x150: {  	v49 =	vld.idx.msk [tilespmem:v0+s2+$0x10 ss:$0x1], $0xffff;
	v48 =	vand.u32 $0xFFFF0000, v9;
	v4 =	vadd.f32 v47, v5  }
0x151: {  	v50 =	vshll.u32 v42, $0x10;
	v3 =	vadd.f32 v48, v3  }
0x152: {  	v52 =	vld.idx.msk [tilespmem:v0+s2+$0x20 ss:$0x1], $0xffff;
	s1 =	smul.u32 $0x140, s18;
	v51 =	vand.u32 $0xFFFF0000, v42;
	v4 =	vadd.f32 v50, v4  }
0x153: {  	v53 =	vshll.u32 v45, $0x10;
	v3 =	vadd.f32 v51, v3  }
0x154: {  	s1 =	sshra.s32 s1, $0x2;
	v54 =	vand.u32 $0xFFFF0000, v45;
	v4 =	vadd.f32 v53, v4  }
0x155: {  	v56 =	vld [tilespmem:s1+$0xD490];
	v55 =	vshll.u32 v49, $0x10;
	v3 =	vadd.f32 v54, v3  }
0x156: {  	v58 =	vld [tilespmem:s1+$0xD4A0];
	v57 =	vand.u32 $0xFFFF0000, v49;
	v4 =	vadd.f32 v55, v4  }
0x157: {  	v60 =	vld [tilespmem:s1+$0xD4B0];
	v59 =	vshll.u32 v52, $0x10;
	v3 =	vadd.f32 v57, v3  }
0x158: {  	v2 =	vmul.f32 $9.999999770e-03, v2;
	v61 =	vld [tilespmem:s1+$0xD4C0];
	v0 =	vand.u32 $0xFFFF0000, v52;
	v4 =	vadd.f32 v59, v4  }
0x159: {  	v1 =	vmul.f32 $9.999999770e-03, v1;
	s18 =	sadd.s32 $0x1, s18;
	v0 =	vadd.f32 v0, v3  }
0x15a: {  	p0 =	sne.s32 s18, $0x10;
	v2 =	vadd.f32 v56, v2;
	v62 =	vmul.f32 $9.999999770e-03, v4  }
.Ltmp9:
0x15b: {  	v1 =	vadd.f32 v58, v1;
	v0 =	vmul.f32 $9.999999770e-03, v0;
	(pc) =	sbr.rel @p0 .LBB2_16-.Ltmp9, $4  }
0x15c: {  	[tilespmem:s1+$0xD490] =	vst v2;
	v63 =	vadd.f32 v60, v62  }
0x15d: {  	[tilespmem:s1+$0xD4A0] =	vst v1;
	v0 =	vadd.f32 v61, v0  }
0x15e: {  	[tilespmem:s1+$0xD4B0] =	vst v63  }
0x15f: {  	s19 =	sadd.s32 $0x320, s19;
	s0 =	sadd.s32 $0x320, s0;
	[tilespmem:s1+$0xD4C0] =	vst v0  }
0x160: {  	s18 =	simm.s32 $0x0;
	s0 =	rddreg [dreg:$0xc]  }
0x161: {  	[hbm4b:s0+s18] =	stream.linear.scatter [tilespmem:s21], [sflag:$0xB], $0x500, $0x38;
	[tilespmem:$0xDE80] =	vst v63  }
0x162: {  	_ =	swait.ge [sflag:s12], $0x500  }
0x163: {  	[sflag:s12] =	ssyncset.done $0x0  }
0x164: {  	[sflag:s12] =	ssyncadd.s32 $0xFFFFFB00  }
0x165: {  	_ =	swait.ge [sflag:s13], $0x3200  }
0x166: {  	[sflag:s13] =	ssyncset.done $0x0  }
0x167: {  	[sflag:s13] =	ssyncadd.s32 $0xFFFFCE00  }
0x168: {  	_ =	swait.ge [sflag:s14], $0x3200  }
0x169: {  	[sflag:s14] =	ssyncset.done $0x0  }
0x16a: {  	[sflag:s14] =	ssyncadd.s32 $0xFFFFCE00  }
0x16b: {  	_ =	swait.ge [sflag:s17], $0x500  }
0x16c: {  	[sflag:s17] =	ssyncset.done $0x0  }
0x16d: {  	s19 =	simm.s32 $0x3EA0;
	s0 =	simm.s32 $0xA2A0;
	[sflag:s17] =	ssyncadd.s32 $0xFFFFFB00  }
.LBB2_22:
0x16e: {  	v2 =	vmov s19;
	_ =	sdelay $0x3  }
0x16f: {  	s1 =	simm.s32 $0x0  }
0x170: {  	v0 =	vld.idx.msk [tilespmem:v2+s1+$0xFFFFFFE0 ss:$0x1], $0xffff;
	_ =	sdelay $0x1  }
0x171: {  	v5 =	vld.idx.msk [tilespmem:v2+s1+$0xFFFFFFF0 ss:$0x1], $0xffff;
	_ =	sdelay $0x1  }
0x172: {  	v3 =	vld.idx.msk [tilespmem:v2+s1+$0x0 ss:$0x1], $0xffff  }
0x173: {  	v1 =	vimm.f32 $0.0e+00;
	v4 =	vshll.u32 v0, $0x10;
	v0 =	vand.u32 $0xFFFF0000, v0  }
0x174: {  	v6 =	vadd.f32 v4, v1;
	v7 =	vadd.f32 v0, v1;
	v4 =	vld.idx.msk [tilespmem:v2+s1+$0x10 ss:$0x1], $0xffff  }
0x175: {  	v8 =	vshll.u32 v5, $0x10;
	v9 =	vand.u32 $0xFFFF0000, v5  }
0x176: {  	s2 =	simm.s32 $0x50;
	v0 =	vld.idx.msk [tilespmem:v2+s1+$0x20 ss:$0x1], $0xffff;
	s1 =	simm.s32 $0x280;
	v5 =	vadd.f32 v8, v6;
	v6 =	vadd.f32 v9, v7  }
.LBB2_23:
0x177: {  	p0 =	sne.s32 s1, $0xB40;
	v7 =	vld.idx.msk [tilespmem:v2+s2+$0xFFFFFFE0 ss:$0x1], $0xffff;
	v8 =	vshll.u32 v3, $0x10;
	v3 =	vand.u32 $0xFFFF0000, v3  }
0x178: {  	v5 =	vadd.f32 v8, v5;
	v3 =	vadd.f32 v3, v6  }
0x179: {  	v8 =	vshll.u32 v4, $0x10;
	v4 =	vand.u32 $0xFFFF0000, v4;
	v6 =	vld.idx.msk [tilespmem:v2+s2+$0xFFFFFFF0 ss:$0x1], $0xffff  }
0x17a: {  	v5 =	vadd.f32 v8, v5;
	v4 =	vadd.f32 v4, v3  }
0x17b: {  	v8 =	vshll.u32 v0, $0x10;
	v0 =	vand.u32 $0xFFFF0000, v0;
	v3 =	vld.idx.msk [tilespmem:v2+s2+$0x0 ss:$0x1], $0xffff  }
.Ltmp10:
0x17c: {  	v5 =	vadd.f32 v8, v5;
	v0 =	vadd.f32 v0, v4;
	(pc) =	sbr.rel @p0 .LBB2_23-.Ltmp10, $4  }
0x17d: {  	v8 =	vshll.u32 v7, $0x10;
	v7 =	vand.u32 $0xFFFF0000, v7;
	v4 =	vld.idx.msk [tilespmem:v2+s2+$0x10 ss:$0x1], $0xffff  }
0x17e: {  	v5 =	vadd.f32 v8, v5;
	v7 =	vadd.f32 v7, v0  }
0x17f: {  	v8 =	vshll.u32 v6, $0x10;
	v6 =	vand.u32 $0xFFFF0000, v6;
	v0 =	vld.idx.msk [tilespmem:v2+s2+$0x20 ss:$0x1], $0xffff  }
0x180: {  	s2 =	sshra.s32 s1, $0x2;
	s1 =	sadd.s32 $0x140, s1;
	v5 =	vadd.f32 v8, v5;
	v6 =	vadd.f32 v6, v7  }
0x181: {  	_ =	sdelay $0x2  }
0x182: {  	v7 =	vshll.u32 v3, $0x10  }
0x183: {  	v8 =	vld.idx.msk [tilespmem:v2+s2+$0xFFFFFFE0 ss:$0x1], $0xffff;
	v3 =	vand.u32 $0xFFFF0000, v3;
	v5 =	vadd.f32 v7, v5  }
0x184: {  	v3 =	vadd.f32 v3, v6;
	v6 =	vshll.u32 v4, $0x10  }
0x185: {  	v7 =	vld.idx.msk [tilespmem:v2+s2+$0xFFFFFFF0 ss:$0x1], $0xffff;
	v4 =	vand.u32 $0xFFFF0000, v4;
	v5 =	vadd.f32 v6, v5  }
0x186: {  	v3 =	vadd.f32 v4, v3;
	v4 =	vshll.u32 v0, $0x10  }
0x187: {  	v6 =	vld.idx.msk [tilespmem:v2+s2+$0x0 ss:$0x1], $0xffff;
	v4 =	vadd.f32 v4, v5  }
0x188: {  	v9 =	vand.u32 $0xFFFF0000, v0;
	v0 =	vmov s0;
	v5 =	vshll.u32 v8, $0x10  }
0x189: {  	v62 =	vld.idx.msk [tilespmem:v2+s2+$0x10 ss:$0x1], $0xffff;
	v3 =	vadd.f32 v9, v3;
	v4 =	vadd.f32 v5, v4  }
0x18a: {  	v8 =	vand.u32 $0xFFFF0000, v8;
	v5 =	vshll.u32 v7, $0x10  }
0x18b: {  	v3 =	vadd.f32 v8, v3;
	v8 =	vld.idx.msk [tilespmem:v2+s2+$0x20 ss:$0x1], $0xffff;
	v2 =	vadd.f32 v5, v4  }
0x18c: {  	s1 =	simm.s32 $0x0;
	v7 =	vand.u32 $0xFFFF0000, v7;
	v4 =	vshll.u32 v6, $0x10  }
0x18d: {  	v3 =	vadd.f32 v7, v3;
	v5 =	vld.idx.msk [tilespmem:v0+s1+$0xFFFFFFE0 ss:$0x1], $0xffff;
	v2 =	vadd.f32 v4, v2  }
0x18e: {  	v6 =	vand.u32 $0xFFFF0000, v6;
	v4 =	vshll.u32 v62, $0x10  }
0x18f: {  	v3 =	vadd.f32 v6, v3;
	v6 =	vld.idx.msk [tilespmem:v0+s1+$0xFFFFFFF0 ss:$0x1], $0xffff;
	v2 =	vadd.f32 v4, v2  }
0x190: {  	v4 =	vshll.u32 v8, $0x10  }
0x191: {  	v7 =	vand.u32 $0xFFFF0000, v62;
	v2 =	vadd.f32 v4, v2;
	v4 =	vld.idx.msk [tilespmem:v0+s1+$0x0 ss:$0x1], $0xffff  }
0x192: {  	v3 =	vadd.f32 v7, v3;
	v7 =	vshll.u32 v5, $0x10;
	v5 =	vand.u32 $0xFFFF0000, v5  }
0x193: {  	v8 =	vand.u32 $0xFFFF0000, v8;
	v7 =	vadd.f32 v7, v1;
	v63 =	vadd.f32 v5, v1;
	v5 =	vld.idx.msk [tilespmem:v0+s1+$0x10 ss:$0x1], $0xffff  }
0x194: {  	v1 =	vadd.f32 v8, v3;
	v8 =	vshll.u32 v6, $0x10;
	v10 =	vand.u32 $0xFFFF0000, v6  }
0x195: {  	s2 =	simm.s32 $0x50;
	v3 =	vld.idx.msk [tilespmem:v0+s1+$0x20 ss:$0x1], $0xffff;
	s1 =	simm.s32 $0x280;
	v6 =	vadd.f32 v8, v7;
	v7 =	vadd.f32 v10, v63  }
.LBB2_25:
0x196: {  	p0 =	sne.s32 s1, $0xB40;
	v8 =	vld.idx.msk [tilespmem:v0+s2+$0xFFFFFFE0 ss:$0x1], $0xffff;
	v9 =	vshll.u32 v4, $0x10;
	v4 =	vand.u32 $0xFFFF0000, v4  }
0x197: {  	v6 =	vadd.f32 v9, v6;
	v4 =	vadd.f32 v4, v7  }
0x198: {  	v9 =	vshll.u32 v5, $0x10;
	v5 =	vand.u32 $0xFFFF0000, v5;
	v7 =	vld.idx.msk [tilespmem:v0+s2+$0xFFFFFFF0 ss:$0x1], $0xffff  }
0x199: {  	v6 =	vadd.f32 v9, v6;
	v5 =	vadd.f32 v5, v4  }
0x19a: {  	v9 =	vshll.u32 v3, $0x10;
	v3 =	vand.u32 $0xFFFF0000, v3;
	v4 =	vld.idx.msk [tilespmem:v0+s2+$0x0 ss:$0x1], $0xffff  }
.Ltmp11:
0x19b: {  	v6 =	vadd.f32 v9, v6;
	v3 =	vadd.f32 v3, v5;
	(pc) =	sbr.rel @p0 .LBB2_25-.Ltmp11, $4  }
0x19c: {  	v9 =	vshll.u32 v8, $0x10;
	v8 =	vand.u32 $0xFFFF0000, v8;
	v5 =	vld.idx.msk [tilespmem:v0+s2+$0x10 ss:$0x1], $0xffff  }
0x19d: {  	v6 =	vadd.f32 v9, v6;
	v8 =	vadd.f32 v8, v3  }
0x19e: {  	v9 =	vshll.u32 v7, $0x10;
	v7 =	vand.u32 $0xFFFF0000, v7;
	v3 =	vld.idx.msk [tilespmem:v0+s2+$0x20 ss:$0x1], $0xffff  }
0x19f: {  	s2 =	sshra.s32 s1, $0x2;
	s1 =	sadd.s32 $0x140, s1;
	v6 =	vadd.f32 v9, v6;
	v7 =	vadd.f32 v7, v8  }
0x1a0: {  	_ =	sdelay $0x2  }
0x1a1: {  	v8 =	vshll.u32 v4, $0x10  }
0x1a2: {  	v9 =	vld.idx.msk [tilespmem:v0+s2+$0xFFFFFFE0 ss:$0x1], $0xffff;
	v40 =	vand.u32 $0xFFFF0000, v4;
	v6 =	vadd.f32 v8, v6  }
0x1a3: {  	v4 =	vadd.f32 v40, v7;
	v41 =	vshll.u32 v5, $0x10  }
0x1a4: {  	v42 =	vld.idx.msk [tilespmem:v0+s2+$0xFFFFFFF0 ss:$0x1], $0xffff;
	v43 =	vand.u32 $0xFFFF0000, v5;
	v6 =	vadd.f32 v41, v6  }
0x1a5: {  	v4 =	vadd.f32 v43, v4;
	v44 =	vshll.u32 v3, $0x10  }
0x1a6: {  	v45 =	vld.idx.msk [tilespmem:v0+s2+$0x0 ss:$0x1], $0xffff;
	v46 =	vand.u32 $0xFFFF0000, v3;
	v5 =	vadd.f32 v44, v6  }
0x1a7: {  	v3 =	vadd.f32 v46, v4;
	v47 =	vshll.u32 v9, $0x10  }
0x1a8: {  	v49 =	vld.idx.msk [tilespmem:v0+s2+$0x10 ss:$0x1], $0xffff;
	v48 =	vand.u32 $0xFFFF0000, v9;
	v4 =	vadd.f32 v47, v5  }
0x1a9: {  	v50 =	vshll.u32 v42, $0x10;
	v3 =	vadd.f32 v48, v3  }
0x1aa: {  	v52 =	vld.idx.msk [tilespmem:v0+s2+$0x20 ss:$0x1], $0xffff;
	s1 =	smul.u32 $0x140, s18;
	v51 =	vand.u32 $0xFFFF0000, v42;
	v4 =	vadd.f32 v50, v4  }
0x1ab: {  	v53 =	vshll.u32 v45, $0x10;
	v3 =	vadd.f32 v51, v3  }
0x1ac: {  	s1 =	sshra.s32 s1, $0x2;
	v54 =	vand.u32 $0xFFFF0000, v45;
	v4 =	vadd.f32 v53, v4  }
0x1ad: {  	v56 =	vld [tilespmem:s1+$0xD990];
	v55 =	vshll.u32 v49, $0x10;
	v3 =	vadd.f32 v54, v3  }
0x1ae: {  	v58 =	vld [tilespmem:s1+$0xD9A0];
	v57 =	vand.u32 $0xFFFF0000, v49;
	v4 =	vadd.f32 v55, v4  }
0x1af: {  	v60 =	vld [tilespmem:s1+$0xD9B0];
	v59 =	vshll.u32 v52, $0x10;
	v3 =	vadd.f32 v57, v3  }
0x1b0: {  	v2 =	vmul.f32 $9.999999770e-03, v2;
	v61 =	vld [tilespmem:s1+$0xD9C0];
	v0 =	vand.u32 $0xFFFF0000, v52;
	v4 =	vadd.f32 v59, v4  }
0x1b1: {  	v1 =	vmul.f32 $9.999999770e-03, v1;
	s18 =	sadd.s32 $0x1, s18;
	v0 =	vadd.f32 v0, v3  }
0x1b2: {  	p0 =	sne.s32 s18, $0x10;
	v2 =	vadd.f32 v56, v2;
	v62 =	vmul.f32 $9.999999770e-03, v4  }
.Ltmp12:
0x1b3: {  	v1 =	vadd.f32 v58, v1;
	v0 =	vmul.f32 $9.999999770e-03, v0;
	(pc) =	sbr.rel @p0 .LBB2_22-.Ltmp12, $4  }
0x1b4: {  	[tilespmem:s1+$0xD990] =	vst v2;
	v63 =	vadd.f32 v60, v62  }
0x1b5: {  	[tilespmem:s1+$0xD9A0] =	vst v1;
	v0 =	vadd.f32 v61, v0  }
0x1b6: {  	[tilespmem:s1+$0xD9B0] =	vst v63  }
0x1b7: {  	s19 =	sadd.s32 $0x320, s19;
	s0 =	sadd.s32 $0x320, s0;
	[tilespmem:s1+$0xD9C0] =	vst v0  }
0x1b8: {  	s0 =	rddreg [dreg:$0xd]  }
0x1b9: {  	[hbm4b:s0+s5] =	stream.linear.scatter [tilespmem:s29], [sflag:$0xB], $0x500, $0x38;
	[tilespmem:$0xDE80] =	vst v63  }
0x1ba: {  	_ =	swait.ge [sflag:s12], $0x500  }
0x1bb: {  	s1 =	rddreg [dreg:$0xf]  }
0x1bc: {  	s26 =	rddreg [dreg:$0xe];
	s1 =	sadd.s32 $0x1, s1  }
0x1bd: {  	p0 =	sne.s32 s1, s26  }
.Ltmp13:
0x1be: {  	_ = 	snop;
	(pc) =	sbr.rel @p0 .LBB2_1-.Ltmp13, $3  }
0x1bf: {  	_ =	sdelay $0x1  }
0x1c0: {  	[sflag:s12] =	ssyncset.done $0x0  }
0x1c1: {  	[sflag:s12] =	ssyncadd.s32 $0xFFFFFB00  }
0x1c2: {  	_ =	sfence.sel $0x180000  }
0x1c3: {  	[bflag:$0x0] =	sbarrier.arrive $0xFFFF  }
0x1c4: {  	_ =	strace $0x9000004A  }
0x1c5: {  	s0 =	stileid.u32;
	[bflag:$0x2] =	sbarrier.arrive $0xFFFF  }
0x1c6: {  	p0 =	sne.s32 s0, $0x0;
	s0 =	rddreg [dreg:$0x4]  }
0x1c7: {  	s0 =	sadd.s32 @!p0 $0x100000, s0  }
0x1c8: {  	[sflag:s0] =	ssyncadd.tile.s32 @!p0 $0x1;
	_ =	shalt  }
.Lfunc_end2:
_tile_overlayer_lowered:
.L_overlay_start_2:
0x1c9: {  	(tag) =	ssettag $0x2  }
0x1ca: {  	s0 =	rddreg [dreg:$0x0];
	s2 =	stileid.u32  }
0x1cb: {  	s1 =	rddreg [dreg:$0x1];
	p0 =	sne.s32 s2, $0x0  }
0x1cc: {  	s3 =	rddreg [dreg:$0x2];
	[bflag:$0x3] =	sbarrier.arrive $0xFFFF;
	s2 =	simm.s32 @!p0 $0x1C0B  }
0x1cd: {  	[timem:s3], [sflag:s2] =	dma.local @!p0 [hbm:s0], s1  }
0x1ce: {  	s0 =	simm.s32 @!p0 $0xB  }
0x1cf: {  	_ =	swait.ge @!p0 [sflag:s0], s1  }
0x1d0: {  	s1 =	ssub.s32 @!p0 $0x0, s1;
	[sflag:s0] =	ssyncset.done @!p0 $0x0  }
0x1d1: {  	[sflag:s0] =	ssyncadd.s32 @!p0 s1  }
0x1d2: {  	[bflag:$0x3] =	sbarrier.arrive $0xFFFF  }
0x1d3: {  	_ =	shalt  }

</sc_bundles>
